<compile_context>
chip_gen: v7x
topology: tpu7x:2x2x1
jax: 0.10.2.dev20260603
libtpu: 0.0.44.dev20260713+nightly
codegen_flags: <defaults>
</compile_context>

<pallas_src>
import functools

import jax
import jax.numpy as jnp
from jax import lax
from jax.experimental import pallas as pl
from jax.experimental.pallas import tpu as pltpu
from jax.experimental.pallas import tpu_sc as plsc

N = 10000
E = 160000
IN_SIZE = 256
HID_SIZE = 512
OUT_SIZE = 128

NSC = 2
NT = 16
N_PAD = 10240
E_PAD = 163840
ROWS_T = N_PAD // NT
CHUNK = 128
EC = E_PAD // CHUNK
EC_T = EC // NT
EC_W = EC // (NSC * NT)
DEG_ROWS = N_PAD // 8

def _mesh():
    return plsc.VectorSubcoreMesh(
        core_axis_name="c", subcore_axis_name="s",
        num_cores=NSC, num_subcores=NT)


def _rsqrt16(d):
    d = d + 1.0
    yi = jnp.full((16,), 0x5F3759DF, jnp.int32) - lax.shift_right_logical(
        lax.bitcast_convert_type(d, jnp.int32), jnp.full((16,), 1, jnp.int32))
    y = lax.bitcast_convert_type(yi, jnp.float32)
    h = d * 0.5
    for _ in range(3):
        y = y * (1.5 - h * y * y)
    return y


def _norm_body(src_r, dst_r, ew_r,
               norm_out, dinv2_out,
               deg_sh, degbuf, deg_q, dstd_v, ewd_v, sidx_v, didx_v, ewn_v,
               dinv_v, dinv2_v, nrm_v, lan_v):
    c = lax.axis_index("c")
    s = lax.axis_index("s")
    t = s
    w = c * NT + s
    z16 = jnp.zeros((16,), jnp.float32)
    rows16 = lax.iota(jnp.int32, 16)
    lane16c = jnp.bitwise_and(rows16, jnp.full((16,), 7, jnp.int32)) * 16

    def z_step(r, carry):
        for k in range(8):
            degbuf[r, pl.ds(k * 16, 16)] = z16
        return carry
    lax.fori_loop(0, CHUNK, z_step, 0)
    pltpu.sync_copy(degbuf.at[pl.ds(0, DEG_ROWS // NT)],
                    deg_sh.at[pl.ds(t * (DEG_ROWS // NT), DEG_ROWS // NT)])
    pltpu.sync_copy(dst_r.at[pl.ds(t * EC_T, EC_T)], dstd_v)
    pltpu.sync_copy(ew_r.at[pl.ds(t * EC_T, EC_T)], ewd_v)
    def lz_step(g, carry):
        lan_v[pl.ds(g * 16, 16)] = jnp.zeros((16,), jnp.int32)
        return carry
    lax.fori_loop(0, CHUNK // 16, lz_step, 0)
    plsc.subcore_barrier()

    def deg_step(j, carry):
        for g in range(CHUNK // 16):
            gsl = pl.ds(g * 16, 16)
            di = dstd_v[j, gsl]
            lane = jnp.bitwise_and(di, jnp.full((16,), 7, jnp.int32)) * 16
            plsc.store_scatter(degbuf, [rows16 + g * 16, lan_v[gsl]], z16)
            plsc.store_scatter(degbuf, [rows16 + g * 16, lane],
                               ewd_v[j, gsl])
            lan_v[gsl] = lane
            dstd_v[j, gsl] = lax.shift_right_logical(
                di, jnp.full((16,), 3, jnp.int32))
        pltpu.sync_copy(degbuf, deg_sh.at[dstd_v.at[j]], add=True)
        return carry
    lax.fori_loop(0, EC_T, deg_step, 0)
    plsc.subcore_barrier()

    QROWS = 320
    for q in range(DEG_ROWS // QROWS):
        pltpu.sync_copy(deg_sh.at[pl.ds(q * QROWS, QROWS)], deg_q)

        def rs_step(i, carry):
            rloc = i * 2 + lax.shift_right_logical(
                rows16, jnp.full((16,), 3, jnp.int32))
            d = plsc.load_gather(deg_q, [rloc, lane16c])
            y = _rsqrt16(d)
            dinv_v[pl.ds(q * QROWS * 8 + i * 16, 16)] = y
            dinv2_v[pl.ds(q * QROWS * 8 + i * 16, 16)] = y * y
            return carry
        lax.fori_loop(0, QROWS * 8 // 16, rs_step, 0)

    @pl.when(c == 0)
    def _():
        pltpu.sync_copy(dinv2_v.at[pl.ds(t * ROWS_T, ROWS_T)],
                        dinv2_out.at[pl.ds(t * ROWS_T, ROWS_T)])

    pltpu.sync_copy(src_r.at[pl.ds(w * EC_W, EC_W)], sidx_v)
    pltpu.sync_copy(dst_r.at[pl.ds(w * EC_W, EC_W)], didx_v)
    pltpu.sync_copy(ew_r.at[pl.ds(w * EC_W, EC_W)], ewn_v)

    def n_step(r, carry):
        for k in range(CHUNK // 16):
            si = sidx_v[r, pl.ds(k * 16, 16)]
            di = didx_v[r, pl.ds(k * 16, 16)]
            ev = ewn_v[r, pl.ds(k * 16, 16)]
            a = plsc.load_gather(dinv_v, [si])
            b = plsc.load_gather(dinv_v, [di])
            nrm_v[r, pl.ds(k * 16, 16)] = a * ev * b
        return carry
    lax.fori_loop(0, EC_W, n_step, 0)
    pltpu.sync_copy(nrm_v, norm_out.at[pl.ds(w * EC_W, EC_W)])


@functools.cache
def _get_norm_call():
  return pl.kernel(
    _norm_body,
    out_type=(jax.ShapeDtypeStruct((EC, CHUNK), jnp.float32),
              jax.ShapeDtypeStruct((N_PAD,), jnp.float32)),
    mesh=_mesh(),
    compiler_params=pltpu.CompilerParams(needs_layout_passes=False),
    scratch_types=[
        pltpu.VMEM_SHARED((DEG_ROWS, 128), jnp.float32),
        pltpu.VMEM((CHUNK, 128), jnp.float32),
        pltpu.VMEM((320, 128), jnp.float32),
        pltpu.VMEM((EC_T, CHUNK), jnp.int32),
        pltpu.VMEM((EC_T, CHUNK), jnp.float32),
        pltpu.VMEM((EC_W, CHUNK), jnp.int32),
        pltpu.VMEM((EC_W, CHUNK), jnp.int32),
        pltpu.VMEM((EC_W, CHUNK), jnp.float32),
        pltpu.VMEM((N_PAD,), jnp.float32),
        pltpu.VMEM((N_PAD,), jnp.float32),
        pltpu.VMEM((EC_W, CHUNK), jnp.float32),
        pltpu.VMEM((CHUNK,), jnp.int32),
    ],
  )


def _agg_body(mat, src_r, dst_r, nrm_r,
              out, acc_sh, sidx_v, didx_v, buf, buf1, nrm_c, nrm_c1,
              sem, sem1, semn, semn1):
    c = lax.axis_index("c")
    s = lax.axis_index("s")
    t = s

    z16 = jnp.zeros((16,), jnp.float32)

    def z_step(r, carry):
        for k in range(8):
            buf[r, pl.ds(k * 16, 16)] = z16
        return carry
    lax.fori_loop(0, CHUNK, z_step, 0)
    for q in range(ROWS_T // CHUNK):
        pltpu.sync_copy(
            buf, acc_sh.at[pl.ds(t * ROWS_T + q * CHUNK, CHUNK)])
    plsc.subcore_barrier()

    HALF = EC_T // 2

    def scale_scatter(jl, b, nc):
        def edge_step(e, carry2):
            for u in range(2):
                ee = e * 2 + u
                nv = plsc.load_gather(nc, [jnp.full((16,), ee, jnp.int32)])
                for k in range(8):
                    b[ee, pl.ds(k * 16, 16)] = (
                        b[ee, pl.ds(k * 16, 16)] * nv)
            return carry2
        lax.fori_loop(0, CHUNK // 2, edge_step, 0)
        pltpu.sync_copy(b, acc_sh.at[didx_v.at[jl]], add=True)

    for h in range(2):
        gbase = t * EC_T + h * HALF
        pltpu.sync_copy(src_r.at[pl.ds(gbase, HALF)], sidx_v)
        pltpu.sync_copy(dst_r.at[pl.ds(gbase, HALF)], didx_v)

        @pl.when(c == 1)
        def _():
            def off_step(r, carry):
                for k in range(CHUNK // 16):
                    sidx_v[r, pl.ds(k * 16, 16)] = (
                        sidx_v[r, pl.ds(k * 16, 16)]
                        + jnp.full((16,), N_PAD, jnp.int32))
                return carry
            lax.fori_loop(0, HALF, off_step, 0)

        pltpu.async_copy(mat.at[sidx_v.at[0]], buf, sem)
        pltpu.async_copy(nrm_r.at[gbase], nrm_c, semn)
        NPAIR = HALF // 2

        def pair_step(i, carry):
            j0 = i * 2
            j1 = j0 + 1
            pltpu.async_copy(mat.at[sidx_v.at[j1]], buf1, sem1)
            pltpu.async_copy(nrm_r.at[gbase + j1], nrm_c1, semn1)
            pltpu.make_async_copy(mat.at[sidx_v.at[j0]], buf, sem).wait()
            pltpu.make_async_copy(nrm_r.at[gbase], nrm_c, semn).wait()
            scale_scatter(j0, buf, nrm_c)

            @pl.when(i + 1 < NPAIR)
            def _():
                pltpu.async_copy(mat.at[sidx_v.at[j0 + 2]], buf, sem)
                pltpu.async_copy(nrm_r.at[gbase + j0 + 2], nrm_c, semn)
            pltpu.make_async_copy(mat.at[sidx_v.at[j1]], buf1, sem1).wait()
            pltpu.make_async_copy(nrm_r.at[gbase + j1], nrm_c1, semn1).wait()
            scale_scatter(j1, buf1, nrm_c1)
            return carry
        lax.fori_loop(0, NPAIR, pair_step, 0)
    plsc.subcore_barrier()
    pltpu.sync_copy(acc_sh.at[pl.ds(t * ROWS_T, ROWS_T)],
                    out.at[pl.ds(c * N_PAD + t * ROWS_T, ROWS_T)])


@functools.cache
def _make_agg():
    return pl.kernel(
        _agg_body,
        out_type=jax.ShapeDtypeStruct((NSC * N_PAD, 128), jnp.float32),
        mesh=_mesh(),
        compiler_params=pltpu.CompilerParams(needs_layout_passes=False),
        scratch_types=[
            pltpu.VMEM_SHARED((N_PAD, 128), jnp.float32),
            pltpu.VMEM((EC_T // 2, CHUNK), jnp.int32),
            pltpu.VMEM((EC_T // 2, CHUNK), jnp.int32),
            pltpu.VMEM((CHUNK, 128), jnp.float32),
            pltpu.VMEM((CHUNK, 128), jnp.float32),
            pltpu.VMEM((CHUNK,), jnp.float32),
            pltpu.VMEM((CHUNK,), jnp.float32),
            pltpu.SemaphoreType.DMA,
            pltpu.SemaphoreType.DMA,
            pltpu.SemaphoreType.DMA,
            pltpu.SemaphoreType.DMA,
        ],
    )


MB = 512


def _mm_body(xa_agg, xb_agg, xa, xb, dinv2, w1a, w1b, b1, w2, xemb, hw2):
    ta = xa_agg[...] + dinv2[...] * xa[...]
    tb = xb_agg[...] + dinv2[...] * xb[...]
    xe = (jnp.dot(ta, w1a[...], preferred_element_type=jnp.float32)
          + jnp.dot(tb, w1b[...], preferred_element_type=jnp.float32)
          + b1[...])
    xemb[...] = xe
    hw2[...] = jnp.dot(jnp.maximum(xe, 0.0), w2[...],
                       preferred_element_type=jnp.float32)


def _fin_body(p0, hw2, dinv2, b2, out):
    out[...] = p0[...] + dinv2[...] * hw2[...] + b2[...]


def _row_spec(width):
    return pl.BlockSpec((MB, width), lambda i: (i, 0))


def _full_spec(r, cdim):
    return pl.BlockSpec((r, cdim), lambda i: (0, 0))


@functools.cache
def _get_mm_call():
    return pl.pallas_call(
        _mm_body,
        grid=(N_PAD // MB,),
        in_specs=[_row_spec(128), _row_spec(128), _row_spec(128),
                  _row_spec(128),
                  pl.BlockSpec((MB, 1), lambda i: (i, 0)),
                  _full_spec(128, HID_SIZE), _full_spec(128, HID_SIZE),
                  _full_spec(1, HID_SIZE), _full_spec(HID_SIZE, OUT_SIZE)],
        out_specs=[_row_spec(HID_SIZE), _row_spec(OUT_SIZE)],
        out_shape=[jax.ShapeDtypeStruct((N_PAD, HID_SIZE), jnp.float32),
                   jax.ShapeDtypeStruct((N_PAD, OUT_SIZE), jnp.float32)],
    )


@functools.cache
def _get_fin_call():
    return pl.pallas_call(
        _fin_body,
        grid=(N_PAD // MB,),
        in_specs=[_row_spec(OUT_SIZE), _row_spec(OUT_SIZE),
                  pl.BlockSpec((MB, 1), lambda i: (i, 0)),
                  _full_spec(1, OUT_SIZE)],
        out_specs=_row_spec(OUT_SIZE),
        out_shape=jax.ShapeDtypeStruct((N_PAD, OUT_SIZE), jnp.float32),
    )


def kernel(x, edge_index, edge_weight, W1, b1, W2, b2):
    ep = E_PAD - E
    src = jnp.concatenate([edge_index[0], jnp.zeros((ep,), jnp.int32)])
    dst = jnp.concatenate([edge_index[1], jnp.zeros((ep,), jnp.int32)])
    ew = jnp.concatenate([edge_weight, jnp.zeros((ep,), jnp.float32)])
    src_r = src.reshape(EC, CHUNK)
    dst_r = dst.reshape(EC, CHUNK)
    ew_r = ew.reshape(EC, CHUNK)
    norm, dinv2 = _get_norm_call()(src_r, dst_r, ew_r)

    xp = jnp.pad(x, ((0, N_PAD - N), (0, 0)))
    xab = xp.reshape(N_PAD, 2, 128).transpose(1, 0, 2).reshape(2 * N_PAD, 128)
    agg1 = _make_agg()(xab, src_r, dst_r, norm)

    dinv2_col = dinv2.reshape(N_PAD, 1)
    xemb_p, hw2_p = _get_mm_call()(
        agg1[:N_PAD], agg1[N_PAD:], xab[:N_PAD], xab[N_PAD:],
        dinv2_col, W1[:128], W1[128:], b1.reshape(1, HID_SIZE), W2)

    hw2_ab = jnp.concatenate([hw2_p, hw2_p], axis=0)
    agg2 = _make_agg()(hw2_ab, src_r, dst_r, norm)
    out_p = _get_fin_call()(agg2[:N_PAD], hw2_p, dinv2_col,
                            b2.reshape(1, OUT_SIZE))
    return (out_p[:N], xemb_p[:N])

# --- scband reference (transcript-rebuilt; emitter-appended) ---
"""Pipeline reference for scband-net-ori-40621800686180 (READ-ONLY COPY).

The authoritative reference and input builder live on the scoring server;
editing this copy changes nothing except your own understanding.
"""

import jax, jax.numpy as jnp
import numpy as np

N = 10000
E = 160000
IN_SIZE = 256
HID_SIZE = 512
OUT_SIZE = 128


def setup_inputs(seed: int = 0) -> dict:
    key = jax.random.key(seed)
    k1, k2, k3, k4, k5 = jax.random.split(key, 5)
    x = jax.random.normal(k1, (N, IN_SIZE), dtype=jnp.float32)
    edge_index = jax.random.randint(k2, (2, E), 0, N, dtype=jnp.int32)
    edge_weight = jax.random.uniform(k3, (E,), dtype=jnp.float32)
    # GCNConv parameters (glorot-ish init)
    W1 = jax.random.normal(k4, (IN_SIZE, HID_SIZE), dtype=jnp.float32) * (1.0 / np.sqrt(IN_SIZE))
    b1 = jnp.zeros((HID_SIZE,), dtype=jnp.float32)
    W2 = jax.random.normal(k5, (HID_SIZE, OUT_SIZE), dtype=jnp.float32) * (1.0 / np.sqrt(HID_SIZE))
    b2 = jnp.zeros((OUT_SIZE,), dtype=jnp.float32)
    return {"x": x, "edge_index": edge_index, "edge_weight": edge_weight,
            "W1": W1, "b1": b1, "W2": W2, "b2": b2}


def _gcn_norm(edge_index, edge_weight, n, dtype):
    # PyG gcn_norm with add_self_loops=True, fill_value=1.0, symmetric normalization
    src = edge_index[0]
    dst = edge_index[1]
    loop = jnp.arange(n, dtype=src.dtype)
    src_f = jnp.concatenate([src, loop])
    dst_f = jnp.concatenate([dst, loop])
    ew_f = jnp.concatenate([edge_weight, jnp.ones((n,), dtype=dtype)])
    deg = jnp.zeros((n,), dtype=dtype).at[dst_f].add(ew_f)
    deg_inv_sqrt = jnp.where(deg > 0, jax.lax.rsqrt(jnp.maximum(deg, 1e-12)), 0.0)
    norm = deg_inv_sqrt[src_f] * ew_f * deg_inv_sqrt[dst_f]
    return src_f, dst_f, norm


def _gcn_conv(h, src_f, dst_f, norm, W, b):
    hw = h @ W
    msg = hw[src_f] * norm[:, None]
    out = jnp.zeros_like(hw).at[dst_f].add(msg)
    return out + b


def reference(x, edge_index, edge_weight, W1, b1, W2, b2):
    n = x.shape[0]
    src_f, dst_f, norm = _gcn_norm(edge_index, edge_weight, n, x.dtype)
    x_emb = _gcn_conv(x, src_f, dst_f, norm, W1, b1)
    h = jax.nn.relu(x_emb)
    # dropout is identity in eval / deterministic reference
    out = _gcn_conv(h, src_f, dst_f, norm, W2, b2)
    return (out, x_emb)

if __name__ == "__main__":
    import jax
    _d = setup_inputs()
    print(jax.jit(kernel)(*tuple(_d.values())))

</pallas_src>

<mosaic_0001>
#map = affine_map<(d0, d1) -> (0, 0)>
module attributes {stable_mosaic.version = 14 : i64} {
  func.func @_agg_body(%arg0: i32, %arg1: i32, %arg2: memref<20480x128xf32, #tpu.memory_space<hbm>>, %arg3: memref<1280x128xi32, #tpu.memory_space<hbm>>, %arg4: memref<1280x128xi32, #tpu.memory_space<hbm>>, %arg5: memref<1280x128xf32, #tpu.memory_space<hbm>>, %arg6: memref<20480x128xf32, #tpu.memory_space<hbm>>, %arg7: memref<10240x128xf32, #tpu.memory_space<vmem_shared>>, %arg8: memref<40x128xi32, #tpu.memory_space<vmem>>, %arg9: memref<40x128xi32, #tpu.memory_space<vmem>>, %arg10: memref<128x128xf32, #tpu.memory_space<vmem>>, %arg11: memref<128x128xf32, #tpu.memory_space<vmem>>, %arg12: memref<128xf32, #tpu.memory_space<vmem>>, %arg13: memref<128xf32, #tpu.memory_space<vmem>>, %arg14: memref<!tpu.dma_semaphore, #tpu.memory_space<semaphore_mem>>, %arg15: memref<!tpu.dma_semaphore, #tpu.memory_space<semaphore_mem>>, %arg16: memref<!tpu.dma_semaphore, #tpu.memory_space<semaphore_mem>>, %arg17: memref<!tpu.dma_semaphore, #tpu.memory_space<semaphore_mem>>) attributes {dimension_semantics = [#tpu.dimension_semantics<core_parallel>, #tpu.dimension_semantics<subcore_parallel>], iteration_bounds = array<i64: 2, 16>, scalar_prefetch = 0 : i64, scratch_operands = 11 : i64, tpu.core_type = #tpu.core_type<sc_vector_subcore>, window_params = [{transform_indices = #map}, {transform_indices = #map}, {transform_indices = #map}, {transform_indices = #map}, {transform_indices = #map}]} {
    %broadcast_in_dim3A = arith.constant 0.000000e+00 : f32
    %broadcast_in_dim3A_0 = vector.broadcast %broadcast_in_dim3A : f32 to vector<16xf32>
    %scan3A = arith.constant 0 : i32
    %scan3A_1 = arith.constant 0 : i32
    %scan3A_2 = arith.constant 128 : i32
    %scan3A_3 = arith.addi %scan3A_1, %scan3A_2 : i32
    %scan3A_4 = arith.constant 1 : i32
    scf.for %scan3A_84 = %scan3A_1 to %scan3A_3 step %scan3A_4  : i32 {
      %swap3A = arith.index_cast %scan3A_84 : i32 to index
      %swap3A_85 = arith.constant 0 : index
      %swap3A_86 = tpu.vector_load %arg10[%swap3A, %swap3A_85] {strides = array<i32>} : memref<128x128xf32, #tpu.memory_space<vmem>>, vector<16xf32>,
      tpu.vector_store %arg10[%swap3A, %swap3A_85], %broadcast_in_dim3A_0 {strides = array<i32>} : memref<128x128xf32, #tpu.memory_space<vmem>>, vector<16xf32>,
      %swap3A_87 = arith.index_cast %scan3A_84 : i32 to index
      %swap3A_88 = arith.constant 16 : index
      %swap3A_89 = tpu.vector_load %arg10[%swap3A_87, %swap3A_88] {strides = array<i32>} : memref<128x128xf32, #tpu.memory_space<vmem>>, vector<16xf32>,
      tpu.vector_store %arg10[%swap3A_87, %swap3A_88], %broadcast_in_dim3A_0 {strides = array<i32>} : memref<128x128xf32, #tpu.memory_space<vmem>>, vector<16xf32>,
      %swap3A_90 = arith.index_cast %scan3A_84 : i32 to index
      %swap3A_91 = arith.constant 32 : index
      %swap3A_92 = tpu.vector_load %arg10[%swap3A_90, %swap3A_91] {strides = array<i32>} : memref<128x128xf32, #tpu.memory_space<vmem>>, vector<16xf32>,
      tpu.vector_store %arg10[%swap3A_90, %swap3A_91], %broadcast_in_dim3A_0 {strides = array<i32>} : memref<128x128xf32, #tpu.memory_space<vmem>>, vector<16xf32>,
      %swap3A_93 = arith.index_cast %scan3A_84 : i32 to index
      %swap3A_94 = arith.constant 48 : index
      %swap3A_95 = tpu.vector_load %arg10[%swap3A_93, %swap3A_94] {strides = array<i32>} : memref<128x128xf32, #tpu.memory_space<vmem>>, vector<16xf32>,
      tpu.vector_store %arg10[%swap3A_93, %swap3A_94], %broadcast_in_dim3A_0 {strides = array<i32>} : memref<128x128xf32, #tpu.memory_space<vmem>>, vector<16xf32>,
      %swap3A_96 = arith.index_cast %scan3A_84 : i32 to index
      %swap3A_97 = arith.constant 64 : index
      %swap3A_98 = tpu.vector_load %arg10[%swap3A_96, %swap3A_97] {strides = array<i32>} : memref<128x128xf32, #tpu.memory_space<vmem>>, vector<16xf32>,
      tpu.vector_store %arg10[%swap3A_96, %swap3A_97], %broadcast_in_dim3A_0 {strides = array<i32>} : memref<128x128xf32, #tpu.memory_space<vmem>>, vector<16xf32>,
      %swap3A_99 = arith.index_cast %scan3A_84 : i32 to index
      %swap3A_100 = arith.constant 80 : index
      %swap3A_101 = tpu.vector_load %arg10[%swap3A_99, %swap3A_100] {strides = array<i32>} : memref<128x128xf32, #tpu.memory_space<vmem>>, vector<16xf32>,
      tpu.vector_store %arg10[%swap3A_99, %swap3A_100], %broadcast_in_dim3A_0 {strides = array<i32>} : memref<128x128xf32, #tpu.memory_space<vmem>>, vector<16xf32>,
      %swap3A_102 = arith.index_cast %scan3A_84 : i32 to index
      %swap3A_103 = arith.constant 96 : index
      %swap3A_104 = tpu.vector_load %arg10[%swap3A_102, %swap3A_103] {strides = array<i32>} : memref<128x128xf32, #tpu.memory_space<vmem>>, vector<16xf32>,
      tpu.vector_store %arg10[%swap3A_102, %swap3A_103], %broadcast_in_dim3A_0 {strides = array<i32>} : memref<128x128xf32, #tpu.memory_space<vmem>>, vector<16xf32>,
      %swap3A_105 = arith.index_cast %scan3A_84 : i32 to index
      %swap3A_106 = arith.constant 112 : index
      %swap3A_107 = tpu.vector_load %arg10[%swap3A_105, %swap3A_106] {strides = array<i32>} : memref<128x128xf32, #tpu.memory_space<vmem>>, vector<16xf32>,
      tpu.vector_store %arg10[%swap3A_105, %swap3A_106], %broadcast_in_dim3A_0 {strides = array<i32>} : memref<128x128xf32, #tpu.memory_space<vmem>>, vector<16xf32>,
    }
    %scan3A_5 = arith.constant 128 : i32
    %mul3A = arith.constant 640 : i32
    %mul3A_6 = arith.muli %arg1, %mul3A : i32
    %add3A = arith.constant 0 : i32
    %add3A_7 = arith.addi %mul3A_6, %add3A : i32
    "tpu.region"() ({
      %run_scoped3A = tpu.sem_alloc : memref<!tpu.dma_semaphore, #tpu.memory_space<semaphore_mem>>
      %dma_start3A_84 = arith.constant 0 : i32
      %dma_start3A_85 = tpu.memref_slice %arg7[%add3A_7, %dma_start3A_84] : memref<10240x128xf32, #tpu.memory_space<vmem_shared>> -> memref<128x128xf32, #tpu.memory_space<vmem_shared>>
      %dma_start3A_86 = arith.constant 0 : i32
      %dma_start3A_87 = tpu.memref_slice %arg7[%add3A_7, %dma_start3A_86] : memref<10240x128xf32, #tpu.memory_space<vmem_shared>> -> memref<128x128xf32, #tpu.memory_space<vmem_shared>>
      tpu.enqueue_dma source(%arg10 : memref<128x128xf32, #tpu.memory_space<vmem>>) target(%dma_start3A_87 : memref<128x128xf32, #tpu.memory_space<vmem_shared>>) target_semaphore(%run_scoped3A : memref<!tpu.dma_semaphore, #tpu.memory_space<semaphore_mem>>)
      %dma_wait3A = arith.constant 0 : i32
      %dma_wait3A_88 = tpu.memref_slice %arg7[%add3A_7, %dma_wait3A] : memref<10240x128xf32, #tpu.memory_space<vmem_shared>> -> memref<128x128xf32, #tpu.memory_space<vmem_shared>>
      %dma_wait3A_89 = arith.constant 0 : i32
      %dma_wait3A_90 = tpu.memref_slice %arg7[%add3A_7, %dma_wait3A_89] : memref<10240x128xf32, #tpu.memory_space<vmem_shared>> -> memref<128x128xf32, #tpu.memory_space<vmem_shared>>
      tpu.wait_dma2 semaphore(%run_scoped3A : memref<!tpu.dma_semaphore, #tpu.memory_space<semaphore_mem>>) src(%arg10 : memref<128x128xf32, #tpu.memory_space<vmem>>) dst(%dma_wait3A_90 : memref<128x128xf32, #tpu.memory_space<vmem_shared>>)
      tpu.yield
    }) : () -> ()
    %mul3A_8 = arith.constant 640 : i32
    %mul3A_9 = arith.muli %arg1, %mul3A_8 : i32
    %add3A_10 = arith.constant 128 : i32
    %add3A_11 = arith.addi %mul3A_9, %add3A_10 : i32
    "tpu.region"() ({
      %run_scoped3A = tpu.sem_alloc : memref<!tpu.dma_semaphore, #tpu.memory_space<semaphore_mem>>
      %dma_start3A_84 = arith.constant 0 : i32
      %dma_start3A_85 = tpu.memref_slice %arg7[%add3A_11, %dma_start3A_84] : memref<10240x128xf32, #tpu.memory_space<vmem_shared>> -> memref<128x128xf32, #tpu.memory_space<vmem_shared>>
      %dma_start3A_86 = arith.constant 0 : i32
      %dma_start3A_87 = tpu.memref_slice %arg7[%add3A_11, %dma_start3A_86] : memref<10240x128xf32, #tpu.memory_space<vmem_shared>> -> memref<128x128xf32, #tpu.memory_space<vmem_shared>>
      tpu.enqueue_dma source(%arg10 : memref<128x128xf32, #tpu.memory_space<vmem>>) target(%dma_start3A_87 : memref<128x128xf32, #tpu.memory_space<vmem_shared>>) target_semaphore(%run_scoped3A : memref<!tpu.dma_semaphore, #tpu.memory_space<semaphore_mem>>)
      %dma_wait3A = arith.constant 0 : i32
      %dma_wait3A_88 = tpu.memref_slice %arg7[%add3A_11, %dma_wait3A] : memref<10240x128xf32, #tpu.memory_space<vmem_shared>> -> memref<128x128xf32, #tpu.memory_space<vmem_shared>>
      %dma_wait3A_89 = arith.constant 0 : i32
      %dma_wait3A_90 = tpu.memref_slice %arg7[%add3A_11, %dma_wait3A_89] : memref<10240x128xf32, #tpu.memory_space<vmem_shared>> -> memref<128x128xf32, #tpu.memory_space<vmem_shared>>
      tpu.wait_dma2 semaphore(%run_scoped3A : memref<!tpu.dma_semaphore, #tpu.memory_space<semaphore_mem>>) src(%arg10 : memref<128x128xf32, #tpu.memory_space<vmem>>) dst(%dma_wait3A_90 : memref<128x128xf32, #tpu.memory_space<vmem_shared>>)
      tpu.yield
    }) : () -> ()
    %mul3A_12 = arith.constant 640 : i32
    %mul3A_13 = arith.muli %arg1, %mul3A_12 : i32
    %add3A_14 = arith.constant 256 : i32
    %add3A_15 = arith.addi %mul3A_13, %add3A_14 : i32
    "tpu.region"() ({
      %run_scoped3A = tpu.sem_alloc : memref<!tpu.dma_semaphore, #tpu.memory_space<semaphore_mem>>
      %dma_start3A_84 = arith.constant 0 : i32
      %dma_start3A_85 = tpu.memref_slice %arg7[%add3A_15, %dma_start3A_84] : memref<10240x128xf32, #tpu.memory_space<vmem_shared>> -> memref<128x128xf32, #tpu.memory_space<vmem_shared>>
      %dma_start3A_86 = arith.constant 0 : i32
      %dma_start3A_87 = tpu.memref_slice %arg7[%add3A_15, %dma_start3A_86] : memref<10240x128xf32, #tpu.memory_space<vmem_shared>> -> memref<128x128xf32, #tpu.memory_space<vmem_shared>>
      tpu.enqueue_dma source(%arg10 : memref<128x128xf32, #tpu.memory_space<vmem>>) target(%dma_start3A_87 : memref<128x128xf32, #tpu.memory_space<vmem_shared>>) target_semaphore(%run_scoped3A : memref<!tpu.dma_semaphore, #tpu.memory_space<semaphore_mem>>)
      %dma_wait3A = arith.constant 0 : i32
      %dma_wait3A_88 = tpu.memref_slice %arg7[%add3A_15, %dma_wait3A] : memref<10240x128xf32, #tpu.memory_space<vmem_shared>> -> memref<128x128xf32, #tpu.memory_space<vmem_shared>>
      %dma_wait3A_89 = arith.constant 0 : i32
      %dma_wait3A_90 = tpu.memref_slice %arg7[%add3A_15, %dma_wait3A_89] : memref<10240x128xf32, #tpu.memory_space<vmem_shared>> -> memref<128x128xf32, #tpu.memory_space<vmem_shared>>
      tpu.wait_dma2 semaphore(%run_scoped3A : memref<!tpu.dma_semaphore, #tpu.memory_space<semaphore_mem>>) src(%arg10 : memref<128x128xf32, #tpu.memory_space<vmem>>) dst(%dma_wait3A_90 : memref<128x128xf32, #tpu.memory_space<vmem_shared>>)
      tpu.yield
    }) : () -> ()
    %mul3A_16 = arith.constant 640 : i32
    %mul3A_17 = arith.muli %arg1, %mul3A_16 : i32
    %add3A_18 = arith.constant 384 : i32
    %add3A_19 = arith.addi %mul3A_17, %add3A_18 : i32
    "tpu.region"() ({
      %run_scoped3A = tpu.sem_alloc : memref<!tpu.dma_semaphore, #tpu.memory_space<semaphore_mem>>
      %dma_start3A_84 = arith.constant 0 : i32
      %dma_start3A_85 = tpu.memref_slice %arg7[%add3A_19, %dma_start3A_84] : memref<10240x128xf32, #tpu.memory_space<vmem_shared>> -> memref<128x128xf32, #tpu.memory_space<vmem_shared>>
      %dma_start3A_86 = arith.constant 0 : i32
      %dma_start3A_87 = tpu.memref_slice %arg7[%add3A_19, %dma_start3A_86] : memref<10240x128xf32, #tpu.memory_space<vmem_shared>> -> memref<128x128xf32, #tpu.memory_space<vmem_shared>>
      tpu.enqueue_dma source(%arg10 : memref<128x128xf32, #tpu.memory_space<vmem>>) target(%dma_start3A_87 : memref<128x128xf32, #tpu.memory_space<vmem_shared>>) target_semaphore(%run_scoped3A : memref<!tpu.dma_semaphore, #tpu.memory_space<semaphore_mem>>)
      %dma_wait3A = arith.constant 0 : i32
      %dma_wait3A_88 = tpu.memref_slice %arg7[%add3A_19, %dma_wait3A] : memref<10240x128xf32, #tpu.memory_space<vmem_shared>> -> memref<128x128xf32, #tpu.memory_space<vmem_shared>>
      %dma_wait3A_89 = arith.constant 0 : i32
      %dma_wait3A_90 = tpu.memref_slice %arg7[%add3A_19, %dma_wait3A_89] : memref<10240x128xf32, #tpu.memory_space<vmem_shared>> -> memref<128x128xf32, #tpu.memory_space<vmem_shared>>
      tpu.wait_dma2 semaphore(%run_scoped3A : memref<!tpu.dma_semaphore, #tpu.memory_space<semaphore_mem>>) src(%arg10 : memref<128x128xf32, #tpu.memory_space<vmem>>) dst(%dma_wait3A_90 : memref<128x128xf32, #tpu.memory_space<vmem_shared>>)
      tpu.yield
    }) : () -> ()
    %mul3A_20 = arith.constant 640 : i32
    %mul3A_21 = arith.muli %arg1, %mul3A_20 : i32
    %add3A_22 = arith.constant 512 : i32
    %add3A_23 = arith.addi %mul3A_21, %add3A_22 : i32
    "tpu.region"() ({
      %run_scoped3A = tpu.sem_alloc : memref<!tpu.dma_semaphore, #tpu.memory_space<semaphore_mem>>
      %dma_start3A_84 = arith.constant 0 : i32
      %dma_start3A_85 = tpu.memref_slice %arg7[%add3A_23, %dma_start3A_84] : memref<10240x128xf32, #tpu.memory_space<vmem_shared>> -> memref<128x128xf32, #tpu.memory_space<vmem_shared>>
      %dma_start3A_86 = arith.constant 0 : i32
      %dma_start3A_87 = tpu.memref_slice %arg7[%add3A_23, %dma_start3A_86] : memref<10240x128xf32, #tpu.memory_space<vmem_shared>> -> memref<128x128xf32, #tpu.memory_space<vmem_shared>>
      tpu.enqueue_dma source(%arg10 : memref<128x128xf32, #tpu.memory_space<vmem>>) target(%dma_start3A_87 : memref<128x128xf32, #tpu.memory_space<vmem_shared>>) target_semaphore(%run_scoped3A : memref<!tpu.dma_semaphore, #tpu.memory_space<semaphore_mem>>)
      %dma_wait3A = arith.constant 0 : i32
      %dma_wait3A_88 = tpu.memref_slice %arg7[%add3A_23, %dma_wait3A] : memref<10240x128xf32, #tpu.memory_space<vmem_shared>> -> memref<128x128xf32, #tpu.memory_space<vmem_shared>>
      %dma_wait3A_89 = arith.constant 0 : i32
      %dma_wait3A_90 = tpu.memref_slice %arg7[%add3A_23, %dma_wait3A_89] : memref<10240x128xf32, #tpu.memory_space<vmem_shared>> -> memref<128x128xf32, #tpu.memory_space<vmem_shared>>
      tpu.wait_dma2 semaphore(%run_scoped3A : memref<!tpu.dma_semaphore, #tpu.memory_space<semaphore_mem>>) src(%arg10 : memref<128x128xf32, #tpu.memory_space<vmem>>) dst(%dma_wait3A_90 : memref<128x128xf32, #tpu.memory_space<vmem_shared>>)
      tpu.yield
    }) : () -> ()
    %barrier3A = arith.constant 0 : index
    tpu.barrier barrier_id(%barrier3A)
    %mul3A_24 = arith.constant 80 : i32
    %mul3A_25 = arith.muli %arg1, %mul3A_24 : i32
    %add3A_26 = arith.constant 0 : i32
    %add3A_27 = arith.addi %mul3A_25, %add3A_26 : i32
    "tpu.region"() ({
      %run_scoped3A = tpu.sem_alloc : memref<!tpu.dma_semaphore, #tpu.memory_space<semaphore_mem>>
      %dma_start3A_84 = arith.constant 0 : i32
      %dma_start3A_85 = tpu.memref_slice %arg3[%add3A_27, %dma_start3A_84] : memref<1280x128xi32, #tpu.memory_space<hbm>> -> memref<40x128xi32, #tpu.memory_space<hbm>>
      %dma_start3A_86 = arith.constant 0 : i32
      %dma_start3A_87 = tpu.memref_slice %arg3[%add3A_27, %dma_start3A_86] : memref<1280x128xi32, #tpu.memory_space<hbm>> -> memref<40x128xi32, #tpu.memory_space<hbm>>
      tpu.enqueue_dma source(%dma_start3A_87 : memref<40x128xi32, #tpu.memory_space<hbm>>) target(%arg8 : memref<40x128xi32, #tpu.memory_space<vmem>>) target_semaphore(%run_scoped3A : memref<!tpu.dma_semaphore, #tpu.memory_space<semaphore_mem>>)
      %dma_wait3A = arith.constant 0 : i32
      %dma_wait3A_88 = tpu.memref_slice %arg3[%add3A_27, %dma_wait3A] : memref<1280x128xi32, #tpu.memory_space<hbm>> -> memref<40x128xi32, #tpu.memory_space<hbm>>
      %dma_wait3A_89 = arith.constant 0 : i32
      %dma_wait3A_90 = tpu.memref_slice %arg3[%add3A_27, %dma_wait3A_89] : memref<1280x128xi32, #tpu.memory_space<hbm>> -> memref<40x128xi32, #tpu.memory_space<hbm>>
      tpu.wait_dma2 semaphore(%run_scoped3A : memref<!tpu.dma_semaphore, #tpu.memory_space<semaphore_mem>>) src(%dma_wait3A_90 : memref<40x128xi32, #tpu.memory_space<hbm>>) dst(%arg8 : memref<40x128xi32, #tpu.memory_space<vmem>>)
      tpu.yield
    }) : () -> ()
    "tpu.region"() ({
      %run_scoped3A = tpu.sem_alloc : memref<!tpu.dma_semaphore, #tpu.memory_space<semaphore_mem>>
      %dma_start3A_84 = arith.constant 0 : i32
      %dma_start3A_85 = tpu.memref_slice %arg4[%add3A_27, %dma_start3A_84] : memref<1280x128xi32, #tpu.memory_space<hbm>> -> memref<40x128xi32, #tpu.memory_space<hbm>>
      %dma_start3A_86 = arith.constant 0 : i32
      %dma_start3A_87 = tpu.memref_slice %arg4[%add3A_27, %dma_start3A_86] : memref<1280x128xi32, #tpu.memory_space<hbm>> -> memref<40x128xi32, #tpu.memory_space<hbm>>
      tpu.enqueue_dma source(%dma_start3A_87 : memref<40x128xi32, #tpu.memory_space<hbm>>) target(%arg9 : memref<40x128xi32, #tpu.memory_space<vmem>>) target_semaphore(%run_scoped3A : memref<!tpu.dma_semaphore, #tpu.memory_space<semaphore_mem>>)
      %dma_wait3A = arith.constant 0 : i32
      %dma_wait3A_88 = tpu.memref_slice %arg4[%add3A_27, %dma_wait3A] : memref<1280x128xi32, #tpu.memory_space<hbm>> -> memref<40x128xi32, #tpu.memory_space<hbm>>
      %dma_wait3A_89 = arith.constant 0 : i32
      %dma_wait3A_90 = tpu.memref_slice %arg4[%add3A_27, %dma_wait3A_89] : memref<1280x128xi32, #tpu.memory_space<hbm>> -> memref<40x128xi32, #tpu.memory_space<hbm>>
      tpu.wait_dma2 semaphore(%run_scoped3A : memref<!tpu.dma_semaphore, #tpu.memory_space<semaphore_mem>>) src(%dma_wait3A_90 : memref<40x128xi32, #tpu.memory_space<hbm>>) dst(%arg9 : memref<40x128xi32, #tpu.memory_space<vmem>>)
      tpu.yield
    }) : () -> ()
    %eq3A = arith.constant 1 : i32
    %eq3A_28 = arith.cmpi eq, %arg0, %eq3A : i32
    %convert_element_type3A = arith.extui %eq3A_28 : i1 to i32
    %cond3A = arith.constant 0 : i32
    %cond3A_29 = arith.cmpi ne, %convert_element_type3A, %cond3A : i32
    scf.if %cond3A_29 {
      %scan3A_84 = arith.constant 0 : i32
      %scan3A_85 = arith.constant 0 : i32
      %scan3A_86 = arith.constant 40 : i32
      %scan3A_87 = arith.addi %scan3A_85, %scan3A_86 : i32
      %scan3A_88 = arith.constant 1 : i32
      scf.for %scan3A_90 = %scan3A_85 to %scan3A_87 step %scan3A_88  : i32 {
        %get3A = arith.index_cast %scan3A_90 : i32 to index
        %get3A_91 = arith.constant 0 : index
        %get3A_92 = tpu.vector_load %arg8[%get3A, %get3A_91] {strides = array<i32>} : memref<40x128xi32, #tpu.memory_space<vmem>>, vector<16xi32>,
        %broadcast_in_dim3A_93 = arith.constant 10240 : i32
        %broadcast_in_dim3A_94 = vector.broadcast %broadcast_in_dim3A_93 : i32 to vector<16xi32>
        %add3A_95 = arith.addi %get3A_92, %broadcast_in_dim3A_94 : vector<16xi32>
        %swap3A = arith.index_cast %scan3A_90 : i32 to index
        %swap3A_96 = arith.constant 0 : index
        %swap3A_97 = tpu.vector_load %arg8[%swap3A, %swap3A_96] {strides = array<i32>} : memref<40x128xi32, #tpu.memory_space<vmem>>, vector<16xi32>,
        tpu.vector_store %arg8[%swap3A, %swap3A_96], %add3A_95 {strides = array<i32>} : memref<40x128xi32, #tpu.memory_space<vmem>>, vector<16xi32>,
        %get3A_98 = arith.index_cast %scan3A_90 : i32 to index
        %get3A_99 = arith.constant 16 : index
        %get3A_100 = tpu.vector_load %arg8[%get3A_98, %get3A_99] {strides = array<i32>} : memref<40x128xi32, #tpu.memory_space<vmem>>, vector<16xi32>,
        %broadcast_in_dim3A_101 = arith.constant 10240 : i32
        %broadcast_in_dim3A_102 = vector.broadcast %broadcast_in_dim3A_101 : i32 to vector<16xi32>
        %add3A_103 = arith.addi %get3A_100, %broadcast_in_dim3A_102 : vector<16xi32>
        %swap3A_104 = arith.index_cast %scan3A_90 : i32 to index
        %swap3A_105 = arith.constant 16 : index
        %swap3A_106 = tpu.vector_load %arg8[%swap3A_104, %swap3A_105] {strides = array<i32>} : memref<40x128xi32, #tpu.memory_space<vmem>>, vector<16xi32>,
        tpu.vector_store %arg8[%swap3A_104, %swap3A_105], %add3A_103 {strides = array<i32>} : memref<40x128xi32, #tpu.memory_space<vmem>>, vector<16xi32>,
        %get3A_107 = arith.index_cast %scan3A_90 : i32 to index
        %get3A_108 = arith.constant 32 : index
        %get3A_109 = tpu.vector_load %arg8[%get3A_107, %get3A_108] {strides = array<i32>} : memref<40x128xi32, #tpu.memory_space<vmem>>, vector<16xi32>,
        %broadcast_in_dim3A_110 = arith.constant 10240 : i32
        %broadcast_in_dim3A_111 = vector.broadcast %broadcast_in_dim3A_110 : i32 to vector<16xi32>
        %add3A_112 = arith.addi %get3A_109, %broadcast_in_dim3A_111 : vector<16xi32>
        %swap3A_113 = arith.index_cast %scan3A_90 : i32 to index
        %swap3A_114 = arith.constant 32 : index
        %swap3A_115 = tpu.vector_load %arg8[%swap3A_113, %swap3A_114] {strides = array<i32>} : memref<40x128xi32, #tpu.memory_space<vmem>>, vector<16xi32>,
        tpu.vector_store %arg8[%swap3A_113, %swap3A_114], %add3A_112 {strides = array<i32>} : memref<40x128xi32, #tpu.memory_space<vmem>>, vector<16xi32>,
        %get3A_116 = arith.index_cast %scan3A_90 : i32 to index
        %get3A_117 = arith.constant 48 : index
        %get3A_118 = tpu.vector_load %arg8[%get3A_116, %get3A_117] {strides = array<i32>} : memref<40x128xi32, #tpu.memory_space<vmem>>, vector<16xi32>,
        %broadcast_in_dim3A_119 = arith.constant 10240 : i32
        %broadcast_in_dim3A_120 = vector.broadcast %broadcast_in_dim3A_119 : i32 to vector<16xi32>
        %add3A_121 = arith.addi %get3A_118, %broadcast_in_dim3A_120 : vector<16xi32>
        %swap3A_122 = arith.index_cast %scan3A_90 : i32 to index
        %swap3A_123 = arith.constant 48 : index
        %swap3A_124 = tpu.vector_load %arg8[%swap3A_122, %swap3A_123] {strides = array<i32>} : memref<40x128xi32, #tpu.memory_space<vmem>>, vector<16xi32>,
        tpu.vector_store %arg8[%swap3A_122, %swap3A_123], %add3A_121 {strides = array<i32>} : memref<40x128xi32, #tpu.memory_space<vmem>>, vector<16xi32>,
        %get3A_125 = arith.index_cast %scan3A_90 : i32 to index
        %get3A_126 = arith.constant 64 : index
        %get3A_127 = tpu.vector_load %arg8[%get3A_125, %get3A_126] {strides = array<i32>} : memref<40x128xi32, #tpu.memory_space<vmem>>, vector<16xi32>,
        %broadcast_in_dim3A_128 = arith.constant 10240 : i32
        %broadcast_in_dim3A_129 = vector.broadcast %broadcast_in_dim3A_128 : i32 to vector<16xi32>
        %add3A_130 = arith.addi %get3A_127, %broadcast_in_dim3A_129 : vector<16xi32>
        %swap3A_131 = arith.index_cast %scan3A_90 : i32 to index
        %swap3A_132 = arith.constant 64 : index
        %swap3A_133 = tpu.vector_load %arg8[%swap3A_131, %swap3A_132] {strides = array<i32>} : memref<40x128xi32, #tpu.memory_space<vmem>>, vector<16xi32>,
        tpu.vector_store %arg8[%swap3A_131, %swap3A_132], %add3A_130 {strides = array<i32>} : memref<40x128xi32, #tpu.memory_space<vmem>>, vector<16xi32>,
        %get3A_134 = arith.index_cast %scan3A_90 : i32 to index
        %get3A_135 = arith.constant 80 : index
        %get3A_136 = tpu.vector_load %arg8[%get3A_134, %get3A_135] {strides = array<i32>} : memref<40x128xi32, #tpu.memory_space<vmem>>, vector<16xi32>,
        %broadcast_in_dim3A_137 = arith.constant 10240 : i32
        %broadcast_in_dim3A_138 = vector.broadcast %broadcast_in_dim3A_137 : i32 to vector<16xi32>
        %add3A_139 = arith.addi %get3A_136, %broadcast_in_dim3A_138 : vector<16xi32>
        %swap3A_140 = arith.index_cast %scan3A_90 : i32 to index
        %swap3A_141 = arith.constant 80 : index
        %swap3A_142 = tpu.vector_load %arg8[%swap3A_140, %swap3A_141] {strides = array<i32>} : memref<40x128xi32, #tpu.memory_space<vmem>>, vector<16xi32>,
        tpu.vector_store %arg8[%swap3A_140, %swap3A_141], %add3A_139 {strides = array<i32>} : memref<40x128xi32, #tpu.memory_space<vmem>>, vector<16xi32>,
        %get3A_143 = arith.index_cast %scan3A_90 : i32 to index
        %get3A_144 = arith.constant 96 : index
        %get3A_145 = tpu.vector_load %arg8[%get3A_143, %get3A_144] {strides = array<i32>} : memref<40x128xi32, #tpu.memory_space<vmem>>, vector<16xi32>,
        %broadcast_in_dim3A_146 = arith.constant 10240 : i32
        %broadcast_in_dim3A_147 = vector.broadcast %broadcast_in_dim3A_146 : i32 to vector<16xi32>
        %add3A_148 = arith.addi %get3A_145, %broadcast_in_dim3A_147 : vector<16xi32>
        %swap3A_149 = arith.index_cast %scan3A_90 : i32 to index
        %swap3A_150 = arith.constant 96 : index
        %swap3A_151 = tpu.vector_load %arg8[%swap3A_149, %swap3A_150] {strides = array<i32>} : memref<40x128xi32, #tpu.memory_space<vmem>>, vector<16xi32>,
        tpu.vector_store %arg8[%swap3A_149, %swap3A_150], %add3A_148 {strides = array<i32>} : memref<40x128xi32, #tpu.memory_space<vmem>>, vector<16xi32>,
        %get3A_152 = arith.index_cast %scan3A_90 : i32 to index
        %get3A_153 = arith.constant 112 : index
        %get3A_154 = tpu.vector_load %arg8[%get3A_152, %get3A_153] {strides = array<i32>} : memref<40x128xi32, #tpu.memory_space<vmem>>, vector<16xi32>,
        %broadcast_in_dim3A_155 = arith.constant 10240 : i32
        %broadcast_in_dim3A_156 = vector.broadcast %broadcast_in_dim3A_155 : i32 to vector<16xi32>
        %add3A_157 = arith.addi %get3A_154, %broadcast_in_dim3A_156 : vector<16xi32>
        %swap3A_158 = arith.index_cast %scan3A_90 : i32 to index
        %swap3A_159 = arith.constant 112 : index
        %swap3A_160 = tpu.vector_load %arg8[%swap3A_158, %swap3A_159] {strides = array<i32>} : memref<40x128xi32, #tpu.memory_space<vmem>>, vector<16xi32>,
        tpu.vector_store %arg8[%swap3A_158, %swap3A_159], %add3A_157 {strides = array<i32>} : memref<40x128xi32, #tpu.memory_space<vmem>>, vector<16xi32>,
      }
      %scan3A_89 = arith.constant 40 : i32
    } else {
    }
    %dma_start3A = arith.constant 0 : i32
    %dma_start3A_30 = arith.constant 0 : i32
    %dma_start3A_31 = tpu.memref_slice %arg8[%dma_start3A, %dma_start3A_30] : memref<40x128xi32, #tpu.memory_space<vmem>> -> memref<1x128xi32, #tpu.memory_space<vmem>>
    %dma_start3A_32 = tpu.memref_squeeze %dma_start3A_31 : memref<1x128xi32, #tpu.memory_space<vmem>> -> memref<128xi32, #tpu.memory_space<vmem>>
    %dma_start3A_33 = arith.constant 0 : i32
    %dma_start3A_34 = arith.constant 0 : i32
    %dma_start3A_35 = tpu.memref_slice %arg2[%dma_start3A_33, %dma_start3A_34] : memref<20480x128xf32, #tpu.memory_space<hbm>> -> memref<20480x128xf32, #tpu.memory_space<hbm>>
    tpu.enqueue_indirect_dma source(%dma_start3A_35 : memref<20480x128xf32, #tpu.memory_space<hbm>>) target(%arg10 : memref<128x128xf32, #tpu.memory_space<vmem>>) offsets(%dma_start3A_32 : memref<128xi32, #tpu.memory_space<vmem>>) semaphore(%arg14 : memref<!tpu.dma_semaphore, #tpu.memory_space<semaphore_mem>>)
    %dma_start3A_36 = arith.constant 0 : i32
    %dma_start3A_37 = tpu.memref_slice %arg5[%add3A_27, %dma_start3A_36] : memref<1280x128xf32, #tpu.memory_space<hbm>> -> memref<1x128xf32, #tpu.memory_space<hbm>>
    %dma_start3A_38 = tpu.memref_squeeze %dma_start3A_37 : memref<1x128xf32, #tpu.memory_space<hbm>> -> memref<128xf32, #tpu.memory_space<hbm>>
    %dma_start3A_39 = arith.constant 0 : i32
    %dma_start3A_40 = tpu.memref_slice %arg5[%add3A_27, %dma_start3A_39] : memref<1280x128xf32, #tpu.memory_space<hbm>> -> memref<1x128xf32, #tpu.memory_space<hbm>>
    %dma_start3A_41 = tpu.memref_squeeze %dma_start3A_40 : memref<1x128xf32, #tpu.memory_space<hbm>> -> memref<128xf32, #tpu.memory_space<hbm>>
    tpu.enqueue_dma source(%dma_start3A_41 : memref<128xf32, #tpu.memory_space<hbm>>) target(%arg12 : memref<128xf32, #tpu.memory_space<vmem>>) target_semaphore(%arg16 : memref<!tpu.dma_semaphore, #tpu.memory_space<semaphore_mem>>)
    %scan3A_42 = arith.constant 0 : i32
    %scan3A_43 = arith.constant 0 : i32
    %scan3A_44 = arith.constant 20 : i32
    %scan3A_45 = arith.addi %scan3A_43, %scan3A_44 : i32
    %scan3A_46 = arith.constant 1 : i32
    scf.for %scan3A_84 = %scan3A_43 to %scan3A_45 step %scan3A_46  : i32 {
      %mul3A_85 = arith.constant 2 : i32
      %mul3A_86 = arith.muli %scan3A_84, %mul3A_85 : i32
      %add3A_87 = arith.constant 1 : i32
      %add3A_88 = arith.addi %mul3A_86, %add3A_87 : i32
      %dma_start3A_89 = arith.constant 0 : i32
      %dma_start3A_90 = tpu.memref_slice %arg8[%add3A_88, %dma_start3A_89] : memref<40x128xi32, #tpu.memory_space<vmem>> -> memref<1x128xi32, #tpu.memory_space<vmem>>
      %dma_start3A_91 = tpu.memref_squeeze %dma_start3A_90 : memref<1x128xi32, #tpu.memory_space<vmem>> -> memref<128xi32, #tpu.memory_space<vmem>>
      %dma_start3A_92 = arith.constant 0 : i32
      %dma_start3A_93 = arith.constant 0 : i32
      %dma_start3A_94 = tpu.memref_slice %arg2[%dma_start3A_92, %dma_start3A_93] : memref<20480x128xf32, #tpu.memory_space<hbm>> -> memref<20480x128xf32, #tpu.memory_space<hbm>>
      tpu.enqueue_indirect_dma source(%dma_start3A_94 : memref<20480x128xf32, #tpu.memory_space<hbm>>) target(%arg11 : memref<128x128xf32, #tpu.memory_space<vmem>>) offsets(%dma_start3A_91 : memref<128xi32, #tpu.memory_space<vmem>>) semaphore(%arg15 : memref<!tpu.dma_semaphore, #tpu.memory_space<semaphore_mem>>)
      %add3A_95 = arith.addi %add3A_27, %add3A_88 : i32
      %dma_start3A_96 = arith.constant 0 : i32
      %dma_start3A_97 = tpu.memref_slice %arg5[%add3A_95, %dma_start3A_96] : memref<1280x128xf32, #tpu.memory_space<hbm>> -> memref<1x128xf32, #tpu.memory_space<hbm>>
      %dma_start3A_98 = tpu.memref_squeeze %dma_start3A_97 : memref<1x128xf32, #tpu.memory_space<hbm>> -> memref<128xf32, #tpu.memory_space<hbm>>
      %dma_start3A_99 = arith.constant 0 : i32
      %dma_start3A_100 = tpu.memref_slice %arg5[%add3A_95, %dma_start3A_99] : memref<1280x128xf32, #tpu.memory_space<hbm>> -> memref<1x128xf32, #tpu.memory_space<hbm>>
      %dma_start3A_101 = tpu.memref_squeeze %dma_start3A_100 : memref<1x128xf32, #tpu.memory_space<hbm>> -> memref<128xf32, #tpu.memory_space<hbm>>
      tpu.enqueue_dma source(%dma_start3A_101 : memref<128xf32, #tpu.memory_space<hbm>>) target(%arg13 : memref<128xf32, #tpu.memory_space<vmem>>) target_semaphore(%arg17 : memref<!tpu.dma_semaphore, #tpu.memory_space<semaphore_mem>>)
      %dma_wait3A = arith.constant 0 : i32
      %dma_wait3A_102 = tpu.memref_slice %arg8[%mul3A_86, %dma_wait3A] : memref<40x128xi32, #tpu.memory_space<vmem>> -> memref<1x128xi32, #tpu.memory_space<vmem>>
      %dma_wait3A_103 = tpu.memref_squeeze %dma_wait3A_102 : memref<1x128xi32, #tpu.memory_space<vmem>> -> memref<128xi32, #tpu.memory_space<vmem>>
      %dma_wait3A_104 = arith.constant 0 : i32
      %dma_wait3A_105 = arith.constant 0 : i32
      %dma_wait3A_106 = tpu.memref_slice %arg2[%dma_wait3A_104, %dma_wait3A_105] : memref<20480x128xf32, #tpu.memory_space<hbm>> -> memref<20480x128xf32, #tpu.memory_space<hbm>>
      tpu.wait_indirect_dma semaphore(%arg14 : memref<!tpu.dma_semaphore, #tpu.memory_space<semaphore_mem>>) src(%dma_wait3A_106 : memref<20480x128xf32, #tpu.memory_space<hbm>>) dst(%arg10 : memref<128x128xf32, #tpu.memory_space<vmem>>)
      %dma_wait3A_107 = arith.constant 0 : i32
      %dma_wait3A_108 = tpu.memref_slice %arg5[%add3A_27, %dma_wait3A_107] : memref<1280x128xf32, #tpu.memory_space<hbm>> -> memref<1x128xf32, #tpu.memory_space<hbm>>
      %dma_wait3A_109 = tpu.memref_squeeze %dma_wait3A_108 : memref<1x128xf32, #tpu.memory_space<hbm>> -> memref<128xf32, #tpu.memory_space<hbm>>
      %dma_wait3A_110 = arith.constant 0 : i32
      %dma_wait3A_111 = tpu.memref_slice %arg5[%add3A_27, %dma_wait3A_110] : memref<1280x128xf32, #tpu.memory_space<hbm>> -> memref<1x128xf32, #tpu.memory_space<hbm>>
      %dma_wait3A_112 = tpu.memref_squeeze %dma_wait3A_111 : memref<1x128xf32, #tpu.memory_space<hbm>> -> memref<128xf32, #tpu.memory_space<hbm>>
      tpu.wait_dma2 semaphore(%arg16 : memref<!tpu.dma_semaphore, #tpu.memory_space<semaphore_mem>>) src(%dma_wait3A_112 : memref<128xf32, #tpu.memory_space<hbm>>) dst(%arg12 : memref<128xf32, #tpu.memory_space<vmem>>)
      %scan3A_113 = arith.constant 0 : i32
      %scan3A_114 = arith.constant 0 : i32
      %scan3A_115 = arith.constant 64 : i32
      %scan3A_116 = arith.addi %scan3A_114, %scan3A_115 : i32
      %scan3A_117 = arith.constant 1 : i32
      scf.for %scan3A_144 = %scan3A_114 to %scan3A_116 step %scan3A_117  : i32 {
        %mul3A_145 = arith.constant 2 : i32
        %mul3A_146 = arith.muli %scan3A_144, %mul3A_145 : i32
        %add3A_147 = arith.constant 0 : i32
        %add3A_148 = arith.addi %mul3A_146, %add3A_147 : i32
        %broadcast_in_dim3A_149 = vector.broadcast %add3A_148 : i32 to vector<16xi32>
        %gather3A = tpu.vector_load_idx %arg12[%broadcast_in_dim3A_149] : memref<128xf32, #tpu.memory_space<vmem>>[vector<16xi32>], vector<16xf32>,
        %get3A = arith.index_cast %add3A_148 : i32 to index
        %get3A_150 = arith.constant 0 : index
        %get3A_151 = tpu.vector_load %arg10[%get3A, %get3A_150] {strides = array<i32>} : memref<128x128xf32, #tpu.memory_space<vmem>>, vector<16xf32>,
        %mul3A_152 = arith.mulf %get3A_151, %gather3A : vector<16xf32>
        %swap3A = arith.index_cast %add3A_148 : i32 to index
        %swap3A_153 = arith.constant 0 : index
        %swap3A_154 = tpu.vector_load %arg10[%swap3A, %swap3A_153] {strides = array<i32>} : memref<128x128xf32, #tpu.memory_space<vmem>>, vector<16xf32>,
        tpu.vector_store %arg10[%swap3A, %swap3A_153], %mul3A_152 {strides = array<i32>} : memref<128x128xf32, #tpu.memory_space<vmem>>, vector<16xf32>,
        %get3A_155 = arith.index_cast %add3A_148 : i32 to index
        %get3A_156 = arith.constant 16 : index
        %get3A_157 = tpu.vector_load %arg10[%get3A_155, %get3A_156] {strides = array<i32>} : memref<128x128xf32, #tpu.memory_space<vmem>>, vector<16xf32>,
        %mul3A_158 = arith.mulf %get3A_157, %gather3A : vector<16xf32>
        %swap3A_159 = arith.index_cast %add3A_148 : i32 to index
        %swap3A_160 = arith.constant 16 : index
        %swap3A_161 = tpu.vector_load %arg10[%swap3A_159, %swap3A_160] {strides = array<i32>} : memref<128x128xf32, #tpu.memory_space<vmem>>, vector<16xf32>,
        tpu.vector_store %arg10[%swap3A_159, %swap3A_160], %mul3A_158 {strides = array<i32>} : memref<128x128xf32, #tpu.memory_space<vmem>>, vector<16xf32>,
        %get3A_162 = arith.index_cast %add3A_148 : i32 to index
        %get3A_163 = arith.constant 32 : index
        %get3A_164 = tpu.vector_load %arg10[%get3A_162, %get3A_163] {strides = array<i32>} : memref<128x128xf32, #tpu.memory_space<vmem>>, vector<16xf32>,
        %mul3A_165 = arith.mulf %get3A_164, %gather3A : vector<16xf32>
        %swap3A_166 = arith.index_cast %add3A_148 : i32 to index
        %swap3A_167 = arith.constant 32 : index
        %swap3A_168 = tpu.vector_load %arg10[%swap3A_166, %swap3A_167] {strides = array<i32>} : memref<128x128xf32, #tpu.memory_space<vmem>>, vector<16xf32>,
        tpu.vector_store %arg10[%swap3A_166, %swap3A_167], %mul3A_165 {strides = array<i32>} : memref<128x128xf32, #tpu.memory_space<vmem>>, vector<16xf32>,
        %get3A_169 = arith.index_cast %add3A_148 : i32 to index
        %get3A_170 = arith.constant 48 : index
        %get3A_171 = tpu.vector_load %arg10[%get3A_169, %get3A_170] {strides = array<i32>} : memref<128x128xf32, #tpu.memory_space<vmem>>, vector<16xf32>,
        %mul3A_172 = arith.mulf %get3A_171, %gather3A : vector<16xf32>
        %swap3A_173 = arith.index_cast %add3A_148 : i32 to index
        %swap3A_174 = arith.constant 48 : index
        %swap3A_175 = tpu.vector_load %arg10[%swap3A_173, %swap3A_174] {strides = array<i32>} : memref<128x128xf32, #tpu.memory_space<vmem>>, vector<16xf32>,
        tpu.vector_store %arg10[%swap3A_173, %swap3A_174], %mul3A_172 {strides = array<i32>} : memref<128x128xf32, #tpu.memory_space<vmem>>, vector<16xf32>,
        %get3A_176 = arith.index_cast %add3A_148 : i32 to index
        %get3A_177 = arith.constant 64 : index
        %get3A_178 = tpu.vector_load %arg10[%get3A_176, %get3A_177] {strides = array<i32>} : memref<128x128xf32, #tpu.memory_space<vmem>>, vector<16xf32>,
        %mul3A_179 = arith.mulf %get3A_178, %gather3A : vector<16xf32>
        %swap3A_180 = arith.index_cast %add3A_148 : i32 to index
        %swap3A_181 = arith.constant 64 : index
        %swap3A_182 = tpu.vector_load %arg10[%swap3A_180, %swap3A_181] {strides = array<i32>} : memref<128x128xf32, #tpu.memory_space<vmem>>, vector<16xf32>,
        tpu.vector_store %arg10[%swap3A_180, %swap3A_181], %mul3A_179 {strides = array<i32>} : memref<128x128xf32, #tpu.memory_space<vmem>>, vector<16xf32>,
        %get3A_183 = arith.index_cast %add3A_148 : i32 to index
        %get3A_184 = arith.constant 80 : index
        %get3A_185 = tpu.vector_load %arg10[%get3A_183, %get3A_184] {strides = array<i32>} : memref<128x128xf32, #tpu.memory_space<vmem>>, vector<16xf32>,
        %mul3A_186 = arith.mulf %get3A_185, %gather3A : vector<16xf32>
        %swap3A_187 = arith.index_cast %add3A_148 : i32 to index
        %swap3A_188 = arith.constant 80 : index
        %swap3A_189 = tpu.vector_load %arg10[%swap3A_187, %swap3A_188] {strides = array<i32>} : memref<128x128xf32, #tpu.memory_space<vmem>>, vector<16xf32>,
        tpu.vector_store %arg10[%swap3A_187, %swap3A_188], %mul3A_186 {strides = array<i32>} : memref<128x128xf32, #tpu.memory_space<vmem>>, vector<16xf32>,
        %get3A_190 = arith.index_cast %add3A_148 : i32 to index
        %get3A_191 = arith.constant 96 : index
        %get3A_192 = tpu.vector_load %arg10[%get3A_190, %get3A_191] {strides = array<i32>} : memref<128x128xf32, #tpu.memory_space<vmem>>, vector<16xf32>,
        %mul3A_193 = arith.mulf %get3A_192, %gather3A : vector<16xf32>
        %swap3A_194 = arith.index_cast %add3A_148 : i32 to index
        %swap3A_195 = arith.constant 96 : index
        %swap3A_196 = tpu.vector_load %arg10[%swap3A_194, %swap3A_195] {strides = array<i32>} : memref<128x128xf32, #tpu.memory_space<vmem>>, vector<16xf32>,
        tpu.vector_store %arg10[%swap3A_194, %swap3A_195], %mul3A_193 {strides = array<i32>} : memref<128x128xf32, #tpu.memory_space<vmem>>, vector<16xf32>,
        %get3A_197 = arith.index_cast %add3A_148 : i32 to index
        %get3A_198 = arith.constant 112 : index
        %get3A_199 = tpu.vector_load %arg10[%get3A_197, %get3A_198] {strides = array<i32>} : memref<128x128xf32, #tpu.memory_space<vmem>>, vector<16xf32>,
        %mul3A_200 = arith.mulf %get3A_199, %gather3A : vector<16xf32>
        %swap3A_201 = arith.index_cast %add3A_148 : i32 to index
        %swap3A_202 = arith.constant 112 : index
        %swap3A_203 = tpu.vector_load %arg10[%swap3A_201, %swap3A_202] {strides = array<i32>} : memref<128x128xf32, #tpu.memory_space<vmem>>, vector<16xf32>,
        tpu.vector_store %arg10[%swap3A_201, %swap3A_202], %mul3A_200 {strides = array<i32>} : memref<128x128xf32, #tpu.memory_space<vmem>>, vector<16xf32>,
        %mul3A_204 = arith.constant 2 : i32
        %mul3A_205 = arith.muli %scan3A_144, %mul3A_204 : i32
        %add3A_206 = arith.constant 1 : i32
        %add3A_207 = arith.addi %mul3A_205, %add3A_206 : i32
        %broadcast_in_dim3A_208 = vector.broadcast %add3A_207 : i32 to vector<16xi32>
        %gather3A_209 = tpu.vector_load_idx %arg12[%broadcast_in_dim3A_208] : memref<128xf32, #tpu.memory_space<vmem>>[vector<16xi32>], vector<16xf32>,
        %get3A_210 = arith.index_cast %add3A_207 : i32 to index
        %get3A_211 = arith.constant 0 : index
        %get3A_212 = tpu.vector_load %arg10[%get3A_210, %get3A_211] {strides = array<i32>} : memref<128x128xf32, #tpu.memory_space<vmem>>, vector<16xf32>,
        %mul3A_213 = arith.mulf %get3A_212, %gather3A_209 : vector<16xf32>
        %swap3A_214 = arith.index_cast %add3A_207 : i32 to index
        %swap3A_215 = arith.constant 0 : index
        %swap3A_216 = tpu.vector_load %arg10[%swap3A_214, %swap3A_215] {strides = array<i32>} : memref<128x128xf32, #tpu.memory_space<vmem>>, vector<16xf32>,
        tpu.vector_store %arg10[%swap3A_214, %swap3A_215], %mul3A_213 {strides = array<i32>} : memref<128x128xf32, #tpu.memory_space<vmem>>, vector<16xf32>,
        %get3A_217 = arith.index_cast %add3A_207 : i32 to index
        %get3A_218 = arith.constant 16 : index
        %get3A_219 = tpu.vector_load %arg10[%get3A_217, %get3A_218] {strides = array<i32>} : memref<128x128xf32, #tpu.memory_space<vmem>>, vector<16xf32>,
        %mul3A_220 = arith.mulf %get3A_219, %gather3A_209 : vector<16xf32>
        %swap3A_221 = arith.index_cast %add3A_207 : i32 to index
        %swap3A_222 = arith.constant 16 : index
        %swap3A_223 = tpu.vector_load %arg10[%swap3A_221, %swap3A_222] {strides = array<i32>} : memref<128x128xf32, #tpu.memory_space<vmem>>, vector<16xf32>,
        tpu.vector_store %arg10[%swap3A_221, %swap3A_222], %mul3A_220 {strides = array<i32>} : memref<128x128xf32, #tpu.memory_space<vmem>>, vector<16xf32>,
        %get3A_224 = arith.index_cast %add3A_207 : i32 to index
        %get3A_225 = arith.constant 32 : index
        %get3A_226 = tpu.vector_load %arg10[%get3A_224, %get3A_225] {strides = array<i32>} : memref<128x128xf32, #tpu.memory_space<vmem>>, vector<16xf32>,
        %mul3A_227 = arith.mulf %get3A_226, %gather3A_209 : vector<16xf32>
        %swap3A_228 = arith.index_cast %add3A_207 : i32 to index
        %swap3A_229 = arith.constant 32 : index
        %swap3A_230 = tpu.vector_load %arg10[%swap3A_228, %swap3A_229] {strides = array<i32>} : memref<128x128xf32, #tpu.memory_space<vmem>>, vector<16xf32>,
        tpu.vector_store %arg10[%swap3A_228, %swap3A_229], %mul3A_227 {strides = array<i32>} : memref<128x128xf32, #tpu.memory_space<vmem>>, vector<16xf32>,
        %get3A_231 = arith.index_cast %add3A_207 : i32 to index
        %get3A_232 = arith.constant 48 : index
        %get3A_233 = tpu.vector_load %arg10[%get3A_231, %get3A_232] {strides = array<i32>} : memref<128x128xf32, #tpu.memory_space<vmem>>, vector<16xf32>,
        %mul3A_234 = arith.mulf %get3A_233, %gather3A_209 : vector<16xf32>
        %swap3A_235 = arith.index_cast %add3A_207 : i32 to index
        %swap3A_236 = arith.constant 48 : index
        %swap3A_237 = tpu.vector_load %arg10[%swap3A_235, %swap3A_236] {strides = array<i32>} : memref<128x128xf32, #tpu.memory_space<vmem>>, vector<16xf32>,
        tpu.vector_store %arg10[%swap3A_235, %swap3A_236], %mul3A_234 {strides = array<i32>} : memref<128x128xf32, #tpu.memory_space<vmem>>, vector<16xf32>,
        %get3A_238 = arith.index_cast %add3A_207 : i32 to index
        %get3A_239 = arith.constant 64 : index
        %get3A_240 = tpu.vector_load %arg10[%get3A_238, %get3A_239] {strides = array<i32>} : memref<128x128xf32, #tpu.memory_space<vmem>>, vector<16xf32>,
        %mul3A_241 = arith.mulf %get3A_240, %gather3A_209 : vector<16xf32>
        %swap3A_242 = arith.index_cast %add3A_207 : i32 to index
        %swap3A_243 = arith.constant 64 : index
        %swap3A_244 = tpu.vector_load %arg10[%swap3A_242, %swap3A_243] {strides = array<i32>} : memref<128x128xf32, #tpu.memory_space<vmem>>, vector<16xf32>,
        tpu.vector_store %arg10[%swap3A_242, %swap3A_243], %mul3A_241 {strides = array<i32>} : memref<128x128xf32, #tpu.memory_space<vmem>>, vector<16xf32>,
        %get3A_245 = arith.index_cast %add3A_207 : i32 to index
        %get3A_246 = arith.constant 80 : index
        %get3A_247 = tpu.vector_load %arg10[%get3A_245, %get3A_246] {strides = array<i32>} : memref<128x128xf32, #tpu.memory_space<vmem>>, vector<16xf32>,
        %mul3A_248 = arith.mulf %get3A_247, %gather3A_209 : vector<16xf32>
        %swap3A_249 = arith.index_cast %add3A_207 : i32 to index
        %swap3A_250 = arith.constant 80 : index
        %swap3A_251 = tpu.vector_load %arg10[%swap3A_249, %swap3A_250] {strides = array<i32>} : memref<128x128xf32, #tpu.memory_space<vmem>>, vector<16xf32>,
        tpu.vector_store %arg10[%swap3A_249, %swap3A_250], %mul3A_248 {strides = array<i32>} : memref<128x128xf32, #tpu.memory_space<vmem>>, vector<16xf32>,
        %get3A_252 = arith.index_cast %add3A_207 : i32 to index
        %get3A_253 = arith.constant 96 : index
        %get3A_254 = tpu.vector_load %arg10[%get3A_252, %get3A_253] {strides = array<i32>} : memref<128x128xf32, #tpu.memory_space<vmem>>, vector<16xf32>,
        %mul3A_255 = arith.mulf %get3A_254, %gather3A_209 : vector<16xf32>
        %swap3A_256 = arith.index_cast %add3A_207 : i32 to index
        %swap3A_257 = arith.constant 96 : index
        %swap3A_258 = tpu.vector_load %arg10[%swap3A_256, %swap3A_257] {strides = array<i32>} : memref<128x128xf32, #tpu.memory_space<vmem>>, vector<16xf32>,
        tpu.vector_store %arg10[%swap3A_256, %swap3A_257], %mul3A_255 {strides = array<i32>} : memref<128x128xf32, #tpu.memory_space<vmem>>, vector<16xf32>,
        %get3A_259 = arith.index_cast %add3A_207 : i32 to index
        %get3A_260 = arith.constant 112 : index
        %get3A_261 = tpu.vector_load %arg10[%get3A_259, %get3A_260] {strides = array<i32>} : memref<128x128xf32, #tpu.memory_space<vmem>>, vector<16xf32>,
        %mul3A_262 = arith.mulf %get3A_261, %gather3A_209 : vector<16xf32>
        %swap3A_263 = arith.index_cast %add3A_207 : i32 to index
        %swap3A_264 = arith.constant 112 : index
        %swap3A_265 = tpu.vector_load %arg10[%swap3A_263, %swap3A_264] {strides = array<i32>} : memref<128x128xf32, #tpu.memory_space<vmem>>, vector<16xf32>,
        tpu.vector_store %arg10[%swap3A_263, %swap3A_264], %mul3A_262 {strides = array<i32>} : memref<128x128xf32, #tpu.memory_space<vmem>>, vector<16xf32>,
      }
      %scan3A_118 = arith.constant 64 : i32
      "tpu.region"() ({
        %run_scoped3A = tpu.sem_alloc : memref<!tpu.dma_semaphore, #tpu.memory_space<semaphore_mem>>
        %dma_start3A_144 = arith.constant 0 : i32
        %dma_start3A_145 = tpu.memref_slice %arg9[%mul3A_86, %dma_start3A_144] : memref<40x128xi32, #tpu.memory_space<vmem>> -> memref<1x128xi32, #tpu.memory_space<vmem>>
        %dma_start3A_146 = tpu.memref_squeeze %dma_start3A_145 : memref<1x128xi32, #tpu.memory_space<vmem>> -> memref<128xi32, #tpu.memory_space<vmem>>
        %dma_start3A_147 = arith.constant 0 : i32
        %dma_start3A_148 = arith.constant 0 : i32
        %dma_start3A_149 = tpu.memref_slice %arg7[%dma_start3A_147, %dma_start3A_148] : memref<10240x128xf32, #tpu.memory_space<vmem_shared>> -> memref<10240x128xf32, #tpu.memory_space<vmem_shared>>
        tpu.enqueue_indirect_dma source(%arg10 : memref<128x128xf32, #tpu.memory_space<vmem>>) target(%dma_start3A_149 : memref<10240x128xf32, #tpu.memory_space<vmem_shared>>) offsets(%dma_start3A_146 : memref<128xi32, #tpu.memory_space<vmem>>) semaphore(%run_scoped3A : memref<!tpu.dma_semaphore, #tpu.memory_space<semaphore_mem>>) {add = true}
        %dma_wait3A_150 = arith.constant 0 : i32
        %dma_wait3A_151 = tpu.memref_slice %arg9[%mul3A_86, %dma_wait3A_150] : memref<40x128xi32, #tpu.memory_space<vmem>> -> memref<1x128xi32, #tpu.memory_space<vmem>>
        %dma_wait3A_152 = tpu.memref_squeeze %dma_wait3A_151 : memref<1x128xi32, #tpu.memory_space<vmem>> -> memref<128xi32, #tpu.memory_space<vmem>>
        %dma_wait3A_153 = arith.constant 0 : i32
        %dma_wait3A_154 = arith.constant 0 : i32
        %dma_wait3A_155 = tpu.memref_slice %arg7[%dma_wait3A_153, %dma_wait3A_154] : memref<10240x128xf32, #tpu.memory_space<vmem_shared>> -> memref<10240x128xf32, #tpu.memory_space<vmem_shared>>
        tpu.wait_indirect_dma semaphore(%run_scoped3A : memref<!tpu.dma_semaphore, #tpu.memory_space<semaphore_mem>>) src(%arg10 : memref<128x128xf32, #tpu.memory_space<vmem>>) dst(%dma_wait3A_155 : memref<10240x128xf32, #tpu.memory_space<vmem_shared>>)
        tpu.yield
      }) : () -> ()
      %add3A_119 = arith.constant 1 : i32
      %add3A_120 = arith.addi %scan3A_84, %add3A_119 : i32
      %lt3A = arith.constant 20 : i32
      %lt3A_121 = arith.cmpi slt, %add3A_120, %lt3A : i32
      %convert_element_type3A_122 = arith.extui %lt3A_121 : i1 to i32
      %cond3A_123 = arith.constant 0 : i32
      %cond3A_124 = arith.cmpi ne, %convert_element_type3A_122, %cond3A_123 : i32
      scf.if %cond3A_124 {
        %add3A_144 = arith.constant 2 : i32
        %add3A_145 = arith.addi %mul3A_86, %add3A_144 : i32
        %dma_start3A_146 = arith.constant 0 : i32
        %dma_start3A_147 = tpu.memref_slice %arg8[%add3A_145, %dma_start3A_146] : memref<40x128xi32, #tpu.memory_space<vmem>> -> memref<1x128xi32, #tpu.memory_space<vmem>>
        %dma_start3A_148 = tpu.memref_squeeze %dma_start3A_147 : memref<1x128xi32, #tpu.memory_space<vmem>> -> memref<128xi32, #tpu.memory_space<vmem>>
        %dma_start3A_149 = arith.constant 0 : i32
        %dma_start3A_150 = arith.constant 0 : i32
        %dma_start3A_151 = tpu.memref_slice %arg2[%dma_start3A_149, %dma_start3A_150] : memref<20480x128xf32, #tpu.memory_space<hbm>> -> memref<20480x128xf32, #tpu.memory_space<hbm>>
        tpu.enqueue_indirect_dma source(%dma_start3A_151 : memref<20480x128xf32, #tpu.memory_space<hbm>>) target(%arg10 : memref<128x128xf32, #tpu.memory_space<vmem>>) offsets(%dma_start3A_148 : memref<128xi32, #tpu.memory_space<vmem>>) semaphore(%arg14 : memref<!tpu.dma_semaphore, #tpu.memory_space<semaphore_mem>>)
        %add3A_152 = arith.addi %add3A_27, %mul3A_86 : i32
        %add3A_153 = arith.constant 2 : i32
        %add3A_154 = arith.addi %add3A_152, %add3A_153 : i32
        %dma_start3A_155 = arith.constant 0 : i32
        %dma_start3A_156 = tpu.memref_slice %arg5[%add3A_154, %dma_start3A_155] : memref<1280x128xf32, #tpu.memory_space<hbm>> -> memref<1x128xf32, #tpu.memory_space<hbm>>
        %dma_start3A_157 = tpu.memref_squeeze %dma_start3A_156 : memref<1x128xf32, #tpu.memory_space<hbm>> -> memref<128xf32, #tpu.memory_space<hbm>>
        %dma_start3A_158 = arith.constant 0 : i32
        %dma_start3A_159 = tpu.memref_slice %arg5[%add3A_154, %dma_start3A_158] : memref<1280x128xf32, #tpu.memory_space<hbm>> -> memref<1x128xf32, #tpu.memory_space<hbm>>
        %dma_start3A_160 = tpu.memref_squeeze %dma_start3A_159 : memref<1x128xf32, #tpu.memory_space<hbm>> -> memref<128xf32, #tpu.memory_space<hbm>>
        tpu.enqueue_dma source(%dma_start3A_160 : memref<128xf32, #tpu.memory_space<hbm>>) target(%arg12 : memref<128xf32, #tpu.memory_space<vmem>>) target_semaphore(%arg16 : memref<!tpu.dma_semaphore, #tpu.memory_space<semaphore_mem>>)
      } else {
      }
      %dma_wait3A_125 = arith.constant 0 : i32
      %dma_wait3A_126 = tpu.memref_slice %arg8[%add3A_88, %dma_wait3A_125] : memref<40x128xi32, #tpu.memory_space<vmem>> -> memref<1x128xi32, #tpu.memory_space<vmem>>
      %dma_wait3A_127 = tpu.memref_squeeze %dma_wait3A_126 : memref<1x128xi32, #tpu.memory_space<vmem>> -> memref<128xi32, #tpu.memory_space<vmem>>
      %dma_wait3A_128 = arith.constant 0 : i32
      %dma_wait3A_129 = arith.constant 0 : i32
      %dma_wait3A_130 = tpu.memref_slice %arg2[%dma_wait3A_128, %dma_wait3A_129] : memref<20480x128xf32, #tpu.memory_space<hbm>> -> memref<20480x128xf32, #tpu.memory_space<hbm>>
      tpu.wait_indirect_dma semaphore(%arg15 : memref<!tpu.dma_semaphore, #tpu.memory_space<semaphore_mem>>) src(%dma_wait3A_130 : memref<20480x128xf32, #tpu.memory_space<hbm>>) dst(%arg11 : memref<128x128xf32, #tpu.memory_space<vmem>>)
      %add3A_131 = arith.addi %add3A_27, %add3A_88 : i32
      %dma_wait3A_132 = arith.constant 0 : i32
      %dma_wait3A_133 = tpu.memref_slice %arg5[%add3A_131, %dma_wait3A_132] : memref<1280x128xf32, #tpu.memory_space<hbm>> -> memref<1x128xf32, #tpu.memory_space<hbm>>
      %dma_wait3A_134 = tpu.memref_squeeze %dma_wait3A_133 : memref<1x128xf32, #tpu.memory_space<hbm>> -> memref<128xf32, #tpu.memory_space<hbm>>
      %dma_wait3A_135 = arith.constant 0 : i32
      %dma_wait3A_136 = tpu.memref_slice %arg5[%add3A_131, %dma_wait3A_135] : memref<1280x128xf32, #tpu.memory_space<hbm>> -> memref<1x128xf32, #tpu.memory_space<hbm>>
      %dma_wait3A_137 = tpu.memref_squeeze %dma_wait3A_136 : memref<1x128xf32, #tpu.memory_space<hbm>> -> memref<128xf32, #tpu.memory_space<hbm>>
      tpu.wait_dma2 semaphore(%arg17 : memref<!tpu.dma_semaphore, #tpu.memory_space<semaphore_mem>>) src(%dma_wait3A_137 : memref<128xf32, #tpu.memory_space<hbm>>) dst(%arg13 : memref<128xf32, #tpu.memory_space<vmem>>)
      %scan3A_138 = arith.constant 0 : i32
      %scan3A_139 = arith.constant 0 : i32
      %scan3A_140 = arith.constant 64 : i32
      %scan3A_141 = arith.addi %scan3A_139, %scan3A_140 : i32
      %scan3A_142 = arith.constant 1 : i32
      scf.for %scan3A_144 = %scan3A_139 to %scan3A_141 step %scan3A_142  : i32 {
        %mul3A_145 = arith.constant 2 : i32
        %mul3A_146 = arith.muli %scan3A_144, %mul3A_145 : i32
        %add3A_147 = arith.constant 0 : i32
        %add3A_148 = arith.addi %mul3A_146, %add3A_147 : i32
        %broadcast_in_dim3A_149 = vector.broadcast %add3A_148 : i32 to vector<16xi32>
        %gather3A = tpu.vector_load_idx %arg13[%broadcast_in_dim3A_149] : memref<128xf32, #tpu.memory_space<vmem>>[vector<16xi32>], vector<16xf32>,
        %get3A = arith.index_cast %add3A_148 : i32 to index
        %get3A_150 = arith.constant 0 : index
        %get3A_151 = tpu.vector_load %arg11[%get3A, %get3A_150] {strides = array<i32>} : memref<128x128xf32, #tpu.memory_space<vmem>>, vector<16xf32>,
        %mul3A_152 = arith.mulf %get3A_151, %gather3A : vector<16xf32>
        %swap3A = arith.index_cast %add3A_148 : i32 to index
        %swap3A_153 = arith.constant 0 : index
        %swap3A_154 = tpu.vector_load %arg11[%swap3A, %swap3A_153] {strides = array<i32>} : memref<128x128xf32, #tpu.memory_space<vmem>>, vector<16xf32>,
        tpu.vector_store %arg11[%swap3A, %swap3A_153], %mul3A_152 {strides = array<i32>} : memref<128x128xf32, #tpu.memory_space<vmem>>, vector<16xf32>,
        %get3A_155 = arith.index_cast %add3A_148 : i32 to index
        %get3A_156 = arith.constant 16 : index
        %get3A_157 = tpu.vector_load %arg11[%get3A_155, %get3A_156] {strides = array<i32>} : memref<128x128xf32, #tpu.memory_space<vmem>>, vector<16xf32>,
        %mul3A_158 = arith.mulf %get3A_157, %gather3A : vector<16xf32>
        %swap3A_159 = arith.index_cast %add3A_148 : i32 to index
        %swap3A_160 = arith.constant 16 : index
        %swap3A_161 = tpu.vector_load %arg11[%swap3A_159, %swap3A_160] {strides = array<i32>} : memref<128x128xf32, #tpu.memory_space<vmem>>, vector<16xf32>,
        tpu.vector_store %arg11[%swap3A_159, %swap3A_160], %mul3A_158 {strides = array<i32>} : memref<128x128xf32, #tpu.memory_space<vmem>>, vector<16xf32>,
        %get3A_162 = arith.index_cast %add3A_148 : i32 to index
        %get3A_163 = arith.constant 32 : index
        %get3A_164 = tpu.vector_load %arg11[%get3A_162, %get3A_163] {strides = array<i32>} : memref<128x128xf32, #tpu.memory_space<vmem>>, vector<16xf32>,
        %mul3A_165 = arith.mulf %get3A_164, %gather3A : vector<16xf32>
        %swap3A_166 = arith.index_cast %add3A_148 : i32 to index
        %swap3A_167 = arith.constant 32 : index
        %swap3A_168 = tpu.vector_load %arg11[%swap3A_166, %swap3A_167] {strides = array<i32>} : memref<128x128xf32, #tpu.memory_space<vmem>>, vector<16xf32>,
        tpu.vector_store %arg11[%swap3A_166, %swap3A_167], %mul3A_165 {strides = array<i32>} : memref<128x128xf32, #tpu.memory_space<vmem>>, vector<16xf32>,
        %get3A_169 = arith.index_cast %add3A_148 : i32 to index
        %get3A_170 = arith.constant 48 : index
        %get3A_171 = tpu.vector_load %arg11[%get3A_169, %get3A_170] {strides = array<i32>} : memref<128x128xf32, #tpu.memory_space<vmem>>, vector<16xf32>,
        %mul3A_172 = arith.mulf %get3A_171, %gather3A : vector<16xf32>
        %swap3A_173 = arith.index_cast %add3A_148 : i32 to index
        %swap3A_174 = arith.constant 48 : index
        %swap3A_175 = tpu.vector_load %arg11[%swap3A_173, %swap3A_174] {strides = array<i32>} : memref<128x128xf32, #tpu.memory_space<vmem>>, vector<16xf32>,
        tpu.vector_store %arg11[%swap3A_173, %swap3A_174], %mul3A_172 {strides = array<i32>} : memref<128x128xf32, #tpu.memory_space<vmem>>, vector<16xf32>,
        %get3A_176 = arith.index_cast %add3A_148 : i32 to index
        %get3A_177 = arith.constant 64 : index
        %get3A_178 = tpu.vector_load %arg11[%get3A_176, %get3A_177] {strides = array<i32>} : memref<128x128xf32, #tpu.memory_space<vmem>>, vector<16xf32>,
        %mul3A_179 = arith.mulf %get3A_178, %gather3A : vector<16xf32>
        %swap3A_180 = arith.index_cast %add3A_148 : i32 to index
        %swap3A_181 = arith.constant 64 : index
        %swap3A_182 = tpu.vector_load %arg11[%swap3A_180, %swap3A_181] {strides = array<i32>} : memref<128x128xf32, #tpu.memory_space<vmem>>, vector<16xf32>,
        tpu.vector_store %arg11[%swap3A_180, %swap3A_181], %mul3A_179 {strides = array<i32>} : memref<128x128xf32, #tpu.memory_space<vmem>>, vector<16xf32>,
        %get3A_183 = arith.index_cast %add3A_148 : i32 to index
        %get3A_184 = arith.constant 80 : index
        %get3A_185 = tpu.vector_load %arg11[%get3A_183, %get3A_184] {strides = array<i32>} : memref<128x128xf32, #tpu.memory_space<vmem>>, vector<16xf32>,
        %mul3A_186 = arith.mulf %get3A_185, %gather3A : vector<16xf32>
        %swap3A_187 = arith.index_cast %add3A_148 : i32 to index
        %swap3A_188 = arith.constant 80 : index
        %swap3A_189 = tpu.vector_load %arg11[%swap3A_187, %swap3A_188] {strides = array<i32>} : memref<128x128xf32, #tpu.memory_space<vmem>>, vector<16xf32>,
        tpu.vector_store %arg11[%swap3A_187, %swap3A_188], %mul3A_186 {strides = array<i32>} : memref<128x128xf32, #tpu.memory_space<vmem>>, vector<16xf32>,
        %get3A_190 = arith.index_cast %add3A_148 : i32 to index
        %get3A_191 = arith.constant 96 : index
        %get3A_192 = tpu.vector_load %arg11[%get3A_190, %get3A_191] {strides = array<i32>} : memref<128x128xf32, #tpu.memory_space<vmem>>, vector<16xf32>,
        %mul3A_193 = arith.mulf %get3A_192, %gather3A : vector<16xf32>
        %swap3A_194 = arith.index_cast %add3A_148 : i32 to index
        %swap3A_195 = arith.constant 96 : index
        %swap3A_196 = tpu.vector_load %arg11[%swap3A_194, %swap3A_195] {strides = array<i32>} : memref<128x128xf32, #tpu.memory_space<vmem>>, vector<16xf32>,
        tpu.vector_store %arg11[%swap3A_194, %swap3A_195], %mul3A_193 {strides = array<i32>} : memref<128x128xf32, #tpu.memory_space<vmem>>, vector<16xf32>,
        %get3A_197 = arith.index_cast %add3A_148 : i32 to index
        %get3A_198 = arith.constant 112 : index
        %get3A_199 = tpu.vector_load %arg11[%get3A_197, %get3A_198] {strides = array<i32>} : memref<128x128xf32, #tpu.memory_space<vmem>>, vector<16xf32>,
        %mul3A_200 = arith.mulf %get3A_199, %gather3A : vector<16xf32>
        %swap3A_201 = arith.index_cast %add3A_148 : i32 to index
        %swap3A_202 = arith.constant 112 : index
        %swap3A_203 = tpu.vector_load %arg11[%swap3A_201, %swap3A_202] {strides = array<i32>} : memref<128x128xf32, #tpu.memory_space<vmem>>, vector<16xf32>,
        tpu.vector_store %arg11[%swap3A_201, %swap3A_202], %mul3A_200 {strides = array<i32>} : memref<128x128xf32, #tpu.memory_space<vmem>>, vector<16xf32>,
        %mul3A_204 = arith.constant 2 : i32
        %mul3A_205 = arith.muli %scan3A_144, %mul3A_204 : i32
        %add3A_206 = arith.constant 1 : i32
        %add3A_207 = arith.addi %mul3A_205, %add3A_206 : i32
        %broadcast_in_dim3A_208 = vector.broadcast %add3A_207 : i32 to vector<16xi32>
        %gather3A_209 = tpu.vector_load_idx %arg13[%broadcast_in_dim3A_208] : memref<128xf32, #tpu.memory_space<vmem>>[vector<16xi32>], vector<16xf32>,
        %get3A_210 = arith.index_cast %add3A_207 : i32 to index
        %get3A_211 = arith.constant 0 : index
        %get3A_212 = tpu.vector_load %arg11[%get3A_210, %get3A_211] {strides = array<i32>} : memref<128x128xf32, #tpu.memory_space<vmem>>, vector<16xf32>,
        %mul3A_213 = arith.mulf %get3A_212, %gather3A_209 : vector<16xf32>
        %swap3A_214 = arith.index_cast %add3A_207 : i32 to index
        %swap3A_215 = arith.constant 0 : index
        %swap3A_216 = tpu.vector_load %arg11[%swap3A_214, %swap3A_215] {strides = array<i32>} : memref<128x128xf32, #tpu.memory_space<vmem>>, vector<16xf32>,
        tpu.vector_store %arg11[%swap3A_214, %swap3A_215], %mul3A_213 {strides = array<i32>} : memref<128x128xf32, #tpu.memory_space<vmem>>, vector<16xf32>,
        %get3A_217 = arith.index_cast %add3A_207 : i32 to index
        %get3A_218 = arith.constant 16 : index
        %get3A_219 = tpu.vector_load %arg11[%get3A_217, %get3A_218] {strides = array<i32>} : memref<128x128xf32, #tpu.memory_space<vmem>>, vector<16xf32>,
        %mul3A_220 = arith.mulf %get3A_219, %gather3A_209 : vector<16xf32>
        %swap3A_221 = arith.index_cast %add3A_207 : i32 to index
        %swap3A_222 = arith.constant 16 : index
        %swap3A_223 = tpu.vector_load %arg11[%swap3A_221, %swap3A_222] {strides = array<i32>} : memref<128x128xf32, #tpu.memory_space<vmem>>, vector<16xf32>,
        tpu.vector_store %arg11[%swap3A_221, %swap3A_222], %mul3A_220 {strides = array<i32>} : memref<128x128xf32, #tpu.memory_space<vmem>>, vector<16xf32>,
        %get3A_224 = arith.index_cast %add3A_207 : i32 to index
        %get3A_225 = arith.constant 32 : index
        %get3A_226 = tpu.vector_load %arg11[%get3A_224, %get3A_225] {strides = array<i32>} : memref<128x128xf32, #tpu.memory_space<vmem>>, vector<16xf32>,
        %mul3A_227 = arith.mulf %get3A_226, %gather3A_209 : vector<16xf32>
        %swap3A_228 = arith.index_cast %add3A_207 : i32 to index
        %swap3A_229 = arith.constant 32 : index
        %swap3A_230 = tpu.vector_load %arg11[%swap3A_228, %swap3A_229] {strides = array<i32>} : memref<128x128xf32, #tpu.memory_space<vmem>>, vector<16xf32>,
        tpu.vector_store %arg11[%swap3A_228, %swap3A_229], %mul3A_227 {strides = array<i32>} : memref<128x128xf32, #tpu.memory_space<vmem>>, vector<16xf32>,
        %get3A_231 = arith.index_cast %add3A_207 : i32 to index
        %get3A_232 = arith.constant 48 : index
        %get3A_233 = tpu.vector_load %arg11[%get3A_231, %get3A_232] {strides = array<i32>} : memref<128x128xf32, #tpu.memory_space<vmem>>, vector<16xf32>,
        %mul3A_234 = arith.mulf %get3A_233, %gather3A_209 : vector<16xf32>
        %swap3A_235 = arith.index_cast %add3A_207 : i32 to index
        %swap3A_236 = arith.constant 48 : index
        %swap3A_237 = tpu.vector_load %arg11[%swap3A_235, %swap3A_236] {strides = array<i32>} : memref<128x128xf32, #tpu.memory_space<vmem>>, vector<16xf32>,
        tpu.vector_store %arg11[%swap3A_235, %swap3A_236], %mul3A_234 {strides = array<i32>} : memref<128x128xf32, #tpu.memory_space<vmem>>, vector<16xf32>,
        %get3A_238 = arith.index_cast %add3A_207 : i32 to index
        %get3A_239 = arith.constant 64 : index
        %get3A_240 = tpu.vector_load %arg11[%get3A_238, %get3A_239] {strides = array<i32>} : memref<128x128xf32, #tpu.memory_space<vmem>>, vector<16xf32>,
        %mul3A_241 = arith.mulf %get3A_240, %gather3A_209 : vector<16xf32>
        %swap3A_242 = arith.index_cast %add3A_207 : i32 to index
        %swap3A_243 = arith.constant 64 : index
        %swap3A_244 = tpu.vector_load %arg11[%swap3A_242, %swap3A_243] {strides = array<i32>} : memref<128x128xf32, #tpu.memory_space<vmem>>, vector<16xf32>,
        tpu.vector_store %arg11[%swap3A_242, %swap3A_243], %mul3A_241 {strides = array<i32>} : memref<128x128xf32, #tpu.memory_space<vmem>>, vector<16xf32>,
        %get3A_245 = arith.index_cast %add3A_207 : i32 to index
        %get3A_246 = arith.constant 80 : index
        %get3A_247 = tpu.vector_load %arg11[%get3A_245, %get3A_246] {strides = array<i32>} : memref<128x128xf32, #tpu.memory_space<vmem>>, vector<16xf32>,
        %mul3A_248 = arith.mulf %get3A_247, %gather3A_209 : vector<16xf32>
        %swap3A_249 = arith.index_cast %add3A_207 : i32 to index
        %swap3A_250 = arith.constant 80 : index
        %swap3A_251 = tpu.vector_load %arg11[%swap3A_249, %swap3A_250] {strides = array<i32>} : memref<128x128xf32, #tpu.memory_space<vmem>>, vector<16xf32>,
        tpu.vector_store %arg11[%swap3A_249, %swap3A_250], %mul3A_248 {strides = array<i32>} : memref<128x128xf32, #tpu.memory_space<vmem>>, vector<16xf32>,
        %get3A_252 = arith.index_cast %add3A_207 : i32 to index
        %get3A_253 = arith.constant 96 : index
        %get3A_254 = tpu.vector_load %arg11[%get3A_252, %get3A_253] {strides = array<i32>} : memref<128x128xf32, #tpu.memory_space<vmem>>, vector<16xf32>,
        %mul3A_255 = arith.mulf %get3A_254, %gather3A_209 : vector<16xf32>
        %swap3A_256 = arith.index_cast %add3A_207 : i32 to index
        %swap3A_257 = arith.constant 96 : index
        %swap3A_258 = tpu.vector_load %arg11[%swap3A_256, %swap3A_257] {strides = array<i32>} : memref<128x128xf32, #tpu.memory_space<vmem>>, vector<16xf32>,
        tpu.vector_store %arg11[%swap3A_256, %swap3A_257], %mul3A_255 {strides = array<i32>} : memref<128x128xf32, #tpu.memory_space<vmem>>, vector<16xf32>,
        %get3A_259 = arith.index_cast %add3A_207 : i32 to index
        %get3A_260 = arith.constant 112 : index
        %get3A_261 = tpu.vector_load %arg11[%get3A_259, %get3A_260] {strides = array<i32>} : memref<128x128xf32, #tpu.memory_space<vmem>>, vector<16xf32>,
        %mul3A_262 = arith.mulf %get3A_261, %gather3A_209 : vector<16xf32>
        %swap3A_263 = arith.index_cast %add3A_207 : i32 to index
        %swap3A_264 = arith.constant 112 : index
        %swap3A_265 = tpu.vector_load %arg11[%swap3A_263, %swap3A_264] {strides = array<i32>} : memref<128x128xf32, #tpu.memory_space<vmem>>, vector<16xf32>,
        tpu.vector_store %arg11[%swap3A_263, %swap3A_264], %mul3A_262 {strides = array<i32>} : memref<128x128xf32, #tpu.memory_space<vmem>>, vector<16xf32>,
      }
      %scan3A_143 = arith.constant 64 : i32
      "tpu.region"() ({
        %run_scoped3A = tpu.sem_alloc : memref<!tpu.dma_semaphore, #tpu.memory_space<semaphore_mem>>
        %dma_start3A_144 = arith.constant 0 : i32
        %dma_start3A_145 = tpu.memref_slice %arg9[%add3A_88, %dma_start3A_144] : memref<40x128xi32, #tpu.memory_space<vmem>> -> memref<1x128xi32, #tpu.memory_space<vmem>>
        %dma_start3A_146 = tpu.memref_squeeze %dma_start3A_145 : memref<1x128xi32, #tpu.memory_space<vmem>> -> memref<128xi32, #tpu.memory_space<vmem>>
        %dma_start3A_147 = arith.constant 0 : i32
        %dma_start3A_148 = arith.constant 0 : i32
        %dma_start3A_149 = tpu.memref_slice %arg7[%dma_start3A_147, %dma_start3A_148] : memref<10240x128xf32, #tpu.memory_space<vmem_shared>> -> memref<10240x128xf32, #tpu.memory_space<vmem_shared>>
        tpu.enqueue_indirect_dma source(%arg11 : memref<128x128xf32, #tpu.memory_space<vmem>>) target(%dma_start3A_149 : memref<10240x128xf32, #tpu.memory_space<vmem_shared>>) offsets(%dma_start3A_146 : memref<128xi32, #tpu.memory_space<vmem>>) semaphore(%run_scoped3A : memref<!tpu.dma_semaphore, #tpu.memory_space<semaphore_mem>>) {add = true}
        %dma_wait3A_150 = arith.constant 0 : i32
        %dma_wait3A_151 = tpu.memref_slice %arg9[%add3A_88, %dma_wait3A_150] : memref<40x128xi32, #tpu.memory_space<vmem>> -> memref<1x128xi32, #tpu.memory_space<vmem>>
        %dma_wait3A_152 = tpu.memref_squeeze %dma_wait3A_151 : memref<1x128xi32, #tpu.memory_space<vmem>> -> memref<128xi32, #tpu.memory_space<vmem>>
        %dma_wait3A_153 = arith.constant 0 : i32
        %dma_wait3A_154 = arith.constant 0 : i32
        %dma_wait3A_155 = tpu.memref_slice %arg7[%dma_wait3A_153, %dma_wait3A_154] : memref<10240x128xf32, #tpu.memory_space<vmem_shared>> -> memref<10240x128xf32, #tpu.memory_space<vmem_shared>>
        tpu.wait_indirect_dma semaphore(%run_scoped3A : memref<!tpu.dma_semaphore, #tpu.memory_space<semaphore_mem>>) src(%arg11 : memref<128x128xf32, #tpu.memory_space<vmem>>) dst(%dma_wait3A_155 : memref<10240x128xf32, #tpu.memory_space<vmem_shared>>)
        tpu.yield
      }) : () -> ()
    }
    %scan3A_47 = arith.constant 20 : i32
    %mul3A_48 = arith.constant 80 : i32
    %mul3A_49 = arith.muli %arg1, %mul3A_48 : i32
    %add3A_50 = arith.constant 40 : i32
    %add3A_51 = arith.addi %mul3A_49, %add3A_50 : i32
    "tpu.region"() ({
      %run_scoped3A = tpu.sem_alloc : memref<!tpu.dma_semaphore, #tpu.memory_space<semaphore_mem>>
      %dma_start3A_84 = arith.constant 0 : i32
      %dma_start3A_85 = tpu.memref_slice %arg3[%add3A_51, %dma_start3A_84] : memref<1280x128xi32, #tpu.memory_space<hbm>> -> memref<40x128xi32, #tpu.memory_space<hbm>>
      %dma_start3A_86 = arith.constant 0 : i32
      %dma_start3A_87 = tpu.memref_slice %arg3[%add3A_51, %dma_start3A_86] : memref<1280x128xi32, #tpu.memory_space<hbm>> -> memref<40x128xi32, #tpu.memory_space<hbm>>
      tpu.enqueue_dma source(%dma_start3A_87 : memref<40x128xi32, #tpu.memory_space<hbm>>) target(%arg8 : memref<40x128xi32, #tpu.memory_space<vmem>>) target_semaphore(%run_scoped3A : memref<!tpu.dma_semaphore, #tpu.memory_space<semaphore_mem>>)
      %dma_wait3A = arith.constant 0 : i32
      %dma_wait3A_88 = tpu.memref_slice %arg3[%add3A_51, %dma_wait3A] : memref<1280x128xi32, #tpu.memory_space<hbm>> -> memref<40x128xi32, #tpu.memory_space<hbm>>
      %dma_wait3A_89 = arith.constant 0 : i32
      %dma_wait3A_90 = tpu.memref_slice %arg3[%add3A_51, %dma_wait3A_89] : memref<1280x128xi32, #tpu.memory_space<hbm>> -> memref<40x128xi32, #tpu.memory_space<hbm>>
      tpu.wait_dma2 semaphore(%run_scoped3A : memref<!tpu.dma_semaphore, #tpu.memory_space<semaphore_mem>>) src(%dma_wait3A_90 : memref<40x128xi32, #tpu.memory_space<hbm>>) dst(%arg8 : memref<40x128xi32, #tpu.memory_space<vmem>>)
      tpu.yield
    }) : () -> ()
    "tpu.region"() ({
      %run_scoped3A = tpu.sem_alloc : memref<!tpu.dma_semaphore, #tpu.memory_space<semaphore_mem>>
      %dma_start3A_84 = arith.constant 0 : i32
      %dma_start3A_85 = tpu.memref_slice %arg4[%add3A_51, %dma_start3A_84] : memref<1280x128xi32, #tpu.memory_space<hbm>> -> memref<40x128xi32, #tpu.memory_space<hbm>>
      %dma_start3A_86 = arith.constant 0 : i32
      %dma_start3A_87 = tpu.memref_slice %arg4[%add3A_51, %dma_start3A_86] : memref<1280x128xi32, #tpu.memory_space<hbm>> -> memref<40x128xi32, #tpu.memory_space<hbm>>
      tpu.enqueue_dma source(%dma_start3A_87 : memref<40x128xi32, #tpu.memory_space<hbm>>) target(%arg9 : memref<40x128xi32, #tpu.memory_space<vmem>>) target_semaphore(%run_scoped3A : memref<!tpu.dma_semaphore, #tpu.memory_space<semaphore_mem>>)
      %dma_wait3A = arith.constant 0 : i32
      %dma_wait3A_88 = tpu.memref_slice %arg4[%add3A_51, %dma_wait3A] : memref<1280x128xi32, #tpu.memory_space<hbm>> -> memref<40x128xi32, #tpu.memory_space<hbm>>
      %dma_wait3A_89 = arith.constant 0 : i32
      %dma_wait3A_90 = tpu.memref_slice %arg4[%add3A_51, %dma_wait3A_89] : memref<1280x128xi32, #tpu.memory_space<hbm>> -> memref<40x128xi32, #tpu.memory_space<hbm>>
      tpu.wait_dma2 semaphore(%run_scoped3A : memref<!tpu.dma_semaphore, #tpu.memory_space<semaphore_mem>>) src(%dma_wait3A_90 : memref<40x128xi32, #tpu.memory_space<hbm>>) dst(%arg9 : memref<40x128xi32, #tpu.memory_space<vmem>>)
      tpu.yield
    }) : () -> ()
    %eq3A_52 = arith.constant 1 : i32
    %eq3A_53 = arith.cmpi eq, %arg0, %eq3A_52 : i32
    %convert_element_type3A_54 = arith.extui %eq3A_53 : i1 to i32
    %cond3A_55 = arith.constant 0 : i32
    %cond3A_56 = arith.cmpi ne, %convert_element_type3A_54, %cond3A_55 : i32
    scf.if %cond3A_56 {
      %scan3A_84 = arith.constant 0 : i32
      %scan3A_85 = arith.constant 0 : i32
      %scan3A_86 = arith.constant 40 : i32
      %scan3A_87 = arith.addi %scan3A_85, %scan3A_86 : i32
      %scan3A_88 = arith.constant 1 : i32
      scf.for %scan3A_90 = %scan3A_85 to %scan3A_87 step %scan3A_88  : i32 {
        %get3A = arith.index_cast %scan3A_90 : i32 to index
        %get3A_91 = arith.constant 0 : index
        %get3A_92 = tpu.vector_load %arg8[%get3A, %get3A_91] {strides = array<i32>} : memref<40x128xi32, #tpu.memory_space<vmem>>, vector<16xi32>,
        %broadcast_in_dim3A_93 = arith.constant 10240 : i32
        %broadcast_in_dim3A_94 = vector.broadcast %broadcast_in_dim3A_93 : i32 to vector<16xi32>
        %add3A_95 = arith.addi %get3A_92, %broadcast_in_dim3A_94 : vector<16xi32>
        %swap3A = arith.index_cast %scan3A_90 : i32 to index
        %swap3A_96 = arith.constant 0 : index
        %swap3A_97 = tpu.vector_load %arg8[%swap3A, %swap3A_96] {strides = array<i32>} : memref<40x128xi32, #tpu.memory_space<vmem>>, vector<16xi32>,
        tpu.vector_store %arg8[%swap3A, %swap3A_96], %add3A_95 {strides = array<i32>} : memref<40x128xi32, #tpu.memory_space<vmem>>, vector<16xi32>,
        %get3A_98 = arith.index_cast %scan3A_90 : i32 to index
        %get3A_99 = arith.constant 16 : index
        %get3A_100 = tpu.vector_load %arg8[%get3A_98, %get3A_99] {strides = array<i32>} : memref<40x128xi32, #tpu.memory_space<vmem>>, vector<16xi32>,
        %broadcast_in_dim3A_101 = arith.constant 10240 : i32
        %broadcast_in_dim3A_102 = vector.broadcast %broadcast_in_dim3A_101 : i32 to vector<16xi32>
        %add3A_103 = arith.addi %get3A_100, %broadcast_in_dim3A_102 : vector<16xi32>
        %swap3A_104 = arith.index_cast %scan3A_90 : i32 to index
        %swap3A_105 = arith.constant 16 : index
        %swap3A_106 = tpu.vector_load %arg8[%swap3A_104, %swap3A_105] {strides = array<i32>} : memref<40x128xi32, #tpu.memory_space<vmem>>, vector<16xi32>,
        tpu.vector_store %arg8[%swap3A_104, %swap3A_105], %add3A_103 {strides = array<i32>} : memref<40x128xi32, #tpu.memory_space<vmem>>, vector<16xi32>,
        %get3A_107 = arith.index_cast %scan3A_90 : i32 to index
        %get3A_108 = arith.constant 32 : index
        %get3A_109 = tpu.vector_load %arg8[%get3A_107, %get3A_108] {strides = array<i32>} : memref<40x128xi32, #tpu.memory_space<vmem>>, vector<16xi32>,
        %broadcast_in_dim3A_110 = arith.constant 10240 : i32
        %broadcast_in_dim3A_111 = vector.broadcast %broadcast_in_dim3A_110 : i32 to vector<16xi32>
        %add3A_112 = arith.addi %get3A_109, %broadcast_in_dim3A_111 : vector<16xi32>
        %swap3A_113 = arith.index_cast %scan3A_90 : i32 to index
        %swap3A_114 = arith.constant 32 : index
        %swap3A_115 = tpu.vector_load %arg8[%swap3A_113, %swap3A_114] {strides = array<i32>} : memref<40x128xi32, #tpu.memory_space<vmem>>, vector<16xi32>,
        tpu.vector_store %arg8[%swap3A_113, %swap3A_114], %add3A_112 {strides = array<i32>} : memref<40x128xi32, #tpu.memory_space<vmem>>, vector<16xi32>,
        %get3A_116 = arith.index_cast %scan3A_90 : i32 to index
        %get3A_117 = arith.constant 48 : index
        %get3A_118 = tpu.vector_load %arg8[%get3A_116, %get3A_117] {strides = array<i32>} : memref<40x128xi32, #tpu.memory_space<vmem>>, vector<16xi32>,
        %broadcast_in_dim3A_119 = arith.constant 10240 : i32
        %broadcast_in_dim3A_120 = vector.broadcast %broadcast_in_dim3A_119 : i32 to vector<16xi32>
        %add3A_121 = arith.addi %get3A_118, %broadcast_in_dim3A_120 : vector<16xi32>
        %swap3A_122 = arith.index_cast %scan3A_90 : i32 to index
        %swap3A_123 = arith.constant 48 : index
        %swap3A_124 = tpu.vector_load %arg8[%swap3A_122, %swap3A_123] {strides = array<i32>} : memref<40x128xi32, #tpu.memory_space<vmem>>, vector<16xi32>,
        tpu.vector_store %arg8[%swap3A_122, %swap3A_123], %add3A_121 {strides = array<i32>} : memref<40x128xi32, #tpu.memory_space<vmem>>, vector<16xi32>,
        %get3A_125 = arith.index_cast %scan3A_90 : i32 to index
        %get3A_126 = arith.constant 64 : index
        %get3A_127 = tpu.vector_load %arg8[%get3A_125, %get3A_126] {strides = array<i32>} : memref<40x128xi32, #tpu.memory_space<vmem>>, vector<16xi32>,
        %broadcast_in_dim3A_128 = arith.constant 10240 : i32
        %broadcast_in_dim3A_129 = vector.broadcast %broadcast_in_dim3A_128 : i32 to vector<16xi32>
        %add3A_130 = arith.addi %get3A_127, %broadcast_in_dim3A_129 : vector<16xi32>
        %swap3A_131 = arith.index_cast %scan3A_90 : i32 to index
        %swap3A_132 = arith.constant 64 : index
        %swap3A_133 = tpu.vector_load %arg8[%swap3A_131, %swap3A_132] {strides = array<i32>} : memref<40x128xi32, #tpu.memory_space<vmem>>, vector<16xi32>,
        tpu.vector_store %arg8[%swap3A_131, %swap3A_132], %add3A_130 {strides = array<i32>} : memref<40x128xi32, #tpu.memory_space<vmem>>, vector<16xi32>,
        %get3A_134 = arith.index_cast %scan3A_90 : i32 to index
        %get3A_135 = arith.constant 80 : index
        %get3A_136 = tpu.vector_load %arg8[%get3A_134, %get3A_135] {strides = array<i32>} : memref<40x128xi32, #tpu.memory_space<vmem>>, vector<16xi32>,
        %broadcast_in_dim3A_137 = arith.constant 10240 : i32
        %broadcast_in_dim3A_138 = vector.broadcast %broadcast_in_dim3A_137 : i32 to vector<16xi32>
        %add3A_139 = arith.addi %get3A_136, %broadcast_in_dim3A_138 : vector<16xi32>
        %swap3A_140 = arith.index_cast %scan3A_90 : i32 to index
        %swap3A_141 = arith.constant 80 : index
        %swap3A_142 = tpu.vector_load %arg8[%swap3A_140, %swap3A_141] {strides = array<i32>} : memref<40x128xi32, #tpu.memory_space<vmem>>, vector<16xi32>,
        tpu.vector_store %arg8[%swap3A_140, %swap3A_141], %add3A_139 {strides = array<i32>} : memref<40x128xi32, #tpu.memory_space<vmem>>, vector<16xi32>,
        %get3A_143 = arith.index_cast %scan3A_90 : i32 to index
        %get3A_144 = arith.constant 96 : index
        %get3A_145 = tpu.vector_load %arg8[%get3A_143, %get3A_144] {strides = array<i32>} : memref<40x128xi32, #tpu.memory_space<vmem>>, vector<16xi32>,
        %broadcast_in_dim3A_146 = arith.constant 10240 : i32
        %broadcast_in_dim3A_147 = vector.broadcast %broadcast_in_dim3A_146 : i32 to vector<16xi32>
        %add3A_148 = arith.addi %get3A_145, %broadcast_in_dim3A_147 : vector<16xi32>
        %swap3A_149 = arith.index_cast %scan3A_90 : i32 to index
        %swap3A_150 = arith.constant 96 : index
        %swap3A_151 = tpu.vector_load %arg8[%swap3A_149, %swap3A_150] {strides = array<i32>} : memref<40x128xi32, #tpu.memory_space<vmem>>, vector<16xi32>,
        tpu.vector_store %arg8[%swap3A_149, %swap3A_150], %add3A_148 {strides = array<i32>} : memref<40x128xi32, #tpu.memory_space<vmem>>, vector<16xi32>,
        %get3A_152 = arith.index_cast %scan3A_90 : i32 to index
        %get3A_153 = arith.constant 112 : index
        %get3A_154 = tpu.vector_load %arg8[%get3A_152, %get3A_153] {strides = array<i32>} : memref<40x128xi32, #tpu.memory_space<vmem>>, vector<16xi32>,
        %broadcast_in_dim3A_155 = arith.constant 10240 : i32
        %broadcast_in_dim3A_156 = vector.broadcast %broadcast_in_dim3A_155 : i32 to vector<16xi32>
        %add3A_157 = arith.addi %get3A_154, %broadcast_in_dim3A_156 : vector<16xi32>
        %swap3A_158 = arith.index_cast %scan3A_90 : i32 to index
        %swap3A_159 = arith.constant 112 : index
        %swap3A_160 = tpu.vector_load %arg8[%swap3A_158, %swap3A_159] {strides = array<i32>} : memref<40x128xi32, #tpu.memory_space<vmem>>, vector<16xi32>,
        tpu.vector_store %arg8[%swap3A_158, %swap3A_159], %add3A_157 {strides = array<i32>} : memref<40x128xi32, #tpu.memory_space<vmem>>, vector<16xi32>,
      }
      %scan3A_89 = arith.constant 40 : i32
    } else {
    }
    %dma_start3A_57 = arith.constant 0 : i32
    %dma_start3A_58 = arith.constant 0 : i32
    %dma_start3A_59 = tpu.memref_slice %arg8[%dma_start3A_57, %dma_start3A_58] : memref<40x128xi32, #tpu.memory_space<vmem>> -> memref<1x128xi32, #tpu.memory_space<vmem>>
    %dma_start3A_60 = tpu.memref_squeeze %dma_start3A_59 : memref<1x128xi32, #tpu.memory_space<vmem>> -> memref<128xi32, #tpu.memory_space<vmem>>
    %dma_start3A_61 = arith.constant 0 : i32
    %dma_start3A_62 = arith.constant 0 : i32
    %dma_start3A_63 = tpu.memref_slice %arg2[%dma_start3A_61, %dma_start3A_62] : memref<20480x128xf32, #tpu.memory_space<hbm>> -> memref<20480x128xf32, #tpu.memory_space<hbm>>
    tpu.enqueue_indirect_dma source(%dma_start3A_63 : memref<20480x128xf32, #tpu.memory_space<hbm>>) target(%arg10 : memref<128x128xf32, #tpu.memory_space<vmem>>) offsets(%dma_start3A_60 : memref<128xi32, #tpu.memory_space<vmem>>) semaphore(%arg14 : memref<!tpu.dma_semaphore, #tpu.memory_space<semaphore_mem>>)
    %dma_start3A_64 = arith.constant 0 : i32
    %dma_start3A_65 = tpu.memref_slice %arg5[%add3A_51, %dma_start3A_64] : memref<1280x128xf32, #tpu.memory_space<hbm>> -> memref<1x128xf32, #tpu.memory_space<hbm>>
    %dma_start3A_66 = tpu.memref_squeeze %dma_start3A_65 : memref<1x128xf32, #tpu.memory_space<hbm>> -> memref<128xf32, #tpu.memory_space<hbm>>
    %dma_start3A_67 = arith.constant 0 : i32
    %dma_start3A_68 = tpu.memref_slice %arg5[%add3A_51, %dma_start3A_67] : memref<1280x128xf32, #tpu.memory_space<hbm>> -> memref<1x128xf32, #tpu.memory_space<hbm>>
    %dma_start3A_69 = tpu.memref_squeeze %dma_start3A_68 : memref<1x128xf32, #tpu.memory_space<hbm>> -> memref<128xf32, #tpu.memory_space<hbm>>
    tpu.enqueue_dma source(%dma_start3A_69 : memref<128xf32, #tpu.memory_space<hbm>>) target(%arg12 : memref<128xf32, #tpu.memory_space<vmem>>) target_semaphore(%arg16 : memref<!tpu.dma_semaphore, #tpu.memory_space<semaphore_mem>>)
    %scan3A_70 = arith.constant 0 : i32
    %scan3A_71 = arith.constant 0 : i32
    %scan3A_72 = arith.constant 20 : i32
    %scan3A_73 = arith.addi %scan3A_71, %scan3A_72 : i32
    %scan3A_74 = arith.constant 1 : i32
    scf.for %scan3A_84 = %scan3A_71 to %scan3A_73 step %scan3A_74  : i32 {
      %mul3A_85 = arith.constant 2 : i32
      %mul3A_86 = arith.muli %scan3A_84, %mul3A_85 : i32
      %add3A_87 = arith.constant 1 : i32
      %add3A_88 = arith.addi %mul3A_86, %add3A_87 : i32
      %dma_start3A_89 = arith.constant 0 : i32
      %dma_start3A_90 = tpu.memref_slice %arg8[%add3A_88, %dma_start3A_89] : memref<40x128xi32, #tpu.memory_space<vmem>> -> memref<1x128xi32, #tpu.memory_space<vmem>>
      %dma_start3A_91 = tpu.memref_squeeze %dma_start3A_90 : memref<1x128xi32, #tpu.memory_space<vmem>> -> memref<128xi32, #tpu.memory_space<vmem>>
      %dma_start3A_92 = arith.constant 0 : i32
      %dma_start3A_93 = arith.constant 0 : i32
      %dma_start3A_94 = tpu.memref_slice %arg2[%dma_start3A_92, %dma_start3A_93] : memref<20480x128xf32, #tpu.memory_space<hbm>> -> memref<20480x128xf32, #tpu.memory_space<hbm>>
      tpu.enqueue_indirect_dma source(%dma_start3A_94 : memref<20480x128xf32, #tpu.memory_space<hbm>>) target(%arg11 : memref<128x128xf32, #tpu.memory_space<vmem>>) offsets(%dma_start3A_91 : memref<128xi32, #tpu.memory_space<vmem>>) semaphore(%arg15 : memref<!tpu.dma_semaphore, #tpu.memory_space<semaphore_mem>>)
      %add3A_95 = arith.addi %add3A_51, %add3A_88 : i32
      %dma_start3A_96 = arith.constant 0 : i32
      %dma_start3A_97 = tpu.memref_slice %arg5[%add3A_95, %dma_start3A_96] : memref<1280x128xf32, #tpu.memory_space<hbm>> -> memref<1x128xf32, #tpu.memory_space<hbm>>
      %dma_start3A_98 = tpu.memref_squeeze %dma_start3A_97 : memref<1x128xf32, #tpu.memory_space<hbm>> -> memref<128xf32, #tpu.memory_space<hbm>>
      %dma_start3A_99 = arith.constant 0 : i32
      %dma_start3A_100 = tpu.memref_slice %arg5[%add3A_95, %dma_start3A_99] : memref<1280x128xf32, #tpu.memory_space<hbm>> -> memref<1x128xf32, #tpu.memory_space<hbm>>
      %dma_start3A_101 = tpu.memref_squeeze %dma_start3A_100 : memref<1x128xf32, #tpu.memory_space<hbm>> -> memref<128xf32, #tpu.memory_space<hbm>>
      tpu.enqueue_dma source(%dma_start3A_101 : memref<128xf32, #tpu.memory_space<hbm>>) target(%arg13 : memref<128xf32, #tpu.memory_space<vmem>>) target_semaphore(%arg17 : memref<!tpu.dma_semaphore, #tpu.memory_space<semaphore_mem>>)
      %dma_wait3A = arith.constant 0 : i32
      %dma_wait3A_102 = tpu.memref_slice %arg8[%mul3A_86, %dma_wait3A] : memref<40x128xi32, #tpu.memory_space<vmem>> -> memref<1x128xi32, #tpu.memory_space<vmem>>
      %dma_wait3A_103 = tpu.memref_squeeze %dma_wait3A_102 : memref<1x128xi32, #tpu.memory_space<vmem>> -> memref<128xi32, #tpu.memory_space<vmem>>
      %dma_wait3A_104 = arith.constant 0 : i32
      %dma_wait3A_105 = arith.constant 0 : i32
      %dma_wait3A_106 = tpu.memref_slice %arg2[%dma_wait3A_104, %dma_wait3A_105] : memref<20480x128xf32, #tpu.memory_space<hbm>> -> memref<20480x128xf32, #tpu.memory_space<hbm>>
      tpu.wait_indirect_dma semaphore(%arg14 : memref<!tpu.dma_semaphore, #tpu.memory_space<semaphore_mem>>) src(%dma_wait3A_106 : memref<20480x128xf32, #tpu.memory_space<hbm>>) dst(%arg10 : memref<128x128xf32, #tpu.memory_space<vmem>>)
      %dma_wait3A_107 = arith.constant 0 : i32
      %dma_wait3A_108 = tpu.memref_slice %arg5[%add3A_51, %dma_wait3A_107] : memref<1280x128xf32, #tpu.memory_space<hbm>> -> memref<1x128xf32, #tpu.memory_space<hbm>>
      %dma_wait3A_109 = tpu.memref_squeeze %dma_wait3A_108 : memref<1x128xf32, #tpu.memory_space<hbm>> -> memref<128xf32, #tpu.memory_space<hbm>>
      %dma_wait3A_110 = arith.constant 0 : i32
      %dma_wait3A_111 = tpu.memref_slice %arg5[%add3A_51, %dma_wait3A_110] : memref<1280x128xf32, #tpu.memory_space<hbm>> -> memref<1x128xf32, #tpu.memory_space<hbm>>
      %dma_wait3A_112 = tpu.memref_squeeze %dma_wait3A_111 : memref<1x128xf32, #tpu.memory_space<hbm>> -> memref<128xf32, #tpu.memory_space<hbm>>
      tpu.wait_dma2 semaphore(%arg16 : memref<!tpu.dma_semaphore, #tpu.memory_space<semaphore_mem>>) src(%dma_wait3A_112 : memref<128xf32, #tpu.memory_space<hbm>>) dst(%arg12 : memref<128xf32, #tpu.memory_space<vmem>>)
      %scan3A_113 = arith.constant 0 : i32
      %scan3A_114 = arith.constant 0 : i32
      %scan3A_115 = arith.constant 64 : i32
      %scan3A_116 = arith.addi %scan3A_114, %scan3A_115 : i32
      %scan3A_117 = arith.constant 1 : i32
      scf.for %scan3A_144 = %scan3A_114 to %scan3A_116 step %scan3A_117  : i32 {
        %mul3A_145 = arith.constant 2 : i32
        %mul3A_146 = arith.muli %scan3A_144, %mul3A_145 : i32
        %add3A_147 = arith.constant 0 : i32
        %add3A_148 = arith.addi %mul3A_146, %add3A_147 : i32
        %broadcast_in_dim3A_149 = vector.broadcast %add3A_148 : i32 to vector<16xi32>
        %gather3A = tpu.vector_load_idx %arg12[%broadcast_in_dim3A_149] : memref<128xf32, #tpu.memory_space<vmem>>[vector<16xi32>], vector<16xf32>,
        %get3A = arith.index_cast %add3A_148 : i32 to index
        %get3A_150 = arith.constant 0 : index
        %get3A_151 = tpu.vector_load %arg10[%get3A, %get3A_150] {strides = array<i32>} : memref<128x128xf32, #tpu.memory_space<vmem>>, vector<16xf32>,
        %mul3A_152 = arith.mulf %get3A_151, %gather3A : vector<16xf32>
        %swap3A = arith.index_cast %add3A_148 : i32 to index
        %swap3A_153 = arith.constant 0 : index
        %swap3A_154 = tpu.vector_load %arg10[%swap3A, %swap3A_153] {strides = array<i32>} : memref<128x128xf32, #tpu.memory_space<vmem>>, vector<16xf32>,
        tpu.vector_store %arg10[%swap3A, %swap3A_153], %mul3A_152 {strides = array<i32>} : memref<128x128xf32, #tpu.memory_space<vmem>>, vector<16xf32>,
        %get3A_155 = arith.index_cast %add3A_148 : i32 to index
        %get3A_156 = arith.constant 16 : index
        %get3A_157 = tpu.vector_load %arg10[%get3A_155, %get3A_156] {strides = array<i32>} : memref<128x128xf32, #tpu.memory_space<vmem>>, vector<16xf32>,
        %mul3A_158 = arith.mulf %get3A_157, %gather3A : vector<16xf32>
        %swap3A_159 = arith.index_cast %add3A_148 : i32 to index
        %swap3A_160 = arith.constant 16 : index
        %swap3A_161 = tpu.vector_load %arg10[%swap3A_159, %swap3A_160] {strides = array<i32>} : memref<128x128xf32, #tpu.memory_space<vmem>>, vector<16xf32>,
        tpu.vector_store %arg10[%swap3A_159, %swap3A_160], %mul3A_158 {strides = array<i32>} : memref<128x128xf32, #tpu.memory_space<vmem>>, vector<16xf32>,
        %get3A_162 = arith.index_cast %add3A_148 : i32 to index
        %get3A_163 = arith.constant 32 : index
        %get3A_164 = tpu.vector_load %arg10[%get3A_162, %get3A_163] {strides = array<i32>} : memref<128x128xf32, #tpu.memory_space<vmem>>, vector<16xf32>,
        %mul3A_165 = arith.mulf %get3A_164, %gather3A : vector<16xf32>
        %swap3A_166 = arith.index_cast %add3A_148 : i32 to index
        %swap3A_167 = arith.constant 32 : index
        %swap3A_168 = tpu.vector_load %arg10[%swap3A_166, %swap3A_167] {strides = array<i32>} : memref<128x128xf32, #tpu.memory_space<vmem>>, vector<16xf32>,
        tpu.vector_store %arg10[%swap3A_166, %swap3A_167], %mul3A_165 {strides = array<i32>} : memref<128x128xf32, #tpu.memory_space<vmem>>, vector<16xf32>,
        %get3A_169 = arith.index_cast %add3A_148 : i32 to index
        %get3A_170 = arith.constant 48 : index
        %get3A_171 = tpu.vector_load %arg10[%get3A_169, %get3A_170] {strides = array<i32>} : memref<128x128xf32, #tpu.memory_space<vmem>>, vector<16xf32>,
        %mul3A_172 = arith.mulf %get3A_171, %gather3A : vector<16xf32>
        %swap3A_173 = arith.index_cast %add3A_148 : i32 to index
        %swap3A_174 = arith.constant 48 : index
        %swap3A_175 = tpu.vector_load %arg10[%swap3A_173, %swap3A_174] {strides = array<i32>} : memref<128x128xf32, #tpu.memory_space<vmem>>, vector<16xf32>,
        tpu.vector_store %arg10[%swap3A_173, %swap3A_174], %mul3A_172 {strides = array<i32>} : memref<128x128xf32, #tpu.memory_space<vmem>>, vector<16xf32>,
        %get3A_176 = arith.index_cast %add3A_148 : i32 to index
        %get3A_177 = arith.constant 64 : index
        %get3A_178 = tpu.vector_load %arg10[%get3A_176, %get3A_177] {strides = array<i32>} : memref<128x128xf32, #tpu.memory_space<vmem>>, vector<16xf32>,
        %mul3A_179 = arith.mulf %get3A_178, %gather3A : vector<16xf32>
        %swap3A_180 = arith.index_cast %add3A_148 : i32 to index
        %swap3A_181 = arith.constant 64 : index
        %swap3A_182 = tpu.vector_load %arg10[%swap3A_180, %swap3A_181] {strides = array<i32>} : memref<128x128xf32, #tpu.memory_space<vmem>>, vector<16xf32>,
        tpu.vector_store %arg10[%swap3A_180, %swap3A_181], %mul3A_179 {strides = array<i32>} : memref<128x128xf32, #tpu.memory_space<vmem>>, vector<16xf32>,
        %get3A_183 = arith.index_cast %add3A_148 : i32 to index
        %get3A_184 = arith.constant 80 : index
        %get3A_185 = tpu.vector_load %arg10[%get3A_183, %get3A_184] {strides = array<i32>} : memref<128x128xf32, #tpu.memory_space<vmem>>, vector<16xf32>,
        %mul3A_186 = arith.mulf %get3A_185, %gather3A : vector<16xf32>
        %swap3A_187 = arith.index_cast %add3A_148 : i32 to index
        %swap3A_188 = arith.constant 80 : index
        %swap3A_189 = tpu.vector_load %arg10[%swap3A_187, %swap3A_188] {strides = array<i32>} : memref<128x128xf32, #tpu.memory_space<vmem>>, vector<16xf32>,
        tpu.vector_store %arg10[%swap3A_187, %swap3A_188], %mul3A_186 {strides = array<i32>} : memref<128x128xf32, #tpu.memory_space<vmem>>, vector<16xf32>,
        %get3A_190 = arith.index_cast %add3A_148 : i32 to index
        %get3A_191 = arith.constant 96 : index
        %get3A_192 = tpu.vector_load %arg10[%get3A_190, %get3A_191] {strides = array<i32>} : memref<128x128xf32, #tpu.memory_space<vmem>>, vector<16xf32>,
        %mul3A_193 = arith.mulf %get3A_192, %gather3A : vector<16xf32>
        %swap3A_194 = arith.index_cast %add3A_148 : i32 to index
        %swap3A_195 = arith.constant 96 : index
        %swap3A_196 = tpu.vector_load %arg10[%swap3A_194, %swap3A_195] {strides = array<i32>} : memref<128x128xf32, #tpu.memory_space<vmem>>, vector<16xf32>,
        tpu.vector_store %arg10[%swap3A_194, %swap3A_195], %mul3A_193 {strides = array<i32>} : memref<128x128xf32, #tpu.memory_space<vmem>>, vector<16xf32>,
        %get3A_197 = arith.index_cast %add3A_148 : i32 to index
        %get3A_198 = arith.constant 112 : index
        %get3A_199 = tpu.vector_load %arg10[%get3A_197, %get3A_198] {strides = array<i32>} : memref<128x128xf32, #tpu.memory_space<vmem>>, vector<16xf32>,
        %mul3A_200 = arith.mulf %get3A_199, %gather3A : vector<16xf32>
        %swap3A_201 = arith.index_cast %add3A_148 : i32 to index
        %swap3A_202 = arith.constant 112 : index
        %swap3A_203 = tpu.vector_load %arg10[%swap3A_201, %swap3A_202] {strides = array<i32>} : memref<128x128xf32, #tpu.memory_space<vmem>>, vector<16xf32>,
        tpu.vector_store %arg10[%swap3A_201, %swap3A_202], %mul3A_200 {strides = array<i32>} : memref<128x128xf32, #tpu.memory_space<vmem>>, vector<16xf32>,
        %mul3A_204 = arith.constant 2 : i32
        %mul3A_205 = arith.muli %scan3A_144, %mul3A_204 : i32
        %add3A_206 = arith.constant 1 : i32
        %add3A_207 = arith.addi %mul3A_205, %add3A_206 : i32
        %broadcast_in_dim3A_208 = vector.broadcast %add3A_207 : i32 to vector<16xi32>
        %gather3A_209 = tpu.vector_load_idx %arg12[%broadcast_in_dim3A_208] : memref<128xf32, #tpu.memory_space<vmem>>[vector<16xi32>], vector<16xf32>,
        %get3A_210 = arith.index_cast %add3A_207 : i32 to index
        %get3A_211 = arith.constant 0 : index
        %get3A_212 = tpu.vector_load %arg10[%get3A_210, %get3A_211] {strides = array<i32>} : memref<128x128xf32, #tpu.memory_space<vmem>>, vector<16xf32>,
        %mul3A_213 = arith.mulf %get3A_212, %gather3A_209 : vector<16xf32>
        %swap3A_214 = arith.index_cast %add3A_207 : i32 to index
        %swap3A_215 = arith.constant 0 : index
        %swap3A_216 = tpu.vector_load %arg10[%swap3A_214, %swap3A_215] {strides = array<i32>} : memref<128x128xf32, #tpu.memory_space<vmem>>, vector<16xf32>,
        tpu.vector_store %arg10[%swap3A_214, %swap3A_215], %mul3A_213 {strides = array<i32>} : memref<128x128xf32, #tpu.memory_space<vmem>>, vector<16xf32>,
        %get3A_217 = arith.index_cast %add3A_207 : i32 to index
        %get3A_218 = arith.constant 16 : index
        %get3A_219 = tpu.vector_load %arg10[%get3A_217, %get3A_218] {strides = array<i32>} : memref<128x128xf32, #tpu.memory_space<vmem>>, vector<16xf32>,
        %mul3A_220 = arith.mulf %get3A_219, %gather3A_209 : vector<16xf32>
        %swap3A_221 = arith.index_cast %add3A_207 : i32 to index
        %swap3A_222 = arith.constant 16 : index
        %swap3A_223 = tpu.vector_load %arg10[%swap3A_221, %swap3A_222] {strides = array<i32>} : memref<128x128xf32, #tpu.memory_space<vmem>>, vector<16xf32>,
        tpu.vector_store %arg10[%swap3A_221, %swap3A_222], %mul3A_220 {strides = array<i32>} : memref<128x128xf32, #tpu.memory_space<vmem>>, vector<16xf32>,
        %get3A_224 = arith.index_cast %add3A_207 : i32 to index
        %get3A_225 = arith.constant 32 : index
        %get3A_226 = tpu.vector_load %arg10[%get3A_224, %get3A_225] {strides = array<i32>} : memref<128x128xf32, #tpu.memory_space<vmem>>, vector<16xf32>,
        %mul3A_227 = arith.mulf %get3A_226, %gather3A_209 : vector<16xf32>
        %swap3A_228 = arith.index_cast %add3A_207 : i32 to index
        %swap3A_229 = arith.constant 32 : index
        %swap3A_230 = tpu.vector_load %arg10[%swap3A_228, %swap3A_229] {strides = array<i32>} : memref<128x128xf32, #tpu.memory_space<vmem>>, vector<16xf32>,
        tpu.vector_store %arg10[%swap3A_228, %swap3A_229], %mul3A_227 {strides = array<i32>} : memref<128x128xf32, #tpu.memory_space<vmem>>, vector<16xf32>,
        %get3A_231 = arith.index_cast %add3A_207 : i32 to index
        %get3A_232 = arith.constant 48 : index
        %get3A_233 = tpu.vector_load %arg10[%get3A_231, %get3A_232] {strides = array<i32>} : memref<128x128xf32, #tpu.memory_space<vmem>>, vector<16xf32>,
        %mul3A_234 = arith.mulf %get3A_233, %gather3A_209 : vector<16xf32>
        %swap3A_235 = arith.index_cast %add3A_207 : i32 to index
        %swap3A_236 = arith.constant 48 : index
        %swap3A_237 = tpu.vector_load %arg10[%swap3A_235, %swap3A_236] {strides = array<i32>} : memref<128x128xf32, #tpu.memory_space<vmem>>, vector<16xf32>,
        tpu.vector_store %arg10[%swap3A_235, %swap3A_236], %mul3A_234 {strides = array<i32>} : memref<128x128xf32, #tpu.memory_space<vmem>>, vector<16xf32>,
        %get3A_238 = arith.index_cast %add3A_207 : i32 to index
        %get3A_239 = arith.constant 64 : index
        %get3A_240 = tpu.vector_load %arg10[%get3A_238, %get3A_239] {strides = array<i32>} : memref<128x128xf32, #tpu.memory_space<vmem>>, vector<16xf32>,
        %mul3A_241 = arith.mulf %get3A_240, %gather3A_209 : vector<16xf32>
        %swap3A_242 = arith.index_cast %add3A_207 : i32 to index
        %swap3A_243 = arith.constant 64 : index
        %swap3A_244 = tpu.vector_load %arg10[%swap3A_242, %swap3A_243] {strides = array<i32>} : memref<128x128xf32, #tpu.memory_space<vmem>>, vector<16xf32>,
        tpu.vector_store %arg10[%swap3A_242, %swap3A_243], %mul3A_241 {strides = array<i32>} : memref<128x128xf32, #tpu.memory_space<vmem>>, vector<16xf32>,
        %get3A_245 = arith.index_cast %add3A_207 : i32 to index
        %get3A_246 = arith.constant 80 : index
        %get3A_247 = tpu.vector_load %arg10[%get3A_245, %get3A_246] {strides = array<i32>} : memref<128x128xf32, #tpu.memory_space<vmem>>, vector<16xf32>,
        %mul3A_248 = arith.mulf %get3A_247, %gather3A_209 : vector<16xf32>
        %swap3A_249 = arith.index_cast %add3A_207 : i32 to index
        %swap3A_250 = arith.constant 80 : index
        %swap3A_251 = tpu.vector_load %arg10[%swap3A_249, %swap3A_250] {strides = array<i32>} : memref<128x128xf32, #tpu.memory_space<vmem>>, vector<16xf32>,
        tpu.vector_store %arg10[%swap3A_249, %swap3A_250], %mul3A_248 {strides = array<i32>} : memref<128x128xf32, #tpu.memory_space<vmem>>, vector<16xf32>,
        %get3A_252 = arith.index_cast %add3A_207 : i32 to index
        %get3A_253 = arith.constant 96 : index
        %get3A_254 = tpu.vector_load %arg10[%get3A_252, %get3A_253] {strides = array<i32>} : memref<128x128xf32, #tpu.memory_space<vmem>>, vector<16xf32>,
        %mul3A_255 = arith.mulf %get3A_254, %gather3A_209 : vector<16xf32>
        %swap3A_256 = arith.index_cast %add3A_207 : i32 to index
        %swap3A_257 = arith.constant 96 : index
        %swap3A_258 = tpu.vector_load %arg10[%swap3A_256, %swap3A_257] {strides = array<i32>} : memref<128x128xf32, #tpu.memory_space<vmem>>, vector<16xf32>,
        tpu.vector_store %arg10[%swap3A_256, %swap3A_257], %mul3A_255 {strides = array<i32>} : memref<128x128xf32, #tpu.memory_space<vmem>>, vector<16xf32>,
        %get3A_259 = arith.index_cast %add3A_207 : i32 to index
        %get3A_260 = arith.constant 112 : index
        %get3A_261 = tpu.vector_load %arg10[%get3A_259, %get3A_260] {strides = array<i32>} : memref<128x128xf32, #tpu.memory_space<vmem>>, vector<16xf32>,
        %mul3A_262 = arith.mulf %get3A_261, %gather3A_209 : vector<16xf32>
        %swap3A_263 = arith.index_cast %add3A_207 : i32 to index
        %swap3A_264 = arith.constant 112 : index
        %swap3A_265 = tpu.vector_load %arg10[%swap3A_263, %swap3A_264] {strides = array<i32>} : memref<128x128xf32, #tpu.memory_space<vmem>>, vector<16xf32>,
        tpu.vector_store %arg10[%swap3A_263, %swap3A_264], %mul3A_262 {strides = array<i32>} : memref<128x128xf32, #tpu.memory_space<vmem>>, vector<16xf32>,
      }
      %scan3A_118 = arith.constant 64 : i32
      "tpu.region"() ({
        %run_scoped3A = tpu.sem_alloc : memref<!tpu.dma_semaphore, #tpu.memory_space<semaphore_mem>>
        %dma_start3A_144 = arith.constant 0 : i32
        %dma_start3A_145 = tpu.memref_slice %arg9[%mul3A_86, %dma_start3A_144] : memref<40x128xi32, #tpu.memory_space<vmem>> -> memref<1x128xi32, #tpu.memory_space<vmem>>
        %dma_start3A_146 = tpu.memref_squeeze %dma_start3A_145 : memref<1x128xi32, #tpu.memory_space<vmem>> -> memref<128xi32, #tpu.memory_space<vmem>>
        %dma_start3A_147 = arith.constant 0 : i32
        %dma_start3A_148 = arith.constant 0 : i32
        %dma_start3A_149 = tpu.memref_slice %arg7[%dma_start3A_147, %dma_start3A_148] : memref<10240x128xf32, #tpu.memory_space<vmem_shared>> -> memref<10240x128xf32, #tpu.memory_space<vmem_shared>>
        tpu.enqueue_indirect_dma source(%arg10 : memref<128x128xf32, #tpu.memory_space<vmem>>) target(%dma_start3A_149 : memref<10240x128xf32, #tpu.memory_space<vmem_shared>>) offsets(%dma_start3A_146 : memref<128xi32, #tpu.memory_space<vmem>>) semaphore(%run_scoped3A : memref<!tpu.dma_semaphore, #tpu.memory_space<semaphore_mem>>) {add = true}
        %dma_wait3A_150 = arith.constant 0 : i32
        %dma_wait3A_151 = tpu.memref_slice %arg9[%mul3A_86, %dma_wait3A_150] : memref<40x128xi32, #tpu.memory_space<vmem>> -> memref<1x128xi32, #tpu.memory_space<vmem>>
        %dma_wait3A_152 = tpu.memref_squeeze %dma_wait3A_151 : memref<1x128xi32, #tpu.memory_space<vmem>> -> memref<128xi32, #tpu.memory_space<vmem>>
        %dma_wait3A_153 = arith.constant 0 : i32
        %dma_wait3A_154 = arith.constant 0 : i32
        %dma_wait3A_155 = tpu.memref_slice %arg7[%dma_wait3A_153, %dma_wait3A_154] : memref<10240x128xf32, #tpu.memory_space<vmem_shared>> -> memref<10240x128xf32, #tpu.memory_space<vmem_shared>>
        tpu.wait_indirect_dma semaphore(%run_scoped3A : memref<!tpu.dma_semaphore, #tpu.memory_space<semaphore_mem>>) src(%arg10 : memref<128x128xf32, #tpu.memory_space<vmem>>) dst(%dma_wait3A_155 : memref<10240x128xf32, #tpu.memory_space<vmem_shared>>)
        tpu.yield
      }) : () -> ()
      %add3A_119 = arith.constant 1 : i32
      %add3A_120 = arith.addi %scan3A_84, %add3A_119 : i32
      %lt3A = arith.constant 20 : i32
      %lt3A_121 = arith.cmpi slt, %add3A_120, %lt3A : i32
      %convert_element_type3A_122 = arith.extui %lt3A_121 : i1 to i32
      %cond3A_123 = arith.constant 0 : i32
      %cond3A_124 = arith.cmpi ne, %convert_element_type3A_122, %cond3A_123 : i32
      scf.if %cond3A_124 {
        %add3A_144 = arith.constant 2 : i32
        %add3A_145 = arith.addi %mul3A_86, %add3A_144 : i32
        %dma_start3A_146 = arith.constant 0 : i32
        %dma_start3A_147 = tpu.memref_slice %arg8[%add3A_145, %dma_start3A_146] : memref<40x128xi32, #tpu.memory_space<vmem>> -> memref<1x128xi32, #tpu.memory_space<vmem>>
        %dma_start3A_148 = tpu.memref_squeeze %dma_start3A_147 : memref<1x128xi32, #tpu.memory_space<vmem>> -> memref<128xi32, #tpu.memory_space<vmem>>
        %dma_start3A_149 = arith.constant 0 : i32
        %dma_start3A_150 = arith.constant 0 : i32
        %dma_start3A_151 = tpu.memref_slice %arg2[%dma_start3A_149, %dma_start3A_150] : memref<20480x128xf32, #tpu.memory_space<hbm>> -> memref<20480x128xf32, #tpu.memory_space<hbm>>
        tpu.enqueue_indirect_dma source(%dma_start3A_151 : memref<20480x128xf32, #tpu.memory_space<hbm>>) target(%arg10 : memref<128x128xf32, #tpu.memory_space<vmem>>) offsets(%dma_start3A_148 : memref<128xi32, #tpu.memory_space<vmem>>) semaphore(%arg14 : memref<!tpu.dma_semaphore, #tpu.memory_space<semaphore_mem>>)
        %add3A_152 = arith.addi %add3A_51, %mul3A_86 : i32
        %add3A_153 = arith.constant 2 : i32
        %add3A_154 = arith.addi %add3A_152, %add3A_153 : i32
        %dma_start3A_155 = arith.constant 0 : i32
        %dma_start3A_156 = tpu.memref_slice %arg5[%add3A_154, %dma_start3A_155] : memref<1280x128xf32, #tpu.memory_space<hbm>> -> memref<1x128xf32, #tpu.memory_space<hbm>>
        %dma_start3A_157 = tpu.memref_squeeze %dma_start3A_156 : memref<1x128xf32, #tpu.memory_space<hbm>> -> memref<128xf32, #tpu.memory_space<hbm>>
        %dma_start3A_158 = arith.constant 0 : i32
        %dma_start3A_159 = tpu.memref_slice %arg5[%add3A_154, %dma_start3A_158] : memref<1280x128xf32, #tpu.memory_space<hbm>> -> memref<1x128xf32, #tpu.memory_space<hbm>>
        %dma_start3A_160 = tpu.memref_squeeze %dma_start3A_159 : memref<1x128xf32, #tpu.memory_space<hbm>> -> memref<128xf32, #tpu.memory_space<hbm>>
        tpu.enqueue_dma source(%dma_start3A_160 : memref<128xf32, #tpu.memory_space<hbm>>) target(%arg12 : memref<128xf32, #tpu.memory_space<vmem>>) target_semaphore(%arg16 : memref<!tpu.dma_semaphore, #tpu.memory_space<semaphore_mem>>)
      } else {
      }
      %dma_wait3A_125 = arith.constant 0 : i32
      %dma_wait3A_126 = tpu.memref_slice %arg8[%add3A_88, %dma_wait3A_125] : memref<40x128xi32, #tpu.memory_space<vmem>> -> memref<1x128xi32, #tpu.memory_space<vmem>>
      %dma_wait3A_127 = tpu.memref_squeeze %dma_wait3A_126 : memref<1x128xi32, #tpu.memory_space<vmem>> -> memref<128xi32, #tpu.memory_space<vmem>>
      %dma_wait3A_128 = arith.constant 0 : i32
      %dma_wait3A_129 = arith.constant 0 : i32
      %dma_wait3A_130 = tpu.memref_slice %arg2[%dma_wait3A_128, %dma_wait3A_129] : memref<20480x128xf32, #tpu.memory_space<hbm>> -> memref<20480x128xf32, #tpu.memory_space<hbm>>
      tpu.wait_indirect_dma semaphore(%arg15 : memref<!tpu.dma_semaphore, #tpu.memory_space<semaphore_mem>>) src(%dma_wait3A_130 : memref<20480x128xf32, #tpu.memory_space<hbm>>) dst(%arg11 : memref<128x128xf32, #tpu.memory_space<vmem>>)
      %add3A_131 = arith.addi %add3A_51, %add3A_88 : i32
      %dma_wait3A_132 = arith.constant 0 : i32
      %dma_wait3A_133 = tpu.memref_slice %arg5[%add3A_131, %dma_wait3A_132] : memref<1280x128xf32, #tpu.memory_space<hbm>> -> memref<1x128xf32, #tpu.memory_space<hbm>>
      %dma_wait3A_134 = tpu.memref_squeeze %dma_wait3A_133 : memref<1x128xf32, #tpu.memory_space<hbm>> -> memref<128xf32, #tpu.memory_space<hbm>>
      %dma_wait3A_135 = arith.constant 0 : i32
      %dma_wait3A_136 = tpu.memref_slice %arg5[%add3A_131, %dma_wait3A_135] : memref<1280x128xf32, #tpu.memory_space<hbm>> -> memref<1x128xf32, #tpu.memory_space<hbm>>
      %dma_wait3A_137 = tpu.memref_squeeze %dma_wait3A_136 : memref<1x128xf32, #tpu.memory_space<hbm>> -> memref<128xf32, #tpu.memory_space<hbm>>
      tpu.wait_dma2 semaphore(%arg17 : memref<!tpu.dma_semaphore, #tpu.memory_space<semaphore_mem>>) src(%dma_wait3A_137 : memref<128xf32, #tpu.memory_space<hbm>>) dst(%arg13 : memref<128xf32, #tpu.memory_space<vmem>>)
      %scan3A_138 = arith.constant 0 : i32
      %scan3A_139 = arith.constant 0 : i32
      %scan3A_140 = arith.constant 64 : i32
      %scan3A_141 = arith.addi %scan3A_139, %scan3A_140 : i32
      %scan3A_142 = arith.constant 1 : i32
      scf.for %scan3A_144 = %scan3A_139 to %scan3A_141 step %scan3A_142  : i32 {
        %mul3A_145 = arith.constant 2 : i32
        %mul3A_146 = arith.muli %scan3A_144, %mul3A_145 : i32
        %add3A_147 = arith.constant 0 : i32
        %add3A_148 = arith.addi %mul3A_146, %add3A_147 : i32
        %broadcast_in_dim3A_149 = vector.broadcast %add3A_148 : i32 to vector<16xi32>
        %gather3A = tpu.vector_load_idx %arg13[%broadcast_in_dim3A_149] : memref<128xf32, #tpu.memory_space<vmem>>[vector<16xi32>], vector<16xf32>,
        %get3A = arith.index_cast %add3A_148 : i32 to index
        %get3A_150 = arith.constant 0 : index
        %get3A_151 = tpu.vector_load %arg11[%get3A, %get3A_150] {strides = array<i32>} : memref<128x128xf32, #tpu.memory_space<vmem>>, vector<16xf32>,
        %mul3A_152 = arith.mulf %get3A_151, %gather3A : vector<16xf32>
        %swap3A = arith.index_cast %add3A_148 : i32 to index
        %swap3A_153 = arith.constant 0 : index
        %swap3A_154 = tpu.vector_load %arg11[%swap3A, %swap3A_153] {strides = array<i32>} : memref<128x128xf32, #tpu.memory_space<vmem>>, vector<16xf32>,
        tpu.vector_store %arg11[%swap3A, %swap3A_153], %mul3A_152 {strides = array<i32>} : memref<128x128xf32, #tpu.memory_space<vmem>>, vector<16xf32>,
        %get3A_155 = arith.index_cast %add3A_148 : i32 to index
        %get3A_156 = arith.constant 16 : index
        %get3A_157 = tpu.vector_load %arg11[%get3A_155, %get3A_156] {strides = array<i32>} : memref<128x128xf32, #tpu.memory_space<vmem>>, vector<16xf32>,
        %mul3A_158 = arith.mulf %get3A_157, %gather3A : vector<16xf32>
        %swap3A_159 = arith.index_cast %add3A_148 : i32 to index
        %swap3A_160 = arith.constant 16 : index
        %swap3A_161 = tpu.vector_load %arg11[%swap3A_159, %swap3A_160] {strides = array<i32>} : memref<128x128xf32, #tpu.memory_space<vmem>>, vector<16xf32>,
        tpu.vector_store %arg11[%swap3A_159, %swap3A_160], %mul3A_158 {strides = array<i32>} : memref<128x128xf32, #tpu.memory_space<vmem>>, vector<16xf32>,
        %get3A_162 = arith.index_cast %add3A_148 : i32 to index
        %get3A_163 = arith.constant 32 : index
        %get3A_164 = tpu.vector_load %arg11[%get3A_162, %get3A_163] {strides = array<i32>} : memref<128x128xf32, #tpu.memory_space<vmem>>, vector<16xf32>,
        %mul3A_165 = arith.mulf %get3A_164, %gather3A : vector<16xf32>
        %swap3A_166 = arith.index_cast %add3A_148 : i32 to index
        %swap3A_167 = arith.constant 32 : index
        %swap3A_168 = tpu.vector_load %arg11[%swap3A_166, %swap3A_167] {strides = array<i32>} : memref<128x128xf32, #tpu.memory_space<vmem>>, vector<16xf32>,
        tpu.vector_store %arg11[%swap3A_166, %swap3A_167], %mul3A_165 {strides = array<i32>} : memref<128x128xf32, #tpu.memory_space<vmem>>, vector<16xf32>,
        %get3A_169 = arith.index_cast %add3A_148 : i32 to index
        %get3A_170 = arith.constant 48 : index
        %get3A_171 = tpu.vector_load %arg11[%get3A_169, %get3A_170] {strides = array<i32>} : memref<128x128xf32, #tpu.memory_space<vmem>>, vector<16xf32>,
        %mul3A_172 = arith.mulf %get3A_171, %gather3A : vector<16xf32>
        %swap3A_173 = arith.index_cast %add3A_148 : i32 to index
        %swap3A_174 = arith.constant 48 : index
        %swap3A_175 = tpu.vector_load %arg11[%swap3A_173, %swap3A_174] {strides = array<i32>} : memref<128x128xf32, #tpu.memory_space<vmem>>, vector<16xf32>,
        tpu.vector_store %arg11[%swap3A_173, %swap3A_174], %mul3A_172 {strides = array<i32>} : memref<128x128xf32, #tpu.memory_space<vmem>>, vector<16xf32>,
        %get3A_176 = arith.index_cast %add3A_148 : i32 to index
        %get3A_177 = arith.constant 64 : index
        %get3A_178 = tpu.vector_load %arg11[%get3A_176, %get3A_177] {strides = array<i32>} : memref<128x128xf32, #tpu.memory_space<vmem>>, vector<16xf32>,
        %mul3A_179 = arith.mulf %get3A_178, %gather3A : vector<16xf32>
        %swap3A_180 = arith.index_cast %add3A_148 : i32 to index
        %swap3A_181 = arith.constant 64 : index
        %swap3A_182 = tpu.vector_load %arg11[%swap3A_180, %swap3A_181] {strides = array<i32>} : memref<128x128xf32, #tpu.memory_space<vmem>>, vector<16xf32>,
        tpu.vector_store %arg11[%swap3A_180, %swap3A_181], %mul3A_179 {strides = array<i32>} : memref<128x128xf32, #tpu.memory_space<vmem>>, vector<16xf32>,
        %get3A_183 = arith.index_cast %add3A_148 : i32 to index
        %get3A_184 = arith.constant 80 : index
        %get3A_185 = tpu.vector_load %arg11[%get3A_183, %get3A_184] {strides = array<i32>} : memref<128x128xf32, #tpu.memory_space<vmem>>, vector<16xf32>,
        %mul3A_186 = arith.mulf %get3A_185, %gather3A : vector<16xf32>
        %swap3A_187 = arith.index_cast %add3A_148 : i32 to index
        %swap3A_188 = arith.constant 80 : index
        %swap3A_189 = tpu.vector_load %arg11[%swap3A_187, %swap3A_188] {strides = array<i32>} : memref<128x128xf32, #tpu.memory_space<vmem>>, vector<16xf32>,
        tpu.vector_store %arg11[%swap3A_187, %swap3A_188], %mul3A_186 {strides = array<i32>} : memref<128x128xf32, #tpu.memory_space<vmem>>, vector<16xf32>,
        %get3A_190 = arith.index_cast %add3A_148 : i32 to index
        %get3A_191 = arith.constant 96 : index
        %get3A_192 = tpu.vector_load %arg11[%get3A_190, %get3A_191] {strides = array<i32>} : memref<128x128xf32, #tpu.memory_space<vmem>>, vector<16xf32>,
        %mul3A_193 = arith.mulf %get3A_192, %gather3A : vector<16xf32>
        %swap3A_194 = arith.index_cast %add3A_148 : i32 to index
        %swap3A_195 = arith.constant 96 : index
        %swap3A_196 = tpu.vector_load %arg11[%swap3A_194, %swap3A_195] {strides = array<i32>} : memref<128x128xf32, #tpu.memory_space<vmem>>, vector<16xf32>,
        tpu.vector_store %arg11[%swap3A_194, %swap3A_195], %mul3A_193 {strides = array<i32>} : memref<128x128xf32, #tpu.memory_space<vmem>>, vector<16xf32>,
        %get3A_197 = arith.index_cast %add3A_148 : i32 to index
        %get3A_198 = arith.constant 112 : index
        %get3A_199 = tpu.vector_load %arg11[%get3A_197, %get3A_198] {strides = array<i32>} : memref<128x128xf32, #tpu.memory_space<vmem>>, vector<16xf32>,
        %mul3A_200 = arith.mulf %get3A_199, %gather3A : vector<16xf32>
        %swap3A_201 = arith.index_cast %add3A_148 : i32 to index
        %swap3A_202 = arith.constant 112 : index
        %swap3A_203 = tpu.vector_load %arg11[%swap3A_201, %swap3A_202] {strides = array<i32>} : memref<128x128xf32, #tpu.memory_space<vmem>>, vector<16xf32>,
        tpu.vector_store %arg11[%swap3A_201, %swap3A_202], %mul3A_200 {strides = array<i32>} : memref<128x128xf32, #tpu.memory_space<vmem>>, vector<16xf32>,
        %mul3A_204 = arith.constant 2 : i32
        %mul3A_205 = arith.muli %scan3A_144, %mul3A_204 : i32
        %add3A_206 = arith.constant 1 : i32
        %add3A_207 = arith.addi %mul3A_205, %add3A_206 : i32
        %broadcast_in_dim3A_208 = vector.broadcast %add3A_207 : i32 to vector<16xi32>
        %gather3A_209 = tpu.vector_load_idx %arg13[%broadcast_in_dim3A_208] : memref<128xf32, #tpu.memory_space<vmem>>[vector<16xi32>], vector<16xf32>,
        %get3A_210 = arith.index_cast %add3A_207 : i32 to index
        %get3A_211 = arith.constant 0 : index
        %get3A_212 = tpu.vector_load %arg11[%get3A_210, %get3A_211] {strides = array<i32>} : memref<128x128xf32, #tpu.memory_space<vmem>>, vector<16xf32>,
        %mul3A_213 = arith.mulf %get3A_212, %gather3A_209 : vector<16xf32>
        %swap3A_214 = arith.index_cast %add3A_207 : i32 to index
        %swap3A_215 = arith.constant 0 : index
        %swap3A_216 = tpu.vector_load %arg11[%swap3A_214, %swap3A_215] {strides = array<i32>} : memref<128x128xf32, #tpu.memory_space<vmem>>, vector<16xf32>,
        tpu.vector_store %arg11[%swap3A_214, %swap3A_215], %mul3A_213 {strides = array<i32>} : memref<128x128xf32, #tpu.memory_space<vmem>>, vector<16xf32>,
        %get3A_217 = arith.index_cast %add3A_207 : i32 to index
        %get3A_218 = arith.constant 16 : index
        %get3A_219 = tpu.vector_load %arg11[%get3A_217, %get3A_218] {strides = array<i32>} : memref<128x128xf32, #tpu.memory_space<vmem>>, vector<16xf32>,
        %mul3A_220 = arith.mulf %get3A_219, %gather3A_209 : vector<16xf32>
        %swap3A_221 = arith.index_cast %add3A_207 : i32 to index
        %swap3A_222 = arith.constant 16 : index
        %swap3A_223 = tpu.vector_load %arg11[%swap3A_221, %swap3A_222] {strides = array<i32>} : memref<128x128xf32, #tpu.memory_space<vmem>>, vector<16xf32>,
        tpu.vector_store %arg11[%swap3A_221, %swap3A_222], %mul3A_220 {strides = array<i32>} : memref<128x128xf32, #tpu.memory_space<vmem>>, vector<16xf32>,
        %get3A_224 = arith.index_cast %add3A_207 : i32 to index
        %get3A_225 = arith.constant 32 : index
        %get3A_226 = tpu.vector_load %arg11[%get3A_224, %get3A_225] {strides = array<i32>} : memref<128x128xf32, #tpu.memory_space<vmem>>, vector<16xf32>,
        %mul3A_227 = arith.mulf %get3A_226, %gather3A_209 : vector<16xf32>
        %swap3A_228 = arith.index_cast %add3A_207 : i32 to index
        %swap3A_229 = arith.constant 32 : index
        %swap3A_230 = tpu.vector_load %arg11[%swap3A_228, %swap3A_229] {strides = array<i32>} : memref<128x128xf32, #tpu.memory_space<vmem>>, vector<16xf32>,
        tpu.vector_store %arg11[%swap3A_228, %swap3A_229], %mul3A_227 {strides = array<i32>} : memref<128x128xf32, #tpu.memory_space<vmem>>, vector<16xf32>,
        %get3A_231 = arith.index_cast %add3A_207 : i32 to index
        %get3A_232 = arith.constant 48 : index
        %get3A_233 = tpu.vector_load %arg11[%get3A_231, %get3A_232] {strides = array<i32>} : memref<128x128xf32, #tpu.memory_space<vmem>>, vector<16xf32>,
        %mul3A_234 = arith.mulf %get3A_233, %gather3A_209 : vector<16xf32>
        %swap3A_235 = arith.index_cast %add3A_207 : i32 to index
        %swap3A_236 = arith.constant 48 : index
        %swap3A_237 = tpu.vector_load %arg11[%swap3A_235, %swap3A_236] {strides = array<i32>} : memref<128x128xf32, #tpu.memory_space<vmem>>, vector<16xf32>,
        tpu.vector_store %arg11[%swap3A_235, %swap3A_236], %mul3A_234 {strides = array<i32>} : memref<128x128xf32, #tpu.memory_space<vmem>>, vector<16xf32>,
        %get3A_238 = arith.index_cast %add3A_207 : i32 to index
        %get3A_239 = arith.constant 64 : index
        %get3A_240 = tpu.vector_load %arg11[%get3A_238, %get3A_239] {strides = array<i32>} : memref<128x128xf32, #tpu.memory_space<vmem>>, vector<16xf32>,
        %mul3A_241 = arith.mulf %get3A_240, %gather3A_209 : vector<16xf32>
        %swap3A_242 = arith.index_cast %add3A_207 : i32 to index
        %swap3A_243 = arith.constant 64 : index
        %swap3A_244 = tpu.vector_load %arg11[%swap3A_242, %swap3A_243] {strides = array<i32>} : memref<128x128xf32, #tpu.memory_space<vmem>>, vector<16xf32>,
        tpu.vector_store %arg11[%swap3A_242, %swap3A_243], %mul3A_241 {strides = array<i32>} : memref<128x128xf32, #tpu.memory_space<vmem>>, vector<16xf32>,
        %get3A_245 = arith.index_cast %add3A_207 : i32 to index
        %get3A_246 = arith.constant 80 : index
        %get3A_247 = tpu.vector_load %arg11[%get3A_245, %get3A_246] {strides = array<i32>} : memref<128x128xf32, #tpu.memory_space<vmem>>, vector<16xf32>,
        %mul3A_248 = arith.mulf %get3A_247, %gather3A_209 : vector<16xf32>
        %swap3A_249 = arith.index_cast %add3A_207 : i32 to index
        %swap3A_250 = arith.constant 80 : index
        %swap3A_251 = tpu.vector_load %arg11[%swap3A_249, %swap3A_250] {strides = array<i32>} : memref<128x128xf32, #tpu.memory_space<vmem>>, vector<16xf32>,
        tpu.vector_store %arg11[%swap3A_249, %swap3A_250], %mul3A_248 {strides = array<i32>} : memref<128x128xf32, #tpu.memory_space<vmem>>, vector<16xf32>,
        %get3A_252 = arith.index_cast %add3A_207 : i32 to index
        %get3A_253 = arith.constant 96 : index
        %get3A_254 = tpu.vector_load %arg11[%get3A_252, %get3A_253] {strides = array<i32>} : memref<128x128xf32, #tpu.memory_space<vmem>>, vector<16xf32>,
        %mul3A_255 = arith.mulf %get3A_254, %gather3A_209 : vector<16xf32>
        %swap3A_256 = arith.index_cast %add3A_207 : i32 to index
        %swap3A_257 = arith.constant 96 : index
        %swap3A_258 = tpu.vector_load %arg11[%swap3A_256, %swap3A_257] {strides = array<i32>} : memref<128x128xf32, #tpu.memory_space<vmem>>, vector<16xf32>,
        tpu.vector_store %arg11[%swap3A_256, %swap3A_257], %mul3A_255 {strides = array<i32>} : memref<128x128xf32, #tpu.memory_space<vmem>>, vector<16xf32>,
        %get3A_259 = arith.index_cast %add3A_207 : i32 to index
        %get3A_260 = arith.constant 112 : index
        %get3A_261 = tpu.vector_load %arg11[%get3A_259, %get3A_260] {strides = array<i32>} : memref<128x128xf32, #tpu.memory_space<vmem>>, vector<16xf32>,
        %mul3A_262 = arith.mulf %get3A_261, %gather3A_209 : vector<16xf32>
        %swap3A_263 = arith.index_cast %add3A_207 : i32 to index
        %swap3A_264 = arith.constant 112 : index
        %swap3A_265 = tpu.vector_load %arg11[%swap3A_263, %swap3A_264] {strides = array<i32>} : memref<128x128xf32, #tpu.memory_space<vmem>>, vector<16xf32>,
        tpu.vector_store %arg11[%swap3A_263, %swap3A_264], %mul3A_262 {strides = array<i32>} : memref<128x128xf32, #tpu.memory_space<vmem>>, vector<16xf32>,
      }
      %scan3A_143 = arith.constant 64 : i32
      "tpu.region"() ({
        %run_scoped3A = tpu.sem_alloc : memref<!tpu.dma_semaphore, #tpu.memory_space<semaphore_mem>>
        %dma_start3A_144 = arith.constant 0 : i32
        %dma_start3A_145 = tpu.memref_slice %arg9[%add3A_88, %dma_start3A_144] : memref<40x128xi32, #tpu.memory_space<vmem>> -> memref<1x128xi32, #tpu.memory_space<vmem>>
        %dma_start3A_146 = tpu.memref_squeeze %dma_start3A_145 : memref<1x128xi32, #tpu.memory_space<vmem>> -> memref<128xi32, #tpu.memory_space<vmem>>
        %dma_start3A_147 = arith.constant 0 : i32
        %dma_start3A_148 = arith.constant 0 : i32
        %dma_start3A_149 = tpu.memref_slice %arg7[%dma_start3A_147, %dma_start3A_148] : memref<10240x128xf32, #tpu.memory_space<vmem_shared>> -> memref<10240x128xf32, #tpu.memory_space<vmem_shared>>
        tpu.enqueue_indirect_dma source(%arg11 : memref<128x128xf32, #tpu.memory_space<vmem>>) target(%dma_start3A_149 : memref<10240x128xf32, #tpu.memory_space<vmem_shared>>) offsets(%dma_start3A_146 : memref<128xi32, #tpu.memory_space<vmem>>) semaphore(%run_scoped3A : memref<!tpu.dma_semaphore, #tpu.memory_space<semaphore_mem>>) {add = true}
        %dma_wait3A_150 = arith.constant 0 : i32
        %dma_wait3A_151 = tpu.memref_slice %arg9[%add3A_88, %dma_wait3A_150] : memref<40x128xi32, #tpu.memory_space<vmem>> -> memref<1x128xi32, #tpu.memory_space<vmem>>
        %dma_wait3A_152 = tpu.memref_squeeze %dma_wait3A_151 : memref<1x128xi32, #tpu.memory_space<vmem>> -> memref<128xi32, #tpu.memory_space<vmem>>
        %dma_wait3A_153 = arith.constant 0 : i32
        %dma_wait3A_154 = arith.constant 0 : i32
        %dma_wait3A_155 = tpu.memref_slice %arg7[%dma_wait3A_153, %dma_wait3A_154] : memref<10240x128xf32, #tpu.memory_space<vmem_shared>> -> memref<10240x128xf32, #tpu.memory_space<vmem_shared>>
        tpu.wait_indirect_dma semaphore(%run_scoped3A : memref<!tpu.dma_semaphore, #tpu.memory_space<semaphore_mem>>) src(%arg11 : memref<128x128xf32, #tpu.memory_space<vmem>>) dst(%dma_wait3A_155 : memref<10240x128xf32, #tpu.memory_space<vmem_shared>>)
        tpu.yield
      }) : () -> ()
    }
    %scan3A_75 = arith.constant 20 : i32
    %barrier3A_76 = arith.constant 0 : index
    tpu.barrier barrier_id(%barrier3A_76)
    %mul3A_77 = arith.constant 640 : i32
    %mul3A_78 = arith.muli %arg1, %mul3A_77 : i32
    %mul3A_79 = arith.constant 10240 : i32
    %mul3A_80 = arith.muli %arg0, %mul3A_79 : i32
    %mul3A_81 = arith.constant 640 : i32
    %mul3A_82 = arith.muli %arg1, %mul3A_81 : i32
    %add3A_83 = arith.addi %mul3A_80, %mul3A_82 : i32
    "tpu.region"() ({
      %run_scoped3A = tpu.sem_alloc : memref<!tpu.dma_semaphore, #tpu.memory_space<semaphore_mem>>
      %dma_start3A_84 = arith.constant 0 : i32
      %dma_start3A_85 = tpu.memref_slice %arg6[%add3A_83, %dma_start3A_84] : memref<20480x128xf32, #tpu.memory_space<hbm>> -> memref<640x128xf32, #tpu.memory_space<hbm>>
      %dma_start3A_86 = arith.constant 0 : i32
      %dma_start3A_87 = tpu.memref_slice %arg7[%mul3A_78, %dma_start3A_86] : memref<10240x128xf32, #tpu.memory_space<vmem_shared>> -> memref<640x128xf32, #tpu.memory_space<vmem_shared>>
      tpu.enqueue_dma source(%dma_start3A_87 : memref<640x128xf32, #tpu.memory_space<vmem_shared>>) target(%dma_start3A_85 : memref<640x128xf32, #tpu.memory_space<hbm>>) target_semaphore(%run_scoped3A : memref<!tpu.dma_semaphore, #tpu.memory_space<semaphore_mem>>)
      %dma_wait3A = arith.constant 0 : i32
      %dma_wait3A_88 = tpu.memref_slice %arg6[%add3A_83, %dma_wait3A] : memref<20480x128xf32, #tpu.memory_space<hbm>> -> memref<640x128xf32, #tpu.memory_space<hbm>>
      %dma_wait3A_89 = arith.constant 0 : i32
      %dma_wait3A_90 = tpu.memref_slice %arg7[%mul3A_78, %dma_wait3A_89] : memref<10240x128xf32, #tpu.memory_space<vmem_shared>> -> memref<640x128xf32, #tpu.memory_space<vmem_shared>>
      tpu.wait_dma2 semaphore(%run_scoped3A : memref<!tpu.dma_semaphore, #tpu.memory_space<semaphore_mem>>) src(%dma_wait3A_90 : memref<640x128xf32, #tpu.memory_space<vmem_shared>>) dst(%dma_wait3A_88 : memref<640x128xf32, #tpu.memory_space<hbm>>)
      tpu.yield
    }) : () -> ()
    return
  }
}

#map = affine_map<(d0, d1) -> (0, 0)>
#map1 = affine_map<(d0, d1) -> (0)>
module attributes {stable_mosaic.version = 14 : i64} {
  func.func @_norm_body(%arg0: i32, %arg1: i32, %arg2: memref<1280x128xi32, #tpu.memory_space<hbm>>, %arg3: memref<1280x128xi32, #tpu.memory_space<hbm>>, %arg4: memref<1280x128xf32, #tpu.memory_space<hbm>>, %arg5: memref<1280x128xf32, #tpu.memory_space<hbm>>, %arg6: memref<10240xf32, #tpu.memory_space<hbm>>, %arg7: memref<1280x128xf32, #tpu.memory_space<vmem_shared>>, %arg8: memref<128x128xf32, #tpu.memory_space<vmem>>, %arg9: memref<320x128xf32, #tpu.memory_space<vmem>>, %arg10: memref<80x128xi32, #tpu.memory_space<vmem>>, %arg11: memref<80x128xf32, #tpu.memory_space<vmem>>, %arg12: memref<40x128xi32, #tpu.memory_space<vmem>>, %arg13: memref<40x128xi32, #tpu.memory_space<vmem>>, %arg14: memref<40x128xf32, #tpu.memory_space<vmem>>, %arg15: memref<10240xf32, #tpu.memory_space<vmem>>, %arg16: memref<10240xf32, #tpu.memory_space<vmem>>, %arg17: memref<40x128xf32, #tpu.memory_space<vmem>>, %arg18: memref<128xi32, #tpu.memory_space<vmem>>) attributes {dimension_semantics = [#tpu.dimension_semantics<core_parallel>, #tpu.dimension_semantics<subcore_parallel>], iteration_bounds = array<i64: 2, 16>, scalar_prefetch = 0 : i64, scratch_operands = 12 : i64, tpu.core_type = #tpu.core_type<sc_vector_subcore>, window_params = [{transform_indices = #map}, {transform_indices = #map}, {transform_indices = #map}, {transform_indices = #map}, {transform_indices = #map1}]} {
    %mul3A = arith.constant 16 : i32
    %mul3A_0 = arith.muli %arg0, %mul3A : i32
    %add3A = arith.addi %mul3A_0, %arg1 : i32
    %broadcast_in_dim3A = arith.constant 0.000000e+00 : f32
    %broadcast_in_dim3A_1 = vector.broadcast %broadcast_in_dim3A : f32 to vector<16xf32>
    %iota3A = tpu.iota {dimensions = array<i32: 0>} : vector<16xi32>
    %broadcast_in_dim3A_2 = arith.constant 7 : i32
    %broadcast_in_dim3A_3 = vector.broadcast %broadcast_in_dim3A_2 : i32 to vector<16xi32>
    %and3A = arith.andi %iota3A, %broadcast_in_dim3A_3 : vector<16xi32>
    %mul3A_4 = arith.constant 16 : i32
    %mul3A_5 = vector.broadcast %mul3A_4 : i32 to vector<16xi32>
    %mul3A_6 = arith.muli %and3A, %mul3A_5 : vector<16xi32>
    %scan3A = arith.constant 0 : i32
    %scan3A_7 = arith.constant 0 : i32
    %scan3A_8 = arith.constant 128 : i32
    %scan3A_9 = arith.addi %scan3A_7, %scan3A_8 : i32
    %scan3A_10 = arith.constant 1 : i32
    scf.for %scan3A_71 = %scan3A_7 to %scan3A_9 step %scan3A_10  : i32 {
      %swap3A = arith.index_cast %scan3A_71 : i32 to index
      %swap3A_72 = arith.constant 0 : index
      %swap3A_73 = tpu.vector_load %arg8[%swap3A, %swap3A_72] {strides = array<i32>} : memref<128x128xf32, #tpu.memory_space<vmem>>, vector<16xf32>,
      tpu.vector_store %arg8[%swap3A, %swap3A_72], %broadcast_in_dim3A_1 {strides = array<i32>} : memref<128x128xf32, #tpu.memory_space<vmem>>, vector<16xf32>,
      %swap3A_74 = arith.index_cast %scan3A_71 : i32 to index
      %swap3A_75 = arith.constant 16 : index
      %swap3A_76 = tpu.vector_load %arg8[%swap3A_74, %swap3A_75] {strides = array<i32>} : memref<128x128xf32, #tpu.memory_space<vmem>>, vector<16xf32>,
      tpu.vector_store %arg8[%swap3A_74, %swap3A_75], %broadcast_in_dim3A_1 {strides = array<i32>} : memref<128x128xf32, #tpu.memory_space<vmem>>, vector<16xf32>,
      %swap3A_77 = arith.index_cast %scan3A_71 : i32 to index
      %swap3A_78 = arith.constant 32 : index
      %swap3A_79 = tpu.vector_load %arg8[%swap3A_77, %swap3A_78] {strides = array<i32>} : memref<128x128xf32, #tpu.memory_space<vmem>>, vector<16xf32>,
      tpu.vector_store %arg8[%swap3A_77, %swap3A_78], %broadcast_in_dim3A_1 {strides = array<i32>} : memref<128x128xf32, #tpu.memory_space<vmem>>, vector<16xf32>,
      %swap3A_80 = arith.index_cast %scan3A_71 : i32 to index
      %swap3A_81 = arith.constant 48 : index
      %swap3A_82 = tpu.vector_load %arg8[%swap3A_80, %swap3A_81] {strides = array<i32>} : memref<128x128xf32, #tpu.memory_space<vmem>>, vector<16xf32>,
      tpu.vector_store %arg8[%swap3A_80, %swap3A_81], %broadcast_in_dim3A_1 {strides = array<i32>} : memref<128x128xf32, #tpu.memory_space<vmem>>, vector<16xf32>,
      %swap3A_83 = arith.index_cast %scan3A_71 : i32 to index
      %swap3A_84 = arith.constant 64 : index
      %swap3A_85 = tpu.vector_load %arg8[%swap3A_83, %swap3A_84] {strides = array<i32>} : memref<128x128xf32, #tpu.memory_space<vmem>>, vector<16xf32>,
      tpu.vector_store %arg8[%swap3A_83, %swap3A_84], %broadcast_in_dim3A_1 {strides = array<i32>} : memref<128x128xf32, #tpu.memory_space<vmem>>, vector<16xf32>,
      %swap3A_86 = arith.index_cast %scan3A_71 : i32 to index
      %swap3A_87 = arith.constant 80 : index
      %swap3A_88 = tpu.vector_load %arg8[%swap3A_86, %swap3A_87] {strides = array<i32>} : memref<128x128xf32, #tpu.memory_space<vmem>>, vector<16xf32>,
      tpu.vector_store %arg8[%swap3A_86, %swap3A_87], %broadcast_in_dim3A_1 {strides = array<i32>} : memref<128x128xf32, #tpu.memory_space<vmem>>, vector<16xf32>,
      %swap3A_89 = arith.index_cast %scan3A_71 : i32 to index
      %swap3A_90 = arith.constant 96 : index
      %swap3A_91 = tpu.vector_load %arg8[%swap3A_89, %swap3A_90] {strides = array<i32>} : memref<128x128xf32, #tpu.memory_space<vmem>>, vector<16xf32>,
      tpu.vector_store %arg8[%swap3A_89, %swap3A_90], %broadcast_in_dim3A_1 {strides = array<i32>} : memref<128x128xf32, #tpu.memory_space<vmem>>, vector<16xf32>,
      %swap3A_92 = arith.index_cast %scan3A_71 : i32 to index
      %swap3A_93 = arith.constant 112 : index
      %swap3A_94 = tpu.vector_load %arg8[%swap3A_92, %swap3A_93] {strides = array<i32>} : memref<128x128xf32, #tpu.memory_space<vmem>>, vector<16xf32>,
      tpu.vector_store %arg8[%swap3A_92, %swap3A_93], %broadcast_in_dim3A_1 {strides = array<i32>} : memref<128x128xf32, #tpu.memory_space<vmem>>, vector<16xf32>,
    }
    %scan3A_11 = arith.constant 128 : i32
    %mul3A_12 = arith.constant 80 : i32
    %mul3A_13 = arith.muli %arg1, %mul3A_12 : i32
    "tpu.region"() ({
      %run_scoped3A = tpu.sem_alloc : memref<!tpu.dma_semaphore, #tpu.memory_space<semaphore_mem>>
      %dma_start3A = arith.constant 0 : i32
      %dma_start3A_71 = arith.constant 0 : i32
      %dma_start3A_72 = tpu.memref_slice %arg8[%dma_start3A, %dma_start3A_71] : memref<128x128xf32, #tpu.memory_space<vmem>> -> memref<80x128xf32, #tpu.memory_space<vmem>>
      %dma_start3A_73 = arith.constant 0 : i32
      %dma_start3A_74 = tpu.memref_slice %arg7[%mul3A_13, %dma_start3A_73] : memref<1280x128xf32, #tpu.memory_space<vmem_shared>> -> memref<80x128xf32, #tpu.memory_space<vmem_shared>>
      %dma_start3A_75 = arith.constant 0 : i32
      %dma_start3A_76 = tpu.memref_slice %arg7[%mul3A_13, %dma_start3A_75] : memref<1280x128xf32, #tpu.memory_space<vmem_shared>> -> memref<80x128xf32, #tpu.memory_space<vmem_shared>>
      %dma_start3A_77 = arith.constant 0 : i32
      %dma_start3A_78 = arith.constant 0 : i32
      %dma_start3A_79 = tpu.memref_slice %arg8[%dma_start3A_77, %dma_start3A_78] : memref<128x128xf32, #tpu.memory_space<vmem>> -> memref<80x128xf32, #tpu.memory_space<vmem>>
      tpu.enqueue_dma source(%dma_start3A_79 : memref<80x128xf32, #tpu.memory_space<vmem>>) target(%dma_start3A_76 : memref<80x128xf32, #tpu.memory_space<vmem_shared>>) target_semaphore(%run_scoped3A : memref<!tpu.dma_semaphore, #tpu.memory_space<semaphore_mem>>)
      %dma_wait3A = arith.constant 0 : i32
      %dma_wait3A_80 = arith.constant 0 : i32
      %dma_wait3A_81 = tpu.memref_slice %arg8[%dma_wait3A, %dma_wait3A_80] : memref<128x128xf32, #tpu.memory_space<vmem>> -> memref<80x128xf32, #tpu.memory_space<vmem>>
      %dma_wait3A_82 = arith.constant 0 : i32
      %dma_wait3A_83 = tpu.memref_slice %arg7[%mul3A_13, %dma_wait3A_82] : memref<1280x128xf32, #tpu.memory_space<vmem_shared>> -> memref<80x128xf32, #tpu.memory_space<vmem_shared>>
      %dma_wait3A_84 = arith.constant 0 : i32
      %dma_wait3A_85 = tpu.memref_slice %arg7[%mul3A_13, %dma_wait3A_84] : memref<1280x128xf32, #tpu.memory_space<vmem_shared>> -> memref<80x128xf32, #tpu.memory_space<vmem_shared>>
      %dma_wait3A_86 = arith.constant 0 : i32
      %dma_wait3A_87 = arith.constant 0 : i32
      %dma_wait3A_88 = tpu.memref_slice %arg8[%dma_wait3A_86, %dma_wait3A_87] : memref<128x128xf32, #tpu.memory_space<vmem>> -> memref<80x128xf32, #tpu.memory_space<vmem>>
      tpu.wait_dma2 semaphore(%run_scoped3A : memref<!tpu.dma_semaphore, #tpu.memory_space<semaphore_mem>>) src(%dma_wait3A_88 : memref<80x128xf32, #tpu.memory_space<vmem>>) dst(%dma_wait3A_85 : memref<80x128xf32, #tpu.memory_space<vmem_shared>>)
      tpu.yield
    }) : () -> ()
    %mul3A_14 = arith.constant 80 : i32
    %mul3A_15 = arith.muli %arg1, %mul3A_14 : i32
    "tpu.region"() ({
      %run_scoped3A = tpu.sem_alloc : memref<!tpu.dma_semaphore, #tpu.memory_space<semaphore_mem>>
      %dma_start3A = arith.constant 0 : i32
      %dma_start3A_71 = tpu.memref_slice %arg3[%mul3A_15, %dma_start3A] : memref<1280x128xi32, #tpu.memory_space<hbm>> -> memref<80x128xi32, #tpu.memory_space<hbm>>
      %dma_start3A_72 = arith.constant 0 : i32
      %dma_start3A_73 = tpu.memref_slice %arg3[%mul3A_15, %dma_start3A_72] : memref<1280x128xi32, #tpu.memory_space<hbm>> -> memref<80x128xi32, #tpu.memory_space<hbm>>
      tpu.enqueue_dma source(%dma_start3A_73 : memref<80x128xi32, #tpu.memory_space<hbm>>) target(%arg10 : memref<80x128xi32, #tpu.memory_space<vmem>>) target_semaphore(%run_scoped3A : memref<!tpu.dma_semaphore, #tpu.memory_space<semaphore_mem>>)
      %dma_wait3A = arith.constant 0 : i32
      %dma_wait3A_74 = tpu.memref_slice %arg3[%mul3A_15, %dma_wait3A] : memref<1280x128xi32, #tpu.memory_space<hbm>> -> memref<80x128xi32, #tpu.memory_space<hbm>>
      %dma_wait3A_75 = arith.constant 0 : i32
      %dma_wait3A_76 = tpu.memref_slice %arg3[%mul3A_15, %dma_wait3A_75] : memref<1280x128xi32, #tpu.memory_space<hbm>> -> memref<80x128xi32, #tpu.memory_space<hbm>>
      tpu.wait_dma2 semaphore(%run_scoped3A : memref<!tpu.dma_semaphore, #tpu.memory_space<semaphore_mem>>) src(%dma_wait3A_76 : memref<80x128xi32, #tpu.memory_space<hbm>>) dst(%arg10 : memref<80x128xi32, #tpu.memory_space<vmem>>)
      tpu.yield
    }) : () -> ()
    %mul3A_16 = arith.constant 80 : i32
    %mul3A_17 = arith.muli %arg1, %mul3A_16 : i32
    "tpu.region"() ({
      %run_scoped3A = tpu.sem_alloc : memref<!tpu.dma_semaphore, #tpu.memory_space<semaphore_mem>>
      %dma_start3A = arith.constant 0 : i32
      %dma_start3A_71 = tpu.memref_slice %arg4[%mul3A_17, %dma_start3A] : memref<1280x128xf32, #tpu.memory_space<hbm>> -> memref<80x128xf32, #tpu.memory_space<hbm>>
      %dma_start3A_72 = arith.constant 0 : i32
      %dma_start3A_73 = tpu.memref_slice %arg4[%mul3A_17, %dma_start3A_72] : memref<1280x128xf32, #tpu.memory_space<hbm>> -> memref<80x128xf32, #tpu.memory_space<hbm>>
      tpu.enqueue_dma source(%dma_start3A_73 : memref<80x128xf32, #tpu.memory_space<hbm>>) target(%arg11 : memref<80x128xf32, #tpu.memory_space<vmem>>) target_semaphore(%run_scoped3A : memref<!tpu.dma_semaphore, #tpu.memory_space<semaphore_mem>>)
      %dma_wait3A = arith.constant 0 : i32
      %dma_wait3A_74 = tpu.memref_slice %arg4[%mul3A_17, %dma_wait3A] : memref<1280x128xf32, #tpu.memory_space<hbm>> -> memref<80x128xf32, #tpu.memory_space<hbm>>
      %dma_wait3A_75 = arith.constant 0 : i32
      %dma_wait3A_76 = tpu.memref_slice %arg4[%mul3A_17, %dma_wait3A_75] : memref<1280x128xf32, #tpu.memory_space<hbm>> -> memref<80x128xf32, #tpu.memory_space<hbm>>
      tpu.wait_dma2 semaphore(%run_scoped3A : memref<!tpu.dma_semaphore, #tpu.memory_space<semaphore_mem>>) src(%dma_wait3A_76 : memref<80x128xf32, #tpu.memory_space<hbm>>) dst(%arg11 : memref<80x128xf32, #tpu.memory_space<vmem>>)
      tpu.yield
    }) : () -> ()
    %scan3A_18 = arith.constant 0 : i32
    %scan3A_19 = arith.constant 0 : i32
    %scan3A_20 = arith.constant 8 : i32
    %scan3A_21 = arith.addi %scan3A_19, %scan3A_20 : i32
    %scan3A_22 = arith.constant 1 : i32
    scf.for %scan3A_71 = %scan3A_19 to %scan3A_21 step %scan3A_22  : i32 {
      %broadcast_in_dim3A_72 = arith.constant 0 : i32
      %broadcast_in_dim3A_73 = vector.broadcast %broadcast_in_dim3A_72 : i32 to vector<16xi32>
      %mul3A_74 = arith.constant 16 : i32
      %mul3A_75 = arith.muli %scan3A_71, %mul3A_74 : i32
      %swap3A = arith.index_cast %mul3A_75 : i32 to index
      %swap3A_76 = tpu.vector_load %arg18[%swap3A] {strides = array<i32>} : memref<128xi32, #tpu.memory_space<vmem>>, vector<16xi32>,
      tpu.vector_store %arg18[%swap3A], %broadcast_in_dim3A_73 {strides = array<i32>} : memref<128xi32, #tpu.memory_space<vmem>>, vector<16xi32>,
    }
    %scan3A_23 = arith.constant 8 : i32
    %barrier3A = arith.constant 0 : index
    tpu.barrier barrier_id(%barrier3A)
    %scan3A_24 = arith.constant 0 : i32
    %scan3A_25 = arith.constant 0 : i32
    %scan3A_26 = arith.constant 80 : i32
    %scan3A_27 = arith.addi %scan3A_25, %scan3A_26 : i32
    %scan3A_28 = arith.constant 1 : i32
    scf.for %scan3A_71 = %scan3A_25 to %scan3A_27 step %scan3A_28  : i32 {
      %get3A = arith.index_cast %scan3A_71 : i32 to index
      %get3A_72 = arith.constant 0 : index
      %get3A_73 = tpu.vector_load %arg10[%get3A, %get3A_72] {strides = array<i32>} : memref<80x128xi32, #tpu.memory_space<vmem>>, vector<16xi32>,
      %broadcast_in_dim3A_74 = arith.constant 7 : i32
      %broadcast_in_dim3A_75 = vector.broadcast %broadcast_in_dim3A_74 : i32 to vector<16xi32>
      %and3A_76 = arith.andi %get3A_73, %broadcast_in_dim3A_75 : vector<16xi32>
      %mul3A_77 = arith.constant 16 : i32
      %mul3A_78 = vector.broadcast %mul3A_77 : i32 to vector<16xi32>
      %mul3A_79 = arith.muli %and3A_76, %mul3A_78 : vector<16xi32>
      %add3A_80 = arith.constant 0 : i32
      %add3A_81 = vector.broadcast %add3A_80 : i32 to vector<16xi32>
      %add3A_82 = arith.addi %iota3A, %add3A_81 : vector<16xi32>
      %get3A_83 = arith.constant 0 : index
      %get3A_84 = tpu.vector_load %arg18[%get3A_83] {strides = array<i32>} : memref<128xi32, #tpu.memory_space<vmem>>, vector<16xi32>,
      tpu.vector_store_idx %arg8[%add3A_82, %get3A_84], %broadcast_in_dim3A_1 : memref<128x128xf32, #tpu.memory_space<vmem>>[vector<16xi32>, vector<16xi32>], vector<16xf32>,
      %add3A_85 = arith.constant 0 : i32
      %add3A_86 = vector.broadcast %add3A_85 : i32 to vector<16xi32>
      %add3A_87 = arith.addi %iota3A, %add3A_86 : vector<16xi32>
      %get3A_88 = arith.index_cast %scan3A_71 : i32 to index
      %get3A_89 = arith.constant 0 : index
      %get3A_90 = tpu.vector_load %arg11[%get3A_88, %get3A_89] {strides = array<i32>} : memref<80x128xf32, #tpu.memory_space<vmem>>, vector<16xf32>,
      tpu.vector_store_idx %arg8[%add3A_87, %mul3A_79], %get3A_90 : memref<128x128xf32, #tpu.memory_space<vmem>>[vector<16xi32>, vector<16xi32>], vector<16xf32>,
      %swap3A = arith.constant 0 : index
      %swap3A_91 = tpu.vector_load %arg18[%swap3A] {strides = array<i32>} : memref<128xi32, #tpu.memory_space<vmem>>, vector<16xi32>,
      tpu.vector_store %arg18[%swap3A], %mul3A_79 {strides = array<i32>} : memref<128xi32, #tpu.memory_space<vmem>>, vector<16xi32>,
      %broadcast_in_dim3A_92 = arith.constant 3 : i32
      %broadcast_in_dim3A_93 = vector.broadcast %broadcast_in_dim3A_92 : i32 to vector<16xi32>
      %shift_right_logical3A = arith.shrui %get3A_73, %broadcast_in_dim3A_93 : vector<16xi32>
      %swap3A_94 = arith.index_cast %scan3A_71 : i32 to index
      %swap3A_95 = arith.constant 0 : index
      %swap3A_96 = tpu.vector_load %arg10[%swap3A_94, %swap3A_95] {strides = array<i32>} : memref<80x128xi32, #tpu.memory_space<vmem>>, vector<16xi32>,
      tpu.vector_store %arg10[%swap3A_94, %swap3A_95], %shift_right_logical3A {strides = array<i32>} : memref<80x128xi32, #tpu.memory_space<vmem>>, vector<16xi32>,
      %get3A_97 = arith.index_cast %scan3A_71 : i32 to index
      %get3A_98 = arith.constant 16 : index
      %get3A_99 = tpu.vector_load %arg10[%get3A_97, %get3A_98] {strides = array<i32>} : memref<80x128xi32, #tpu.memory_space<vmem>>, vector<16xi32>,
      %broadcast_in_dim3A_100 = arith.constant 7 : i32
      %broadcast_in_dim3A_101 = vector.broadcast %broadcast_in_dim3A_100 : i32 to vector<16xi32>
      %and3A_102 = arith.andi %get3A_99, %broadcast_in_dim3A_101 : vector<16xi32>
      %mul3A_103 = arith.constant 16 : i32
      %mul3A_104 = vector.broadcast %mul3A_103 : i32 to vector<16xi32>
      %mul3A_105 = arith.muli %and3A_102, %mul3A_104 : vector<16xi32>
      %add3A_106 = arith.constant 16 : i32
      %add3A_107 = vector.broadcast %add3A_106 : i32 to vector<16xi32>
      %add3A_108 = arith.addi %iota3A, %add3A_107 : vector<16xi32>
      %get3A_109 = arith.constant 16 : index
      %get3A_110 = tpu.vector_load %arg18[%get3A_109] {strides = array<i32>} : memref<128xi32, #tpu.memory_space<vmem>>, vector<16xi32>,
      tpu.vector_store_idx %arg8[%add3A_108, %get3A_110], %broadcast_in_dim3A_1 : memref<128x128xf32, #tpu.memory_space<vmem>>[vector<16xi32>, vector<16xi32>], vector<16xf32>,
      %add3A_111 = arith.constant 16 : i32
      %add3A_112 = vector.broadcast %add3A_111 : i32 to vector<16xi32>
      %add3A_113 = arith.addi %iota3A, %add3A_112 : vector<16xi32>
      %get3A_114 = arith.index_cast %scan3A_71 : i32 to index
      %get3A_115 = arith.constant 16 : index
      %get3A_116 = tpu.vector_load %arg11[%get3A_114, %get3A_115] {strides = array<i32>} : memref<80x128xf32, #tpu.memory_space<vmem>>, vector<16xf32>,
      tpu.vector_store_idx %arg8[%add3A_113, %mul3A_105], %get3A_116 : memref<128x128xf32, #tpu.memory_space<vmem>>[vector<16xi32>, vector<16xi32>], vector<16xf32>,
      %swap3A_117 = arith.constant 16 : index
      %swap3A_118 = tpu.vector_load %arg18[%swap3A_117] {strides = array<i32>} : memref<128xi32, #tpu.memory_space<vmem>>, vector<16xi32>,
      tpu.vector_store %arg18[%swap3A_117], %mul3A_105 {strides = array<i32>} : memref<128xi32, #tpu.memory_space<vmem>>, vector<16xi32>,
      %broadcast_in_dim3A_119 = arith.constant 3 : i32
      %broadcast_in_dim3A_120 = vector.broadcast %broadcast_in_dim3A_119 : i32 to vector<16xi32>
      %shift_right_logical3A_121 = arith.shrui %get3A_99, %broadcast_in_dim3A_120 : vector<16xi32>
      %swap3A_122 = arith.index_cast %scan3A_71 : i32 to index
      %swap3A_123 = arith.constant 16 : index
      %swap3A_124 = tpu.vector_load %arg10[%swap3A_122, %swap3A_123] {strides = array<i32>} : memref<80x128xi32, #tpu.memory_space<vmem>>, vector<16xi32>,
      tpu.vector_store %arg10[%swap3A_122, %swap3A_123], %shift_right_logical3A_121 {strides = array<i32>} : memref<80x128xi32, #tpu.memory_space<vmem>>, vector<16xi32>,
      %get3A_125 = arith.index_cast %scan3A_71 : i32 to index
      %get3A_126 = arith.constant 32 : index
      %get3A_127 = tpu.vector_load %arg10[%get3A_125, %get3A_126] {strides = array<i32>} : memref<80x128xi32, #tpu.memory_space<vmem>>, vector<16xi32>,
      %broadcast_in_dim3A_128 = arith.constant 7 : i32
      %broadcast_in_dim3A_129 = vector.broadcast %broadcast_in_dim3A_128 : i32 to vector<16xi32>
      %and3A_130 = arith.andi %get3A_127, %broadcast_in_dim3A_129 : vector<16xi32>
      %mul3A_131 = arith.constant 16 : i32
      %mul3A_132 = vector.broadcast %mul3A_131 : i32 to vector<16xi32>
      %mul3A_133 = arith.muli %and3A_130, %mul3A_132 : vector<16xi32>
      %add3A_134 = arith.constant 32 : i32
      %add3A_135 = vector.broadcast %add3A_134 : i32 to vector<16xi32>
      %add3A_136 = arith.addi %iota3A, %add3A_135 : vector<16xi32>
      %get3A_137 = arith.constant 32 : index
      %get3A_138 = tpu.vector_load %arg18[%get3A_137] {strides = array<i32>} : memref<128xi32, #tpu.memory_space<vmem>>, vector<16xi32>,
      tpu.vector_store_idx %arg8[%add3A_136, %get3A_138], %broadcast_in_dim3A_1 : memref<128x128xf32, #tpu.memory_space<vmem>>[vector<16xi32>, vector<16xi32>], vector<16xf32>,
      %add3A_139 = arith.constant 32 : i32
      %add3A_140 = vector.broadcast %add3A_139 : i32 to vector<16xi32>
      %add3A_141 = arith.addi %iota3A, %add3A_140 : vector<16xi32>
      %get3A_142 = arith.index_cast %scan3A_71 : i32 to index
      %get3A_143 = arith.constant 32 : index
      %get3A_144 = tpu.vector_load %arg11[%get3A_142, %get3A_143] {strides = array<i32>} : memref<80x128xf32, #tpu.memory_space<vmem>>, vector<16xf32>,
      tpu.vector_store_idx %arg8[%add3A_141, %mul3A_133], %get3A_144 : memref<128x128xf32, #tpu.memory_space<vmem>>[vector<16xi32>, vector<16xi32>], vector<16xf32>,
      %swap3A_145 = arith.constant 32 : index
      %swap3A_146 = tpu.vector_load %arg18[%swap3A_145] {strides = array<i32>} : memref<128xi32, #tpu.memory_space<vmem>>, vector<16xi32>,
      tpu.vector_store %arg18[%swap3A_145], %mul3A_133 {strides = array<i32>} : memref<128xi32, #tpu.memory_space<vmem>>, vector<16xi32>,
      %broadcast_in_dim3A_147 = arith.constant 3 : i32
      %broadcast_in_dim3A_148 = vector.broadcast %broadcast_in_dim3A_147 : i32 to vector<16xi32>
      %shift_right_logical3A_149 = arith.shrui %get3A_127, %broadcast_in_dim3A_148 : vector<16xi32>
      %swap3A_150 = arith.index_cast %scan3A_71 : i32 to index
      %swap3A_151 = arith.constant 32 : index
      %swap3A_152 = tpu.vector_load %arg10[%swap3A_150, %swap3A_151] {strides = array<i32>} : memref<80x128xi32, #tpu.memory_space<vmem>>, vector<16xi32>,
      tpu.vector_store %arg10[%swap3A_150, %swap3A_151], %shift_right_logical3A_149 {strides = array<i32>} : memref<80x128xi32, #tpu.memory_space<vmem>>, vector<16xi32>,
      %get3A_153 = arith.index_cast %scan3A_71 : i32 to index
      %get3A_154 = arith.constant 48 : index
      %get3A_155 = tpu.vector_load %arg10[%get3A_153, %get3A_154] {strides = array<i32>} : memref<80x128xi32, #tpu.memory_space<vmem>>, vector<16xi32>,
      %broadcast_in_dim3A_156 = arith.constant 7 : i32
      %broadcast_in_dim3A_157 = vector.broadcast %broadcast_in_dim3A_156 : i32 to vector<16xi32>
      %and3A_158 = arith.andi %get3A_155, %broadcast_in_dim3A_157 : vector<16xi32>
      %mul3A_159 = arith.constant 16 : i32
      %mul3A_160 = vector.broadcast %mul3A_159 : i32 to vector<16xi32>
      %mul3A_161 = arith.muli %and3A_158, %mul3A_160 : vector<16xi32>
      %add3A_162 = arith.constant 48 : i32
      %add3A_163 = vector.broadcast %add3A_162 : i32 to vector<16xi32>
      %add3A_164 = arith.addi %iota3A, %add3A_163 : vector<16xi32>
      %get3A_165 = arith.constant 48 : index
      %get3A_166 = tpu.vector_load %arg18[%get3A_165] {strides = array<i32>} : memref<128xi32, #tpu.memory_space<vmem>>, vector<16xi32>,
      tpu.vector_store_idx %arg8[%add3A_164, %get3A_166], %broadcast_in_dim3A_1 : memref<128x128xf32, #tpu.memory_space<vmem>>[vector<16xi32>, vector<16xi32>], vector<16xf32>,
      %add3A_167 = arith.constant 48 : i32
      %add3A_168 = vector.broadcast %add3A_167 : i32 to vector<16xi32>
      %add3A_169 = arith.addi %iota3A, %add3A_168 : vector<16xi32>
      %get3A_170 = arith.index_cast %scan3A_71 : i32 to index
      %get3A_171 = arith.constant 48 : index
      %get3A_172 = tpu.vector_load %arg11[%get3A_170, %get3A_171] {strides = array<i32>} : memref<80x128xf32, #tpu.memory_space<vmem>>, vector<16xf32>,
      tpu.vector_store_idx %arg8[%add3A_169, %mul3A_161], %get3A_172 : memref<128x128xf32, #tpu.memory_space<vmem>>[vector<16xi32>, vector<16xi32>], vector<16xf32>,
      %swap3A_173 = arith.constant 48 : index
      %swap3A_174 = tpu.vector_load %arg18[%swap3A_173] {strides = array<i32>} : memref<128xi32, #tpu.memory_space<vmem>>, vector<16xi32>,
      tpu.vector_store %arg18[%swap3A_173], %mul3A_161 {strides = array<i32>} : memref<128xi32, #tpu.memory_space<vmem>>, vector<16xi32>,
      %broadcast_in_dim3A_175 = arith.constant 3 : i32
      %broadcast_in_dim3A_176 = vector.broadcast %broadcast_in_dim3A_175 : i32 to vector<16xi32>
      %shift_right_logical3A_177 = arith.shrui %get3A_155, %broadcast_in_dim3A_176 : vector<16xi32>
      %swap3A_178 = arith.index_cast %scan3A_71 : i32 to index
      %swap3A_179 = arith.constant 48 : index
      %swap3A_180 = tpu.vector_load %arg10[%swap3A_178, %swap3A_179] {strides = array<i32>} : memref<80x128xi32, #tpu.memory_space<vmem>>, vector<16xi32>,
      tpu.vector_store %arg10[%swap3A_178, %swap3A_179], %shift_right_logical3A_177 {strides = array<i32>} : memref<80x128xi32, #tpu.memory_space<vmem>>, vector<16xi32>,
      %get3A_181 = arith.index_cast %scan3A_71 : i32 to index
      %get3A_182 = arith.constant 64 : index
      %get3A_183 = tpu.vector_load %arg10[%get3A_181, %get3A_182] {strides = array<i32>} : memref<80x128xi32, #tpu.memory_space<vmem>>, vector<16xi32>,
      %broadcast_in_dim3A_184 = arith.constant 7 : i32
      %broadcast_in_dim3A_185 = vector.broadcast %broadcast_in_dim3A_184 : i32 to vector<16xi32>
      %and3A_186 = arith.andi %get3A_183, %broadcast_in_dim3A_185 : vector<16xi32>
      %mul3A_187 = arith.constant 16 : i32
      %mul3A_188 = vector.broadcast %mul3A_187 : i32 to vector<16xi32>
      %mul3A_189 = arith.muli %and3A_186, %mul3A_188 : vector<16xi32>
      %add3A_190 = arith.constant 64 : i32
      %add3A_191 = vector.broadcast %add3A_190 : i32 to vector<16xi32>
      %add3A_192 = arith.addi %iota3A, %add3A_191 : vector<16xi32>
      %get3A_193 = arith.constant 64 : index
      %get3A_194 = tpu.vector_load %arg18[%get3A_193] {strides = array<i32>} : memref<128xi32, #tpu.memory_space<vmem>>, vector<16xi32>,
      tpu.vector_store_idx %arg8[%add3A_192, %get3A_194], %broadcast_in_dim3A_1 : memref<128x128xf32, #tpu.memory_space<vmem>>[vector<16xi32>, vector<16xi32>], vector<16xf32>,
      %add3A_195 = arith.constant 64 : i32
      %add3A_196 = vector.broadcast %add3A_195 : i32 to vector<16xi32>
      %add3A_197 = arith.addi %iota3A, %add3A_196 : vector<16xi32>
      %get3A_198 = arith.index_cast %scan3A_71 : i32 to index
      %get3A_199 = arith.constant 64 : index
      %get3A_200 = tpu.vector_load %arg11[%get3A_198, %get3A_199] {strides = array<i32>} : memref<80x128xf32, #tpu.memory_space<vmem>>, vector<16xf32>,
      tpu.vector_store_idx %arg8[%add3A_197, %mul3A_189], %get3A_200 : memref<128x128xf32, #tpu.memory_space<vmem>>[vector<16xi32>, vector<16xi32>], vector<16xf32>,
      %swap3A_201 = arith.constant 64 : index
      %swap3A_202 = tpu.vector_load %arg18[%swap3A_201] {strides = array<i32>} : memref<128xi32, #tpu.memory_space<vmem>>, vector<16xi32>,
      tpu.vector_store %arg18[%swap3A_201], %mul3A_189 {strides = array<i32>} : memref<128xi32, #tpu.memory_space<vmem>>, vector<16xi32>,
      %broadcast_in_dim3A_203 = arith.constant 3 : i32
      %broadcast_in_dim3A_204 = vector.broadcast %broadcast_in_dim3A_203 : i32 to vector<16xi32>
      %shift_right_logical3A_205 = arith.shrui %get3A_183, %broadcast_in_dim3A_204 : vector<16xi32>
      %swap3A_206 = arith.index_cast %scan3A_71 : i32 to index
      %swap3A_207 = arith.constant 64 : index
      %swap3A_208 = tpu.vector_load %arg10[%swap3A_206, %swap3A_207] {strides = array<i32>} : memref<80x128xi32, #tpu.memory_space<vmem>>, vector<16xi32>,
      tpu.vector_store %arg10[%swap3A_206, %swap3A_207], %shift_right_logical3A_205 {strides = array<i32>} : memref<80x128xi32, #tpu.memory_space<vmem>>, vector<16xi32>,
      %get3A_209 = arith.index_cast %scan3A_71 : i32 to index
      %get3A_210 = arith.constant 80 : index
      %get3A_211 = tpu.vector_load %arg10[%get3A_209, %get3A_210] {strides = array<i32>} : memref<80x128xi32, #tpu.memory_space<vmem>>, vector<16xi32>,
      %broadcast_in_dim3A_212 = arith.constant 7 : i32
      %broadcast_in_dim3A_213 = vector.broadcast %broadcast_in_dim3A_212 : i32 to vector<16xi32>
      %and3A_214 = arith.andi %get3A_211, %broadcast_in_dim3A_213 : vector<16xi32>
      %mul3A_215 = arith.constant 16 : i32
      %mul3A_216 = vector.broadcast %mul3A_215 : i32 to vector<16xi32>
      %mul3A_217 = arith.muli %and3A_214, %mul3A_216 : vector<16xi32>
      %add3A_218 = arith.constant 80 : i32
      %add3A_219 = vector.broadcast %add3A_218 : i32 to vector<16xi32>
      %add3A_220 = arith.addi %iota3A, %add3A_219 : vector<16xi32>
      %get3A_221 = arith.constant 80 : index
      %get3A_222 = tpu.vector_load %arg18[%get3A_221] {strides = array<i32>} : memref<128xi32, #tpu.memory_space<vmem>>, vector<16xi32>,
      tpu.vector_store_idx %arg8[%add3A_220, %get3A_222], %broadcast_in_dim3A_1 : memref<128x128xf32, #tpu.memory_space<vmem>>[vector<16xi32>, vector<16xi32>], vector<16xf32>,
      %add3A_223 = arith.constant 80 : i32
      %add3A_224 = vector.broadcast %add3A_223 : i32 to vector<16xi32>
      %add3A_225 = arith.addi %iota3A, %add3A_224 : vector<16xi32>
      %get3A_226 = arith.index_cast %scan3A_71 : i32 to index
      %get3A_227 = arith.constant 80 : index
      %get3A_228 = tpu.vector_load %arg11[%get3A_226, %get3A_227] {strides = array<i32>} : memref<80x128xf32, #tpu.memory_space<vmem>>, vector<16xf32>,
      tpu.vector_store_idx %arg8[%add3A_225, %mul3A_217], %get3A_228 : memref<128x128xf32, #tpu.memory_space<vmem>>[vector<16xi32>, vector<16xi32>], vector<16xf32>,
      %swap3A_229 = arith.constant 80 : index
      %swap3A_230 = tpu.vector_load %arg18[%swap3A_229] {strides = array<i32>} : memref<128xi32, #tpu.memory_space<vmem>>, vector<16xi32>,
      tpu.vector_store %arg18[%swap3A_229], %mul3A_217 {strides = array<i32>} : memref<128xi32, #tpu.memory_space<vmem>>, vector<16xi32>,
      %broadcast_in_dim3A_231 = arith.constant 3 : i32
      %broadcast_in_dim3A_232 = vector.broadcast %broadcast_in_dim3A_231 : i32 to vector<16xi32>
      %shift_right_logical3A_233 = arith.shrui %get3A_211, %broadcast_in_dim3A_232 : vector<16xi32>
      %swap3A_234 = arith.index_cast %scan3A_71 : i32 to index
      %swap3A_235 = arith.constant 80 : index
      %swap3A_236 = tpu.vector_load %arg10[%swap3A_234, %swap3A_235] {strides = array<i32>} : memref<80x128xi32, #tpu.memory_space<vmem>>, vector<16xi32>,
      tpu.vector_store %arg10[%swap3A_234, %swap3A_235], %shift_right_logical3A_233 {strides = array<i32>} : memref<80x128xi32, #tpu.memory_space<vmem>>, vector<16xi32>,
      %get3A_237 = arith.index_cast %scan3A_71 : i32 to index
      %get3A_238 = arith.constant 96 : index
      %get3A_239 = tpu.vector_load %arg10[%get3A_237, %get3A_238] {strides = array<i32>} : memref<80x128xi32, #tpu.memory_space<vmem>>, vector<16xi32>,
      %broadcast_in_dim3A_240 = arith.constant 7 : i32
      %broadcast_in_dim3A_241 = vector.broadcast %broadcast_in_dim3A_240 : i32 to vector<16xi32>
      %and3A_242 = arith.andi %get3A_239, %broadcast_in_dim3A_241 : vector<16xi32>
      %mul3A_243 = arith.constant 16 : i32
      %mul3A_244 = vector.broadcast %mul3A_243 : i32 to vector<16xi32>
      %mul3A_245 = arith.muli %and3A_242, %mul3A_244 : vector<16xi32>
      %add3A_246 = arith.constant 96 : i32
      %add3A_247 = vector.broadcast %add3A_246 : i32 to vector<16xi32>
      %add3A_248 = arith.addi %iota3A, %add3A_247 : vector<16xi32>
      %get3A_249 = arith.constant 96 : index
      %get3A_250 = tpu.vector_load %arg18[%get3A_249] {strides = array<i32>} : memref<128xi32, #tpu.memory_space<vmem>>, vector<16xi32>,
      tpu.vector_store_idx %arg8[%add3A_248, %get3A_250], %broadcast_in_dim3A_1 : memref<128x128xf32, #tpu.memory_space<vmem>>[vector<16xi32>, vector<16xi32>], vector<16xf32>,
      %add3A_251 = arith.constant 96 : i32
      %add3A_252 = vector.broadcast %add3A_251 : i32 to vector<16xi32>
      %add3A_253 = arith.addi %iota3A, %add3A_252 : vector<16xi32>
      %get3A_254 = arith.index_cast %scan3A_71 : i32 to index
      %get3A_255 = arith.constant 96 : index
      %get3A_256 = tpu.vector_load %arg11[%get3A_254, %get3A_255] {strides = array<i32>} : memref<80x128xf32, #tpu.memory_space<vmem>>, vector<16xf32>,
      tpu.vector_store_idx %arg8[%add3A_253, %mul3A_245], %get3A_256 : memref<128x128xf32, #tpu.memory_space<vmem>>[vector<16xi32>, vector<16xi32>], vector<16xf32>,
      %swap3A_257 = arith.constant 96 : index
      %swap3A_258 = tpu.vector_load %arg18[%swap3A_257] {strides = array<i32>} : memref<128xi32, #tpu.memory_space<vmem>>, vector<16xi32>,
      tpu.vector_store %arg18[%swap3A_257], %mul3A_245 {strides = array<i32>} : memref<128xi32, #tpu.memory_space<vmem>>, vector<16xi32>,
      %broadcast_in_dim3A_259 = arith.constant 3 : i32
      %broadcast_in_dim3A_260 = vector.broadcast %broadcast_in_dim3A_259 : i32 to vector<16xi32>
      %shift_right_logical3A_261 = arith.shrui %get3A_239, %broadcast_in_dim3A_260 : vector<16xi32>
      %swap3A_262 = arith.index_cast %scan3A_71 : i32 to index
      %swap3A_263 = arith.constant 96 : index
      %swap3A_264 = tpu.vector_load %arg10[%swap3A_262, %swap3A_263] {strides = array<i32>} : memref<80x128xi32, #tpu.memory_space<vmem>>, vector<16xi32>,
      tpu.vector_store %arg10[%swap3A_262, %swap3A_263], %shift_right_logical3A_261 {strides = array<i32>} : memref<80x128xi32, #tpu.memory_space<vmem>>, vector<16xi32>,
      %get3A_265 = arith.index_cast %scan3A_71 : i32 to index
      %get3A_266 = arith.constant 112 : index
      %get3A_267 = tpu.vector_load %arg10[%get3A_265, %get3A_266] {strides = array<i32>} : memref<80x128xi32, #tpu.memory_space<vmem>>, vector<16xi32>,
      %broadcast_in_dim3A_268 = arith.constant 7 : i32
      %broadcast_in_dim3A_269 = vector.broadcast %broadcast_in_dim3A_268 : i32 to vector<16xi32>
      %and3A_270 = arith.andi %get3A_267, %broadcast_in_dim3A_269 : vector<16xi32>
      %mul3A_271 = arith.constant 16 : i32
      %mul3A_272 = vector.broadcast %mul3A_271 : i32 to vector<16xi32>
      %mul3A_273 = arith.muli %and3A_270, %mul3A_272 : vector<16xi32>
      %add3A_274 = arith.constant 112 : i32
      %add3A_275 = vector.broadcast %add3A_274 : i32 to vector<16xi32>
      %add3A_276 = arith.addi %iota3A, %add3A_275 : vector<16xi32>
      %get3A_277 = arith.constant 112 : index
      %get3A_278 = tpu.vector_load %arg18[%get3A_277] {strides = array<i32>} : memref<128xi32, #tpu.memory_space<vmem>>, vector<16xi32>,
      tpu.vector_store_idx %arg8[%add3A_276, %get3A_278], %broadcast_in_dim3A_1 : memref<128x128xf32, #tpu.memory_space<vmem>>[vector<16xi32>, vector<16xi32>], vector<16xf32>,
      %add3A_279 = arith.constant 112 : i32
      %add3A_280 = vector.broadcast %add3A_279 : i32 to vector<16xi32>
      %add3A_281 = arith.addi %iota3A, %add3A_280 : vector<16xi32>
      %get3A_282 = arith.index_cast %scan3A_71 : i32 to index
      %get3A_283 = arith.constant 112 : index
      %get3A_284 = tpu.vector_load %arg11[%get3A_282, %get3A_283] {strides = array<i32>} : memref<80x128xf32, #tpu.memory_space<vmem>>, vector<16xf32>,
      tpu.vector_store_idx %arg8[%add3A_281, %mul3A_273], %get3A_284 : memref<128x128xf32, #tpu.memory_space<vmem>>[vector<16xi32>, vector<16xi32>], vector<16xf32>,
      %swap3A_285 = arith.constant 112 : index
      %swap3A_286 = tpu.vector_load %arg18[%swap3A_285] {strides = array<i32>} : memref<128xi32, #tpu.memory_space<vmem>>, vector<16xi32>,
      tpu.vector_store %arg18[%swap3A_285], %mul3A_273 {strides = array<i32>} : memref<128xi32, #tpu.memory_space<vmem>>, vector<16xi32>,
      %broadcast_in_dim3A_287 = arith.constant 3 : i32
      %broadcast_in_dim3A_288 = vector.broadcast %broadcast_in_dim3A_287 : i32 to vector<16xi32>
      %shift_right_logical3A_289 = arith.shrui %get3A_267, %broadcast_in_dim3A_288 : vector<16xi32>
      %swap3A_290 = arith.index_cast %scan3A_71 : i32 to index
      %swap3A_291 = arith.constant 112 : index
      %swap3A_292 = tpu.vector_load %arg10[%swap3A_290, %swap3A_291] {strides = array<i32>} : memref<80x128xi32, #tpu.memory_space<vmem>>, vector<16xi32>,
      tpu.vector_store %arg10[%swap3A_290, %swap3A_291], %shift_right_logical3A_289 {strides = array<i32>} : memref<80x128xi32, #tpu.memory_space<vmem>>, vector<16xi32>,
      "tpu.region"() ({
        %run_scoped3A = tpu.sem_alloc : memref<!tpu.dma_semaphore, #tpu.memory_space<semaphore_mem>>
        %dma_start3A = arith.constant 0 : i32
        %dma_start3A_293 = tpu.memref_slice %arg10[%scan3A_71, %dma_start3A] : memref<80x128xi32, #tpu.memory_space<vmem>> -> memref<1x128xi32, #tpu.memory_space<vmem>>
        %dma_start3A_294 = tpu.memref_squeeze %dma_start3A_293 : memref<1x128xi32, #tpu.memory_space<vmem>> -> memref<128xi32, #tpu.memory_space<vmem>>
        %dma_start3A_295 = arith.constant 0 : i32
        %dma_start3A_296 = arith.constant 0 : i32
        %dma_start3A_297 = tpu.memref_slice %arg7[%dma_start3A_295, %dma_start3A_296] : memref<1280x128xf32, #tpu.memory_space<vmem_shared>> -> memref<1280x128xf32, #tpu.memory_space<vmem_shared>>
        tpu.enqueue_indirect_dma source(%arg8 : memref<128x128xf32, #tpu.memory_space<vmem>>) target(%dma_start3A_297 : memref<1280x128xf32, #tpu.memory_space<vmem_shared>>) offsets(%dma_start3A_294 : memref<128xi32, #tpu.memory_space<vmem>>) semaphore(%run_scoped3A : memref<!tpu.dma_semaphore, #tpu.memory_space<semaphore_mem>>) {add = true}
        %dma_wait3A = arith.constant 0 : i32
        %dma_wait3A_298 = tpu.memref_slice %arg10[%scan3A_71, %dma_wait3A] : memref<80x128xi32, #tpu.memory_space<vmem>> -> memref<1x128xi32, #tpu.memory_space<vmem>>
        %dma_wait3A_299 = tpu.memref_squeeze %dma_wait3A_298 : memref<1x128xi32, #tpu.memory_space<vmem>> -> memref<128xi32, #tpu.memory_space<vmem>>
        %dma_wait3A_300 = arith.constant 0 : i32
        %dma_wait3A_301 = arith.constant 0 : i32
        %dma_wait3A_302 = tpu.memref_slice %arg7[%dma_wait3A_300, %dma_wait3A_301] : memref<1280x128xf32, #tpu.memory_space<vmem_shared>> -> memref<1280x128xf32, #tpu.memory_space<vmem_shared>>
        tpu.wait_indirect_dma semaphore(%run_scoped3A : memref<!tpu.dma_semaphore, #tpu.memory_space<semaphore_mem>>) src(%arg8 : memref<128x128xf32, #tpu.memory_space<vmem>>) dst(%dma_wait3A_302 : memref<1280x128xf32, #tpu.memory_space<vmem_shared>>)
        tpu.yield
      }) : () -> ()
    }
    %scan3A_29 = arith.constant 80 : i32
    %barrier3A_30 = arith.constant 0 : index
    tpu.barrier barrier_id(%barrier3A_30)
    "tpu.region"() ({
      %run_scoped3A = tpu.sem_alloc : memref<!tpu.dma_semaphore, #tpu.memory_space<semaphore_mem>>
      %dma_start3A = arith.constant 0 : i32
      %dma_start3A_71 = arith.constant 0 : i32
      %dma_start3A_72 = tpu.memref_slice %arg7[%dma_start3A, %dma_start3A_71] : memref<1280x128xf32, #tpu.memory_space<vmem_shared>> -> memref<320x128xf32, #tpu.memory_space<vmem_shared>>
      %dma_start3A_73 = arith.constant 0 : i32
      %dma_start3A_74 = arith.constant 0 : i32
      %dma_start3A_75 = tpu.memref_slice %arg7[%dma_start3A_73, %dma_start3A_74] : memref<1280x128xf32, #tpu.memory_space<vmem_shared>> -> memref<320x128xf32, #tpu.memory_space<vmem_shared>>
      tpu.enqueue_dma source(%dma_start3A_75 : memref<320x128xf32, #tpu.memory_space<vmem_shared>>) target(%arg9 : memref<320x128xf32, #tpu.memory_space<vmem>>) target_semaphore(%run_scoped3A : memref<!tpu.dma_semaphore, #tpu.memory_space<semaphore_mem>>)
      %dma_wait3A = arith.constant 0 : i32
      %dma_wait3A_76 = arith.constant 0 : i32
      %dma_wait3A_77 = tpu.memref_slice %arg7[%dma_wait3A, %dma_wait3A_76] : memref<1280x128xf32, #tpu.memory_space<vmem_shared>> -> memref<320x128xf32, #tpu.memory_space<vmem_shared>>
      %dma_wait3A_78 = arith.constant 0 : i32
      %dma_wait3A_79 = arith.constant 0 : i32
      %dma_wait3A_80 = tpu.memref_slice %arg7[%dma_wait3A_78, %dma_wait3A_79] : memref<1280x128xf32, #tpu.memory_space<vmem_shared>> -> memref<320x128xf32, #tpu.memory_space<vmem_shared>>
      tpu.wait_dma2 semaphore(%run_scoped3A : memref<!tpu.dma_semaphore, #tpu.memory_space<semaphore_mem>>) src(%dma_wait3A_80 : memref<320x128xf32, #tpu.memory_space<vmem_shared>>) dst(%arg9 : memref<320x128xf32, #tpu.memory_space<vmem>>)
      tpu.yield
    }) : () -> ()
    %scan3A_31 = arith.constant 0 : i32
    %scan3A_32 = arith.constant 0 : i32
    %scan3A_33 = arith.constant 160 : i32
    %scan3A_34 = arith.addi %scan3A_32, %scan3A_33 : i32
    %scan3A_35 = arith.constant 1 : i32
    scf.for %scan3A_71 = %scan3A_32 to %scan3A_34 step %scan3A_35  : i32 {
      %mul3A_72 = arith.constant 2 : i32
      %mul3A_73 = arith.muli %scan3A_71, %mul3A_72 : i32
      %broadcast_in_dim3A_74 = arith.constant 3 : i32
      %broadcast_in_dim3A_75 = vector.broadcast %broadcast_in_dim3A_74 : i32 to vector<16xi32>
      %shift_right_logical3A = arith.shrui %iota3A, %broadcast_in_dim3A_75 : vector<16xi32>
      %add3A_76 = vector.broadcast %mul3A_73 : i32 to vector<16xi32>
      %add3A_77 = arith.addi %add3A_76, %shift_right_logical3A : vector<16xi32>
      %gather3A = tpu.vector_load_idx %arg9[%add3A_77, %mul3A_6] : memref<320x128xf32, #tpu.memory_space<vmem>>[vector<16xi32>, vector<16xi32>], vector<16xf32>,
      %add3A_78 = arith.constant 1.000000e+00 : f32
      %add3A_79 = vector.broadcast %add3A_78 : f32 to vector<16xf32>
      %add3A_80 = arith.addf %gather3A, %add3A_79 : vector<16xf32>
      %broadcast_in_dim3A_81 = arith.constant 1597463007 : i32
      %broadcast_in_dim3A_82 = vector.broadcast %broadcast_in_dim3A_81 : i32 to vector<16xi32>
      %bitcast_convert_type3A = tpu.bitcast %add3A_80 : vector<16xf32> -> vector<16xi32>
      %broadcast_in_dim3A_83 = arith.constant 1 : i32
      %broadcast_in_dim3A_84 = vector.broadcast %broadcast_in_dim3A_83 : i32 to vector<16xi32>
      %shift_right_logical3A_85 = arith.shrui %bitcast_convert_type3A, %broadcast_in_dim3A_84 : vector<16xi32>
      %sub3A = arith.subi %broadcast_in_dim3A_82, %shift_right_logical3A_85 : vector<16xi32>
      %bitcast_convert_type3A_86 = tpu.bitcast %sub3A : vector<16xi32> -> vector<16xf32>
      %mul3A_87 = arith.constant 5.000000e-01 : f32
      %mul3A_88 = vector.broadcast %mul3A_87 : f32 to vector<16xf32>
      %mul3A_89 = arith.mulf %add3A_80, %mul3A_88 : vector<16xf32>
      %mul3A_90 = arith.mulf %mul3A_89, %bitcast_convert_type3A_86 : vector<16xf32>
      %mul3A_91 = arith.mulf %mul3A_90, %bitcast_convert_type3A_86 : vector<16xf32>
      %sub3A_92 = arith.constant 1.500000e+00 : f32
      %sub3A_93 = vector.broadcast %sub3A_92 : f32 to vector<16xf32>
      %sub3A_94 = arith.subf %sub3A_93, %mul3A_91 : vector<16xf32>
      %mul3A_95 = arith.mulf %bitcast_convert_type3A_86, %sub3A_94 : vector<16xf32>
      %mul3A_96 = arith.mulf %mul3A_89, %mul3A_95 : vector<16xf32>
      %mul3A_97 = arith.mulf %mul3A_96, %mul3A_95 : vector<16xf32>
      %sub3A_98 = arith.constant 1.500000e+00 : f32
      %sub3A_99 = vector.broadcast %sub3A_98 : f32 to vector<16xf32>
      %sub3A_100 = arith.subf %sub3A_99, %mul3A_97 : vector<16xf32>
      %mul3A_101 = arith.mulf %mul3A_95, %sub3A_100 : vector<16xf32>
      %mul3A_102 = arith.mulf %mul3A_89, %mul3A_101 : vector<16xf32>
      %mul3A_103 = arith.mulf %mul3A_102, %mul3A_101 : vector<16xf32>
      %sub3A_104 = arith.constant 1.500000e+00 : f32
      %sub3A_105 = vector.broadcast %sub3A_104 : f32 to vector<16xf32>
      %sub3A_106 = arith.subf %sub3A_105, %mul3A_103 : vector<16xf32>
      %mul3A_107 = arith.mulf %mul3A_101, %sub3A_106 : vector<16xf32>
      %mul3A_108 = arith.constant 16 : i32
      %mul3A_109 = arith.muli %scan3A_71, %mul3A_108 : i32
      %add3A_110 = arith.constant 0 : i32
      %add3A_111 = arith.addi %add3A_110, %mul3A_109 : i32
      %swap3A = arith.index_cast %add3A_111 : i32 to index
      %swap3A_112 = tpu.vector_load %arg15[%swap3A] {strides = array<i32>} : memref<10240xf32, #tpu.memory_space<vmem>>, vector<16xf32>,
      tpu.vector_store %arg15[%swap3A], %mul3A_107 {strides = array<i32>} : memref<10240xf32, #tpu.memory_space<vmem>>, vector<16xf32>,
      %mul3A_113 = arith.mulf %mul3A_107, %mul3A_107 : vector<16xf32>
      %mul3A_114 = arith.constant 16 : i32
      %mul3A_115 = arith.muli %scan3A_71, %mul3A_114 : i32
      %add3A_116 = arith.constant 0 : i32
      %add3A_117 = arith.addi %add3A_116, %mul3A_115 : i32
      %swap3A_118 = arith.index_cast %add3A_117 : i32 to index
      %swap3A_119 = tpu.vector_load %arg16[%swap3A_118] {strides = array<i32>} : memref<10240xf32, #tpu.memory_space<vmem>>, vector<16xf32>,
      tpu.vector_store %arg16[%swap3A_118], %mul3A_113 {strides = array<i32>} : memref<10240xf32, #tpu.memory_space<vmem>>, vector<16xf32>,
    }
    %scan3A_36 = arith.constant 160 : i32
    "tpu.region"() ({
      %run_scoped3A = tpu.sem_alloc : memref<!tpu.dma_semaphore, #tpu.memory_space<semaphore_mem>>
      %dma_start3A = arith.constant 320 : i32
      %dma_start3A_71 = arith.constant 0 : i32
      %dma_start3A_72 = tpu.memref_slice %arg7[%dma_start3A, %dma_start3A_71] : memref<1280x128xf32, #tpu.memory_space<vmem_shared>> -> memref<320x128xf32, #tpu.memory_space<vmem_shared>>
      %dma_start3A_73 = arith.constant 320 : i32
      %dma_start3A_74 = arith.constant 0 : i32
      %dma_start3A_75 = tpu.memref_slice %arg7[%dma_start3A_73, %dma_start3A_74] : memref<1280x128xf32, #tpu.memory_space<vmem_shared>> -> memref<320x128xf32, #tpu.memory_space<vmem_shared>>
      tpu.enqueue_dma source(%dma_start3A_75 : memref<320x128xf32, #tpu.memory_space<vmem_shared>>) target(%arg9 : memref<320x128xf32, #tpu.memory_space<vmem>>) target_semaphore(%run_scoped3A : memref<!tpu.dma_semaphore, #tpu.memory_space<semaphore_mem>>)
      %dma_wait3A = arith.constant 320 : i32
      %dma_wait3A_76 = arith.constant 0 : i32
      %dma_wait3A_77 = tpu.memref_slice %arg7[%dma_wait3A, %dma_wait3A_76] : memref<1280x128xf32, #tpu.memory_space<vmem_shared>> -> memref<320x128xf32, #tpu.memory_space<vmem_shared>>
      %dma_wait3A_78 = arith.constant 320 : i32
      %dma_wait3A_79 = arith.constant 0 : i32
      %dma_wait3A_80 = tpu.memref_slice %arg7[%dma_wait3A_78, %dma_wait3A_79] : memref<1280x128xf32, #tpu.memory_space<vmem_shared>> -> memref<320x128xf32, #tpu.memory_space<vmem_shared>>
      tpu.wait_dma2 semaphore(%run_scoped3A : memref<!tpu.dma_semaphore, #tpu.memory_space<semaphore_mem>>) src(%dma_wait3A_80 : memref<320x128xf32, #tpu.memory_space<vmem_shared>>) dst(%arg9 : memref<320x128xf32, #tpu.memory_space<vmem>>)
      tpu.yield
    }) : () -> ()
    %scan3A_37 = arith.constant 0 : i32
    %scan3A_38 = arith.constant 0 : i32
    %scan3A_39 = arith.constant 160 : i32
    %scan3A_40 = arith.addi %scan3A_38, %scan3A_39 : i32
    %scan3A_41 = arith.constant 1 : i32
    scf.for %scan3A_71 = %scan3A_38 to %scan3A_40 step %scan3A_41  : i32 {
      %mul3A_72 = arith.constant 2 : i32
      %mul3A_73 = arith.muli %scan3A_71, %mul3A_72 : i32
      %broadcast_in_dim3A_74 = arith.constant 3 : i32
      %broadcast_in_dim3A_75 = vector.broadcast %broadcast_in_dim3A_74 : i32 to vector<16xi32>
      %shift_right_logical3A = arith.shrui %iota3A, %broadcast_in_dim3A_75 : vector<16xi32>
      %add3A_76 = vector.broadcast %mul3A_73 : i32 to vector<16xi32>
      %add3A_77 = arith.addi %add3A_76, %shift_right_logical3A : vector<16xi32>
      %gather3A = tpu.vector_load_idx %arg9[%add3A_77, %mul3A_6] : memref<320x128xf32, #tpu.memory_space<vmem>>[vector<16xi32>, vector<16xi32>], vector<16xf32>,
      %add3A_78 = arith.constant 1.000000e+00 : f32
      %add3A_79 = vector.broadcast %add3A_78 : f32 to vector<16xf32>
      %add3A_80 = arith.addf %gather3A, %add3A_79 : vector<16xf32>
      %broadcast_in_dim3A_81 = arith.constant 1597463007 : i32
      %broadcast_in_dim3A_82 = vector.broadcast %broadcast_in_dim3A_81 : i32 to vector<16xi32>
      %bitcast_convert_type3A = tpu.bitcast %add3A_80 : vector<16xf32> -> vector<16xi32>
      %broadcast_in_dim3A_83 = arith.constant 1 : i32
      %broadcast_in_dim3A_84 = vector.broadcast %broadcast_in_dim3A_83 : i32 to vector<16xi32>
      %shift_right_logical3A_85 = arith.shrui %bitcast_convert_type3A, %broadcast_in_dim3A_84 : vector<16xi32>
      %sub3A = arith.subi %broadcast_in_dim3A_82, %shift_right_logical3A_85 : vector<16xi32>
      %bitcast_convert_type3A_86 = tpu.bitcast %sub3A : vector<16xi32> -> vector<16xf32>
      %mul3A_87 = arith.constant 5.000000e-01 : f32
      %mul3A_88 = vector.broadcast %mul3A_87 : f32 to vector<16xf32>
      %mul3A_89 = arith.mulf %add3A_80, %mul3A_88 : vector<16xf32>
      %mul3A_90 = arith.mulf %mul3A_89, %bitcast_convert_type3A_86 : vector<16xf32>
      %mul3A_91 = arith.mulf %mul3A_90, %bitcast_convert_type3A_86 : vector<16xf32>
      %sub3A_92 = arith.constant 1.500000e+00 : f32
      %sub3A_93 = vector.broadcast %sub3A_92 : f32 to vector<16xf32>
      %sub3A_94 = arith.subf %sub3A_93, %mul3A_91 : vector<16xf32>
      %mul3A_95 = arith.mulf %bitcast_convert_type3A_86, %sub3A_94 : vector<16xf32>
      %mul3A_96 = arith.mulf %mul3A_89, %mul3A_95 : vector<16xf32>
      %mul3A_97 = arith.mulf %mul3A_96, %mul3A_95 : vector<16xf32>
      %sub3A_98 = arith.constant 1.500000e+00 : f32
      %sub3A_99 = vector.broadcast %sub3A_98 : f32 to vector<16xf32>
      %sub3A_100 = arith.subf %sub3A_99, %mul3A_97 : vector<16xf32>
      %mul3A_101 = arith.mulf %mul3A_95, %sub3A_100 : vector<16xf32>
      %mul3A_102 = arith.mulf %mul3A_89, %mul3A_101 : vector<16xf32>
      %mul3A_103 = arith.mulf %mul3A_102, %mul3A_101 : vector<16xf32>
      %sub3A_104 = arith.constant 1.500000e+00 : f32
      %sub3A_105 = vector.broadcast %sub3A_104 : f32 to vector<16xf32>
      %sub3A_106 = arith.subf %sub3A_105, %mul3A_103 : vector<16xf32>
      %mul3A_107 = arith.mulf %mul3A_101, %sub3A_106 : vector<16xf32>
      %mul3A_108 = arith.constant 16 : i32
      %mul3A_109 = arith.muli %scan3A_71, %mul3A_108 : i32
      %add3A_110 = arith.constant 2560 : i32
      %add3A_111 = arith.addi %add3A_110, %mul3A_109 : i32
      %swap3A = arith.index_cast %add3A_111 : i32 to index
      %swap3A_112 = tpu.vector_load %arg15[%swap3A] {strides = array<i32>} : memref<10240xf32, #tpu.memory_space<vmem>>, vector<16xf32>,
      tpu.vector_store %arg15[%swap3A], %mul3A_107 {strides = array<i32>} : memref<10240xf32, #tpu.memory_space<vmem>>, vector<16xf32>,
      %mul3A_113 = arith.mulf %mul3A_107, %mul3A_107 : vector<16xf32>
      %mul3A_114 = arith.constant 16 : i32
      %mul3A_115 = arith.muli %scan3A_71, %mul3A_114 : i32
      %add3A_116 = arith.constant 2560 : i32
      %add3A_117 = arith.addi %add3A_116, %mul3A_115 : i32
      %swap3A_118 = arith.index_cast %add3A_117 : i32 to index
      %swap3A_119 = tpu.vector_load %arg16[%swap3A_118] {strides = array<i32>} : memref<10240xf32, #tpu.memory_space<vmem>>, vector<16xf32>,
      tpu.vector_store %arg16[%swap3A_118], %mul3A_113 {strides = array<i32>} : memref<10240xf32, #tpu.memory_space<vmem>>, vector<16xf32>,
    }
    %scan3A_42 = arith.constant 160 : i32
    "tpu.region"() ({
      %run_scoped3A = tpu.sem_alloc : memref<!tpu.dma_semaphore, #tpu.memory_space<semaphore_mem>>
      %dma_start3A = arith.constant 640 : i32
      %dma_start3A_71 = arith.constant 0 : i32
      %dma_start3A_72 = tpu.memref_slice %arg7[%dma_start3A, %dma_start3A_71] : memref<1280x128xf32, #tpu.memory_space<vmem_shared>> -> memref<320x128xf32, #tpu.memory_space<vmem_shared>>
      %dma_start3A_73 = arith.constant 640 : i32
      %dma_start3A_74 = arith.constant 0 : i32
      %dma_start3A_75 = tpu.memref_slice %arg7[%dma_start3A_73, %dma_start3A_74] : memref<1280x128xf32, #tpu.memory_space<vmem_shared>> -> memref<320x128xf32, #tpu.memory_space<vmem_shared>>
      tpu.enqueue_dma source(%dma_start3A_75 : memref<320x128xf32, #tpu.memory_space<vmem_shared>>) target(%arg9 : memref<320x128xf32, #tpu.memory_space<vmem>>) target_semaphore(%run_scoped3A : memref<!tpu.dma_semaphore, #tpu.memory_space<semaphore_mem>>)
      %dma_wait3A = arith.constant 640 : i32
      %dma_wait3A_76 = arith.constant 0 : i32
      %dma_wait3A_77 = tpu.memref_slice %arg7[%dma_wait3A, %dma_wait3A_76] : memref<1280x128xf32, #tpu.memory_space<vmem_shared>> -> memref<320x128xf32, #tpu.memory_space<vmem_shared>>
      %dma_wait3A_78 = arith.constant 640 : i32
      %dma_wait3A_79 = arith.constant 0 : i32
      %dma_wait3A_80 = tpu.memref_slice %arg7[%dma_wait3A_78, %dma_wait3A_79] : memref<1280x128xf32, #tpu.memory_space<vmem_shared>> -> memref<320x128xf32, #tpu.memory_space<vmem_shared>>
      tpu.wait_dma2 semaphore(%run_scoped3A : memref<!tpu.dma_semaphore, #tpu.memory_space<semaphore_mem>>) src(%dma_wait3A_80 : memref<320x128xf32, #tpu.memory_space<vmem_shared>>) dst(%arg9 : memref<320x128xf32, #tpu.memory_space<vmem>>)
      tpu.yield
    }) : () -> ()
    %scan3A_43 = arith.constant 0 : i32
    %scan3A_44 = arith.constant 0 : i32
    %scan3A_45 = arith.constant 160 : i32
    %scan3A_46 = arith.addi %scan3A_44, %scan3A_45 : i32
    %scan3A_47 = arith.constant 1 : i32
    scf.for %scan3A_71 = %scan3A_44 to %scan3A_46 step %scan3A_47  : i32 {
      %mul3A_72 = arith.constant 2 : i32
      %mul3A_73 = arith.muli %scan3A_71, %mul3A_72 : i32
      %broadcast_in_dim3A_74 = arith.constant 3 : i32
      %broadcast_in_dim3A_75 = vector.broadcast %broadcast_in_dim3A_74 : i32 to vector<16xi32>
      %shift_right_logical3A = arith.shrui %iota3A, %broadcast_in_dim3A_75 : vector<16xi32>
      %add3A_76 = vector.broadcast %mul3A_73 : i32 to vector<16xi32>
      %add3A_77 = arith.addi %add3A_76, %shift_right_logical3A : vector<16xi32>
      %gather3A = tpu.vector_load_idx %arg9[%add3A_77, %mul3A_6] : memref<320x128xf32, #tpu.memory_space<vmem>>[vector<16xi32>, vector<16xi32>], vector<16xf32>,
      %add3A_78 = arith.constant 1.000000e+00 : f32
      %add3A_79 = vector.broadcast %add3A_78 : f32 to vector<16xf32>
      %add3A_80 = arith.addf %gather3A, %add3A_79 : vector<16xf32>
      %broadcast_in_dim3A_81 = arith.constant 1597463007 : i32
      %broadcast_in_dim3A_82 = vector.broadcast %broadcast_in_dim3A_81 : i32 to vector<16xi32>
      %bitcast_convert_type3A = tpu.bitcast %add3A_80 : vector<16xf32> -> vector<16xi32>
      %broadcast_in_dim3A_83 = arith.constant 1 : i32
      %broadcast_in_dim3A_84 = vector.broadcast %broadcast_in_dim3A_83 : i32 to vector<16xi32>
      %shift_right_logical3A_85 = arith.shrui %bitcast_convert_type3A, %broadcast_in_dim3A_84 : vector<16xi32>
      %sub3A = arith.subi %broadcast_in_dim3A_82, %shift_right_logical3A_85 : vector<16xi32>
      %bitcast_convert_type3A_86 = tpu.bitcast %sub3A : vector<16xi32> -> vector<16xf32>
      %mul3A_87 = arith.constant 5.000000e-01 : f32
      %mul3A_88 = vector.broadcast %mul3A_87 : f32 to vector<16xf32>
      %mul3A_89 = arith.mulf %add3A_80, %mul3A_88 : vector<16xf32>
      %mul3A_90 = arith.mulf %mul3A_89, %bitcast_convert_type3A_86 : vector<16xf32>
      %mul3A_91 = arith.mulf %mul3A_90, %bitcast_convert_type3A_86 : vector<16xf32>
      %sub3A_92 = arith.constant 1.500000e+00 : f32
      %sub3A_93 = vector.broadcast %sub3A_92 : f32 to vector<16xf32>
      %sub3A_94 = arith.subf %sub3A_93, %mul3A_91 : vector<16xf32>
      %mul3A_95 = arith.mulf %bitcast_convert_type3A_86, %sub3A_94 : vector<16xf32>
      %mul3A_96 = arith.mulf %mul3A_89, %mul3A_95 : vector<16xf32>
      %mul3A_97 = arith.mulf %mul3A_96, %mul3A_95 : vector<16xf32>
      %sub3A_98 = arith.constant 1.500000e+00 : f32
      %sub3A_99 = vector.broadcast %sub3A_98 : f32 to vector<16xf32>
      %sub3A_100 = arith.subf %sub3A_99, %mul3A_97 : vector<16xf32>
      %mul3A_101 = arith.mulf %mul3A_95, %sub3A_100 : vector<16xf32>
      %mul3A_102 = arith.mulf %mul3A_89, %mul3A_101 : vector<16xf32>
      %mul3A_103 = arith.mulf %mul3A_102, %mul3A_101 : vector<16xf32>
      %sub3A_104 = arith.constant 1.500000e+00 : f32
      %sub3A_105 = vector.broadcast %sub3A_104 : f32 to vector<16xf32>
      %sub3A_106 = arith.subf %sub3A_105, %mul3A_103 : vector<16xf32>
      %mul3A_107 = arith.mulf %mul3A_101, %sub3A_106 : vector<16xf32>
      %mul3A_108 = arith.constant 16 : i32
      %mul3A_109 = arith.muli %scan3A_71, %mul3A_108 : i32
      %add3A_110 = arith.constant 5120 : i32
      %add3A_111 = arith.addi %add3A_110, %mul3A_109 : i32
      %swap3A = arith.index_cast %add3A_111 : i32 to index
      %swap3A_112 = tpu.vector_load %arg15[%swap3A] {strides = array<i32>} : memref<10240xf32, #tpu.memory_space<vmem>>, vector<16xf32>,
      tpu.vector_store %arg15[%swap3A], %mul3A_107 {strides = array<i32>} : memref<10240xf32, #tpu.memory_space<vmem>>, vector<16xf32>,
      %mul3A_113 = arith.mulf %mul3A_107, %mul3A_107 : vector<16xf32>
      %mul3A_114 = arith.constant 16 : i32
      %mul3A_115 = arith.muli %scan3A_71, %mul3A_114 : i32
      %add3A_116 = arith.constant 5120 : i32
      %add3A_117 = arith.addi %add3A_116, %mul3A_115 : i32
      %swap3A_118 = arith.index_cast %add3A_117 : i32 to index
      %swap3A_119 = tpu.vector_load %arg16[%swap3A_118] {strides = array<i32>} : memref<10240xf32, #tpu.memory_space<vmem>>, vector<16xf32>,
      tpu.vector_store %arg16[%swap3A_118], %mul3A_113 {strides = array<i32>} : memref<10240xf32, #tpu.memory_space<vmem>>, vector<16xf32>,
    }
    %scan3A_48 = arith.constant 160 : i32
    "tpu.region"() ({
      %run_scoped3A = tpu.sem_alloc : memref<!tpu.dma_semaphore, #tpu.memory_space<semaphore_mem>>
      %dma_start3A = arith.constant 960 : i32
      %dma_start3A_71 = arith.constant 0 : i32
      %dma_start3A_72 = tpu.memref_slice %arg7[%dma_start3A, %dma_start3A_71] : memref<1280x128xf32, #tpu.memory_space<vmem_shared>> -> memref<320x128xf32, #tpu.memory_space<vmem_shared>>
      %dma_start3A_73 = arith.constant 960 : i32
      %dma_start3A_74 = arith.constant 0 : i32
      %dma_start3A_75 = tpu.memref_slice %arg7[%dma_start3A_73, %dma_start3A_74] : memref<1280x128xf32, #tpu.memory_space<vmem_shared>> -> memref<320x128xf32, #tpu.memory_space<vmem_shared>>
      tpu.enqueue_dma source(%dma_start3A_75 : memref<320x128xf32, #tpu.memory_space<vmem_shared>>) target(%arg9 : memref<320x128xf32, #tpu.memory_space<vmem>>) target_semaphore(%run_scoped3A : memref<!tpu.dma_semaphore, #tpu.memory_space<semaphore_mem>>)
      %dma_wait3A = arith.constant 960 : i32
      %dma_wait3A_76 = arith.constant 0 : i32
      %dma_wait3A_77 = tpu.memref_slice %arg7[%dma_wait3A, %dma_wait3A_76] : memref<1280x128xf32, #tpu.memory_space<vmem_shared>> -> memref<320x128xf32, #tpu.memory_space<vmem_shared>>
      %dma_wait3A_78 = arith.constant 960 : i32
      %dma_wait3A_79 = arith.constant 0 : i32
      %dma_wait3A_80 = tpu.memref_slice %arg7[%dma_wait3A_78, %dma_wait3A_79] : memref<1280x128xf32, #tpu.memory_space<vmem_shared>> -> memref<320x128xf32, #tpu.memory_space<vmem_shared>>
      tpu.wait_dma2 semaphore(%run_scoped3A : memref<!tpu.dma_semaphore, #tpu.memory_space<semaphore_mem>>) src(%dma_wait3A_80 : memref<320x128xf32, #tpu.memory_space<vmem_shared>>) dst(%arg9 : memref<320x128xf32, #tpu.memory_space<vmem>>)
      tpu.yield
    }) : () -> ()
    %scan3A_49 = arith.constant 0 : i32
    %scan3A_50 = arith.constant 0 : i32
    %scan3A_51 = arith.constant 160 : i32
    %scan3A_52 = arith.addi %scan3A_50, %scan3A_51 : i32
    %scan3A_53 = arith.constant 1 : i32
    scf.for %scan3A_71 = %scan3A_50 to %scan3A_52 step %scan3A_53  : i32 {
      %mul3A_72 = arith.constant 2 : i32
      %mul3A_73 = arith.muli %scan3A_71, %mul3A_72 : i32
      %broadcast_in_dim3A_74 = arith.constant 3 : i32
      %broadcast_in_dim3A_75 = vector.broadcast %broadcast_in_dim3A_74 : i32 to vector<16xi32>
      %shift_right_logical3A = arith.shrui %iota3A, %broadcast_in_dim3A_75 : vector<16xi32>
      %add3A_76 = vector.broadcast %mul3A_73 : i32 to vector<16xi32>
      %add3A_77 = arith.addi %add3A_76, %shift_right_logical3A : vector<16xi32>
      %gather3A = tpu.vector_load_idx %arg9[%add3A_77, %mul3A_6] : memref<320x128xf32, #tpu.memory_space<vmem>>[vector<16xi32>, vector<16xi32>], vector<16xf32>,
      %add3A_78 = arith.constant 1.000000e+00 : f32
      %add3A_79 = vector.broadcast %add3A_78 : f32 to vector<16xf32>
      %add3A_80 = arith.addf %gather3A, %add3A_79 : vector<16xf32>
      %broadcast_in_dim3A_81 = arith.constant 1597463007 : i32
      %broadcast_in_dim3A_82 = vector.broadcast %broadcast_in_dim3A_81 : i32 to vector<16xi32>
      %bitcast_convert_type3A = tpu.bitcast %add3A_80 : vector<16xf32> -> vector<16xi32>
      %broadcast_in_dim3A_83 = arith.constant 1 : i32
      %broadcast_in_dim3A_84 = vector.broadcast %broadcast_in_dim3A_83 : i32 to vector<16xi32>
      %shift_right_logical3A_85 = arith.shrui %bitcast_convert_type3A, %broadcast_in_dim3A_84 : vector<16xi32>
      %sub3A = arith.subi %broadcast_in_dim3A_82, %shift_right_logical3A_85 : vector<16xi32>
      %bitcast_convert_type3A_86 = tpu.bitcast %sub3A : vector<16xi32> -> vector<16xf32>
      %mul3A_87 = arith.constant 5.000000e-01 : f32
      %mul3A_88 = vector.broadcast %mul3A_87 : f32 to vector<16xf32>
      %mul3A_89 = arith.mulf %add3A_80, %mul3A_88 : vector<16xf32>
      %mul3A_90 = arith.mulf %mul3A_89, %bitcast_convert_type3A_86 : vector<16xf32>
      %mul3A_91 = arith.mulf %mul3A_90, %bitcast_convert_type3A_86 : vector<16xf32>
      %sub3A_92 = arith.constant 1.500000e+00 : f32
      %sub3A_93 = vector.broadcast %sub3A_92 : f32 to vector<16xf32>
      %sub3A_94 = arith.subf %sub3A_93, %mul3A_91 : vector<16xf32>
      %mul3A_95 = arith.mulf %bitcast_convert_type3A_86, %sub3A_94 : vector<16xf32>
      %mul3A_96 = arith.mulf %mul3A_89, %mul3A_95 : vector<16xf32>
      %mul3A_97 = arith.mulf %mul3A_96, %mul3A_95 : vector<16xf32>
      %sub3A_98 = arith.constant 1.500000e+00 : f32
      %sub3A_99 = vector.broadcast %sub3A_98 : f32 to vector<16xf32>
      %sub3A_100 = arith.subf %sub3A_99, %mul3A_97 : vector<16xf32>
      %mul3A_101 = arith.mulf %mul3A_95, %sub3A_100 : vector<16xf32>
      %mul3A_102 = arith.mulf %mul3A_89, %mul3A_101 : vector<16xf32>
      %mul3A_103 = arith.mulf %mul3A_102, %mul3A_101 : vector<16xf32>
      %sub3A_104 = arith.constant 1.500000e+00 : f32
      %sub3A_105 = vector.broadcast %sub3A_104 : f32 to vector<16xf32>
      %sub3A_106 = arith.subf %sub3A_105, %mul3A_103 : vector<16xf32>
      %mul3A_107 = arith.mulf %mul3A_101, %sub3A_106 : vector<16xf32>
      %mul3A_108 = arith.constant 16 : i32
      %mul3A_109 = arith.muli %scan3A_71, %mul3A_108 : i32
      %add3A_110 = arith.constant 7680 : i32
      %add3A_111 = arith.addi %add3A_110, %mul3A_109 : i32
      %swap3A = arith.index_cast %add3A_111 : i32 to index
      %swap3A_112 = tpu.vector_load %arg15[%swap3A] {strides = array<i32>} : memref<10240xf32, #tpu.memory_space<vmem>>, vector<16xf32>,
      tpu.vector_store %arg15[%swap3A], %mul3A_107 {strides = array<i32>} : memref<10240xf32, #tpu.memory_space<vmem>>, vector<16xf32>,
      %mul3A_113 = arith.mulf %mul3A_107, %mul3A_107 : vector<16xf32>
      %mul3A_114 = arith.constant 16 : i32
      %mul3A_115 = arith.muli %scan3A_71, %mul3A_114 : i32
      %add3A_116 = arith.constant 7680 : i32
      %add3A_117 = arith.addi %add3A_116, %mul3A_115 : i32
      %swap3A_118 = arith.index_cast %add3A_117 : i32 to index
      %swap3A_119 = tpu.vector_load %arg16[%swap3A_118] {strides = array<i32>} : memref<10240xf32, #tpu.memory_space<vmem>>, vector<16xf32>,
      tpu.vector_store %arg16[%swap3A_118], %mul3A_113 {strides = array<i32>} : memref<10240xf32, #tpu.memory_space<vmem>>, vector<16xf32>,
    }
    %scan3A_54 = arith.constant 160 : i32
    %eq3A = arith.constant 0 : i32
    %eq3A_55 = arith.cmpi eq, %arg0, %eq3A : i32
    %convert_element_type3A = arith.extui %eq3A_55 : i1 to i32
    %cond3A = arith.constant 0 : i32
    %cond3A_56 = arith.cmpi ne, %convert_element_type3A, %cond3A : i32
    scf.if %cond3A_56 {
      %mul3A_71 = arith.constant 640 : i32
      %mul3A_72 = arith.muli %arg1, %mul3A_71 : i32
      %mul3A_73 = arith.constant 640 : i32
      %mul3A_74 = arith.muli %arg1, %mul3A_73 : i32
      "tpu.region"() ({
        %run_scoped3A = tpu.sem_alloc : memref<!tpu.dma_semaphore, #tpu.memory_space<semaphore_mem>>
        %dma_start3A = tpu.memref_slice %arg16[%mul3A_72] : memref<10240xf32, #tpu.memory_space<vmem>> -> memref<640xf32, #tpu.memory_space<vmem>>
        %dma_start3A_75 = tpu.memref_slice %arg6[%mul3A_74] : memref<10240xf32, #tpu.memory_space<hbm>> -> memref<640xf32, #tpu.memory_space<hbm>>
        %dma_start3A_76 = tpu.memref_slice %arg6[%mul3A_74] : memref<10240xf32, #tpu.memory_space<hbm>> -> memref<640xf32, #tpu.memory_space<hbm>>
        %dma_start3A_77 = tpu.memref_slice %arg16[%mul3A_72] : memref<10240xf32, #tpu.memory_space<vmem>> -> memref<640xf32, #tpu.memory_space<vmem>>
        tpu.enqueue_dma source(%dma_start3A_77 : memref<640xf32, #tpu.memory_space<vmem>>) target(%dma_start3A_76 : memref<640xf32, #tpu.memory_space<hbm>>) target_semaphore(%run_scoped3A : memref<!tpu.dma_semaphore, #tpu.memory_space<semaphore_mem>>)
        %dma_wait3A = tpu.memref_slice %arg16[%mul3A_72] : memref<10240xf32, #tpu.memory_space<vmem>> -> memref<640xf32, #tpu.memory_space<vmem>>
        %dma_wait3A_78 = tpu.memref_slice %arg6[%mul3A_74] : memref<10240xf32, #tpu.memory_space<hbm>> -> memref<640xf32, #tpu.memory_space<hbm>>
        %dma_wait3A_79 = tpu.memref_slice %arg6[%mul3A_74] : memref<10240xf32, #tpu.memory_space<hbm>> -> memref<640xf32, #tpu.memory_space<hbm>>
        %dma_wait3A_80 = tpu.memref_slice %arg16[%mul3A_72] : memref<10240xf32, #tpu.memory_space<vmem>> -> memref<640xf32, #tpu.memory_space<vmem>>
        tpu.wait_dma2 semaphore(%run_scoped3A : memref<!tpu.dma_semaphore, #tpu.memory_space<semaphore_mem>>) src(%dma_wait3A_80 : memref<640xf32, #tpu.memory_space<vmem>>) dst(%dma_wait3A_79 : memref<640xf32, #tpu.memory_space<hbm>>)
        tpu.yield
      }) : () -> ()
    } else {
    }
    %mul3A_57 = arith.constant 40 : i32
    %mul3A_58 = arith.muli %add3A, %mul3A_57 : i32
    "tpu.region"() ({
      %run_scoped3A = tpu.sem_alloc : memref<!tpu.dma_semaphore, #tpu.memory_space<semaphore_mem>>
      %dma_start3A = arith.constant 0 : i32
      %dma_start3A_71 = tpu.memref_slice %arg2[%mul3A_58, %dma_start3A] : memref<1280x128xi32, #tpu.memory_space<hbm>> -> memref<40x128xi32, #tpu.memory_space<hbm>>
      %dma_start3A_72 = arith.constant 0 : i32
      %dma_start3A_73 = tpu.memref_slice %arg2[%mul3A_58, %dma_start3A_72] : memref<1280x128xi32, #tpu.memory_space<hbm>> -> memref<40x128xi32, #tpu.memory_space<hbm>>
      tpu.enqueue_dma source(%dma_start3A_73 : memref<40x128xi32, #tpu.memory_space<hbm>>) target(%arg12 : memref<40x128xi32, #tpu.memory_space<vmem>>) target_semaphore(%run_scoped3A : memref<!tpu.dma_semaphore, #tpu.memory_space<semaphore_mem>>)
      %dma_wait3A = arith.constant 0 : i32
      %dma_wait3A_74 = tpu.memref_slice %arg2[%mul3A_58, %dma_wait3A] : memref<1280x128xi32, #tpu.memory_space<hbm>> -> memref<40x128xi32, #tpu.memory_space<hbm>>
      %dma_wait3A_75 = arith.constant 0 : i32
      %dma_wait3A_76 = tpu.memref_slice %arg2[%mul3A_58, %dma_wait3A_75] : memref<1280x128xi32, #tpu.memory_space<hbm>> -> memref<40x128xi32, #tpu.memory_space<hbm>>
      tpu.wait_dma2 semaphore(%run_scoped3A : memref<!tpu.dma_semaphore, #tpu.memory_space<semaphore_mem>>) src(%dma_wait3A_76 : memref<40x128xi32, #tpu.memory_space<hbm>>) dst(%arg12 : memref<40x128xi32, #tpu.memory_space<vmem>>)
      tpu.yield
    }) : () -> ()
    %mul3A_59 = arith.constant 40 : i32
    %mul3A_60 = arith.muli %add3A, %mul3A_59 : i32
    "tpu.region"() ({
      %run_scoped3A = tpu.sem_alloc : memref<!tpu.dma_semaphore, #tpu.memory_space<semaphore_mem>>
      %dma_start3A = arith.constant 0 : i32
      %dma_start3A_71 = tpu.memref_slice %arg3[%mul3A_60, %dma_start3A] : memref<1280x128xi32, #tpu.memory_space<hbm>> -> memref<40x128xi32, #tpu.memory_space<hbm>>
      %dma_start3A_72 = arith.constant 0 : i32
      %dma_start3A_73 = tpu.memref_slice %arg3[%mul3A_60, %dma_start3A_72] : memref<1280x128xi32, #tpu.memory_space<hbm>> -> memref<40x128xi32, #tpu.memory_space<hbm>>
      tpu.enqueue_dma source(%dma_start3A_73 : memref<40x128xi32, #tpu.memory_space<hbm>>) target(%arg13 : memref<40x128xi32, #tpu.memory_space<vmem>>) target_semaphore(%run_scoped3A : memref<!tpu.dma_semaphore, #tpu.memory_space<semaphore_mem>>)
      %dma_wait3A = arith.constant 0 : i32
      %dma_wait3A_74 = tpu.memref_slice %arg3[%mul3A_60, %dma_wait3A] : memref<1280x128xi32, #tpu.memory_space<hbm>> -> memref<40x128xi32, #tpu.memory_space<hbm>>
      %dma_wait3A_75 = arith.constant 0 : i32
      %dma_wait3A_76 = tpu.memref_slice %arg3[%mul3A_60, %dma_wait3A_75] : memref<1280x128xi32, #tpu.memory_space<hbm>> -> memref<40x128xi32, #tpu.memory_space<hbm>>
      tpu.wait_dma2 semaphore(%run_scoped3A : memref<!tpu.dma_semaphore, #tpu.memory_space<semaphore_mem>>) src(%dma_wait3A_76 : memref<40x128xi32, #tpu.memory_space<hbm>>) dst(%arg13 : memref<40x128xi32, #tpu.memory_space<vmem>>)
      tpu.yield
    }) : () -> ()
    %mul3A_61 = arith.constant 40 : i32
    %mul3A_62 = arith.muli %add3A, %mul3A_61 : i32
    "tpu.region"() ({
      %run_scoped3A = tpu.sem_alloc : memref<!tpu.dma_semaphore, #tpu.memory_space<semaphore_mem>>
      %dma_start3A = arith.constant 0 : i32
      %dma_start3A_71 = tpu.memref_slice %arg4[%mul3A_62, %dma_start3A] : memref<1280x128xf32, #tpu.memory_space<hbm>> -> memref<40x128xf32, #tpu.memory_space<hbm>>
      %dma_start3A_72 = arith.constant 0 : i32
      %dma_start3A_73 = tpu.memref_slice %arg4[%mul3A_62, %dma_start3A_72] : memref<1280x128xf32, #tpu.memory_space<hbm>> -> memref<40x128xf32, #tpu.memory_space<hbm>>
      tpu.enqueue_dma source(%dma_start3A_73 : memref<40x128xf32, #tpu.memory_space<hbm>>) target(%arg14 : memref<40x128xf32, #tpu.memory_space<vmem>>) target_semaphore(%run_scoped3A : memref<!tpu.dma_semaphore, #tpu.memory_space<semaphore_mem>>)
      %dma_wait3A = arith.constant 0 : i32
      %dma_wait3A_74 = tpu.memref_slice %arg4[%mul3A_62, %dma_wait3A] : memref<1280x128xf32, #tpu.memory_space<hbm>> -> memref<40x128xf32, #tpu.memory_space<hbm>>
      %dma_wait3A_75 = arith.constant 0 : i32
      %dma_wait3A_76 = tpu.memref_slice %arg4[%mul3A_62, %dma_wait3A_75] : memref<1280x128xf32, #tpu.memory_space<hbm>> -> memref<40x128xf32, #tpu.memory_space<hbm>>
      tpu.wait_dma2 semaphore(%run_scoped3A : memref<!tpu.dma_semaphore, #tpu.memory_space<semaphore_mem>>) src(%dma_wait3A_76 : memref<40x128xf32, #tpu.memory_space<hbm>>) dst(%arg14 : memref<40x128xf32, #tpu.memory_space<vmem>>)
      tpu.yield
    }) : () -> ()
    %scan3A_63 = arith.constant 0 : i32
    %scan3A_64 = arith.constant 0 : i32
    %scan3A_65 = arith.constant 40 : i32
    %scan3A_66 = arith.addi %scan3A_64, %scan3A_65 : i32
    %scan3A_67 = arith.constant 1 : i32
    scf.for %scan3A_71 = %scan3A_64 to %scan3A_66 step %scan3A_67  : i32 {
      %get3A = arith.index_cast %scan3A_71 : i32 to index
      %get3A_72 = arith.constant 0 : index
      %get3A_73 = tpu.vector_load %arg12[%get3A, %get3A_72] {strides = array<i32>} : memref<40x128xi32, #tpu.memory_space<vmem>>, vector<16xi32>,
      %get3A_74 = arith.index_cast %scan3A_71 : i32 to index
      %get3A_75 = arith.constant 0 : index
      %get3A_76 = tpu.vector_load %arg13[%get3A_74, %get3A_75] {strides = array<i32>} : memref<40x128xi32, #tpu.memory_space<vmem>>, vector<16xi32>,
      %get3A_77 = arith.index_cast %scan3A_71 : i32 to index
      %get3A_78 = arith.constant 0 : index
      %get3A_79 = tpu.vector_load %arg14[%get3A_77, %get3A_78] {strides = array<i32>} : memref<40x128xf32, #tpu.memory_space<vmem>>, vector<16xf32>,
      %gather3A = tpu.vector_load_idx %arg15[%get3A_73] : memref<10240xf32, #tpu.memory_space<vmem>>[vector<16xi32>], vector<16xf32>,
      %gather3A_80 = tpu.vector_load_idx %arg15[%get3A_76] : memref<10240xf32, #tpu.memory_space<vmem>>[vector<16xi32>], vector<16xf32>,
      %mul3A_81 = arith.mulf %gather3A, %get3A_79 : vector<16xf32>
      %mul3A_82 = arith.mulf %mul3A_81, %gather3A_80 : vector<16xf32>
      %swap3A = arith.index_cast %scan3A_71 : i32 to index
      %swap3A_83 = arith.constant 0 : index
      %swap3A_84 = tpu.vector_load %arg17[%swap3A, %swap3A_83] {strides = array<i32>} : memref<40x128xf32, #tpu.memory_space<vmem>>, vector<16xf32>,
      tpu.vector_store %arg17[%swap3A, %swap3A_83], %mul3A_82 {strides = array<i32>} : memref<40x128xf32, #tpu.memory_space<vmem>>, vector<16xf32>,
      %get3A_85 = arith.index_cast %scan3A_71 : i32 to index
      %get3A_86 = arith.constant 16 : index
      %get3A_87 = tpu.vector_load %arg12[%get3A_85, %get3A_86] {strides = array<i32>} : memref<40x128xi32, #tpu.memory_space<vmem>>, vector<16xi32>,
      %get3A_88 = arith.index_cast %scan3A_71 : i32 to index
      %get3A_89 = arith.constant 16 : index
      %get3A_90 = tpu.vector_load %arg13[%get3A_88, %get3A_89] {strides = array<i32>} : memref<40x128xi32, #tpu.memory_space<vmem>>, vector<16xi32>,
      %get3A_91 = arith.index_cast %scan3A_71 : i32 to index
      %get3A_92 = arith.constant 16 : index
      %get3A_93 = tpu.vector_load %arg14[%get3A_91, %get3A_92] {strides = array<i32>} : memref<40x128xf32, #tpu.memory_space<vmem>>, vector<16xf32>,
      %gather3A_94 = tpu.vector_load_idx %arg15[%get3A_87] : memref<10240xf32, #tpu.memory_space<vmem>>[vector<16xi32>], vector<16xf32>,
      %gather3A_95 = tpu.vector_load_idx %arg15[%get3A_90] : memref<10240xf32, #tpu.memory_space<vmem>>[vector<16xi32>], vector<16xf32>,
      %mul3A_96 = arith.mulf %gather3A_94, %get3A_93 : vector<16xf32>
      %mul3A_97 = arith.mulf %mul3A_96, %gather3A_95 : vector<16xf32>
      %swap3A_98 = arith.index_cast %scan3A_71 : i32 to index
      %swap3A_99 = arith.constant 16 : index
      %swap3A_100 = tpu.vector_load %arg17[%swap3A_98, %swap3A_99] {strides = array<i32>} : memref<40x128xf32, #tpu.memory_space<vmem>>, vector<16xf32>,
      tpu.vector_store %arg17[%swap3A_98, %swap3A_99], %mul3A_97 {strides = array<i32>} : memref<40x128xf32, #tpu.memory_space<vmem>>, vector<16xf32>,
      %get3A_101 = arith.index_cast %scan3A_71 : i32 to index
      %get3A_102 = arith.constant 32 : index
      %get3A_103 = tpu.vector_load %arg12[%get3A_101, %get3A_102] {strides = array<i32>} : memref<40x128xi32, #tpu.memory_space<vmem>>, vector<16xi32>,
      %get3A_104 = arith.index_cast %scan3A_71 : i32 to index
      %get3A_105 = arith.constant 32 : index
      %get3A_106 = tpu.vector_load %arg13[%get3A_104, %get3A_105] {strides = array<i32>} : memref<40x128xi32, #tpu.memory_space<vmem>>, vector<16xi32>,
      %get3A_107 = arith.index_cast %scan3A_71 : i32 to index
      %get3A_108 = arith.constant 32 : index
      %get3A_109 = tpu.vector_load %arg14[%get3A_107, %get3A_108] {strides = array<i32>} : memref<40x128xf32, #tpu.memory_space<vmem>>, vector<16xf32>,
      %gather3A_110 = tpu.vector_load_idx %arg15[%get3A_103] : memref<10240xf32, #tpu.memory_space<vmem>>[vector<16xi32>], vector<16xf32>,
      %gather3A_111 = tpu.vector_load_idx %arg15[%get3A_106] : memref<10240xf32, #tpu.memory_space<vmem>>[vector<16xi32>], vector<16xf32>,
      %mul3A_112 = arith.mulf %gather3A_110, %get3A_109 : vector<16xf32>
      %mul3A_113 = arith.mulf %mul3A_112, %gather3A_111 : vector<16xf32>
      %swap3A_114 = arith.index_cast %scan3A_71 : i32 to index
      %swap3A_115 = arith.constant 32 : index
      %swap3A_116 = tpu.vector_load %arg17[%swap3A_114, %swap3A_115] {strides = array<i32>} : memref<40x128xf32, #tpu.memory_space<vmem>>, vector<16xf32>,
      tpu.vector_store %arg17[%swap3A_114, %swap3A_115], %mul3A_113 {strides = array<i32>} : memref<40x128xf32, #tpu.memory_space<vmem>>, vector<16xf32>,
      %get3A_117 = arith.index_cast %scan3A_71 : i32 to index
      %get3A_118 = arith.constant 48 : index
      %get3A_119 = tpu.vector_load %arg12[%get3A_117, %get3A_118] {strides = array<i32>} : memref<40x128xi32, #tpu.memory_space<vmem>>, vector<16xi32>,
      %get3A_120 = arith.index_cast %scan3A_71 : i32 to index
      %get3A_121 = arith.constant 48 : index
      %get3A_122 = tpu.vector_load %arg13[%get3A_120, %get3A_121] {strides = array<i32>} : memref<40x128xi32, #tpu.memory_space<vmem>>, vector<16xi32>,
      %get3A_123 = arith.index_cast %scan3A_71 : i32 to index
      %get3A_124 = arith.constant 48 : index
      %get3A_125 = tpu.vector_load %arg14[%get3A_123, %get3A_124] {strides = array<i32>} : memref<40x128xf32, #tpu.memory_space<vmem>>, vector<16xf32>,
      %gather3A_126 = tpu.vector_load_idx %arg15[%get3A_119] : memref<10240xf32, #tpu.memory_space<vmem>>[vector<16xi32>], vector<16xf32>,
      %gather3A_127 = tpu.vector_load_idx %arg15[%get3A_122] : memref<10240xf32, #tpu.memory_space<vmem>>[vector<16xi32>], vector<16xf32>,
      %mul3A_128 = arith.mulf %gather3A_126, %get3A_125 : vector<16xf32>
      %mul3A_129 = arith.mulf %mul3A_128, %gather3A_127 : vector<16xf32>
      %swap3A_130 = arith.index_cast %scan3A_71 : i32 to index
      %swap3A_131 = arith.constant 48 : index
      %swap3A_132 = tpu.vector_load %arg17[%swap3A_130, %swap3A_131] {strides = array<i32>} : memref<40x128xf32, #tpu.memory_space<vmem>>, vector<16xf32>,
      tpu.vector_store %arg17[%swap3A_130, %swap3A_131], %mul3A_129 {strides = array<i32>} : memref<40x128xf32, #tpu.memory_space<vmem>>, vector<16xf32>,
      %get3A_133 = arith.index_cast %scan3A_71 : i32 to index
      %get3A_134 = arith.constant 64 : index
      %get3A_135 = tpu.vector_load %arg12[%get3A_133, %get3A_134] {strides = array<i32>} : memref<40x128xi32, #tpu.memory_space<vmem>>, vector<16xi32>,
      %get3A_136 = arith.index_cast %scan3A_71 : i32 to index
      %get3A_137 = arith.constant 64 : index
      %get3A_138 = tpu.vector_load %arg13[%get3A_136, %get3A_137] {strides = array<i32>} : memref<40x128xi32, #tpu.memory_space<vmem>>, vector<16xi32>,
      %get3A_139 = arith.index_cast %scan3A_71 : i32 to index
      %get3A_140 = arith.constant 64 : index
      %get3A_141 = tpu.vector_load %arg14[%get3A_139, %get3A_140] {strides = array<i32>} : memref<40x128xf32, #tpu.memory_space<vmem>>, vector<16xf32>,
      %gather3A_142 = tpu.vector_load_idx %arg15[%get3A_135] : memref<10240xf32, #tpu.memory_space<vmem>>[vector<16xi32>], vector<16xf32>,
      %gather3A_143 = tpu.vector_load_idx %arg15[%get3A_138] : memref<10240xf32, #tpu.memory_space<vmem>>[vector<16xi32>], vector<16xf32>,
      %mul3A_144 = arith.mulf %gather3A_142, %get3A_141 : vector<16xf32>
      %mul3A_145 = arith.mulf %mul3A_144, %gather3A_143 : vector<16xf32>
      %swap3A_146 = arith.index_cast %scan3A_71 : i32 to index
      %swap3A_147 = arith.constant 64 : index
      %swap3A_148 = tpu.vector_load %arg17[%swap3A_146, %swap3A_147] {strides = array<i32>} : memref<40x128xf32, #tpu.memory_space<vmem>>, vector<16xf32>,
      tpu.vector_store %arg17[%swap3A_146, %swap3A_147], %mul3A_145 {strides = array<i32>} : memref<40x128xf32, #tpu.memory_space<vmem>>, vector<16xf32>,
      %get3A_149 = arith.index_cast %scan3A_71 : i32 to index
      %get3A_150 = arith.constant 80 : index
      %get3A_151 = tpu.vector_load %arg12[%get3A_149, %get3A_150] {strides = array<i32>} : memref<40x128xi32, #tpu.memory_space<vmem>>, vector<16xi32>,
      %get3A_152 = arith.index_cast %scan3A_71 : i32 to index
      %get3A_153 = arith.constant 80 : index
      %get3A_154 = tpu.vector_load %arg13[%get3A_152, %get3A_153] {strides = array<i32>} : memref<40x128xi32, #tpu.memory_space<vmem>>, vector<16xi32>,
      %get3A_155 = arith.index_cast %scan3A_71 : i32 to index
      %get3A_156 = arith.constant 80 : index
      %get3A_157 = tpu.vector_load %arg14[%get3A_155, %get3A_156] {strides = array<i32>} : memref<40x128xf32, #tpu.memory_space<vmem>>, vector<16xf32>,
      %gather3A_158 = tpu.vector_load_idx %arg15[%get3A_151] : memref<10240xf32, #tpu.memory_space<vmem>>[vector<16xi32>], vector<16xf32>,
      %gather3A_159 = tpu.vector_load_idx %arg15[%get3A_154] : memref<10240xf32, #tpu.memory_space<vmem>>[vector<16xi32>], vector<16xf32>,
      %mul3A_160 = arith.mulf %gather3A_158, %get3A_157 : vector<16xf32>
      %mul3A_161 = arith.mulf %mul3A_160, %gather3A_159 : vector<16xf32>
      %swap3A_162 = arith.index_cast %scan3A_71 : i32 to index
      %swap3A_163 = arith.constant 80 : index
      %swap3A_164 = tpu.vector_load %arg17[%swap3A_162, %swap3A_163] {strides = array<i32>} : memref<40x128xf32, #tpu.memory_space<vmem>>, vector<16xf32>,
      tpu.vector_store %arg17[%swap3A_162, %swap3A_163], %mul3A_161 {strides = array<i32>} : memref<40x128xf32, #tpu.memory_space<vmem>>, vector<16xf32>,
      %get3A_165 = arith.index_cast %scan3A_71 : i32 to index
      %get3A_166 = arith.constant 96 : index
      %get3A_167 = tpu.vector_load %arg12[%get3A_165, %get3A_166] {strides = array<i32>} : memref<40x128xi32, #tpu.memory_space<vmem>>, vector<16xi32>,
      %get3A_168 = arith.index_cast %scan3A_71 : i32 to index
      %get3A_169 = arith.constant 96 : index
      %get3A_170 = tpu.vector_load %arg13[%get3A_168, %get3A_169] {strides = array<i32>} : memref<40x128xi32, #tpu.memory_space<vmem>>, vector<16xi32>,
      %get3A_171 = arith.index_cast %scan3A_71 : i32 to index
      %get3A_172 = arith.constant 96 : index
      %get3A_173 = tpu.vector_load %arg14[%get3A_171, %get3A_172] {strides = array<i32>} : memref<40x128xf32, #tpu.memory_space<vmem>>, vector<16xf32>,
      %gather3A_174 = tpu.vector_load_idx %arg15[%get3A_167] : memref<10240xf32, #tpu.memory_space<vmem>>[vector<16xi32>], vector<16xf32>,
      %gather3A_175 = tpu.vector_load_idx %arg15[%get3A_170] : memref<10240xf32, #tpu.memory_space<vmem>>[vector<16xi32>], vector<16xf32>,
      %mul3A_176 = arith.mulf %gather3A_174, %get3A_173 : vector<16xf32>
      %mul3A_177 = arith.mulf %mul3A_176, %gather3A_175 : vector<16xf32>
      %swap3A_178 = arith.index_cast %scan3A_71 : i32 to index
      %swap3A_179 = arith.constant 96 : index
      %swap3A_180 = tpu.vector_load %arg17[%swap3A_178, %swap3A_179] {strides = array<i32>} : memref<40x128xf32, #tpu.memory_space<vmem>>, vector<16xf32>,
      tpu.vector_store %arg17[%swap3A_178, %swap3A_179], %mul3A_177 {strides = array<i32>} : memref<40x128xf32, #tpu.memory_space<vmem>>, vector<16xf32>,
      %get3A_181 = arith.index_cast %scan3A_71 : i32 to index
      %get3A_182 = arith.constant 112 : index
      %get3A_183 = tpu.vector_load %arg12[%get3A_181, %get3A_182] {strides = array<i32>} : memref<40x128xi32, #tpu.memory_space<vmem>>, vector<16xi32>,
      %get3A_184 = arith.index_cast %scan3A_71 : i32 to index
      %get3A_185 = arith.constant 112 : index
      %get3A_186 = tpu.vector_load %arg13[%get3A_184, %get3A_185] {strides = array<i32>} : memref<40x128xi32, #tpu.memory_space<vmem>>, vector<16xi32>,
      %get3A_187 = arith.index_cast %scan3A_71 : i32 to index
      %get3A_188 = arith.constant 112 : index
      %get3A_189 = tpu.vector_load %arg14[%get3A_187, %get3A_188] {strides = array<i32>} : memref<40x128xf32, #tpu.memory_space<vmem>>, vector<16xf32>,
      %gather3A_190 = tpu.vector_load_idx %arg15[%get3A_183] : memref<10240xf32, #tpu.memory_space<vmem>>[vector<16xi32>], vector<16xf32>,
      %gather3A_191 = tpu.vector_load_idx %arg15[%get3A_186] : memref<10240xf32, #tpu.memory_space<vmem>>[vector<16xi32>], vector<16xf32>,
      %mul3A_192 = arith.mulf %gather3A_190, %get3A_189 : vector<16xf32>
      %mul3A_193 = arith.mulf %mul3A_192, %gather3A_191 : vector<16xf32>
      %swap3A_194 = arith.index_cast %scan3A_71 : i32 to index
      %swap3A_195 = arith.constant 112 : index
      %swap3A_196 = tpu.vector_load %arg17[%swap3A_194, %swap3A_195] {strides = array<i32>} : memref<40x128xf32, #tpu.memory_space<vmem>>, vector<16xf32>,
      tpu.vector_store %arg17[%swap3A_194, %swap3A_195], %mul3A_193 {strides = array<i32>} : memref<40x128xf32, #tpu.memory_space<vmem>>, vector<16xf32>,
    }
    %scan3A_68 = arith.constant 40 : i32
    %mul3A_69 = arith.constant 40 : i32
    %mul3A_70 = arith.muli %add3A, %mul3A_69 : i32
    "tpu.region"() ({
      %run_scoped3A = tpu.sem_alloc : memref<!tpu.dma_semaphore, #tpu.memory_space<semaphore_mem>>
      %dma_start3A = arith.constant 0 : i32
      %dma_start3A_71 = tpu.memref_slice %arg5[%mul3A_70, %dma_start3A] : memref<1280x128xf32, #tpu.memory_space<hbm>> -> memref<40x128xf32, #tpu.memory_space<hbm>>
      %dma_start3A_72 = arith.constant 0 : i32
      %dma_start3A_73 = tpu.memref_slice %arg5[%mul3A_70, %dma_start3A_72] : memref<1280x128xf32, #tpu.memory_space<hbm>> -> memref<40x128xf32, #tpu.memory_space<hbm>>
      tpu.enqueue_dma source(%arg17 : memref<40x128xf32, #tpu.memory_space<vmem>>) target(%dma_start3A_73 : memref<40x128xf32, #tpu.memory_space<hbm>>) target_semaphore(%run_scoped3A : memref<!tpu.dma_semaphore, #tpu.memory_space<semaphore_mem>>)
      %dma_wait3A = arith.constant 0 : i32
      %dma_wait3A_74 = tpu.memref_slice %arg5[%mul3A_70, %dma_wait3A] : memref<1280x128xf32, #tpu.memory_space<hbm>> -> memref<40x128xf32, #tpu.memory_space<hbm>>
      %dma_wait3A_75 = arith.constant 0 : i32
      %dma_wait3A_76 = tpu.memref_slice %arg5[%mul3A_70, %dma_wait3A_75] : memref<1280x128xf32, #tpu.memory_space<hbm>> -> memref<40x128xf32, #tpu.memory_space<hbm>>
      tpu.wait_dma2 semaphore(%run_scoped3A : memref<!tpu.dma_semaphore, #tpu.memory_space<semaphore_mem>>) src(%arg17 : memref<40x128xf32, #tpu.memory_space<vmem>>) dst(%dma_wait3A_76 : memref<40x128xf32, #tpu.memory_space<hbm>>)
      tpu.yield
    }) : () -> ()
    return
  }
}

#map = affine_map<(d0, d1) -> (0, 0)>
module attributes {stable_mosaic.version = 14 : i64} {
  func.func @_agg_body(%arg0: i32, %arg1: i32, %arg2: memref<20480x128xf32, #tpu.memory_space<hbm>>, %arg3: memref<1280x128xi32, #tpu.memory_space<hbm>>, %arg4: memref<1280x128xi32, #tpu.memory_space<hbm>>, %arg5: memref<1280x128xf32, #tpu.memory_space<hbm>>, %arg6: memref<20480x128xf32, #tpu.memory_space<hbm>>, %arg7: memref<10240x128xf32, #tpu.memory_space<vmem_shared>>, %arg8: memref<40x128xi32, #tpu.memory_space<vmem>>, %arg9: memref<40x128xi32, #tpu.memory_space<vmem>>, %arg10: memref<128x128xf32, #tpu.memory_space<vmem>>, %arg11: memref<128x128xf32, #tpu.memory_space<vmem>>, %arg12: memref<128xf32, #tpu.memory_space<vmem>>, %arg13: memref<128xf32, #tpu.memory_space<vmem>>, %arg14: memref<!tpu.dma_semaphore, #tpu.memory_space<semaphore_mem>>, %arg15: memref<!tpu.dma_semaphore, #tpu.memory_space<semaphore_mem>>, %arg16: memref<!tpu.dma_semaphore, #tpu.memory_space<semaphore_mem>>, %arg17: memref<!tpu.dma_semaphore, #tpu.memory_space<semaphore_mem>>) attributes {dimension_semantics = [#tpu.dimension_semantics<core_parallel>, #tpu.dimension_semantics<subcore_parallel>], iteration_bounds = array<i64: 2, 16>, scalar_prefetch = 0 : i64, scratch_operands = 11 : i64, tpu.core_type = #tpu.core_type<sc_vector_subcore>, window_params = [{transform_indices = #map}, {transform_indices = #map}, {transform_indices = #map}, {transform_indices = #map}, {transform_indices = #map}]} {
    %broadcast_in_dim3A = arith.constant 0.000000e+00 : f32
    %broadcast_in_dim3A_0 = vector.broadcast %broadcast_in_dim3A : f32 to vector<16xf32>
    %scan3A = arith.constant 0 : i32
    %scan3A_1 = arith.constant 0 : i32
    %scan3A_2 = arith.constant 128 : i32
    %scan3A_3 = arith.addi %scan3A_1, %scan3A_2 : i32
    %scan3A_4 = arith.constant 1 : i32
    scf.for %scan3A_84 = %scan3A_1 to %scan3A_3 step %scan3A_4  : i32 {
      %swap3A = arith.index_cast %scan3A_84 : i32 to index
      %swap3A_85 = arith.constant 0 : index
      %swap3A_86 = tpu.vector_load %arg10[%swap3A, %swap3A_85] {strides = array<i32>} : memref<128x128xf32, #tpu.memory_space<vmem>>, vector<16xf32>,
      tpu.vector_store %arg10[%swap3A, %swap3A_85], %broadcast_in_dim3A_0 {strides = array<i32>} : memref<128x128xf32, #tpu.memory_space<vmem>>, vector<16xf32>,
      %swap3A_87 = arith.index_cast %scan3A_84 : i32 to index
      %swap3A_88 = arith.constant 16 : index
      %swap3A_89 = tpu.vector_load %arg10[%swap3A_87, %swap3A_88] {strides = array<i32>} : memref<128x128xf32, #tpu.memory_space<vmem>>, vector<16xf32>,
      tpu.vector_store %arg10[%swap3A_87, %swap3A_88], %broadcast_in_dim3A_0 {strides = array<i32>} : memref<128x128xf32, #tpu.memory_space<vmem>>, vector<16xf32>,
      %swap3A_90 = arith.index_cast %scan3A_84 : i32 to index
      %swap3A_91 = arith.constant 32 : index
      %swap3A_92 = tpu.vector_load %arg10[%swap3A_90, %swap3A_91] {strides = array<i32>} : memref<128x128xf32, #tpu.memory_space<vmem>>, vector<16xf32>,
      tpu.vector_store %arg10[%swap3A_90, %swap3A_91], %broadcast_in_dim3A_0 {strides = array<i32>} : memref<128x128xf32, #tpu.memory_space<vmem>>, vector<16xf32>,
      %swap3A_93 = arith.index_cast %scan3A_84 : i32 to index
      %swap3A_94 = arith.constant 48 : index
      %swap3A_95 = tpu.vector_load %arg10[%swap3A_93, %swap3A_94] {strides = array<i32>} : memref<128x128xf32, #tpu.memory_space<vmem>>, vector<16xf32>,
      tpu.vector_store %arg10[%swap3A_93, %swap3A_94], %broadcast_in_dim3A_0 {strides = array<i32>} : memref<128x128xf32, #tpu.memory_space<vmem>>, vector<16xf32>,
      %swap3A_96 = arith.index_cast %scan3A_84 : i32 to index
      %swap3A_97 = arith.constant 64 : index
      %swap3A_98 = tpu.vector_load %arg10[%swap3A_96, %swap3A_97] {strides = array<i32>} : memref<128x128xf32, #tpu.memory_space<vmem>>, vector<16xf32>,
      tpu.vector_store %arg10[%swap3A_96, %swap3A_97], %broadcast_in_dim3A_0 {strides = array<i32>} : memref<128x128xf32, #tpu.memory_space<vmem>>, vector<16xf32>,
      %swap3A_99 = arith.index_cast %scan3A_84 : i32 to index
      %swap3A_100 = arith.constant 80 : index
      %swap3A_101 = tpu.vector_load %arg10[%swap3A_99, %swap3A_100] {strides = array<i32>} : memref<128x128xf32, #tpu.memory_space<vmem>>, vector<16xf32>,
      tpu.vector_store %arg10[%swap3A_99, %swap3A_100], %broadcast_in_dim3A_0 {strides = array<i32>} : memref<128x128xf32, #tpu.memory_space<vmem>>, vector<16xf32>,
      %swap3A_102 = arith.index_cast %scan3A_84 : i32 to index
      %swap3A_103 = arith.constant 96 : index
      %swap3A_104 = tpu.vector_load %arg10[%swap3A_102, %swap3A_103] {strides = array<i32>} : memref<128x128xf32, #tpu.memory_space<vmem>>, vector<16xf32>,
      tpu.vector_store %arg10[%swap3A_102, %swap3A_103], %broadcast_in_dim3A_0 {strides = array<i32>} : memref<128x128xf32, #tpu.memory_space<vmem>>, vector<16xf32>,
      %swap3A_105 = arith.index_cast %scan3A_84 : i32 to index
      %swap3A_106 = arith.constant 112 : index
      %swap3A_107 = tpu.vector_load %arg10[%swap3A_105, %swap3A_106] {strides = array<i32>} : memref<128x128xf32, #tpu.memory_space<vmem>>, vector<16xf32>,
      tpu.vector_store %arg10[%swap3A_105, %swap3A_106], %broadcast_in_dim3A_0 {strides = array<i32>} : memref<128x128xf32, #tpu.memory_space<vmem>>, vector<16xf32>,
    }
    %scan3A_5 = arith.constant 128 : i32
    %mul3A = arith.constant 640 : i32
    %mul3A_6 = arith.muli %arg1, %mul3A : i32
    %add3A = arith.constant 0 : i32
    %add3A_7 = arith.addi %mul3A_6, %add3A : i32
    "tpu.region"() ({
      %run_scoped3A = tpu.sem_alloc : memref<!tpu.dma_semaphore, #tpu.memory_space<semaphore_mem>>
      %dma_start3A_84 = arith.constant 0 : i32
      %dma_start3A_85 = tpu.memref_slice %arg7[%add3A_7, %dma_start3A_84] : memref<10240x128xf32, #tpu.memory_space<vmem_shared>> -> memref<128x128xf32, #tpu.memory_space<vmem_shared>>
      %dma_start3A_86 = arith.constant 0 : i32
      %dma_start3A_87 = tpu.memref_slice %arg7[%add3A_7, %dma_start3A_86] : memref<10240x128xf32, #tpu.memory_space<vmem_shared>> -> memref<128x128xf32, #tpu.memory_space<vmem_shared>>
      tpu.enqueue_dma source(%arg10 : memref<128x128xf32, #tpu.memory_space<vmem>>) target(%dma_start3A_87 : memref<128x128xf32, #tpu.memory_space<vmem_shared>>) target_semaphore(%run_scoped3A : memref<!tpu.dma_semaphore, #tpu.memory_space<semaphore_mem>>)
      %dma_wait3A = arith.constant 0 : i32
      %dma_wait3A_88 = tpu.memref_slice %arg7[%add3A_7, %dma_wait3A] : memref<10240x128xf32, #tpu.memory_space<vmem_shared>> -> memref<128x128xf32, #tpu.memory_space<vmem_shared>>
      %dma_wait3A_89 = arith.constant 0 : i32
      %dma_wait3A_90 = tpu.memref_slice %arg7[%add3A_7, %dma_wait3A_89] : memref<10240x128xf32, #tpu.memory_space<vmem_shared>> -> memref<128x128xf32, #tpu.memory_space<vmem_shared>>
      tpu.wait_dma2 semaphore(%run_scoped3A : memref<!tpu.dma_semaphore, #tpu.memory_space<semaphore_mem>>) src(%arg10 : memref<128x128xf32, #tpu.memory_space<vmem>>) dst(%dma_wait3A_90 : memref<128x128xf32, #tpu.memory_space<vmem_shared>>)
      tpu.yield
    }) : () -> ()
    %mul3A_8 = arith.constant 640 : i32
    %mul3A_9 = arith.muli %arg1, %mul3A_8 : i32
    %add3A_10 = arith.constant 128 : i32
    %add3A_11 = arith.addi %mul3A_9, %add3A_10 : i32
    "tpu.region"() ({
      %run_scoped3A = tpu.sem_alloc : memref<!tpu.dma_semaphore, #tpu.memory_space<semaphore_mem>>
      %dma_start3A_84 = arith.constant 0 : i32
      %dma_start3A_85 = tpu.memref_slice %arg7[%add3A_11, %dma_start3A_84] : memref<10240x128xf32, #tpu.memory_space<vmem_shared>> -> memref<128x128xf32, #tpu.memory_space<vmem_shared>>
      %dma_start3A_86 = arith.constant 0 : i32
      %dma_start3A_87 = tpu.memref_slice %arg7[%add3A_11, %dma_start3A_86] : memref<10240x128xf32, #tpu.memory_space<vmem_shared>> -> memref<128x128xf32, #tpu.memory_space<vmem_shared>>
      tpu.enqueue_dma source(%arg10 : memref<128x128xf32, #tpu.memory_space<vmem>>) target(%dma_start3A_87 : memref<128x128xf32, #tpu.memory_space<vmem_shared>>) target_semaphore(%run_scoped3A : memref<!tpu.dma_semaphore, #tpu.memory_space<semaphore_mem>>)
      %dma_wait3A = arith.constant 0 : i32
      %dma_wait3A_88 = tpu.memref_slice %arg7[%add3A_11, %dma_wait3A] : memref<10240x128xf32, #tpu.memory_space<vmem_shared>> -> memref<128x128xf32, #tpu.memory_space<vmem_shared>>
      %dma_wait3A_89 = arith.constant 0 : i32
      %dma_wait3A_90 = tpu.memref_slice %arg7[%add3A_11, %dma_wait3A_89] : memref<10240x128xf32, #tpu.memory_space<vmem_shared>> -> memref<128x128xf32, #tpu.memory_space<vmem_shared>>
      tpu.wait_dma2 semaphore(%run_scoped3A : memref<!tpu.dma_semaphore, #tpu.memory_space<semaphore_mem>>) src(%arg10 : memref<128x128xf32, #tpu.memory_space<vmem>>) dst(%dma_wait3A_90 : memref<128x128xf32, #tpu.memory_space<vmem_shared>>)
      tpu.yield
    }) : () -> ()
    %mul3A_12 = arith.constant 640 : i32
    %mul3A_13 = arith.muli %arg1, %mul3A_12 : i32
    %add3A_14 = arith.constant 256 : i32
    %add3A_15 = arith.addi %mul3A_13, %add3A_14 : i32
    "tpu.region"() ({
      %run_scoped3A = tpu.sem_alloc : memref<!tpu.dma_semaphore, #tpu.memory_space<semaphore_mem>>
      %dma_start3A_84 = arith.constant 0 : i32
      %dma_start3A_85 = tpu.memref_slice %arg7[%add3A_15, %dma_start3A_84] : memref<10240x128xf32, #tpu.memory_space<vmem_shared>> -> memref<128x128xf32, #tpu.memory_space<vmem_shared>>
      %dma_start3A_86 = arith.constant 0 : i32
      %dma_start3A_87 = tpu.memref_slice %arg7[%add3A_15, %dma_start3A_86] : memref<10240x128xf32, #tpu.memory_space<vmem_shared>> -> memref<128x128xf32, #tpu.memory_space<vmem_shared>>
      tpu.enqueue_dma source(%arg10 : memref<128x128xf32, #tpu.memory_space<vmem>>) target(%dma_start3A_87 : memref<128x128xf32, #tpu.memory_space<vmem_shared>>) target_semaphore(%run_scoped3A : memref<!tpu.dma_semaphore, #tpu.memory_space<semaphore_mem>>)
      %dma_wait3A = arith.constant 0 : i32
      %dma_wait3A_88 = tpu.memref_slice %arg7[%add3A_15, %dma_wait3A] : memref<10240x128xf32, #tpu.memory_space<vmem_shared>> -> memref<128x128xf32, #tpu.memory_space<vmem_shared>>
      %dma_wait3A_89 = arith.constant 0 : i32
      %dma_wait3A_90 = tpu.memref_slice %arg7[%add3A_15, %dma_wait3A_89] : memref<10240x128xf32, #tpu.memory_space<vmem_shared>> -> memref<128x128xf32, #tpu.memory_space<vmem_shared>>
      tpu.wait_dma2 semaphore(%run_scoped3A : memref<!tpu.dma_semaphore, #tpu.memory_space<semaphore_mem>>) src(%arg10 : memref<128x128xf32, #tpu.memory_space<vmem>>) dst(%dma_wait3A_90 : memref<128x128xf32, #tpu.memory_space<vmem_shared>>)
      tpu.yield
    }) : () -> ()
    %mul3A_16 = arith.constant 640 : i32
    %mul3A_17 = arith.muli %arg1, %mul3A_16 : i32
    %add3A_18 = arith.constant 384 : i32
    %add3A_19 = arith.addi %mul3A_17, %add3A_18 : i32
    "tpu.region"() ({
      %run_scoped3A = tpu.sem_alloc : memref<!tpu.dma_semaphore, #tpu.memory_space<semaphore_mem>>
      %dma_start3A_84 = arith.constant 0 : i32
      %dma_start3A_85 = tpu.memref_slice %arg7[%add3A_19, %dma_start3A_84] : memref<10240x128xf32, #tpu.memory_space<vmem_shared>> -> memref<128x128xf32, #tpu.memory_space<vmem_shared>>
      %dma_start3A_86 = arith.constant 0 : i32
      %dma_start3A_87 = tpu.memref_slice %arg7[%add3A_19, %dma_start3A_86] : memref<10240x128xf32, #tpu.memory_space<vmem_shared>> -> memref<128x128xf32, #tpu.memory_space<vmem_shared>>
      tpu.enqueue_dma source(%arg10 : memref<128x128xf32, #tpu.memory_space<vmem>>) target(%dma_start3A_87 : memref<128x128xf32, #tpu.memory_space<vmem_shared>>) target_semaphore(%run_scoped3A : memref<!tpu.dma_semaphore, #tpu.memory_space<semaphore_mem>>)
      %dma_wait3A = arith.constant 0 : i32
      %dma_wait3A_88 = tpu.memref_slice %arg7[%add3A_19, %dma_wait3A] : memref<10240x128xf32, #tpu.memory_space<vmem_shared>> -> memref<128x128xf32, #tpu.memory_space<vmem_shared>>
      %dma_wait3A_89 = arith.constant 0 : i32
      %dma_wait3A_90 = tpu.memref_slice %arg7[%add3A_19, %dma_wait3A_89] : memref<10240x128xf32, #tpu.memory_space<vmem_shared>> -> memref<128x128xf32, #tpu.memory_space<vmem_shared>>
      tpu.wait_dma2 semaphore(%run_scoped3A : memref<!tpu.dma_semaphore, #tpu.memory_space<semaphore_mem>>) src(%arg10 : memref<128x128xf32, #tpu.memory_space<vmem>>) dst(%dma_wait3A_90 : memref<128x128xf32, #tpu.memory_space<vmem_shared>>)
      tpu.yield
    }) : () -> ()
    %mul3A_20 = arith.constant 640 : i32
    %mul3A_21 = arith.muli %arg1, %mul3A_20 : i32
    %add3A_22 = arith.constant 512 : i32
    %add3A_23 = arith.addi %mul3A_21, %add3A_22 : i32
    "tpu.region"() ({
      %run_scoped3A = tpu.sem_alloc : memref<!tpu.dma_semaphore, #tpu.memory_space<semaphore_mem>>
      %dma_start3A_84 = arith.constant 0 : i32
      %dma_start3A_85 = tpu.memref_slice %arg7[%add3A_23, %dma_start3A_84] : memref<10240x128xf32, #tpu.memory_space<vmem_shared>> -> memref<128x128xf32, #tpu.memory_space<vmem_shared>>
      %dma_start3A_86 = arith.constant 0 : i32
      %dma_start3A_87 = tpu.memref_slice %arg7[%add3A_23, %dma_start3A_86] : memref<10240x128xf32, #tpu.memory_space<vmem_shared>> -> memref<128x128xf32, #tpu.memory_space<vmem_shared>>
      tpu.enqueue_dma source(%arg10 : memref<128x128xf32, #tpu.memory_space<vmem>>) target(%dma_start3A_87 : memref<128x128xf32, #tpu.memory_space<vmem_shared>>) target_semaphore(%run_scoped3A : memref<!tpu.dma_semaphore, #tpu.memory_space<semaphore_mem>>)
      %dma_wait3A = arith.constant 0 : i32
      %dma_wait3A_88 = tpu.memref_slice %arg7[%add3A_23, %dma_wait3A] : memref<10240x128xf32, #tpu.memory_space<vmem_shared>> -> memref<128x128xf32, #tpu.memory_space<vmem_shared>>
      %dma_wait3A_89 = arith.constant 0 : i32
      %dma_wait3A_90 = tpu.memref_slice %arg7[%add3A_23, %dma_wait3A_89] : memref<10240x128xf32, #tpu.memory_space<vmem_shared>> -> memref<128x128xf32, #tpu.memory_space<vmem_shared>>
      tpu.wait_dma2 semaphore(%run_scoped3A : memref<!tpu.dma_semaphore, #tpu.memory_space<semaphore_mem>>) src(%arg10 : memref<128x128xf32, #tpu.memory_space<vmem>>) dst(%dma_wait3A_90 : memref<128x128xf32, #tpu.memory_space<vmem_shared>>)
      tpu.yield
    }) : () -> ()
    %barrier3A = arith.constant 0 : index
    tpu.barrier barrier_id(%barrier3A)
    %mul3A_24 = arith.constant 80 : i32
    %mul3A_25 = arith.muli %arg1, %mul3A_24 : i32
    %add3A_26 = arith.constant 0 : i32
    %add3A_27 = arith.addi %mul3A_25, %add3A_26 : i32
    "tpu.region"() ({
      %run_scoped3A = tpu.sem_alloc : memref<!tpu.dma_semaphore, #tpu.memory_space<semaphore_mem>>
      %dma_start3A_84 = arith.constant 0 : i32
      %dma_start3A_85 = tpu.memref_slice %arg3[%add3A_27, %dma_start3A_84] : memref<1280x128xi32, #tpu.memory_space<hbm>> -> memref<40x128xi32, #tpu.memory_space<hbm>>
      %dma_start3A_86 = arith.constant 0 : i32
      %dma_start3A_87 = tpu.memref_slice %arg3[%add3A_27, %dma_start3A_86] : memref<1280x128xi32, #tpu.memory_space<hbm>> -> memref<40x128xi32, #tpu.memory_space<hbm>>
      tpu.enqueue_dma source(%dma_start3A_87 : memref<40x128xi32, #tpu.memory_space<hbm>>) target(%arg8 : memref<40x128xi32, #tpu.memory_space<vmem>>) target_semaphore(%run_scoped3A : memref<!tpu.dma_semaphore, #tpu.memory_space<semaphore_mem>>)
      %dma_wait3A = arith.constant 0 : i32
      %dma_wait3A_88 = tpu.memref_slice %arg3[%add3A_27, %dma_wait3A] : memref<1280x128xi32, #tpu.memory_space<hbm>> -> memref<40x128xi32, #tpu.memory_space<hbm>>
      %dma_wait3A_89 = arith.constant 0 : i32
      %dma_wait3A_90 = tpu.memref_slice %arg3[%add3A_27, %dma_wait3A_89] : memref<1280x128xi32, #tpu.memory_space<hbm>> -> memref<40x128xi32, #tpu.memory_space<hbm>>
      tpu.wait_dma2 semaphore(%run_scoped3A : memref<!tpu.dma_semaphore, #tpu.memory_space<semaphore_mem>>) src(%dma_wait3A_90 : memref<40x128xi32, #tpu.memory_space<hbm>>) dst(%arg8 : memref<40x128xi32, #tpu.memory_space<vmem>>)
      tpu.yield
    }) : () -> ()
    "tpu.region"() ({
      %run_scoped3A = tpu.sem_alloc : memref<!tpu.dma_semaphore, #tpu.memory_space<semaphore_mem>>
      %dma_start3A_84 = arith.constant 0 : i32
      %dma_start3A_85 = tpu.memref_slice %arg4[%add3A_27, %dma_start3A_84] : memref<1280x128xi32, #tpu.memory_space<hbm>> -> memref<40x128xi32, #tpu.memory_space<hbm>>
      %dma_start3A_86 = arith.constant 0 : i32
      %dma_start3A_87 = tpu.memref_slice %arg4[%add3A_27, %dma_start3A_86] : memref<1280x128xi32, #tpu.memory_space<hbm>> -> memref<40x128xi32, #tpu.memory_space<hbm>>
      tpu.enqueue_dma source(%dma_start3A_87 : memref<40x128xi32, #tpu.memory_space<hbm>>) target(%arg9 : memref<40x128xi32, #tpu.memory_space<vmem>>) target_semaphore(%run_scoped3A : memref<!tpu.dma_semaphore, #tpu.memory_space<semaphore_mem>>)
      %dma_wait3A = arith.constant 0 : i32
      %dma_wait3A_88 = tpu.memref_slice %arg4[%add3A_27, %dma_wait3A] : memref<1280x128xi32, #tpu.memory_space<hbm>> -> memref<40x128xi32, #tpu.memory_space<hbm>>
      %dma_wait3A_89 = arith.constant 0 : i32
      %dma_wait3A_90 = tpu.memref_slice %arg4[%add3A_27, %dma_wait3A_89] : memref<1280x128xi32, #tpu.memory_space<hbm>> -> memref<40x128xi32, #tpu.memory_space<hbm>>
      tpu.wait_dma2 semaphore(%run_scoped3A : memref<!tpu.dma_semaphore, #tpu.memory_space<semaphore_mem>>) src(%dma_wait3A_90 : memref<40x128xi32, #tpu.memory_space<hbm>>) dst(%arg9 : memref<40x128xi32, #tpu.memory_space<vmem>>)
      tpu.yield
    }) : () -> ()
    %eq3A = arith.constant 1 : i32
    %eq3A_28 = arith.cmpi eq, %arg0, %eq3A : i32
    %convert_element_type3A = arith.extui %eq3A_28 : i1 to i32
    %cond3A = arith.constant 0 : i32
    %cond3A_29 = arith.cmpi ne, %convert_element_type3A, %cond3A : i32
    scf.if %cond3A_29 {
      %scan3A_84 = arith.constant 0 : i32
      %scan3A_85 = arith.constant 0 : i32
      %scan3A_86 = arith.constant 40 : i32
      %scan3A_87 = arith.addi %scan3A_85, %scan3A_86 : i32
      %scan3A_88 = arith.constant 1 : i32
      scf.for %scan3A_90 = %scan3A_85 to %scan3A_87 step %scan3A_88  : i32 {
        %get3A = arith.index_cast %scan3A_90 : i32 to index
        %get3A_91 = arith.constant 0 : index
        %get3A_92 = tpu.vector_load %arg8[%get3A, %get3A_91] {strides = array<i32>} : memref<40x128xi32, #tpu.memory_space<vmem>>, vector<16xi32>,
        %broadcast_in_dim3A_93 = arith.constant 10240 : i32
        %broadcast_in_dim3A_94 = vector.broadcast %broadcast_in_dim3A_93 : i32 to vector<16xi32>
        %add3A_95 = arith.addi %get3A_92, %broadcast_in_dim3A_94 : vector<16xi32>
        %swap3A = arith.index_cast %scan3A_90 : i32 to index
        %swap3A_96 = arith.constant 0 : index
        %swap3A_97 = tpu.vector_load %arg8[%swap3A, %swap3A_96] {strides = array<i32>} : memref<40x128xi32, #tpu.memory_space<vmem>>, vector<16xi32>,
        tpu.vector_store %arg8[%swap3A, %swap3A_96], %add3A_95 {strides = array<i32>} : memref<40x128xi32, #tpu.memory_space<vmem>>, vector<16xi32>,
        %get3A_98 = arith.index_cast %scan3A_90 : i32 to index
        %get3A_99 = arith.constant 16 : index
        %get3A_100 = tpu.vector_load %arg8[%get3A_98, %get3A_99] {strides = array<i32>} : memref<40x128xi32, #tpu.memory_space<vmem>>, vector<16xi32>,
        %broadcast_in_dim3A_101 = arith.constant 10240 : i32
        %broadcast_in_dim3A_102 = vector.broadcast %broadcast_in_dim3A_101 : i32 to vector<16xi32>
        %add3A_103 = arith.addi %get3A_100, %broadcast_in_dim3A_102 : vector<16xi32>
        %swap3A_104 = arith.index_cast %scan3A_90 : i32 to index
        %swap3A_105 = arith.constant 16 : index
        %swap3A_106 = tpu.vector_load %arg8[%swap3A_104, %swap3A_105] {strides = array<i32>} : memref<40x128xi32, #tpu.memory_space<vmem>>, vector<16xi32>,
        tpu.vector_store %arg8[%swap3A_104, %swap3A_105], %add3A_103 {strides = array<i32>} : memref<40x128xi32, #tpu.memory_space<vmem>>, vector<16xi32>,
        %get3A_107 = arith.index_cast %scan3A_90 : i32 to index
        %get3A_108 = arith.constant 32 : index
        %get3A_109 = tpu.vector_load %arg8[%get3A_107, %get3A_108] {strides = array<i32>} : memref<40x128xi32, #tpu.memory_space<vmem>>, vector<16xi32>,
        %broadcast_in_dim3A_110 = arith.constant 10240 : i32
        %broadcast_in_dim3A_111 = vector.broadcast %broadcast_in_dim3A_110 : i32 to vector<16xi32>
        %add3A_112 = arith.addi %get3A_109, %broadcast_in_dim3A_111 : vector<16xi32>
        %swap3A_113 = arith.index_cast %scan3A_90 : i32 to index
        %swap3A_114 = arith.constant 32 : index
        %swap3A_115 = tpu.vector_load %arg8[%swap3A_113, %swap3A_114] {strides = array<i32>} : memref<40x128xi32, #tpu.memory_space<vmem>>, vector<16xi32>,
        tpu.vector_store %arg8[%swap3A_113, %swap3A_114], %add3A_112 {strides = array<i32>} : memref<40x128xi32, #tpu.memory_space<vmem>>, vector<16xi32>,
        %get3A_116 = arith.index_cast %scan3A_90 : i32 to index
        %get3A_117 = arith.constant 48 : index
        %get3A_118 = tpu.vector_load %arg8[%get3A_116, %get3A_117] {strides = array<i32>} : memref<40x128xi32, #tpu.memory_space<vmem>>, vector<16xi32>,
        %broadcast_in_dim3A_119 = arith.constant 10240 : i32
        %broadcast_in_dim3A_120 = vector.broadcast %broadcast_in_dim3A_119 : i32 to vector<16xi32>
        %add3A_121 = arith.addi %get3A_118, %broadcast_in_dim3A_120 : vector<16xi32>
        %swap3A_122 = arith.index_cast %scan3A_90 : i32 to index
        %swap3A_123 = arith.constant 48 : index
        %swap3A_124 = tpu.vector_load %arg8[%swap3A_122, %swap3A_123] {strides = array<i32>} : memref<40x128xi32, #tpu.memory_space<vmem>>, vector<16xi32>,
        tpu.vector_store %arg8[%swap3A_122, %swap3A_123], %add3A_121 {strides = array<i32>} : memref<40x128xi32, #tpu.memory_space<vmem>>, vector<16xi32>,
        %get3A_125 = arith.index_cast %scan3A_90 : i32 to index
        %get3A_126 = arith.constant 64 : index
        %get3A_127 = tpu.vector_load %arg8[%get3A_125, %get3A_126] {strides = array<i32>} : memref<40x128xi32, #tpu.memory_space<vmem>>, vector<16xi32>,
        %broadcast_in_dim3A_128 = arith.constant 10240 : i32
        %broadcast_in_dim3A_129 = vector.broadcast %broadcast_in_dim3A_128 : i32 to vector<16xi32>
        %add3A_130 = arith.addi %get3A_127, %broadcast_in_dim3A_129 : vector<16xi32>
        %swap3A_131 = arith.index_cast %scan3A_90 : i32 to index
        %swap3A_132 = arith.constant 64 : index
        %swap3A_133 = tpu.vector_load %arg8[%swap3A_131, %swap3A_132] {strides = array<i32>} : memref<40x128xi32, #tpu.memory_space<vmem>>, vector<16xi32>,
        tpu.vector_store %arg8[%swap3A_131, %swap3A_132], %add3A_130 {strides = array<i32>} : memref<40x128xi32, #tpu.memory_space<vmem>>, vector<16xi32>,
        %get3A_134 = arith.index_cast %scan3A_90 : i32 to index
        %get3A_135 = arith.constant 80 : index
        %get3A_136 = tpu.vector_load %arg8[%get3A_134, %get3A_135] {strides = array<i32>} : memref<40x128xi32, #tpu.memory_space<vmem>>, vector<16xi32>,
        %broadcast_in_dim3A_137 = arith.constant 10240 : i32
        %broadcast_in_dim3A_138 = vector.broadcast %broadcast_in_dim3A_137 : i32 to vector<16xi32>
        %add3A_139 = arith.addi %get3A_136, %broadcast_in_dim3A_138 : vector<16xi32>
        %swap3A_140 = arith.index_cast %scan3A_90 : i32 to index
        %swap3A_141 = arith.constant 80 : index
        %swap3A_142 = tpu.vector_load %arg8[%swap3A_140, %swap3A_141] {strides = array<i32>} : memref<40x128xi32, #tpu.memory_space<vmem>>, vector<16xi32>,
        tpu.vector_store %arg8[%swap3A_140, %swap3A_141], %add3A_139 {strides = array<i32>} : memref<40x128xi32, #tpu.memory_space<vmem>>, vector<16xi32>,
        %get3A_143 = arith.index_cast %scan3A_90 : i32 to index
        %get3A_144 = arith.constant 96 : index
        %get3A_145 = tpu.vector_load %arg8[%get3A_143, %get3A_144] {strides = array<i32>} : memref<40x128xi32, #tpu.memory_space<vmem>>, vector<16xi32>,
        %broadcast_in_dim3A_146 = arith.constant 10240 : i32
        %broadcast_in_dim3A_147 = vector.broadcast %broadcast_in_dim3A_146 : i32 to vector<16xi32>
        %add3A_148 = arith.addi %get3A_145, %broadcast_in_dim3A_147 : vector<16xi32>
        %swap3A_149 = arith.index_cast %scan3A_90 : i32 to index
        %swap3A_150 = arith.constant 96 : index
        %swap3A_151 = tpu.vector_load %arg8[%swap3A_149, %swap3A_150] {strides = array<i32>} : memref<40x128xi32, #tpu.memory_space<vmem>>, vector<16xi32>,
        tpu.vector_store %arg8[%swap3A_149, %swap3A_150], %add3A_148 {strides = array<i32>} : memref<40x128xi32, #tpu.memory_space<vmem>>, vector<16xi32>,
        %get3A_152 = arith.index_cast %scan3A_90 : i32 to index
        %get3A_153 = arith.constant 112 : index
        %get3A_154 = tpu.vector_load %arg8[%get3A_152, %get3A_153] {strides = array<i32>} : memref<40x128xi32, #tpu.memory_space<vmem>>, vector<16xi32>,
        %broadcast_in_dim3A_155 = arith.constant 10240 : i32
        %broadcast_in_dim3A_156 = vector.broadcast %broadcast_in_dim3A_155 : i32 to vector<16xi32>
        %add3A_157 = arith.addi %get3A_154, %broadcast_in_dim3A_156 : vector<16xi32>
        %swap3A_158 = arith.index_cast %scan3A_90 : i32 to index
        %swap3A_159 = arith.constant 112 : index
        %swap3A_160 = tpu.vector_load %arg8[%swap3A_158, %swap3A_159] {strides = array<i32>} : memref<40x128xi32, #tpu.memory_space<vmem>>, vector<16xi32>,
        tpu.vector_store %arg8[%swap3A_158, %swap3A_159], %add3A_157 {strides = array<i32>} : memref<40x128xi32, #tpu.memory_space<vmem>>, vector<16xi32>,
      }
      %scan3A_89 = arith.constant 40 : i32
    } else {
    }
    %dma_start3A = arith.constant 0 : i32
    %dma_start3A_30 = arith.constant 0 : i32
    %dma_start3A_31 = tpu.memref_slice %arg8[%dma_start3A, %dma_start3A_30] : memref<40x128xi32, #tpu.memory_space<vmem>> -> memref<1x128xi32, #tpu.memory_space<vmem>>
    %dma_start3A_32 = tpu.memref_squeeze %dma_start3A_31 : memref<1x128xi32, #tpu.memory_space<vmem>> -> memref<128xi32, #tpu.memory_space<vmem>>
    %dma_start3A_33 = arith.constant 0 : i32
    %dma_start3A_34 = arith.constant 0 : i32
    %dma_start3A_35 = tpu.memref_slice %arg2[%dma_start3A_33, %dma_start3A_34] : memref<20480x128xf32, #tpu.memory_space<hbm>> -> memref<20480x128xf32, #tpu.memory_space<hbm>>
    tpu.enqueue_indirect_dma source(%dma_start3A_35 : memref<20480x128xf32, #tpu.memory_space<hbm>>) target(%arg10 : memref<128x128xf32, #tpu.memory_space<vmem>>) offsets(%dma_start3A_32 : memref<128xi32, #tpu.memory_space<vmem>>) semaphore(%arg14 : memref<!tpu.dma_semaphore, #tpu.memory_space<semaphore_mem>>)
    %dma_start3A_36 = arith.constant 0 : i32
    %dma_start3A_37 = tpu.memref_slice %arg5[%add3A_27, %dma_start3A_36] : memref<1280x128xf32, #tpu.memory_space<hbm>> -> memref<1x128xf32, #tpu.memory_space<hbm>>
    %dma_start3A_38 = tpu.memref_squeeze %dma_start3A_37 : memref<1x128xf32, #tpu.memory_space<hbm>> -> memref<128xf32, #tpu.memory_space<hbm>>
    %dma_start3A_39 = arith.constant 0 : i32
    %dma_start3A_40 = tpu.memref_slice %arg5[%add3A_27, %dma_start3A_39] : memref<1280x128xf32, #tpu.memory_space<hbm>> -> memref<1x128xf32, #tpu.memory_space<hbm>>
    %dma_start3A_41 = tpu.memref_squeeze %dma_start3A_40 : memref<1x128xf32, #tpu.memory_space<hbm>> -> memref<128xf32, #tpu.memory_space<hbm>>
    tpu.enqueue_dma source(%dma_start3A_41 : memref<128xf32, #tpu.memory_space<hbm>>) target(%arg12 : memref<128xf32, #tpu.memory_space<vmem>>) target_semaphore(%arg16 : memref<!tpu.dma_semaphore, #tpu.memory_space<semaphore_mem>>)
    %scan3A_42 = arith.constant 0 : i32
    %scan3A_43 = arith.constant 0 : i32
    %scan3A_44 = arith.constant 20 : i32
    %scan3A_45 = arith.addi %scan3A_43, %scan3A_44 : i32
    %scan3A_46 = arith.constant 1 : i32
    scf.for %scan3A_84 = %scan3A_43 to %scan3A_45 step %scan3A_46  : i32 {
      %mul3A_85 = arith.constant 2 : i32
      %mul3A_86 = arith.muli %scan3A_84, %mul3A_85 : i32
      %add3A_87 = arith.constant 1 : i32
      %add3A_88 = arith.addi %mul3A_86, %add3A_87 : i32
      %dma_start3A_89 = arith.constant 0 : i32
      %dma_start3A_90 = tpu.memref_slice %arg8[%add3A_88, %dma_start3A_89] : memref<40x128xi32, #tpu.memory_space<vmem>> -> memref<1x128xi32, #tpu.memory_space<vmem>>
      %dma_start3A_91 = tpu.memref_squeeze %dma_start3A_90 : memref<1x128xi32, #tpu.memory_space<vmem>> -> memref<128xi32, #tpu.memory_space<vmem>>
      %dma_start3A_92 = arith.constant 0 : i32
      %dma_start3A_93 = arith.constant 0 : i32
      %dma_start3A_94 = tpu.memref_slice %arg2[%dma_start3A_92, %dma_start3A_93] : memref<20480x128xf32, #tpu.memory_space<hbm>> -> memref<20480x128xf32, #tpu.memory_space<hbm>>
      tpu.enqueue_indirect_dma source(%dma_start3A_94 : memref<20480x128xf32, #tpu.memory_space<hbm>>) target(%arg11 : memref<128x128xf32, #tpu.memory_space<vmem>>) offsets(%dma_start3A_91 : memref<128xi32, #tpu.memory_space<vmem>>) semaphore(%arg15 : memref<!tpu.dma_semaphore, #tpu.memory_space<semaphore_mem>>)
      %add3A_95 = arith.addi %add3A_27, %add3A_88 : i32
      %dma_start3A_96 = arith.constant 0 : i32
      %dma_start3A_97 = tpu.memref_slice %arg5[%add3A_95, %dma_start3A_96] : memref<1280x128xf32, #tpu.memory_space<hbm>> -> memref<1x128xf32, #tpu.memory_space<hbm>>
      %dma_start3A_98 = tpu.memref_squeeze %dma_start3A_97 : memref<1x128xf32, #tpu.memory_space<hbm>> -> memref<128xf32, #tpu.memory_space<hbm>>
      %dma_start3A_99 = arith.constant 0 : i32
      %dma_start3A_100 = tpu.memref_slice %arg5[%add3A_95, %dma_start3A_99] : memref<1280x128xf32, #tpu.memory_space<hbm>> -> memref<1x128xf32, #tpu.memory_space<hbm>>
      %dma_start3A_101 = tpu.memref_squeeze %dma_start3A_100 : memref<1x128xf32, #tpu.memory_space<hbm>> -> memref<128xf32, #tpu.memory_space<hbm>>
      tpu.enqueue_dma source(%dma_start3A_101 : memref<128xf32, #tpu.memory_space<hbm>>) target(%arg13 : memref<128xf32, #tpu.memory_space<vmem>>) target_semaphore(%arg17 : memref<!tpu.dma_semaphore, #tpu.memory_space<semaphore_mem>>)
      %dma_wait3A = arith.constant 0 : i32
      %dma_wait3A_102 = tpu.memref_slice %arg8[%mul3A_86, %dma_wait3A] : memref<40x128xi32, #tpu.memory_space<vmem>> -> memref<1x128xi32, #tpu.memory_space<vmem>>
      %dma_wait3A_103 = tpu.memref_squeeze %dma_wait3A_102 : memref<1x128xi32, #tpu.memory_space<vmem>> -> memref<128xi32, #tpu.memory_space<vmem>>
      %dma_wait3A_104 = arith.constant 0 : i32
      %dma_wait3A_105 = arith.constant 0 : i32
      %dma_wait3A_106 = tpu.memref_slice %arg2[%dma_wait3A_104, %dma_wait3A_105] : memref<20480x128xf32, #tpu.memory_space<hbm>> -> memref<20480x128xf32, #tpu.memory_space<hbm>>
      tpu.wait_indirect_dma semaphore(%arg14 : memref<!tpu.dma_semaphore, #tpu.memory_space<semaphore_mem>>) src(%dma_wait3A_106 : memref<20480x128xf32, #tpu.memory_space<hbm>>) dst(%arg10 : memref<128x128xf32, #tpu.memory_space<vmem>>)
      %dma_wait3A_107 = arith.constant 0 : i32
      %dma_wait3A_108 = tpu.memref_slice %arg5[%add3A_27, %dma_wait3A_107] : memref<1280x128xf32, #tpu.memory_space<hbm>> -> memref<1x128xf32, #tpu.memory_space<hbm>>
      %dma_wait3A_109 = tpu.memref_squeeze %dma_wait3A_108 : memref<1x128xf32, #tpu.memory_space<hbm>> -> memref<128xf32, #tpu.memory_space<hbm>>
      %dma_wait3A_110 = arith.constant 0 : i32
      %dma_wait3A_111 = tpu.memref_slice %arg5[%add3A_27, %dma_wait3A_110] : memref<1280x128xf32, #tpu.memory_space<hbm>> -> memref<1x128xf32, #tpu.memory_space<hbm>>
      %dma_wait3A_112 = tpu.memref_squeeze %dma_wait3A_111 : memref<1x128xf32, #tpu.memory_space<hbm>> -> memref<128xf32, #tpu.memory_space<hbm>>
      tpu.wait_dma2 semaphore(%arg16 : memref<!tpu.dma_semaphore, #tpu.memory_space<semaphore_mem>>) src(%dma_wait3A_112 : memref<128xf32, #tpu.memory_space<hbm>>) dst(%arg12 : memref<128xf32, #tpu.memory_space<vmem>>)
      %scan3A_113 = arith.constant 0 : i32
      %scan3A_114 = arith.constant 0 : i32
      %scan3A_115 = arith.constant 64 : i32
      %scan3A_116 = arith.addi %scan3A_114, %scan3A_115 : i32
      %scan3A_117 = arith.constant 1 : i32
      scf.for %scan3A_144 = %scan3A_114 to %scan3A_116 step %scan3A_117  : i32 {
        %mul3A_145 = arith.constant 2 : i32
        %mul3A_146 = arith.muli %scan3A_144, %mul3A_145 : i32
        %add3A_147 = arith.constant 0 : i32
        %add3A_148 = arith.addi %mul3A_146, %add3A_147 : i32
        %broadcast_in_dim3A_149 = vector.broadcast %add3A_148 : i32 to vector<16xi32>
        %gather3A = tpu.vector_load_idx %arg12[%broadcast_in_dim3A_149] : memref<128xf32, #tpu.memory_space<vmem>>[vector<16xi32>], vector<16xf32>,
        %get3A = arith.index_cast %add3A_148 : i32 to index
        %get3A_150 = arith.constant 0 : index
        %get3A_151 = tpu.vector_load %arg10[%get3A, %get3A_150] {strides = array<i32>} : memref<128x128xf32, #tpu.memory_space<vmem>>, vector<16xf32>,
        %mul3A_152 = arith.mulf %get3A_151, %gather3A : vector<16xf32>
        %swap3A = arith.index_cast %add3A_148 : i32 to index
        %swap3A_153 = arith.constant 0 : index
        %swap3A_154 = tpu.vector_load %arg10[%swap3A, %swap3A_153] {strides = array<i32>} : memref<128x128xf32, #tpu.memory_space<vmem>>, vector<16xf32>,
        tpu.vector_store %arg10[%swap3A, %swap3A_153], %mul3A_152 {strides = array<i32>} : memref<128x128xf32, #tpu.memory_space<vmem>>, vector<16xf32>,
        %get3A_155 = arith.index_cast %add3A_148 : i32 to index
        %get3A_156 = arith.constant 16 : index
        %get3A_157 = tpu.vector_load %arg10[%get3A_155, %get3A_156] {strides = array<i32>} : memref<128x128xf32, #tpu.memory_space<vmem>>, vector<16xf32>,
        %mul3A_158 = arith.mulf %get3A_157, %gather3A : vector<16xf32>
        %swap3A_159 = arith.index_cast %add3A_148 : i32 to index
        %swap3A_160 = arith.constant 16 : index
        %swap3A_161 = tpu.vector_load %arg10[%swap3A_159, %swap3A_160] {strides = array<i32>} : memref<128x128xf32, #tpu.memory_space<vmem>>, vector<16xf32>,
        tpu.vector_store %arg10[%swap3A_159, %swap3A_160], %mul3A_158 {strides = array<i32>} : memref<128x128xf32, #tpu.memory_space<vmem>>, vector<16xf32>,
        %get3A_162 = arith.index_cast %add3A_148 : i32 to index
        %get3A_163 = arith.constant 32 : index
        %get3A_164 = tpu.vector_load %arg10[%get3A_162, %get3A_163] {strides = array<i32>} : memref<128x128xf32, #tpu.memory_space<vmem>>, vector<16xf32>,
        %mul3A_165 = arith.mulf %get3A_164, %gather3A : vector<16xf32>
        %swap3A_166 = arith.index_cast %add3A_148 : i32 to index
        %swap3A_167 = arith.constant 32 : index
        %swap3A_168 = tpu.vector_load %arg10[%swap3A_166, %swap3A_167] {strides = array<i32>} : memref<128x128xf32, #tpu.memory_space<vmem>>, vector<16xf32>,
        tpu.vector_store %arg10[%swap3A_166, %swap3A_167], %mul3A_165 {strides = array<i32>} : memref<128x128xf32, #tpu.memory_space<vmem>>, vector<16xf32>,
        %get3A_169 = arith.index_cast %add3A_148 : i32 to index
        %get3A_170 = arith.constant 48 : index
        %get3A_171 = tpu.vector_load %arg10[%get3A_169, %get3A_170] {strides = array<i32>} : memref<128x128xf32, #tpu.memory_space<vmem>>, vector<16xf32>,
        %mul3A_172 = arith.mulf %get3A_171, %gather3A : vector<16xf32>
        %swap3A_173 = arith.index_cast %add3A_148 : i32 to index
        %swap3A_174 = arith.constant 48 : index
        %swap3A_175 = tpu.vector_load %arg10[%swap3A_173, %swap3A_174] {strides = array<i32>} : memref<128x128xf32, #tpu.memory_space<vmem>>, vector<16xf32>,
        tpu.vector_store %arg10[%swap3A_173, %swap3A_174], %mul3A_172 {strides = array<i32>} : memref<128x128xf32, #tpu.memory_space<vmem>>, vector<16xf32>,
        %get3A_176 = arith.index_cast %add3A_148 : i32 to index
        %get3A_177 = arith.constant 64 : index
        %get3A_178 = tpu.vector_load %arg10[%get3A_176, %get3A_177] {strides = array<i32>} : memref<128x128xf32, #tpu.memory_space<vmem>>, vector<16xf32>,
        %mul3A_179 = arith.mulf %get3A_178, %gather3A : vector<16xf32>
        %swap3A_180 = arith.index_cast %add3A_148 : i32 to index
        %swap3A_181 = arith.constant 64 : index
        %swap3A_182 = tpu.vector_load %arg10[%swap3A_180, %swap3A_181] {strides = array<i32>} : memref<128x128xf32, #tpu.memory_space<vmem>>, vector<16xf32>,
        tpu.vector_store %arg10[%swap3A_180, %swap3A_181], %mul3A_179 {strides = array<i32>} : memref<128x128xf32, #tpu.memory_space<vmem>>, vector<16xf32>,
        %get3A_183 = arith.index_cast %add3A_148 : i32 to index
        %get3A_184 = arith.constant 80 : index
        %get3A_185 = tpu.vector_load %arg10[%get3A_183, %get3A_184] {strides = array<i32>} : memref<128x128xf32, #tpu.memory_space<vmem>>, vector<16xf32>,
        %mul3A_186 = arith.mulf %get3A_185, %gather3A : vector<16xf32>
        %swap3A_187 = arith.index_cast %add3A_148 : i32 to index
        %swap3A_188 = arith.constant 80 : index
        %swap3A_189 = tpu.vector_load %arg10[%swap3A_187, %swap3A_188] {strides = array<i32>} : memref<128x128xf32, #tpu.memory_space<vmem>>, vector<16xf32>,
        tpu.vector_store %arg10[%swap3A_187, %swap3A_188], %mul3A_186 {strides = array<i32>} : memref<128x128xf32, #tpu.memory_space<vmem>>, vector<16xf32>,
        %get3A_190 = arith.index_cast %add3A_148 : i32 to index
        %get3A_191 = arith.constant 96 : index
        %get3A_192 = tpu.vector_load %arg10[%get3A_190, %get3A_191] {strides = array<i32>} : memref<128x128xf32, #tpu.memory_space<vmem>>, vector<16xf32>,
        %mul3A_193 = arith.mulf %get3A_192, %gather3A : vector<16xf32>
        %swap3A_194 = arith.index_cast %add3A_148 : i32 to index
        %swap3A_195 = arith.constant 96 : index
        %swap3A_196 = tpu.vector_load %arg10[%swap3A_194, %swap3A_195] {strides = array<i32>} : memref<128x128xf32, #tpu.memory_space<vmem>>, vector<16xf32>,
        tpu.vector_store %arg10[%swap3A_194, %swap3A_195], %mul3A_193 {strides = array<i32>} : memref<128x128xf32, #tpu.memory_space<vmem>>, vector<16xf32>,
        %get3A_197 = arith.index_cast %add3A_148 : i32 to index
        %get3A_198 = arith.constant 112 : index
        %get3A_199 = tpu.vector_load %arg10[%get3A_197, %get3A_198] {strides = array<i32>} : memref<128x128xf32, #tpu.memory_space<vmem>>, vector<16xf32>,
        %mul3A_200 = arith.mulf %get3A_199, %gather3A : vector<16xf32>
        %swap3A_201 = arith.index_cast %add3A_148 : i32 to index
        %swap3A_202 = arith.constant 112 : index
        %swap3A_203 = tpu.vector_load %arg10[%swap3A_201, %swap3A_202] {strides = array<i32>} : memref<128x128xf32, #tpu.memory_space<vmem>>, vector<16xf32>,
        tpu.vector_store %arg10[%swap3A_201, %swap3A_202], %mul3A_200 {strides = array<i32>} : memref<128x128xf32, #tpu.memory_space<vmem>>, vector<16xf32>,
        %mul3A_204 = arith.constant 2 : i32
        %mul3A_205 = arith.muli %scan3A_144, %mul3A_204 : i32
        %add3A_206 = arith.constant 1 : i32
        %add3A_207 = arith.addi %mul3A_205, %add3A_206 : i32
        %broadcast_in_dim3A_208 = vector.broadcast %add3A_207 : i32 to vector<16xi32>
        %gather3A_209 = tpu.vector_load_idx %arg12[%broadcast_in_dim3A_208] : memref<128xf32, #tpu.memory_space<vmem>>[vector<16xi32>], vector<16xf32>,
        %get3A_210 = arith.index_cast %add3A_207 : i32 to index
        %get3A_211 = arith.constant 0 : index
        %get3A_212 = tpu.vector_load %arg10[%get3A_210, %get3A_211] {strides = array<i32>} : memref<128x128xf32, #tpu.memory_space<vmem>>, vector<16xf32>,
        %mul3A_213 = arith.mulf %get3A_212, %gather3A_209 : vector<16xf32>
        %swap3A_214 = arith.index_cast %add3A_207 : i32 to index
        %swap3A_215 = arith.constant 0 : index
        %swap3A_216 = tpu.vector_load %arg10[%swap3A_214, %swap3A_215] {strides = array<i32>} : memref<128x128xf32, #tpu.memory_space<vmem>>, vector<16xf32>,
        tpu.vector_store %arg10[%swap3A_214, %swap3A_215], %mul3A_213 {strides = array<i32>} : memref<128x128xf32, #tpu.memory_space<vmem>>, vector<16xf32>,
        %get3A_217 = arith.index_cast %add3A_207 : i32 to index
        %get3A_218 = arith.constant 16 : index
        %get3A_219 = tpu.vector_load %arg10[%get3A_217, %get3A_218] {strides = array<i32>} : memref<128x128xf32, #tpu.memory_space<vmem>>, vector<16xf32>,
        %mul3A_220 = arith.mulf %get3A_219, %gather3A_209 : vector<16xf32>
        %swap3A_221 = arith.index_cast %add3A_207 : i32 to index
        %swap3A_222 = arith.constant 16 : index
        %swap3A_223 = tpu.vector_load %arg10[%swap3A_221, %swap3A_222] {strides = array<i32>} : memref<128x128xf32, #tpu.memory_space<vmem>>, vector<16xf32>,
        tpu.vector_store %arg10[%swap3A_221, %swap3A_222], %mul3A_220 {strides = array<i32>} : memref<128x128xf32, #tpu.memory_space<vmem>>, vector<16xf32>,
        %get3A_224 = arith.index_cast %add3A_207 : i32 to index
        %get3A_225 = arith.constant 32 : index
        %get3A_226 = tpu.vector_load %arg10[%get3A_224, %get3A_225] {strides = array<i32>} : memref<128x128xf32, #tpu.memory_space<vmem>>, vector<16xf32>,
        %mul3A_227 = arith.mulf %get3A_226, %gather3A_209 : vector<16xf32>
        %swap3A_228 = arith.index_cast %add3A_207 : i32 to index
        %swap3A_229 = arith.constant 32 : index
        %swap3A_230 = tpu.vector_load %arg10[%swap3A_228, %swap3A_229] {strides = array<i32>} : memref<128x128xf32, #tpu.memory_space<vmem>>, vector<16xf32>,
        tpu.vector_store %arg10[%swap3A_228, %swap3A_229], %mul3A_227 {strides = array<i32>} : memref<128x128xf32, #tpu.memory_space<vmem>>, vector<16xf32>,
        %get3A_231 = arith.index_cast %add3A_207 : i32 to index
        %get3A_232 = arith.constant 48 : index
        %get3A_233 = tpu.vector_load %arg10[%get3A_231, %get3A_232] {strides = array<i32>} : memref<128x128xf32, #tpu.memory_space<vmem>>, vector<16xf32>,
        %mul3A_234 = arith.mulf %get3A_233, %gather3A_209 : vector<16xf32>
        %swap3A_235 = arith.index_cast %add3A_207 : i32 to index
        %swap3A_236 = arith.constant 48 : index
        %swap3A_237 = tpu.vector_load %arg10[%swap3A_235, %swap3A_236] {strides = array<i32>} : memref<128x128xf32, #tpu.memory_space<vmem>>, vector<16xf32>,
        tpu.vector_store %arg10[%swap3A_235, %swap3A_236], %mul3A_234 {strides = array<i32>} : memref<128x128xf32, #tpu.memory_space<vmem>>, vector<16xf32>,
        %get3A_238 = arith.index_cast %add3A_207 : i32 to index
        %get3A_239 = arith.constant 64 : index
        %get3A_240 = tpu.vector_load %arg10[%get3A_238, %get3A_239] {strides = array<i32>} : memref<128x128xf32, #tpu.memory_space<vmem>>, vector<16xf32>,
        %mul3A_241 = arith.mulf %get3A_240, %gather3A_209 : vector<16xf32>
        %swap3A_242 = arith.index_cast %add3A_207 : i32 to index
        %swap3A_243 = arith.constant 64 : index
        %swap3A_244 = tpu.vector_load %arg10[%swap3A_242, %swap3A_243] {strides = array<i32>} : memref<128x128xf32, #tpu.memory_space<vmem>>, vector<16xf32>,
        tpu.vector_store %arg10[%swap3A_242, %swap3A_243], %mul3A_241 {strides = array<i32>} : memref<128x128xf32, #tpu.memory_space<vmem>>, vector<16xf32>,
        %get3A_245 = arith.index_cast %add3A_207 : i32 to index
        %get3A_246 = arith.constant 80 : index
        %get3A_247 = tpu.vector_load %arg10[%get3A_245, %get3A_246] {strides = array<i32>} : memref<128x128xf32, #tpu.memory_space<vmem>>, vector<16xf32>,
        %mul3A_248 = arith.mulf %get3A_247, %gather3A_209 : vector<16xf32>
        %swap3A_249 = arith.index_cast %add3A_207 : i32 to index
        %swap3A_250 = arith.constant 80 : index
        %swap3A_251 = tpu.vector_load %arg10[%swap3A_249, %swap3A_250] {strides = array<i32>} : memref<128x128xf32, #tpu.memory_space<vmem>>, vector<16xf32>,
        tpu.vector_store %arg10[%swap3A_249, %swap3A_250], %mul3A_248 {strides = array<i32>} : memref<128x128xf32, #tpu.memory_space<vmem>>, vector<16xf32>,
        %get3A_252 = arith.index_cast %add3A_207 : i32 to index
        %get3A_253 = arith.constant 96 : index
        %get3A_254 = tpu.vector_load %arg10[%get3A_252, %get3A_253] {strides = array<i32>} : memref<128x128xf32, #tpu.memory_space<vmem>>, vector<16xf32>,
        %mul3A_255 = arith.mulf %get3A_254, %gather3A_209 : vector<16xf32>
        %swap3A_256 = arith.index_cast %add3A_207 : i32 to index
        %swap3A_257 = arith.constant 96 : index
        %swap3A_258 = tpu.vector_load %arg10[%swap3A_256, %swap3A_257] {strides = array<i32>} : memref<128x128xf32, #tpu.memory_space<vmem>>, vector<16xf32>,
        tpu.vector_store %arg10[%swap3A_256, %swap3A_257], %mul3A_255 {strides = array<i32>} : memref<128x128xf32, #tpu.memory_space<vmem>>, vector<16xf32>,
        %get3A_259 = arith.index_cast %add3A_207 : i32 to index
        %get3A_260 = arith.constant 112 : index
        %get3A_261 = tpu.vector_load %arg10[%get3A_259, %get3A_260] {strides = array<i32>} : memref<128x128xf32, #tpu.memory_space<vmem>>, vector<16xf32>,
        %mul3A_262 = arith.mulf %get3A_261, %gather3A_209 : vector<16xf32>
        %swap3A_263 = arith.index_cast %add3A_207 : i32 to index
        %swap3A_264 = arith.constant 112 : index
        %swap3A_265 = tpu.vector_load %arg10[%swap3A_263, %swap3A_264] {strides = array<i32>} : memref<128x128xf32, #tpu.memory_space<vmem>>, vector<16xf32>,
        tpu.vector_store %arg10[%swap3A_263, %swap3A_264], %mul3A_262 {strides = array<i32>} : memref<128x128xf32, #tpu.memory_space<vmem>>, vector<16xf32>,
      }
      %scan3A_118 = arith.constant 64 : i32
      "tpu.region"() ({
        %run_scoped3A = tpu.sem_alloc : memref<!tpu.dma_semaphore, #tpu.memory_space<semaphore_mem>>
        %dma_start3A_144 = arith.constant 0 : i32
        %dma_start3A_145 = tpu.memref_slice %arg9[%mul3A_86, %dma_start3A_144] : memref<40x128xi32, #tpu.memory_space<vmem>> -> memref<1x128xi32, #tpu.memory_space<vmem>>
        %dma_start3A_146 = tpu.memref_squeeze %dma_start3A_145 : memref<1x128xi32, #tpu.memory_space<vmem>> -> memref<128xi32, #tpu.memory_space<vmem>>
        %dma_start3A_147 = arith.constant 0 : i32
        %dma_start3A_148 = arith.constant 0 : i32
        %dma_start3A_149 = tpu.memref_slice %arg7[%dma_start3A_147, %dma_start3A_148] : memref<10240x128xf32, #tpu.memory_space<vmem_shared>> -> memref<10240x128xf32, #tpu.memory_space<vmem_shared>>
        tpu.enqueue_indirect_dma source(%arg10 : memref<128x128xf32, #tpu.memory_space<vmem>>) target(%dma_start3A_149 : memref<10240x128xf32, #tpu.memory_space<vmem_shared>>) offsets(%dma_start3A_146 : memref<128xi32, #tpu.memory_space<vmem>>) semaphore(%run_scoped3A : memref<!tpu.dma_semaphore, #tpu.memory_space<semaphore_mem>>) {add = true}
        %dma_wait3A_150 = arith.constant 0 : i32
        %dma_wait3A_151 = tpu.memref_slice %arg9[%mul3A_86, %dma_wait3A_150] : memref<40x128xi32, #tpu.memory_space<vmem>> -> memref<1x128xi32, #tpu.memory_space<vmem>>
        %dma_wait3A_152 = tpu.memref_squeeze %dma_wait3A_151 : memref<1x128xi32, #tpu.memory_space<vmem>> -> memref<128xi32, #tpu.memory_space<vmem>>
        %dma_wait3A_153 = arith.constant 0 : i32
        %dma_wait3A_154 = arith.constant 0 : i32
        %dma_wait3A_155 = tpu.memref_slice %arg7[%dma_wait3A_153, %dma_wait3A_154] : memref<10240x128xf32, #tpu.memory_space<vmem_shared>> -> memref<10240x128xf32, #tpu.memory_space<vmem_shared>>
        tpu.wait_indirect_dma semaphore(%run_scoped3A : memref<!tpu.dma_semaphore, #tpu.memory_space<semaphore_mem>>) src(%arg10 : memref<128x128xf32, #tpu.memory_space<vmem>>) dst(%dma_wait3A_155 : memref<10240x128xf32, #tpu.memory_space<vmem_shared>>)
        tpu.yield
      }) : () -> ()
      %add3A_119 = arith.constant 1 : i32
      %add3A_120 = arith.addi %scan3A_84, %add3A_119 : i32
      %lt3A = arith.constant 20 : i32
      %lt3A_121 = arith.cmpi slt, %add3A_120, %lt3A : i32
      %convert_element_type3A_122 = arith.extui %lt3A_121 : i1 to i32
      %cond3A_123 = arith.constant 0 : i32
      %cond3A_124 = arith.cmpi ne, %convert_element_type3A_122, %cond3A_123 : i32
      scf.if %cond3A_124 {
        %add3A_144 = arith.constant 2 : i32
        %add3A_145 = arith.addi %mul3A_86, %add3A_144 : i32
        %dma_start3A_146 = arith.constant 0 : i32
        %dma_start3A_147 = tpu.memref_slice %arg8[%add3A_145, %dma_start3A_146] : memref<40x128xi32, #tpu.memory_space<vmem>> -> memref<1x128xi32, #tpu.memory_space<vmem>>
        %dma_start3A_148 = tpu.memref_squeeze %dma_start3A_147 : memref<1x128xi32, #tpu.memory_space<vmem>> -> memref<128xi32, #tpu.memory_space<vmem>>
        %dma_start3A_149 = arith.constant 0 : i32
        %dma_start3A_150 = arith.constant 0 : i32
        %dma_start3A_151 = tpu.memref_slice %arg2[%dma_start3A_149, %dma_start3A_150] : memref<20480x128xf32, #tpu.memory_space<hbm>> -> memref<20480x128xf32, #tpu.memory_space<hbm>>
        tpu.enqueue_indirect_dma source(%dma_start3A_151 : memref<20480x128xf32, #tpu.memory_space<hbm>>) target(%arg10 : memref<128x128xf32, #tpu.memory_space<vmem>>) offsets(%dma_start3A_148 : memref<128xi32, #tpu.memory_space<vmem>>) semaphore(%arg14 : memref<!tpu.dma_semaphore, #tpu.memory_space<semaphore_mem>>)
        %add3A_152 = arith.addi %add3A_27, %mul3A_86 : i32
        %add3A_153 = arith.constant 2 : i32
        %add3A_154 = arith.addi %add3A_152, %add3A_153 : i32
        %dma_start3A_155 = arith.constant 0 : i32
        %dma_start3A_156 = tpu.memref_slice %arg5[%add3A_154, %dma_start3A_155] : memref<1280x128xf32, #tpu.memory_space<hbm>> -> memref<1x128xf32, #tpu.memory_space<hbm>>
        %dma_start3A_157 = tpu.memref_squeeze %dma_start3A_156 : memref<1x128xf32, #tpu.memory_space<hbm>> -> memref<128xf32, #tpu.memory_space<hbm>>
        %dma_start3A_158 = arith.constant 0 : i32
        %dma_start3A_159 = tpu.memref_slice %arg5[%add3A_154, %dma_start3A_158] : memref<1280x128xf32, #tpu.memory_space<hbm>> -> memref<1x128xf32, #tpu.memory_space<hbm>>
        %dma_start3A_160 = tpu.memref_squeeze %dma_start3A_159 : memref<1x128xf32, #tpu.memory_space<hbm>> -> memref<128xf32, #tpu.memory_space<hbm>>
        tpu.enqueue_dma source(%dma_start3A_160 : memref<128xf32, #tpu.memory_space<hbm>>) target(%arg12 : memref<128xf32, #tpu.memory_space<vmem>>) target_semaphore(%arg16 : memref<!tpu.dma_semaphore, #tpu.memory_space<semaphore_mem>>)
      } else {
      }
      %dma_wait3A_125 = arith.constant 0 : i32
      %dma_wait3A_126 = tpu.memref_slice %arg8[%add3A_88, %dma_wait3A_125] : memref<40x128xi32, #tpu.memory_space<vmem>> -> memref<1x128xi32, #tpu.memory_space<vmem>>
      %dma_wait3A_127 = tpu.memref_squeeze %dma_wait3A_126 : memref<1x128xi32, #tpu.memory_space<vmem>> -> memref<128xi32, #tpu.memory_space<vmem>>
      %dma_wait3A_128 = arith.constant 0 : i32
      %dma_wait3A_129 = arith.constant 0 : i32
      %dma_wait3A_130 = tpu.memref_slice %arg2[%dma_wait3A_128, %dma_wait3A_129] : memref<20480x128xf32, #tpu.memory_space<hbm>> -> memref<20480x128xf32, #tpu.memory_space<hbm>>
      tpu.wait_indirect_dma semaphore(%arg15 : memref<!tpu.dma_semaphore, #tpu.memory_space<semaphore_mem>>) src(%dma_wait3A_130 : memref<20480x128xf32, #tpu.memory_space<hbm>>) dst(%arg11 : memref<128x128xf32, #tpu.memory_space<vmem>>)
      %add3A_131 = arith.addi %add3A_27, %add3A_88 : i32
      %dma_wait3A_132 = arith.constant 0 : i32
      %dma_wait3A_133 = tpu.memref_slice %arg5[%add3A_131, %dma_wait3A_132] : memref<1280x128xf32, #tpu.memory_space<hbm>> -> memref<1x128xf32, #tpu.memory_space<hbm>>
      %dma_wait3A_134 = tpu.memref_squeeze %dma_wait3A_133 : memref<1x128xf32, #tpu.memory_space<hbm>> -> memref<128xf32, #tpu.memory_space<hbm>>
      %dma_wait3A_135 = arith.constant 0 : i32
      %dma_wait3A_136 = tpu.memref_slice %arg5[%add3A_131, %dma_wait3A_135] : memref<1280x128xf32, #tpu.memory_space<hbm>> -> memref<1x128xf32, #tpu.memory_space<hbm>>
      %dma_wait3A_137 = tpu.memref_squeeze %dma_wait3A_136 : memref<1x128xf32, #tpu.memory_space<hbm>> -> memref<128xf32, #tpu.memory_space<hbm>>
      tpu.wait_dma2 semaphore(%arg17 : memref<!tpu.dma_semaphore, #tpu.memory_space<semaphore_mem>>) src(%dma_wait3A_137 : memref<128xf32, #tpu.memory_space<hbm>>) dst(%arg13 : memref<128xf32, #tpu.memory_space<vmem>>)
      %scan3A_138 = arith.constant 0 : i32
      %scan3A_139 = arith.constant 0 : i32
      %scan3A_140 = arith.constant 64 : i32
      %scan3A_141 = arith.addi %scan3A_139, %scan3A_140 : i32
      %scan3A_142 = arith.constant 1 : i32
      scf.for %scan3A_144 = %scan3A_139 to %scan3A_141 step %scan3A_142  : i32 {
        %mul3A_145 = arith.constant 2 : i32
        %mul3A_146 = arith.muli %scan3A_144, %mul3A_145 : i32
        %add3A_147 = arith.constant 0 : i32
        %add3A_148 = arith.addi %mul3A_146, %add3A_147 : i32
        %broadcast_in_dim3A_149 = vector.broadcast %add3A_148 : i32 to vector<16xi32>
        %gather3A = tpu.vector_load_idx %arg13[%broadcast_in_dim3A_149] : memref<128xf32, #tpu.memory_space<vmem>>[vector<16xi32>], vector<16xf32>,
        %get3A = arith.index_cast %add3A_148 : i32 to index
        %get3A_150 = arith.constant 0 : index
        %get3A_151 = tpu.vector_load %arg11[%get3A, %get3A_150] {strides = array<i32>} : memref<128x128xf32, #tpu.memory_space<vmem>>, vector<16xf32>,
        %mul3A_152 = arith.mulf %get3A_151, %gather3A : vector<16xf32>
        %swap3A = arith.index_cast %add3A_148 : i32 to index
        %swap3A_153 = arith.constant 0 : index
        %swap3A_154 = tpu.vector_load %arg11[%swap3A, %swap3A_153] {strides = array<i32>} : memref<128x128xf32, #tpu.memory_space<vmem>>, vector<16xf32>,
        tpu.vector_store %arg11[%swap3A, %swap3A_153], %mul3A_152 {strides = array<i32>} : memref<128x128xf32, #tpu.memory_space<vmem>>, vector<16xf32>,
        %get3A_155 = arith.index_cast %add3A_148 : i32 to index
        %get3A_156 = arith.constant 16 : index
        %get3A_157 = tpu.vector_load %arg11[%get3A_155, %get3A_156] {strides = array<i32>} : memref<128x128xf32, #tpu.memory_space<vmem>>, vector<16xf32>,
        %mul3A_158 = arith.mulf %get3A_157, %gather3A : vector<16xf32>
        %swap3A_159 = arith.index_cast %add3A_148 : i32 to index
        %swap3A_160 = arith.constant 16 : index
        %swap3A_161 = tpu.vector_load %arg11[%swap3A_159, %swap3A_160] {strides = array<i32>} : memref<128x128xf32, #tpu.memory_space<vmem>>, vector<16xf32>,
        tpu.vector_store %arg11[%swap3A_159, %swap3A_160], %mul3A_158 {strides = array<i32>} : memref<128x128xf32, #tpu.memory_space<vmem>>, vector<16xf32>,
        %get3A_162 = arith.index_cast %add3A_148 : i32 to index
        %get3A_163 = arith.constant 32 : index
        %get3A_164 = tpu.vector_load %arg11[%get3A_162, %get3A_163] {strides = array<i32>} : memref<128x128xf32, #tpu.memory_space<vmem>>, vector<16xf32>,
        %mul3A_165 = arith.mulf %get3A_164, %gather3A : vector<16xf32>
        %swap3A_166 = arith.index_cast %add3A_148 : i32 to index
        %swap3A_167 = arith.constant 32 : index
        %swap3A_168 = tpu.vector_load %arg11[%swap3A_166, %swap3A_167] {strides = array<i32>} : memref<128x128xf32, #tpu.memory_space<vmem>>, vector<16xf32>,
        tpu.vector_store %arg11[%swap3A_166, %swap3A_167], %mul3A_165 {strides = array<i32>} : memref<128x128xf32, #tpu.memory_space<vmem>>, vector<16xf32>,
        %get3A_169 = arith.index_cast %add3A_148 : i32 to index
        %get3A_170 = arith.constant 48 : index
        %get3A_171 = tpu.vector_load %arg11[%get3A_169, %get3A_170] {strides = array<i32>} : memref<128x128xf32, #tpu.memory_space<vmem>>, vector<16xf32>,
        %mul3A_172 = arith.mulf %get3A_171, %gather3A : vector<16xf32>
        %swap3A_173 = arith.index_cast %add3A_148 : i32 to index
        %swap3A_174 = arith.constant 48 : index
        %swap3A_175 = tpu.vector_load %arg11[%swap3A_173, %swap3A_174] {strides = array<i32>} : memref<128x128xf32, #tpu.memory_space<vmem>>, vector<16xf32>,
        tpu.vector_store %arg11[%swap3A_173, %swap3A_174], %mul3A_172 {strides = array<i32>} : memref<128x128xf32, #tpu.memory_space<vmem>>, vector<16xf32>,
        %get3A_176 = arith.index_cast %add3A_148 : i32 to index
        %get3A_177 = arith.constant 64 : index
        %get3A_178 = tpu.vector_load %arg11[%get3A_176, %get3A_177] {strides = array<i32>} : memref<128x128xf32, #tpu.memory_space<vmem>>, vector<16xf32>,
        %mul3A_179 = arith.mulf %get3A_178, %gather3A : vector<16xf32>
        %swap3A_180 = arith.index_cast %add3A_148 : i32 to index
        %swap3A_181 = arith.constant 64 : index
        %swap3A_182 = tpu.vector_load %arg11[%swap3A_180, %swap3A_181] {strides = array<i32>} : memref<128x128xf32, #tpu.memory_space<vmem>>, vector<16xf32>,
        tpu.vector_store %arg11[%swap3A_180, %swap3A_181], %mul3A_179 {strides = array<i32>} : memref<128x128xf32, #tpu.memory_space<vmem>>, vector<16xf32>,
        %get3A_183 = arith.index_cast %add3A_148 : i32 to index
        %get3A_184 = arith.constant 80 : index
        %get3A_185 = tpu.vector_load %arg11[%get3A_183, %get3A_184] {strides = array<i32>} : memref<128x128xf32, #tpu.memory_space<vmem>>, vector<16xf32>,
        %mul3A_186 = arith.mulf %get3A_185, %gather3A : vector<16xf32>
        %swap3A_187 = arith.index_cast %add3A_148 : i32 to index
        %swap3A_188 = arith.constant 80 : index
        %swap3A_189 = tpu.vector_load %arg11[%swap3A_187, %swap3A_188] {strides = array<i32>} : memref<128x128xf32, #tpu.memory_space<vmem>>, vector<16xf32>,
        tpu.vector_store %arg11[%swap3A_187, %swap3A_188], %mul3A_186 {strides = array<i32>} : memref<128x128xf32, #tpu.memory_space<vmem>>, vector<16xf32>,
        %get3A_190 = arith.index_cast %add3A_148 : i32 to index
        %get3A_191 = arith.constant 96 : index
        %get3A_192 = tpu.vector_load %arg11[%get3A_190, %get3A_191] {strides = array<i32>} : memref<128x128xf32, #tpu.memory_space<vmem>>, vector<16xf32>,
        %mul3A_193 = arith.mulf %get3A_192, %gather3A : vector<16xf32>
        %swap3A_194 = arith.index_cast %add3A_148 : i32 to index
        %swap3A_195 = arith.constant 96 : index
        %swap3A_196 = tpu.vector_load %arg11[%swap3A_194, %swap3A_195] {strides = array<i32>} : memref<128x128xf32, #tpu.memory_space<vmem>>, vector<16xf32>,
        tpu.vector_store %arg11[%swap3A_194, %swap3A_195], %mul3A_193 {strides = array<i32>} : memref<128x128xf32, #tpu.memory_space<vmem>>, vector<16xf32>,
        %get3A_197 = arith.index_cast %add3A_148 : i32 to index
        %get3A_198 = arith.constant 112 : index
        %get3A_199 = tpu.vector_load %arg11[%get3A_197, %get3A_198] {strides = array<i32>} : memref<128x128xf32, #tpu.memory_space<vmem>>, vector<16xf32>,
        %mul3A_200 = arith.mulf %get3A_199, %gather3A : vector<16xf32>
        %swap3A_201 = arith.index_cast %add3A_148 : i32 to index
        %swap3A_202 = arith.constant 112 : index
        %swap3A_203 = tpu.vector_load %arg11[%swap3A_201, %swap3A_202] {strides = array<i32>} : memref<128x128xf32, #tpu.memory_space<vmem>>, vector<16xf32>,
        tpu.vector_store %arg11[%swap3A_201, %swap3A_202], %mul3A_200 {strides = array<i32>} : memref<128x128xf32, #tpu.memory_space<vmem>>, vector<16xf32>,
        %mul3A_204 = arith.constant 2 : i32
        %mul3A_205 = arith.muli %scan3A_144, %mul3A_204 : i32
        %add3A_206 = arith.constant 1 : i32
        %add3A_207 = arith.addi %mul3A_205, %add3A_206 : i32
        %broadcast_in_dim3A_208 = vector.broadcast %add3A_207 : i32 to vector<16xi32>
        %gather3A_209 = tpu.vector_load_idx %arg13[%broadcast_in_dim3A_208] : memref<128xf32, #tpu.memory_space<vmem>>[vector<16xi32>], vector<16xf32>,
        %get3A_210 = arith.index_cast %add3A_207 : i32 to index
        %get3A_211 = arith.constant 0 : index
        %get3A_212 = tpu.vector_load %arg11[%get3A_210, %get3A_211] {strides = array<i32>} : memref<128x128xf32, #tpu.memory_space<vmem>>, vector<16xf32>,
        %mul3A_213 = arith.mulf %get3A_212, %gather3A_209 : vector<16xf32>
        %swap3A_214 = arith.index_cast %add3A_207 : i32 to index
        %swap3A_215 = arith.constant 0 : index
        %swap3A_216 = tpu.vector_load %arg11[%swap3A_214, %swap3A_215] {strides = array<i32>} : memref<128x128xf32, #tpu.memory_space<vmem>>, vector<16xf32>,
        tpu.vector_store %arg11[%swap3A_214, %swap3A_215], %mul3A_213 {strides = array<i32>} : memref<128x128xf32, #tpu.memory_space<vmem>>, vector<16xf32>,
        %get3A_217 = arith.index_cast %add3A_207 : i32 to index
        %get3A_218 = arith.constant 16 : index
        %get3A_219 = tpu.vector_load %arg11[%get3A_217, %get3A_218] {strides = array<i32>} : memref<128x128xf32, #tpu.memory_space<vmem>>, vector<16xf32>,
        %mul3A_220 = arith.mulf %get3A_219, %gather3A_209 : vector<16xf32>
        %swap3A_221 = arith.index_cast %add3A_207 : i32 to index
        %swap3A_222 = arith.constant 16 : index
        %swap3A_223 = tpu.vector_load %arg11[%swap3A_221, %swap3A_222] {strides = array<i32>} : memref<128x128xf32, #tpu.memory_space<vmem>>, vector<16xf32>,
        tpu.vector_store %arg11[%swap3A_221, %swap3A_222], %mul3A_220 {strides = array<i32>} : memref<128x128xf32, #tpu.memory_space<vmem>>, vector<16xf32>,
        %get3A_224 = arith.index_cast %add3A_207 : i32 to index
        %get3A_225 = arith.constant 32 : index
        %get3A_226 = tpu.vector_load %arg11[%get3A_224, %get3A_225] {strides = array<i32>} : memref<128x128xf32, #tpu.memory_space<vmem>>, vector<16xf32>,
        %mul3A_227 = arith.mulf %get3A_226, %gather3A_209 : vector<16xf32>
        %swap3A_228 = arith.index_cast %add3A_207 : i32 to index
        %swap3A_229 = arith.constant 32 : index
        %swap3A_230 = tpu.vector_load %arg11[%swap3A_228, %swap3A_229] {strides = array<i32>} : memref<128x128xf32, #tpu.memory_space<vmem>>, vector<16xf32>,
        tpu.vector_store %arg11[%swap3A_228, %swap3A_229], %mul3A_227 {strides = array<i32>} : memref<128x128xf32, #tpu.memory_space<vmem>>, vector<16xf32>,
        %get3A_231 = arith.index_cast %add3A_207 : i32 to index
        %get3A_232 = arith.constant 48 : index
        %get3A_233 = tpu.vector_load %arg11[%get3A_231, %get3A_232] {strides = array<i32>} : memref<128x128xf32, #tpu.memory_space<vmem>>, vector<16xf32>,
        %mul3A_234 = arith.mulf %get3A_233, %gather3A_209 : vector<16xf32>
        %swap3A_235 = arith.index_cast %add3A_207 : i32 to index
        %swap3A_236 = arith.constant 48 : index
        %swap3A_237 = tpu.vector_load %arg11[%swap3A_235, %swap3A_236] {strides = array<i32>} : memref<128x128xf32, #tpu.memory_space<vmem>>, vector<16xf32>,
        tpu.vector_store %arg11[%swap3A_235, %swap3A_236], %mul3A_234 {strides = array<i32>} : memref<128x128xf32, #tpu.memory_space<vmem>>, vector<16xf32>,
        %get3A_238 = arith.index_cast %add3A_207 : i32 to index
        %get3A_239 = arith.constant 64 : index
        %get3A_240 = tpu.vector_load %arg11[%get3A_238, %get3A_239] {strides = array<i32>} : memref<128x128xf32, #tpu.memory_space<vmem>>, vector<16xf32>,
        %mul3A_241 = arith.mulf %get3A_240, %gather3A_209 : vector<16xf32>
        %swap3A_242 = arith.index_cast %add3A_207 : i32 to index
        %swap3A_243 = arith.constant 64 : index
        %swap3A_244 = tpu.vector_load %arg11[%swap3A_242, %swap3A_243] {strides = array<i32>} : memref<128x128xf32, #tpu.memory_space<vmem>>, vector<16xf32>,
        tpu.vector_store %arg11[%swap3A_242, %swap3A_243], %mul3A_241 {strides = array<i32>} : memref<128x128xf32, #tpu.memory_space<vmem>>, vector<16xf32>,
        %get3A_245 = arith.index_cast %add3A_207 : i32 to index
        %get3A_246 = arith.constant 80 : index
        %get3A_247 = tpu.vector_load %arg11[%get3A_245, %get3A_246] {strides = array<i32>} : memref<128x128xf32, #tpu.memory_space<vmem>>, vector<16xf32>,
        %mul3A_248 = arith.mulf %get3A_247, %gather3A_209 : vector<16xf32>
        %swap3A_249 = arith.index_cast %add3A_207 : i32 to index
        %swap3A_250 = arith.constant 80 : index
        %swap3A_251 = tpu.vector_load %arg11[%swap3A_249, %swap3A_250] {strides = array<i32>} : memref<128x128xf32, #tpu.memory_space<vmem>>, vector<16xf32>,
        tpu.vector_store %arg11[%swap3A_249, %swap3A_250], %mul3A_248 {strides = array<i32>} : memref<128x128xf32, #tpu.memory_space<vmem>>, vector<16xf32>,
        %get3A_252 = arith.index_cast %add3A_207 : i32 to index
        %get3A_253 = arith.constant 96 : index
        %get3A_254 = tpu.vector_load %arg11[%get3A_252, %get3A_253] {strides = array<i32>} : memref<128x128xf32, #tpu.memory_space<vmem>>, vector<16xf32>,
        %mul3A_255 = arith.mulf %get3A_254, %gather3A_209 : vector<16xf32>
        %swap3A_256 = arith.index_cast %add3A_207 : i32 to index
        %swap3A_257 = arith.constant 96 : index
        %swap3A_258 = tpu.vector_load %arg11[%swap3A_256, %swap3A_257] {strides = array<i32>} : memref<128x128xf32, #tpu.memory_space<vmem>>, vector<16xf32>,
        tpu.vector_store %arg11[%swap3A_256, %swap3A_257], %mul3A_255 {strides = array<i32>} : memref<128x128xf32, #tpu.memory_space<vmem>>, vector<16xf32>,
        %get3A_259 = arith.index_cast %add3A_207 : i32 to index
        %get3A_260 = arith.constant 112 : index
        %get3A_261 = tpu.vector_load %arg11[%get3A_259, %get3A_260] {strides = array<i32>} : memref<128x128xf32, #tpu.memory_space<vmem>>, vector<16xf32>,
        %mul3A_262 = arith.mulf %get3A_261, %gather3A_209 : vector<16xf32>
        %swap3A_263 = arith.index_cast %add3A_207 : i32 to index
        %swap3A_264 = arith.constant 112 : index
        %swap3A_265 = tpu.vector_load %arg11[%swap3A_263, %swap3A_264] {strides = array<i32>} : memref<128x128xf32, #tpu.memory_space<vmem>>, vector<16xf32>,
        tpu.vector_store %arg11[%swap3A_263, %swap3A_264], %mul3A_262 {strides = array<i32>} : memref<128x128xf32, #tpu.memory_space<vmem>>, vector<16xf32>,
      }
      %scan3A_143 = arith.constant 64 : i32
      "tpu.region"() ({
        %run_scoped3A = tpu.sem_alloc : memref<!tpu.dma_semaphore, #tpu.memory_space<semaphore_mem>>
        %dma_start3A_144 = arith.constant 0 : i32
        %dma_start3A_145 = tpu.memref_slice %arg9[%add3A_88, %dma_start3A_144] : memref<40x128xi32, #tpu.memory_space<vmem>> -> memref<1x128xi32, #tpu.memory_space<vmem>>
        %dma_start3A_146 = tpu.memref_squeeze %dma_start3A_145 : memref<1x128xi32, #tpu.memory_space<vmem>> -> memref<128xi32, #tpu.memory_space<vmem>>
        %dma_start3A_147 = arith.constant 0 : i32
        %dma_start3A_148 = arith.constant 0 : i32
        %dma_start3A_149 = tpu.memref_slice %arg7[%dma_start3A_147, %dma_start3A_148] : memref<10240x128xf32, #tpu.memory_space<vmem_shared>> -> memref<10240x128xf32, #tpu.memory_space<vmem_shared>>
        tpu.enqueue_indirect_dma source(%arg11 : memref<128x128xf32, #tpu.memory_space<vmem>>) target(%dma_start3A_149 : memref<10240x128xf32, #tpu.memory_space<vmem_shared>>) offsets(%dma_start3A_146 : memref<128xi32, #tpu.memory_space<vmem>>) semaphore(%run_scoped3A : memref<!tpu.dma_semaphore, #tpu.memory_space<semaphore_mem>>) {add = true}
        %dma_wait3A_150 = arith.constant 0 : i32
        %dma_wait3A_151 = tpu.memref_slice %arg9[%add3A_88, %dma_wait3A_150] : memref<40x128xi32, #tpu.memory_space<vmem>> -> memref<1x128xi32, #tpu.memory_space<vmem>>
        %dma_wait3A_152 = tpu.memref_squeeze %dma_wait3A_151 : memref<1x128xi32, #tpu.memory_space<vmem>> -> memref<128xi32, #tpu.memory_space<vmem>>
        %dma_wait3A_153 = arith.constant 0 : i32
        %dma_wait3A_154 = arith.constant 0 : i32
        %dma_wait3A_155 = tpu.memref_slice %arg7[%dma_wait3A_153, %dma_wait3A_154] : memref<10240x128xf32, #tpu.memory_space<vmem_shared>> -> memref<10240x128xf32, #tpu.memory_space<vmem_shared>>
        tpu.wait_indirect_dma semaphore(%run_scoped3A : memref<!tpu.dma_semaphore, #tpu.memory_space<semaphore_mem>>) src(%arg11 : memref<128x128xf32, #tpu.memory_space<vmem>>) dst(%dma_wait3A_155 : memref<10240x128xf32, #tpu.memory_space<vmem_shared>>)
        tpu.yield
      }) : () -> ()
    }
    %scan3A_47 = arith.constant 20 : i32
    %mul3A_48 = arith.constant 80 : i32
    %mul3A_49 = arith.muli %arg1, %mul3A_48 : i32
    %add3A_50 = arith.constant 40 : i32
    %add3A_51 = arith.addi %mul3A_49, %add3A_50 : i32
    "tpu.region"() ({
      %run_scoped3A = tpu.sem_alloc : memref<!tpu.dma_semaphore, #tpu.memory_space<semaphore_mem>>
      %dma_start3A_84 = arith.constant 0 : i32
      %dma_start3A_85 = tpu.memref_slice %arg3[%add3A_51, %dma_start3A_84] : memref<1280x128xi32, #tpu.memory_space<hbm>> -> memref<40x128xi32, #tpu.memory_space<hbm>>
      %dma_start3A_86 = arith.constant 0 : i32
      %dma_start3A_87 = tpu.memref_slice %arg3[%add3A_51, %dma_start3A_86] : memref<1280x128xi32, #tpu.memory_space<hbm>> -> memref<40x128xi32, #tpu.memory_space<hbm>>
      tpu.enqueue_dma source(%dma_start3A_87 : memref<40x128xi32, #tpu.memory_space<hbm>>) target(%arg8 : memref<40x128xi32, #tpu.memory_space<vmem>>) target_semaphore(%run_scoped3A : memref<!tpu.dma_semaphore, #tpu.memory_space<semaphore_mem>>)
      %dma_wait3A = arith.constant 0 : i32
      %dma_wait3A_88 = tpu.memref_slice %arg3[%add3A_51, %dma_wait3A] : memref<1280x128xi32, #tpu.memory_space<hbm>> -> memref<40x128xi32, #tpu.memory_space<hbm>>
      %dma_wait3A_89 = arith.constant 0 : i32
      %dma_wait3A_90 = tpu.memref_slice %arg3[%add3A_51, %dma_wait3A_89] : memref<1280x128xi32, #tpu.memory_space<hbm>> -> memref<40x128xi32, #tpu.memory_space<hbm>>
      tpu.wait_dma2 semaphore(%run_scoped3A : memref<!tpu.dma_semaphore, #tpu.memory_space<semaphore_mem>>) src(%dma_wait3A_90 : memref<40x128xi32, #tpu.memory_space<hbm>>) dst(%arg8 : memref<40x128xi32, #tpu.memory_space<vmem>>)
      tpu.yield
    }) : () -> ()
    "tpu.region"() ({
      %run_scoped3A = tpu.sem_alloc : memref<!tpu.dma_semaphore, #tpu.memory_space<semaphore_mem>>
      %dma_start3A_84 = arith.constant 0 : i32
      %dma_start3A_85 = tpu.memref_slice %arg4[%add3A_51, %dma_start3A_84] : memref<1280x128xi32, #tpu.memory_space<hbm>> -> memref<40x128xi32, #tpu.memory_space<hbm>>
      %dma_start3A_86 = arith.constant 0 : i32
      %dma_start3A_87 = tpu.memref_slice %arg4[%add3A_51, %dma_start3A_86] : memref<1280x128xi32, #tpu.memory_space<hbm>> -> memref<40x128xi32, #tpu.memory_space<hbm>>
      tpu.enqueue_dma source(%dma_start3A_87 : memref<40x128xi32, #tpu.memory_space<hbm>>) target(%arg9 : memref<40x128xi32, #tpu.memory_space<vmem>>) target_semaphore(%run_scoped3A : memref<!tpu.dma_semaphore, #tpu.memory_space<semaphore_mem>>)
      %dma_wait3A = arith.constant 0 : i32
      %dma_wait3A_88 = tpu.memref_slice %arg4[%add3A_51, %dma_wait3A] : memref<1280x128xi32, #tpu.memory_space<hbm>> -> memref<40x128xi32, #tpu.memory_space<hbm>>
      %dma_wait3A_89 = arith.constant 0 : i32
      %dma_wait3A_90 = tpu.memref_slice %arg4[%add3A_51, %dma_wait3A_89] : memref<1280x128xi32, #tpu.memory_space<hbm>> -> memref<40x128xi32, #tpu.memory_space<hbm>>
      tpu.wait_dma2 semaphore(%run_scoped3A : memref<!tpu.dma_semaphore, #tpu.memory_space<semaphore_mem>>) src(%dma_wait3A_90 : memref<40x128xi32, #tpu.memory_space<hbm>>) dst(%arg9 : memref<40x128xi32, #tpu.memory_space<vmem>>)
      tpu.yield
    }) : () -> ()
    %eq3A_52 = arith.constant 1 : i32
    %eq3A_53 = arith.cmpi eq, %arg0, %eq3A_52 : i32
    %convert_element_type3A_54 = arith.extui %eq3A_53 : i1 to i32
    %cond3A_55 = arith.constant 0 : i32
    %cond3A_56 = arith.cmpi ne, %convert_element_type3A_54, %cond3A_55 : i32
    scf.if %cond3A_56 {
      %scan3A_84 = arith.constant 0 : i32
      %scan3A_85 = arith.constant 0 : i32
      %scan3A_86 = arith.constant 40 : i32
      %scan3A_87 = arith.addi %scan3A_85, %scan3A_86 : i32
      %scan3A_88 = arith.constant 1 : i32
      scf.for %scan3A_90 = %scan3A_85 to %scan3A_87 step %scan3A_88  : i32 {
        %get3A = arith.index_cast %scan3A_90 : i32 to index
        %get3A_91 = arith.constant 0 : index
        %get3A_92 = tpu.vector_load %arg8[%get3A, %get3A_91] {strides = array<i32>} : memref<40x128xi32, #tpu.memory_space<vmem>>, vector<16xi32>,
        %broadcast_in_dim3A_93 = arith.constant 10240 : i32
        %broadcast_in_dim3A_94 = vector.broadcast %broadcast_in_dim3A_93 : i32 to vector<16xi32>
        %add3A_95 = arith.addi %get3A_92, %broadcast_in_dim3A_94 : vector<16xi32>
        %swap3A = arith.index_cast %scan3A_90 : i32 to index
        %swap3A_96 = arith.constant 0 : index
        %swap3A_97 = tpu.vector_load %arg8[%swap3A, %swap3A_96] {strides = array<i32>} : memref<40x128xi32, #tpu.memory_space<vmem>>, vector<16xi32>,
        tpu.vector_store %arg8[%swap3A, %swap3A_96], %add3A_95 {strides = array<i32>} : memref<40x128xi32, #tpu.memory_space<vmem>>, vector<16xi32>,
        %get3A_98 = arith.index_cast %scan3A_90 : i32 to index
        %get3A_99 = arith.constant 16 : index
        %get3A_100 = tpu.vector_load %arg8[%get3A_98, %get3A_99] {strides = array<i32>} : memref<40x128xi32, #tpu.memory_space<vmem>>, vector<16xi32>,
        %broadcast_in_dim3A_101 = arith.constant 10240 : i32
        %broadcast_in_dim3A_102 = vector.broadcast %broadcast_in_dim3A_101 : i32 to vector<16xi32>
        %add3A_103 = arith.addi %get3A_100, %broadcast_in_dim3A_102 : vector<16xi32>
        %swap3A_104 = arith.index_cast %scan3A_90 : i32 to index
        %swap3A_105 = arith.constant 16 : index
        %swap3A_106 = tpu.vector_load %arg8[%swap3A_104, %swap3A_105] {strides = array<i32>} : memref<40x128xi32, #tpu.memory_space<vmem>>, vector<16xi32>,
        tpu.vector_store %arg8[%swap3A_104, %swap3A_105], %add3A_103 {strides = array<i32>} : memref<40x128xi32, #tpu.memory_space<vmem>>, vector<16xi32>,
        %get3A_107 = arith.index_cast %scan3A_90 : i32 to index
        %get3A_108 = arith.constant 32 : index
        %get3A_109 = tpu.vector_load %arg8[%get3A_107, %get3A_108] {strides = array<i32>} : memref<40x128xi32, #tpu.memory_space<vmem>>, vector<16xi32>,
        %broadcast_in_dim3A_110 = arith.constant 10240 : i32
        %broadcast_in_dim3A_111 = vector.broadcast %broadcast_in_dim3A_110 : i32 to vector<16xi32>
        %add3A_112 = arith.addi %get3A_109, %broadcast_in_dim3A_111 : vector<16xi32>
        %swap3A_113 = arith.index_cast %scan3A_90 : i32 to index
        %swap3A_114 = arith.constant 32 : index
        %swap3A_115 = tpu.vector_load %arg8[%swap3A_113, %swap3A_114] {strides = array<i32>} : memref<40x128xi32, #tpu.memory_space<vmem>>, vector<16xi32>,
        tpu.vector_store %arg8[%swap3A_113, %swap3A_114], %add3A_112 {strides = array<i32>} : memref<40x128xi32, #tpu.memory_space<vmem>>, vector<16xi32>,
        %get3A_116 = arith.index_cast %scan3A_90 : i32 to index
        %get3A_117 = arith.constant 48 : index
        %get3A_118 = tpu.vector_load %arg8[%get3A_116, %get3A_117] {strides = array<i32>} : memref<40x128xi32, #tpu.memory_space<vmem>>, vector<16xi32>,
        %broadcast_in_dim3A_119 = arith.constant 10240 : i32
        %broadcast_in_dim3A_120 = vector.broadcast %broadcast_in_dim3A_119 : i32 to vector<16xi32>
        %add3A_121 = arith.addi %get3A_118, %broadcast_in_dim3A_120 : vector<16xi32>
        %swap3A_122 = arith.index_cast %scan3A_90 : i32 to index
        %swap3A_123 = arith.constant 48 : index
        %swap3A_124 = tpu.vector_load %arg8[%swap3A_122, %swap3A_123] {strides = array<i32>} : memref<40x128xi32, #tpu.memory_space<vmem>>, vector<16xi32>,
        tpu.vector_store %arg8[%swap3A_122, %swap3A_123], %add3A_121 {strides = array<i32>} : memref<40x128xi32, #tpu.memory_space<vmem>>, vector<16xi32>,
        %get3A_125 = arith.index_cast %scan3A_90 : i32 to index
        %get3A_126 = arith.constant 64 : index
        %get3A_127 = tpu.vector_load %arg8[%get3A_125, %get3A_126] {strides = array<i32>} : memref<40x128xi32, #tpu.memory_space<vmem>>, vector<16xi32>,
        %broadcast_in_dim3A_128 = arith.constant 10240 : i32
        %broadcast_in_dim3A_129 = vector.broadcast %broadcast_in_dim3A_128 : i32 to vector<16xi32>
        %add3A_130 = arith.addi %get3A_127, %broadcast_in_dim3A_129 : vector<16xi32>
        %swap3A_131 = arith.index_cast %scan3A_90 : i32 to index
        %swap3A_132 = arith.constant 64 : index
        %swap3A_133 = tpu.vector_load %arg8[%swap3A_131, %swap3A_132] {strides = array<i32>} : memref<40x128xi32, #tpu.memory_space<vmem>>, vector<16xi32>,
        tpu.vector_store %arg8[%swap3A_131, %swap3A_132], %add3A_130 {strides = array<i32>} : memref<40x128xi32, #tpu.memory_space<vmem>>, vector<16xi32>,
        %get3A_134 = arith.index_cast %scan3A_90 : i32 to index
        %get3A_135 = arith.constant 80 : index
        %get3A_136 = tpu.vector_load %arg8[%get3A_134, %get3A_135] {strides = array<i32>} : memref<40x128xi32, #tpu.memory_space<vmem>>, vector<16xi32>,
        %broadcast_in_dim3A_137 = arith.constant 10240 : i32
        %broadcast_in_dim3A_138 = vector.broadcast %broadcast_in_dim3A_137 : i32 to vector<16xi32>
        %add3A_139 = arith.addi %get3A_136, %broadcast_in_dim3A_138 : vector<16xi32>
        %swap3A_140 = arith.index_cast %scan3A_90 : i32 to index
        %swap3A_141 = arith.constant 80 : index
        %swap3A_142 = tpu.vector_load %arg8[%swap3A_140, %swap3A_141] {strides = array<i32>} : memref<40x128xi32, #tpu.memory_space<vmem>>, vector<16xi32>,
        tpu.vector_store %arg8[%swap3A_140, %swap3A_141], %add3A_139 {strides = array<i32>} : memref<40x128xi32, #tpu.memory_space<vmem>>, vector<16xi32>,
        %get3A_143 = arith.index_cast %scan3A_90 : i32 to index
        %get3A_144 = arith.constant 96 : index
        %get3A_145 = tpu.vector_load %arg8[%get3A_143, %get3A_144] {strides = array<i32>} : memref<40x128xi32, #tpu.memory_space<vmem>>, vector<16xi32>,
        %broadcast_in_dim3A_146 = arith.constant 10240 : i32
        %broadcast_in_dim3A_147 = vector.broadcast %broadcast_in_dim3A_146 : i32 to vector<16xi32>
        %add3A_148 = arith.addi %get3A_145, %broadcast_in_dim3A_147 : vector<16xi32>
        %swap3A_149 = arith.index_cast %scan3A_90 : i32 to index
        %swap3A_150 = arith.constant 96 : index
        %swap3A_151 = tpu.vector_load %arg8[%swap3A_149, %swap3A_150] {strides = array<i32>} : memref<40x128xi32, #tpu.memory_space<vmem>>, vector<16xi32>,
        tpu.vector_store %arg8[%swap3A_149, %swap3A_150], %add3A_148 {strides = array<i32>} : memref<40x128xi32, #tpu.memory_space<vmem>>, vector<16xi32>,
        %get3A_152 = arith.index_cast %scan3A_90 : i32 to index
        %get3A_153 = arith.constant 112 : index
        %get3A_154 = tpu.vector_load %arg8[%get3A_152, %get3A_153] {strides = array<i32>} : memref<40x128xi32, #tpu.memory_space<vmem>>, vector<16xi32>,
        %broadcast_in_dim3A_155 = arith.constant 10240 : i32
        %broadcast_in_dim3A_156 = vector.broadcast %broadcast_in_dim3A_155 : i32 to vector<16xi32>
        %add3A_157 = arith.addi %get3A_154, %broadcast_in_dim3A_156 : vector<16xi32>
        %swap3A_158 = arith.index_cast %scan3A_90 : i32 to index
        %swap3A_159 = arith.constant 112 : index
        %swap3A_160 = tpu.vector_load %arg8[%swap3A_158, %swap3A_159] {strides = array<i32>} : memref<40x128xi32, #tpu.memory_space<vmem>>, vector<16xi32>,
        tpu.vector_store %arg8[%swap3A_158, %swap3A_159], %add3A_157 {strides = array<i32>} : memref<40x128xi32, #tpu.memory_space<vmem>>, vector<16xi32>,
      }
      %scan3A_89 = arith.constant 40 : i32
    } else {
    }
    %dma_start3A_57 = arith.constant 0 : i32
    %dma_start3A_58 = arith.constant 0 : i32
    %dma_start3A_59 = tpu.memref_slice %arg8[%dma_start3A_57, %dma_start3A_58] : memref<40x128xi32, #tpu.memory_space<vmem>> -> memref<1x128xi32, #tpu.memory_space<vmem>>
    %dma_start3A_60 = tpu.memref_squeeze %dma_start3A_59 : memref<1x128xi32, #tpu.memory_space<vmem>> -> memref<128xi32, #tpu.memory_space<vmem>>
    %dma_start3A_61 = arith.constant 0 : i32
    %dma_start3A_62 = arith.constant 0 : i32
    %dma_start3A_63 = tpu.memref_slice %arg2[%dma_start3A_61, %dma_start3A_62] : memref<20480x128xf32, #tpu.memory_space<hbm>> -> memref<20480x128xf32, #tpu.memory_space<hbm>>
    tpu.enqueue_indirect_dma source(%dma_start3A_63 : memref<20480x128xf32, #tpu.memory_space<hbm>>) target(%arg10 : memref<128x128xf32, #tpu.memory_space<vmem>>) offsets(%dma_start3A_60 : memref<128xi32, #tpu.memory_space<vmem>>) semaphore(%arg14 : memref<!tpu.dma_semaphore, #tpu.memory_space<semaphore_mem>>)
    %dma_start3A_64 = arith.constant 0 : i32
    %dma_start3A_65 = tpu.memref_slice %arg5[%add3A_51, %dma_start3A_64] : memref<1280x128xf32, #tpu.memory_space<hbm>> -> memref<1x128xf32, #tpu.memory_space<hbm>>
    %dma_start3A_66 = tpu.memref_squeeze %dma_start3A_65 : memref<1x128xf32, #tpu.memory_space<hbm>> -> memref<128xf32, #tpu.memory_space<hbm>>
    %dma_start3A_67 = arith.constant 0 : i32
    %dma_start3A_68 = tpu.memref_slice %arg5[%add3A_51, %dma_start3A_67] : memref<1280x128xf32, #tpu.memory_space<hbm>> -> memref<1x128xf32, #tpu.memory_space<hbm>>
    %dma_start3A_69 = tpu.memref_squeeze %dma_start3A_68 : memref<1x128xf32, #tpu.memory_space<hbm>> -> memref<128xf32, #tpu.memory_space<hbm>>
    tpu.enqueue_dma source(%dma_start3A_69 : memref<128xf32, #tpu.memory_space<hbm>>) target(%arg12 : memref<128xf32, #tpu.memory_space<vmem>>) target_semaphore(%arg16 : memref<!tpu.dma_semaphore, #tpu.memory_space<semaphore_mem>>)
    %scan3A_70 = arith.constant 0 : i32
    %scan3A_71 = arith.constant 0 : i32
    %scan3A_72 = arith.constant 20 : i32
    %scan3A_73 = arith.addi %scan3A_71, %scan3A_72 : i32
    %scan3A_74 = arith.constant 1 : i32
    scf.for %scan3A_84 = %scan3A_71 to %scan3A_73 step %scan3A_74  : i32 {
      %mul3A_85 = arith.constant 2 : i32
      %mul3A_86 = arith.muli %scan3A_84, %mul3A_85 : i32
      %add3A_87 = arith.constant 1 : i32
      %add3A_88 = arith.addi %mul3A_86, %add3A_87 : i32
      %dma_start3A_89 = arith.constant 0 : i32
      %dma_start3A_90 = tpu.memref_slice %arg8[%add3A_88, %dma_start3A_89] : memref<40x128xi32, #tpu.memory_space<vmem>> -> memref<1x128xi32, #tpu.memory_space<vmem>>
      %dma_start3A_91 = tpu.memref_squeeze %dma_start3A_90 : memref<1x128xi32, #tpu.memory_space<vmem>> -> memref<128xi32, #tpu.memory_space<vmem>>
      %dma_start3A_92 = arith.constant 0 : i32
      %dma_start3A_93 = arith.constant 0 : i32
      %dma_start3A_94 = tpu.memref_slice %arg2[%dma_start3A_92, %dma_start3A_93] : memref<20480x128xf32, #tpu.memory_space<hbm>> -> memref<20480x128xf32, #tpu.memory_space<hbm>>
      tpu.enqueue_indirect_dma source(%dma_start3A_94 : memref<20480x128xf32, #tpu.memory_space<hbm>>) target(%arg11 : memref<128x128xf32, #tpu.memory_space<vmem>>) offsets(%dma_start3A_91 : memref<128xi32, #tpu.memory_space<vmem>>) semaphore(%arg15 : memref<!tpu.dma_semaphore, #tpu.memory_space<semaphore_mem>>)
      %add3A_95 = arith.addi %add3A_51, %add3A_88 : i32
      %dma_start3A_96 = arith.constant 0 : i32
      %dma_start3A_97 = tpu.memref_slice %arg5[%add3A_95, %dma_start3A_96] : memref<1280x128xf32, #tpu.memory_space<hbm>> -> memref<1x128xf32, #tpu.memory_space<hbm>>
      %dma_start3A_98 = tpu.memref_squeeze %dma_start3A_97 : memref<1x128xf32, #tpu.memory_space<hbm>> -> memref<128xf32, #tpu.memory_space<hbm>>
      %dma_start3A_99 = arith.constant 0 : i32
      %dma_start3A_100 = tpu.memref_slice %arg5[%add3A_95, %dma_start3A_99] : memref<1280x128xf32, #tpu.memory_space<hbm>> -> memref<1x128xf32, #tpu.memory_space<hbm>>
      %dma_start3A_101 = tpu.memref_squeeze %dma_start3A_100 : memref<1x128xf32, #tpu.memory_space<hbm>> -> memref<128xf32, #tpu.memory_space<hbm>>
      tpu.enqueue_dma source(%dma_start3A_101 : memref<128xf32, #tpu.memory_space<hbm>>) target(%arg13 : memref<128xf32, #tpu.memory_space<vmem>>) target_semaphore(%arg17 : memref<!tpu.dma_semaphore, #tpu.memory_space<semaphore_mem>>)
      %dma_wait3A = arith.constant 0 : i32
      %dma_wait3A_102 = tpu.memref_slice %arg8[%mul3A_86, %dma_wait3A] : memref<40x128xi32, #tpu.memory_space<vmem>> -> memref<1x128xi32, #tpu.memory_space<vmem>>
      %dma_wait3A_103 = tpu.memref_squeeze %dma_wait3A_102 : memref<1x128xi32, #tpu.memory_space<vmem>> -> memref<128xi32, #tpu.memory_space<vmem>>
      %dma_wait3A_104 = arith.constant 0 : i32
      %dma_wait3A_105 = arith.constant 0 : i32
      %dma_wait3A_106 = tpu.memref_slice %arg2[%dma_wait3A_104, %dma_wait3A_105] : memref<20480x128xf32, #tpu.memory_space<hbm>> -> memref<20480x128xf32, #tpu.memory_space<hbm>>
      tpu.wait_indirect_dma semaphore(%arg14 : memref<!tpu.dma_semaphore, #tpu.memory_space<semaphore_mem>>) src(%dma_wait3A_106 : memref<20480x128xf32, #tpu.memory_space<hbm>>) dst(%arg10 : memref<128x128xf32, #tpu.memory_space<vmem>>)
      %dma_wait3A_107 = arith.constant 0 : i32
      %dma_wait3A_108 = tpu.memref_slice %arg5[%add3A_51, %dma_wait3A_107] : memref<1280x128xf32, #tpu.memory_space<hbm>> -> memref<1x128xf32, #tpu.memory_space<hbm>>
      %dma_wait3A_109 = tpu.memref_squeeze %dma_wait3A_108 : memref<1x128xf32, #tpu.memory_space<hbm>> -> memref<128xf32, #tpu.memory_space<hbm>>
      %dma_wait3A_110 = arith.constant 0 : i32
      %dma_wait3A_111 = tpu.memref_slice %arg5[%add3A_51, %dma_wait3A_110] : memref<1280x128xf32, #tpu.memory_space<hbm>> -> memref<1x128xf32, #tpu.memory_space<hbm>>
      %dma_wait3A_112 = tpu.memref_squeeze %dma_wait3A_111 : memref<1x128xf32, #tpu.memory_space<hbm>> -> memref<128xf32, #tpu.memory_space<hbm>>
      tpu.wait_dma2 semaphore(%arg16 : memref<!tpu.dma_semaphore, #tpu.memory_space<semaphore_mem>>) src(%dma_wait3A_112 : memref<128xf32, #tpu.memory_space<hbm>>) dst(%arg12 : memref<128xf32, #tpu.memory_space<vmem>>)
      %scan3A_113 = arith.constant 0 : i32
      %scan3A_114 = arith.constant 0 : i32
      %scan3A_115 = arith.constant 64 : i32
      %scan3A_116 = arith.addi %scan3A_114, %scan3A_115 : i32
      %scan3A_117 = arith.constant 1 : i32
      scf.for %scan3A_144 = %scan3A_114 to %scan3A_116 step %scan3A_117  : i32 {
        %mul3A_145 = arith.constant 2 : i32
        %mul3A_146 = arith.muli %scan3A_144, %mul3A_145 : i32
        %add3A_147 = arith.constant 0 : i32
        %add3A_148 = arith.addi %mul3A_146, %add3A_147 : i32
        %broadcast_in_dim3A_149 = vector.broadcast %add3A_148 : i32 to vector<16xi32>
        %gather3A = tpu.vector_load_idx %arg12[%broadcast_in_dim3A_149] : memref<128xf32, #tpu.memory_space<vmem>>[vector<16xi32>], vector<16xf32>,
        %get3A = arith.index_cast %add3A_148 : i32 to index
        %get3A_150 = arith.constant 0 : index
        %get3A_151 = tpu.vector_load %arg10[%get3A, %get3A_150] {strides = array<i32>} : memref<128x128xf32, #tpu.memory_space<vmem>>, vector<16xf32>,
        %mul3A_152 = arith.mulf %get3A_151, %gather3A : vector<16xf32>
        %swap3A = arith.index_cast %add3A_148 : i32 to index
        %swap3A_153 = arith.constant 0 : index
        %swap3A_154 = tpu.vector_load %arg10[%swap3A, %swap3A_153] {strides = array<i32>} : memref<128x128xf32, #tpu.memory_space<vmem>>, vector<16xf32>,
        tpu.vector_store %arg10[%swap3A, %swap3A_153], %mul3A_152 {strides = array<i32>} : memref<128x128xf32, #tpu.memory_space<vmem>>, vector<16xf32>,
        %get3A_155 = arith.index_cast %add3A_148 : i32 to index
        %get3A_156 = arith.constant 16 : index
        %get3A_157 = tpu.vector_load %arg10[%get3A_155, %get3A_156] {strides = array<i32>} : memref<128x128xf32, #tpu.memory_space<vmem>>, vector<16xf32>,
        %mul3A_158 = arith.mulf %get3A_157, %gather3A : vector<16xf32>
        %swap3A_159 = arith.index_cast %add3A_148 : i32 to index
        %swap3A_160 = arith.constant 16 : index
        %swap3A_161 = tpu.vector_load %arg10[%swap3A_159, %swap3A_160] {strides = array<i32>} : memref<128x128xf32, #tpu.memory_space<vmem>>, vector<16xf32>,
        tpu.vector_store %arg10[%swap3A_159, %swap3A_160], %mul3A_158 {strides = array<i32>} : memref<128x128xf32, #tpu.memory_space<vmem>>, vector<16xf32>,
        %get3A_162 = arith.index_cast %add3A_148 : i32 to index
        %get3A_163 = arith.constant 32 : index
        %get3A_164 = tpu.vector_load %arg10[%get3A_162, %get3A_163] {strides = array<i32>} : memref<128x128xf32, #tpu.memory_space<vmem>>, vector<16xf32>,
        %mul3A_165 = arith.mulf %get3A_164, %gather3A : vector<16xf32>
        %swap3A_166 = arith.index_cast %add3A_148 : i32 to index
        %swap3A_167 = arith.constant 32 : index
        %swap3A_168 = tpu.vector_load %arg10[%swap3A_166, %swap3A_167] {strides = array<i32>} : memref<128x128xf32, #tpu.memory_space<vmem>>, vector<16xf32>,
        tpu.vector_store %arg10[%swap3A_166, %swap3A_167], %mul3A_165 {strides = array<i32>} : memref<128x128xf32, #tpu.memory_space<vmem>>, vector<16xf32>,
        %get3A_169 = arith.index_cast %add3A_148 : i32 to index
        %get3A_170 = arith.constant 48 : index
        %get3A_171 = tpu.vector_load %arg10[%get3A_169, %get3A_170] {strides = array<i32>} : memref<128x128xf32, #tpu.memory_space<vmem>>, vector<16xf32>,
        %mul3A_172 = arith.mulf %get3A_171, %gather3A : vector<16xf32>
        %swap3A_173 = arith.index_cast %add3A_148 : i32 to index
        %swap3A_174 = arith.constant 48 : index
        %swap3A_175 = tpu.vector_load %arg10[%swap3A_173, %swap3A_174] {strides = array<i32>} : memref<128x128xf32, #tpu.memory_space<vmem>>, vector<16xf32>,
        tpu.vector_store %arg10[%swap3A_173, %swap3A_174], %mul3A_172 {strides = array<i32>} : memref<128x128xf32, #tpu.memory_space<vmem>>, vector<16xf32>,
        %get3A_176 = arith.index_cast %add3A_148 : i32 to index
        %get3A_177 = arith.constant 64 : index
        %get3A_178 = tpu.vector_load %arg10[%get3A_176, %get3A_177] {strides = array<i32>} : memref<128x128xf32, #tpu.memory_space<vmem>>, vector<16xf32>,
        %mul3A_179 = arith.mulf %get3A_178, %gather3A : vector<16xf32>
        %swap3A_180 = arith.index_cast %add3A_148 : i32 to index
        %swap3A_181 = arith.constant 64 : index
        %swap3A_182 = tpu.vector_load %arg10[%swap3A_180, %swap3A_181] {strides = array<i32>} : memref<128x128xf32, #tpu.memory_space<vmem>>, vector<16xf32>,
        tpu.vector_store %arg10[%swap3A_180, %swap3A_181], %mul3A_179 {strides = array<i32>} : memref<128x128xf32, #tpu.memory_space<vmem>>, vector<16xf32>,
        %get3A_183 = arith.index_cast %add3A_148 : i32 to index
        %get3A_184 = arith.constant 80 : index
        %get3A_185 = tpu.vector_load %arg10[%get3A_183, %get3A_184] {strides = array<i32>} : memref<128x128xf32, #tpu.memory_space<vmem>>, vector<16xf32>,
        %mul3A_186 = arith.mulf %get3A_185, %gather3A : vector<16xf32>
        %swap3A_187 = arith.index_cast %add3A_148 : i32 to index
        %swap3A_188 = arith.constant 80 : index
        %swap3A_189 = tpu.vector_load %arg10[%swap3A_187, %swap3A_188] {strides = array<i32>} : memref<128x128xf32, #tpu.memory_space<vmem>>, vector<16xf32>,
        tpu.vector_store %arg10[%swap3A_187, %swap3A_188], %mul3A_186 {strides = array<i32>} : memref<128x128xf32, #tpu.memory_space<vmem>>, vector<16xf32>,
        %get3A_190 = arith.index_cast %add3A_148 : i32 to index
        %get3A_191 = arith.constant 96 : index
        %get3A_192 = tpu.vector_load %arg10[%get3A_190, %get3A_191] {strides = array<i32>} : memref<128x128xf32, #tpu.memory_space<vmem>>, vector<16xf32>,
        %mul3A_193 = arith.mulf %get3A_192, %gather3A : vector<16xf32>
        %swap3A_194 = arith.index_cast %add3A_148 : i32 to index
        %swap3A_195 = arith.constant 96 : index
        %swap3A_196 = tpu.vector_load %arg10[%swap3A_194, %swap3A_195] {strides = array<i32>} : memref<128x128xf32, #tpu.memory_space<vmem>>, vector<16xf32>,
        tpu.vector_store %arg10[%swap3A_194, %swap3A_195], %mul3A_193 {strides = array<i32>} : memref<128x128xf32, #tpu.memory_space<vmem>>, vector<16xf32>,
        %get3A_197 = arith.index_cast %add3A_148 : i32 to index
        %get3A_198 = arith.constant 112 : index
        %get3A_199 = tpu.vector_load %arg10[%get3A_197, %get3A_198] {strides = array<i32>} : memref<128x128xf32, #tpu.memory_space<vmem>>, vector<16xf32>,
        %mul3A_200 = arith.mulf %get3A_199, %gather3A : vector<16xf32>
        %swap3A_201 = arith.index_cast %add3A_148 : i32 to index
        %swap3A_202 = arith.constant 112 : index
        %swap3A_203 = tpu.vector_load %arg10[%swap3A_201, %swap3A_202] {strides = array<i32>} : memref<128x128xf32, #tpu.memory_space<vmem>>, vector<16xf32>,
        tpu.vector_store %arg10[%swap3A_201, %swap3A_202], %mul3A_200 {strides = array<i32>} : memref<128x128xf32, #tpu.memory_space<vmem>>, vector<16xf32>,
        %mul3A_204 = arith.constant 2 : i32
        %mul3A_205 = arith.muli %scan3A_144, %mul3A_204 : i32
        %add3A_206 = arith.constant 1 : i32
        %add3A_207 = arith.addi %mul3A_205, %add3A_206 : i32
        %broadcast_in_dim3A_208 = vector.broadcast %add3A_207 : i32 to vector<16xi32>
        %gather3A_209 = tpu.vector_load_idx %arg12[%broadcast_in_dim3A_208] : memref<128xf32, #tpu.memory_space<vmem>>[vector<16xi32>], vector<16xf32>,
        %get3A_210 = arith.index_cast %add3A_207 : i32 to index
        %get3A_211 = arith.constant 0 : index
        %get3A_212 = tpu.vector_load %arg10[%get3A_210, %get3A_211] {strides = array<i32>} : memref<128x128xf32, #tpu.memory_space<vmem>>, vector<16xf32>,
        %mul3A_213 = arith.mulf %get3A_212, %gather3A_209 : vector<16xf32>
        %swap3A_214 = arith.index_cast %add3A_207 : i32 to index
        %swap3A_215 = arith.constant 0 : index
        %swap3A_216 = tpu.vector_load %arg10[%swap3A_214, %swap3A_215] {strides = array<i32>} : memref<128x128xf32, #tpu.memory_space<vmem>>, vector<16xf32>,
        tpu.vector_store %arg10[%swap3A_214, %swap3A_215], %mul3A_213 {strides = array<i32>} : memref<128x128xf32, #tpu.memory_space<vmem>>, vector<16xf32>,
        %get3A_217 = arith.index_cast %add3A_207 : i32 to index
        %get3A_218 = arith.constant 16 : index
        %get3A_219 = tpu.vector_load %arg10[%get3A_217, %get3A_218] {strides = array<i32>} : memref<128x128xf32, #tpu.memory_space<vmem>>, vector<16xf32>,
        %mul3A_220 = arith.mulf %get3A_219, %gather3A_209 : vector<16xf32>
        %swap3A_221 = arith.index_cast %add3A_207 : i32 to index
        %swap3A_222 = arith.constant 16 : index
        %swap3A_223 = tpu.vector_load %arg10[%swap3A_221, %swap3A_222] {strides = array<i32>} : memref<128x128xf32, #tpu.memory_space<vmem>>, vector<16xf32>,
        tpu.vector_store %arg10[%swap3A_221, %swap3A_222], %mul3A_220 {strides = array<i32>} : memref<128x128xf32, #tpu.memory_space<vmem>>, vector<16xf32>,
        %get3A_224 = arith.index_cast %add3A_207 : i32 to index
        %get3A_225 = arith.constant 32 : index
        %get3A_226 = tpu.vector_load %arg10[%get3A_224, %get3A_225] {strides = array<i32>} : memref<128x128xf32, #tpu.memory_space<vmem>>, vector<16xf32>,
        %mul3A_227 = arith.mulf %get3A_226, %gather3A_209 : vector<16xf32>
        %swap3A_228 = arith.index_cast %add3A_207 : i32 to index
        %swap3A_229 = arith.constant 32 : index
        %swap3A_230 = tpu.vector_load %arg10[%swap3A_228, %swap3A_229] {strides = array<i32>} : memref<128x128xf32, #tpu.memory_space<vmem>>, vector<16xf32>,
        tpu.vector_store %arg10[%swap3A_228, %swap3A_229], %mul3A_227 {strides = array<i32>} : memref<128x128xf32, #tpu.memory_space<vmem>>, vector<16xf32>,
        %get3A_231 = arith.index_cast %add3A_207 : i32 to index
        %get3A_232 = arith.constant 48 : index
        %get3A_233 = tpu.vector_load %arg10[%get3A_231, %get3A_232] {strides = array<i32>} : memref<128x128xf32, #tpu.memory_space<vmem>>, vector<16xf32>,
        %mul3A_234 = arith.mulf %get3A_233, %gather3A_209 : vector<16xf32>
        %swap3A_235 = arith.index_cast %add3A_207 : i32 to index
        %swap3A_236 = arith.constant 48 : index
        %swap3A_237 = tpu.vector_load %arg10[%swap3A_235, %swap3A_236] {strides = array<i32>} : memref<128x128xf32, #tpu.memory_space<vmem>>, vector<16xf32>,
        tpu.vector_store %arg10[%swap3A_235, %swap3A_236], %mul3A_234 {strides = array<i32>} : memref<128x128xf32, #tpu.memory_space<vmem>>, vector<16xf32>,
        %get3A_238 = arith.index_cast %add3A_207 : i32 to index
        %get3A_239 = arith.constant 64 : index
        %get3A_240 = tpu.vector_load %arg10[%get3A_238, %get3A_239] {strides = array<i32>} : memref<128x128xf32, #tpu.memory_space<vmem>>, vector<16xf32>,
        %mul3A_241 = arith.mulf %get3A_240, %gather3A_209 : vector<16xf32>
        %swap3A_242 = arith.index_cast %add3A_207 : i32 to index
        %swap3A_243 = arith.constant 64 : index
        %swap3A_244 = tpu.vector_load %arg10[%swap3A_242, %swap3A_243] {strides = array<i32>} : memref<128x128xf32, #tpu.memory_space<vmem>>, vector<16xf32>,
        tpu.vector_store %arg10[%swap3A_242, %swap3A_243], %mul3A_241 {strides = array<i32>} : memref<128x128xf32, #tpu.memory_space<vmem>>, vector<16xf32>,
        %get3A_245 = arith.index_cast %add3A_207 : i32 to index
        %get3A_246 = arith.constant 80 : index
        %get3A_247 = tpu.vector_load %arg10[%get3A_245, %get3A_246] {strides = array<i32>} : memref<128x128xf32, #tpu.memory_space<vmem>>, vector<16xf32>,
        %mul3A_248 = arith.mulf %get3A_247, %gather3A_209 : vector<16xf32>
        %swap3A_249 = arith.index_cast %add3A_207 : i32 to index
        %swap3A_250 = arith.constant 80 : index
        %swap3A_251 = tpu.vector_load %arg10[%swap3A_249, %swap3A_250] {strides = array<i32>} : memref<128x128xf32, #tpu.memory_space<vmem>>, vector<16xf32>,
        tpu.vector_store %arg10[%swap3A_249, %swap3A_250], %mul3A_248 {strides = array<i32>} : memref<128x128xf32, #tpu.memory_space<vmem>>, vector<16xf32>,
        %get3A_252 = arith.index_cast %add3A_207 : i32 to index
        %get3A_253 = arith.constant 96 : index
        %get3A_254 = tpu.vector_load %arg10[%get3A_252, %get3A_253] {strides = array<i32>} : memref<128x128xf32, #tpu.memory_space<vmem>>, vector<16xf32>,
        %mul3A_255 = arith.mulf %get3A_254, %gather3A_209 : vector<16xf32>
        %swap3A_256 = arith.index_cast %add3A_207 : i32 to index
        %swap3A_257 = arith.constant 96 : index
        %swap3A_258 = tpu.vector_load %arg10[%swap3A_256, %swap3A_257] {strides = array<i32>} : memref<128x128xf32, #tpu.memory_space<vmem>>, vector<16xf32>,
        tpu.vector_store %arg10[%swap3A_256, %swap3A_257], %mul3A_255 {strides = array<i32>} : memref<128x128xf32, #tpu.memory_space<vmem>>, vector<16xf32>,
        %get3A_259 = arith.index_cast %add3A_207 : i32 to index
        %get3A_260 = arith.constant 112 : index
        %get3A_261 = tpu.vector_load %arg10[%get3A_259, %get3A_260] {strides = array<i32>} : memref<128x128xf32, #tpu.memory_space<vmem>>, vector<16xf32>,
        %mul3A_262 = arith.mulf %get3A_261, %gather3A_209 : vector<16xf32>
        %swap3A_263 = arith.index_cast %add3A_207 : i32 to index
        %swap3A_264 = arith.constant 112 : index
        %swap3A_265 = tpu.vector_load %arg10[%swap3A_263, %swap3A_264] {strides = array<i32>} : memref<128x128xf32, #tpu.memory_space<vmem>>, vector<16xf32>,
        tpu.vector_store %arg10[%swap3A_263, %swap3A_264], %mul3A_262 {strides = array<i32>} : memref<128x128xf32, #tpu.memory_space<vmem>>, vector<16xf32>,
      }
      %scan3A_118 = arith.constant 64 : i32
      "tpu.region"() ({
        %run_scoped3A = tpu.sem_alloc : memref<!tpu.dma_semaphore, #tpu.memory_space<semaphore_mem>>
        %dma_start3A_144 = arith.constant 0 : i32
        %dma_start3A_145 = tpu.memref_slice %arg9[%mul3A_86, %dma_start3A_144] : memref<40x128xi32, #tpu.memory_space<vmem>> -> memref<1x128xi32, #tpu.memory_space<vmem>>
        %dma_start3A_146 = tpu.memref_squeeze %dma_start3A_145 : memref<1x128xi32, #tpu.memory_space<vmem>> -> memref<128xi32, #tpu.memory_space<vmem>>
        %dma_start3A_147 = arith.constant 0 : i32
        %dma_start3A_148 = arith.constant 0 : i32
        %dma_start3A_149 = tpu.memref_slice %arg7[%dma_start3A_147, %dma_start3A_148] : memref<10240x128xf32, #tpu.memory_space<vmem_shared>> -> memref<10240x128xf32, #tpu.memory_space<vmem_shared>>
        tpu.enqueue_indirect_dma source(%arg10 : memref<128x128xf32, #tpu.memory_space<vmem>>) target(%dma_start3A_149 : memref<10240x128xf32, #tpu.memory_space<vmem_shared>>) offsets(%dma_start3A_146 : memref<128xi32, #tpu.memory_space<vmem>>) semaphore(%run_scoped3A : memref<!tpu.dma_semaphore, #tpu.memory_space<semaphore_mem>>) {add = true}
        %dma_wait3A_150 = arith.constant 0 : i32
        %dma_wait3A_151 = tpu.memref_slice %arg9[%mul3A_86, %dma_wait3A_150] : memref<40x128xi32, #tpu.memory_space<vmem>> -> memref<1x128xi32, #tpu.memory_space<vmem>>
        %dma_wait3A_152 = tpu.memref_squeeze %dma_wait3A_151 : memref<1x128xi32, #tpu.memory_space<vmem>> -> memref<128xi32, #tpu.memory_space<vmem>>
        %dma_wait3A_153 = arith.constant 0 : i32
        %dma_wait3A_154 = arith.constant 0 : i32
        %dma_wait3A_155 = tpu.memref_slice %arg7[%dma_wait3A_153, %dma_wait3A_154] : memref<10240x128xf32, #tpu.memory_space<vmem_shared>> -> memref<10240x128xf32, #tpu.memory_space<vmem_shared>>
        tpu.wait_indirect_dma semaphore(%run_scoped3A : memref<!tpu.dma_semaphore, #tpu.memory_space<semaphore_mem>>) src(%arg10 : memref<128x128xf32, #tpu.memory_space<vmem>>) dst(%dma_wait3A_155 : memref<10240x128xf32, #tpu.memory_space<vmem_shared>>)
        tpu.yield
      }) : () -> ()
      %add3A_119 = arith.constant 1 : i32
      %add3A_120 = arith.addi %scan3A_84, %add3A_119 : i32
      %lt3A = arith.constant 20 : i32
      %lt3A_121 = arith.cmpi slt, %add3A_120, %lt3A : i32
      %convert_element_type3A_122 = arith.extui %lt3A_121 : i1 to i32
      %cond3A_123 = arith.constant 0 : i32
      %cond3A_124 = arith.cmpi ne, %convert_element_type3A_122, %cond3A_123 : i32
      scf.if %cond3A_124 {
        %add3A_144 = arith.constant 2 : i32
        %add3A_145 = arith.addi %mul3A_86, %add3A_144 : i32
        %dma_start3A_146 = arith.constant 0 : i32
        %dma_start3A_147 = tpu.memref_slice %arg8[%add3A_145, %dma_start3A_146] : memref<40x128xi32, #tpu.memory_space<vmem>> -> memref<1x128xi32, #tpu.memory_space<vmem>>
        %dma_start3A_148 = tpu.memref_squeeze %dma_start3A_147 : memref<1x128xi32, #tpu.memory_space<vmem>> -> memref<128xi32, #tpu.memory_space<vmem>>
        %dma_start3A_149 = arith.constant 0 : i32
        %dma_start3A_150 = arith.constant 0 : i32
        %dma_start3A_151 = tpu.memref_slice %arg2[%dma_start3A_149, %dma_start3A_150] : memref<20480x128xf32, #tpu.memory_space<hbm>> -> memref<20480x128xf32, #tpu.memory_space<hbm>>
        tpu.enqueue_indirect_dma source(%dma_start3A_151 : memref<20480x128xf32, #tpu.memory_space<hbm>>) target(%arg10 : memref<128x128xf32, #tpu.memory_space<vmem>>) offsets(%dma_start3A_148 : memref<128xi32, #tpu.memory_space<vmem>>) semaphore(%arg14 : memref<!tpu.dma_semaphore, #tpu.memory_space<semaphore_mem>>)
        %add3A_152 = arith.addi %add3A_51, %mul3A_86 : i32
        %add3A_153 = arith.constant 2 : i32
        %add3A_154 = arith.addi %add3A_152, %add3A_153 : i32
        %dma_start3A_155 = arith.constant 0 : i32
        %dma_start3A_156 = tpu.memref_slice %arg5[%add3A_154, %dma_start3A_155] : memref<1280x128xf32, #tpu.memory_space<hbm>> -> memref<1x128xf32, #tpu.memory_space<hbm>>
        %dma_start3A_157 = tpu.memref_squeeze %dma_start3A_156 : memref<1x128xf32, #tpu.memory_space<hbm>> -> memref<128xf32, #tpu.memory_space<hbm>>
        %dma_start3A_158 = arith.constant 0 : i32
        %dma_start3A_159 = tpu.memref_slice %arg5[%add3A_154, %dma_start3A_158] : memref<1280x128xf32, #tpu.memory_space<hbm>> -> memref<1x128xf32, #tpu.memory_space<hbm>>
        %dma_start3A_160 = tpu.memref_squeeze %dma_start3A_159 : memref<1x128xf32, #tpu.memory_space<hbm>> -> memref<128xf32, #tpu.memory_space<hbm>>
        tpu.enqueue_dma source(%dma_start3A_160 : memref<128xf32, #tpu.memory_space<hbm>>) target(%arg12 : memref<128xf32, #tpu.memory_space<vmem>>) target_semaphore(%arg16 : memref<!tpu.dma_semaphore, #tpu.memory_space<semaphore_mem>>)
      } else {
      }
      %dma_wait3A_125 = arith.constant 0 : i32
      %dma_wait3A_126 = tpu.memref_slice %arg8[%add3A_88, %dma_wait3A_125] : memref<40x128xi32, #tpu.memory_space<vmem>> -> memref<1x128xi32, #tpu.memory_space<vmem>>
      %dma_wait3A_127 = tpu.memref_squeeze %dma_wait3A_126 : memref<1x128xi32, #tpu.memory_space<vmem>> -> memref<128xi32, #tpu.memory_space<vmem>>
      %dma_wait3A_128 = arith.constant 0 : i32
      %dma_wait3A_129 = arith.constant 0 : i32
      %dma_wait3A_130 = tpu.memref_slice %arg2[%dma_wait3A_128, %dma_wait3A_129] : memref<20480x128xf32, #tpu.memory_space<hbm>> -> memref<20480x128xf32, #tpu.memory_space<hbm>>
      tpu.wait_indirect_dma semaphore(%arg15 : memref<!tpu.dma_semaphore, #tpu.memory_space<semaphore_mem>>) src(%dma_wait3A_130 : memref<20480x128xf32, #tpu.memory_space<hbm>>) dst(%arg11 : memref<128x128xf32, #tpu.memory_space<vmem>>)
      %add3A_131 = arith.addi %add3A_51, %add3A_88 : i32
      %dma_wait3A_132 = arith.constant 0 : i32
      %dma_wait3A_133 = tpu.memref_slice %arg5[%add3A_131, %dma_wait3A_132] : memref<1280x128xf32, #tpu.memory_space<hbm>> -> memref<1x128xf32, #tpu.memory_space<hbm>>
      %dma_wait3A_134 = tpu.memref_squeeze %dma_wait3A_133 : memref<1x128xf32, #tpu.memory_space<hbm>> -> memref<128xf32, #tpu.memory_space<hbm>>
      %dma_wait3A_135 = arith.constant 0 : i32
      %dma_wait3A_136 = tpu.memref_slice %arg5[%add3A_131, %dma_wait3A_135] : memref<1280x128xf32, #tpu.memory_space<hbm>> -> memref<1x128xf32, #tpu.memory_space<hbm>>
      %dma_wait3A_137 = tpu.memref_squeeze %dma_wait3A_136 : memref<1x128xf32, #tpu.memory_space<hbm>> -> memref<128xf32, #tpu.memory_space<hbm>>
      tpu.wait_dma2 semaphore(%arg17 : memref<!tpu.dma_semaphore, #tpu.memory_space<semaphore_mem>>) src(%dma_wait3A_137 : memref<128xf32, #tpu.memory_space<hbm>>) dst(%arg13 : memref<128xf32, #tpu.memory_space<vmem>>)
      %scan3A_138 = arith.constant 0 : i32
      %scan3A_139 = arith.constant 0 : i32
      %scan3A_140 = arith.constant 64 : i32
      %scan3A_141 = arith.addi %scan3A_139, %scan3A_140 : i32
      %scan3A_142 = arith.constant 1 : i32
      scf.for %scan3A_144 = %scan3A_139 to %scan3A_141 step %scan3A_142  : i32 {
        %mul3A_145 = arith.constant 2 : i32
        %mul3A_146 = arith.muli %scan3A_144, %mul3A_145 : i32
        %add3A_147 = arith.constant 0 : i32
        %add3A_148 = arith.addi %mul3A_146, %add3A_147 : i32
        %broadcast_in_dim3A_149 = vector.broadcast %add3A_148 : i32 to vector<16xi32>
        %gather3A = tpu.vector_load_idx %arg13[%broadcast_in_dim3A_149] : memref<128xf32, #tpu.memory_space<vmem>>[vector<16xi32>], vector<16xf32>,
        %get3A = arith.index_cast %add3A_148 : i32 to index
        %get3A_150 = arith.constant 0 : index
        %get3A_151 = tpu.vector_load %arg11[%get3A, %get3A_150] {strides = array<i32>} : memref<128x128xf32, #tpu.memory_space<vmem>>, vector<16xf32>,
        %mul3A_152 = arith.mulf %get3A_151, %gather3A : vector<16xf32>
        %swap3A = arith.index_cast %add3A_148 : i32 to index
        %swap3A_153 = arith.constant 0 : index
        %swap3A_154 = tpu.vector_load %arg11[%swap3A, %swap3A_153] {strides = array<i32>} : memref<128x128xf32, #tpu.memory_space<vmem>>, vector<16xf32>,
        tpu.vector_store %arg11[%swap3A, %swap3A_153], %mul3A_152 {strides = array<i32>} : memref<128x128xf32, #tpu.memory_space<vmem>>, vector<16xf32>,
        %get3A_155 = arith.index_cast %add3A_148 : i32 to index
        %get3A_156 = arith.constant 16 : index
        %get3A_157 = tpu.vector_load %arg11[%get3A_155, %get3A_156] {strides = array<i32>} : memref<128x128xf32, #tpu.memory_space<vmem>>, vector<16xf32>,
        %mul3A_158 = arith.mulf %get3A_157, %gather3A : vector<16xf32>
        %swap3A_159 = arith.index_cast %add3A_148 : i32 to index
        %swap3A_160 = arith.constant 16 : index
        %swap3A_161 = tpu.vector_load %arg11[%swap3A_159, %swap3A_160] {strides = array<i32>} : memref<128x128xf32, #tpu.memory_space<vmem>>, vector<16xf32>,
        tpu.vector_store %arg11[%swap3A_159, %swap3A_160], %mul3A_158 {strides = array<i32>} : memref<128x128xf32, #tpu.memory_space<vmem>>, vector<16xf32>,
        %get3A_162 = arith.index_cast %add3A_148 : i32 to index
        %get3A_163 = arith.constant 32 : index
        %get3A_164 = tpu.vector_load %arg11[%get3A_162, %get3A_163] {strides = array<i32>} : memref<128x128xf32, #tpu.memory_space<vmem>>, vector<16xf32>,
        %mul3A_165 = arith.mulf %get3A_164, %gather3A : vector<16xf32>
        %swap3A_166 = arith.index_cast %add3A_148 : i32 to index
        %swap3A_167 = arith.constant 32 : index
        %swap3A_168 = tpu.vector_load %arg11[%swap3A_166, %swap3A_167] {strides = array<i32>} : memref<128x128xf32, #tpu.memory_space<vmem>>, vector<16xf32>,
        tpu.vector_store %arg11[%swap3A_166, %swap3A_167], %mul3A_165 {strides = array<i32>} : memref<128x128xf32, #tpu.memory_space<vmem>>, vector<16xf32>,
        %get3A_169 = arith.index_cast %add3A_148 : i32 to index
        %get3A_170 = arith.constant 48 : index
        %get3A_171 = tpu.vector_load %arg11[%get3A_169, %get3A_170] {strides = array<i32>} : memref<128x128xf32, #tpu.memory_space<vmem>>, vector<16xf32>,
        %mul3A_172 = arith.mulf %get3A_171, %gather3A : vector<16xf32>
        %swap3A_173 = arith.index_cast %add3A_148 : i32 to index
        %swap3A_174 = arith.constant 48 : index
        %swap3A_175 = tpu.vector_load %arg11[%swap3A_173, %swap3A_174] {strides = array<i32>} : memref<128x128xf32, #tpu.memory_space<vmem>>, vector<16xf32>,
        tpu.vector_store %arg11[%swap3A_173, %swap3A_174], %mul3A_172 {strides = array<i32>} : memref<128x128xf32, #tpu.memory_space<vmem>>, vector<16xf32>,
        %get3A_176 = arith.index_cast %add3A_148 : i32 to index
        %get3A_177 = arith.constant 64 : index
        %get3A_178 = tpu.vector_load %arg11[%get3A_176, %get3A_177] {strides = array<i32>} : memref<128x128xf32, #tpu.memory_space<vmem>>, vector<16xf32>,
        %mul3A_179 = arith.mulf %get3A_178, %gather3A : vector<16xf32>
        %swap3A_180 = arith.index_cast %add3A_148 : i32 to index
        %swap3A_181 = arith.constant 64 : index
        %swap3A_182 = tpu.vector_load %arg11[%swap3A_180, %swap3A_181] {strides = array<i32>} : memref<128x128xf32, #tpu.memory_space<vmem>>, vector<16xf32>,
        tpu.vector_store %arg11[%swap3A_180, %swap3A_181], %mul3A_179 {strides = array<i32>} : memref<128x128xf32, #tpu.memory_space<vmem>>, vector<16xf32>,
        %get3A_183 = arith.index_cast %add3A_148 : i32 to index
        %get3A_184 = arith.constant 80 : index
        %get3A_185 = tpu.vector_load %arg11[%get3A_183, %get3A_184] {strides = array<i32>} : memref<128x128xf32, #tpu.memory_space<vmem>>, vector<16xf32>,
        %mul3A_186 = arith.mulf %get3A_185, %gather3A : vector<16xf32>
        %swap3A_187 = arith.index_cast %add3A_148 : i32 to index
        %swap3A_188 = arith.constant 80 : index
        %swap3A_189 = tpu.vector_load %arg11[%swap3A_187, %swap3A_188] {strides = array<i32>} : memref<128x128xf32, #tpu.memory_space<vmem>>, vector<16xf32>,
        tpu.vector_store %arg11[%swap3A_187, %swap3A_188], %mul3A_186 {strides = array<i32>} : memref<128x128xf32, #tpu.memory_space<vmem>>, vector<16xf32>,
        %get3A_190 = arith.index_cast %add3A_148 : i32 to index
        %get3A_191 = arith.constant 96 : index
        %get3A_192 = tpu.vector_load %arg11[%get3A_190, %get3A_191] {strides = array<i32>} : memref<128x128xf32, #tpu.memory_space<vmem>>, vector<16xf32>,
        %mul3A_193 = arith.mulf %get3A_192, %gather3A : vector<16xf32>
        %swap3A_194 = arith.index_cast %add3A_148 : i32 to index
        %swap3A_195 = arith.constant 96 : index
        %swap3A_196 = tpu.vector_load %arg11[%swap3A_194, %swap3A_195] {strides = array<i32>} : memref<128x128xf32, #tpu.memory_space<vmem>>, vector<16xf32>,
        tpu.vector_store %arg11[%swap3A_194, %swap3A_195], %mul3A_193 {strides = array<i32>} : memref<128x128xf32, #tpu.memory_space<vmem>>, vector<16xf32>,
        %get3A_197 = arith.index_cast %add3A_148 : i32 to index
        %get3A_198 = arith.constant 112 : index
        %get3A_199 = tpu.vector_load %arg11[%get3A_197, %get3A_198] {strides = array<i32>} : memref<128x128xf32, #tpu.memory_space<vmem>>, vector<16xf32>,
        %mul3A_200 = arith.mulf %get3A_199, %gather3A : vector<16xf32>
        %swap3A_201 = arith.index_cast %add3A_148 : i32 to index
        %swap3A_202 = arith.constant 112 : index
        %swap3A_203 = tpu.vector_load %arg11[%swap3A_201, %swap3A_202] {strides = array<i32>} : memref<128x128xf32, #tpu.memory_space<vmem>>, vector<16xf32>,
        tpu.vector_store %arg11[%swap3A_201, %swap3A_202], %mul3A_200 {strides = array<i32>} : memref<128x128xf32, #tpu.memory_space<vmem>>, vector<16xf32>,
        %mul3A_204 = arith.constant 2 : i32
        %mul3A_205 = arith.muli %scan3A_144, %mul3A_204 : i32
        %add3A_206 = arith.constant 1 : i32
        %add3A_207 = arith.addi %mul3A_205, %add3A_206 : i32
        %broadcast_in_dim3A_208 = vector.broadcast %add3A_207 : i32 to vector<16xi32>
        %gather3A_209 = tpu.vector_load_idx %arg13[%broadcast_in_dim3A_208] : memref<128xf32, #tpu.memory_space<vmem>>[vector<16xi32>], vector<16xf32>,
        %get3A_210 = arith.index_cast %add3A_207 : i32 to index
        %get3A_211 = arith.constant 0 : index
        %get3A_212 = tpu.vector_load %arg11[%get3A_210, %get3A_211] {strides = array<i32>} : memref<128x128xf32, #tpu.memory_space<vmem>>, vector<16xf32>,
        %mul3A_213 = arith.mulf %get3A_212, %gather3A_209 : vector<16xf32>
        %swap3A_214 = arith.index_cast %add3A_207 : i32 to index
        %swap3A_215 = arith.constant 0 : index
        %swap3A_216 = tpu.vector_load %arg11[%swap3A_214, %swap3A_215] {strides = array<i32>} : memref<128x128xf32, #tpu.memory_space<vmem>>, vector<16xf32>,
        tpu.vector_store %arg11[%swap3A_214, %swap3A_215], %mul3A_213 {strides = array<i32>} : memref<128x128xf32, #tpu.memory_space<vmem>>, vector<16xf32>,
        %get3A_217 = arith.index_cast %add3A_207 : i32 to index
        %get3A_218 = arith.constant 16 : index
        %get3A_219 = tpu.vector_load %arg11[%get3A_217, %get3A_218] {strides = array<i32>} : memref<128x128xf32, #tpu.memory_space<vmem>>, vector<16xf32>,
        %mul3A_220 = arith.mulf %get3A_219, %gather3A_209 : vector<16xf32>
        %swap3A_221 = arith.index_cast %add3A_207 : i32 to index
        %swap3A_222 = arith.constant 16 : index
        %swap3A_223 = tpu.vector_load %arg11[%swap3A_221, %swap3A_222] {strides = array<i32>} : memref<128x128xf32, #tpu.memory_space<vmem>>, vector<16xf32>,
        tpu.vector_store %arg11[%swap3A_221, %swap3A_222], %mul3A_220 {strides = array<i32>} : memref<128x128xf32, #tpu.memory_space<vmem>>, vector<16xf32>,
        %get3A_224 = arith.index_cast %add3A_207 : i32 to index
        %get3A_225 = arith.constant 32 : index
        %get3A_226 = tpu.vector_load %arg11[%get3A_224, %get3A_225] {strides = array<i32>} : memref<128x128xf32, #tpu.memory_space<vmem>>, vector<16xf32>,
        %mul3A_227 = arith.mulf %get3A_226, %gather3A_209 : vector<16xf32>
        %swap3A_228 = arith.index_cast %add3A_207 : i32 to index
        %swap3A_229 = arith.constant 32 : index
        %swap3A_230 = tpu.vector_load %arg11[%swap3A_228, %swap3A_229] {strides = array<i32>} : memref<128x128xf32, #tpu.memory_space<vmem>>, vector<16xf32>,
        tpu.vector_store %arg11[%swap3A_228, %swap3A_229], %mul3A_227 {strides = array<i32>} : memref<128x128xf32, #tpu.memory_space<vmem>>, vector<16xf32>,
        %get3A_231 = arith.index_cast %add3A_207 : i32 to index
        %get3A_232 = arith.constant 48 : index
        %get3A_233 = tpu.vector_load %arg11[%get3A_231, %get3A_232] {strides = array<i32>} : memref<128x128xf32, #tpu.memory_space<vmem>>, vector<16xf32>,
        %mul3A_234 = arith.mulf %get3A_233, %gather3A_209 : vector<16xf32>
        %swap3A_235 = arith.index_cast %add3A_207 : i32 to index
        %swap3A_236 = arith.constant 48 : index
        %swap3A_237 = tpu.vector_load %arg11[%swap3A_235, %swap3A_236] {strides = array<i32>} : memref<128x128xf32, #tpu.memory_space<vmem>>, vector<16xf32>,
        tpu.vector_store %arg11[%swap3A_235, %swap3A_236], %mul3A_234 {strides = array<i32>} : memref<128x128xf32, #tpu.memory_space<vmem>>, vector<16xf32>,
        %get3A_238 = arith.index_cast %add3A_207 : i32 to index
        %get3A_239 = arith.constant 64 : index
        %get3A_240 = tpu.vector_load %arg11[%get3A_238, %get3A_239] {strides = array<i32>} : memref<128x128xf32, #tpu.memory_space<vmem>>, vector<16xf32>,
        %mul3A_241 = arith.mulf %get3A_240, %gather3A_209 : vector<16xf32>
        %swap3A_242 = arith.index_cast %add3A_207 : i32 to index
        %swap3A_243 = arith.constant 64 : index
        %swap3A_244 = tpu.vector_load %arg11[%swap3A_242, %swap3A_243] {strides = array<i32>} : memref<128x128xf32, #tpu.memory_space<vmem>>, vector<16xf32>,
        tpu.vector_store %arg11[%swap3A_242, %swap3A_243], %mul3A_241 {strides = array<i32>} : memref<128x128xf32, #tpu.memory_space<vmem>>, vector<16xf32>,
        %get3A_245 = arith.index_cast %add3A_207 : i32 to index
        %get3A_246 = arith.constant 80 : index
        %get3A_247 = tpu.vector_load %arg11[%get3A_245, %get3A_246] {strides = array<i32>} : memref<128x128xf32, #tpu.memory_space<vmem>>, vector<16xf32>,
        %mul3A_248 = arith.mulf %get3A_247, %gather3A_209 : vector<16xf32>
        %swap3A_249 = arith.index_cast %add3A_207 : i32 to index
        %swap3A_250 = arith.constant 80 : index
        %swap3A_251 = tpu.vector_load %arg11[%swap3A_249, %swap3A_250] {strides = array<i32>} : memref<128x128xf32, #tpu.memory_space<vmem>>, vector<16xf32>,
        tpu.vector_store %arg11[%swap3A_249, %swap3A_250], %mul3A_248 {strides = array<i32>} : memref<128x128xf32, #tpu.memory_space<vmem>>, vector<16xf32>,
        %get3A_252 = arith.index_cast %add3A_207 : i32 to index
        %get3A_253 = arith.constant 96 : index
        %get3A_254 = tpu.vector_load %arg11[%get3A_252, %get3A_253] {strides = array<i32>} : memref<128x128xf32, #tpu.memory_space<vmem>>, vector<16xf32>,
        %mul3A_255 = arith.mulf %get3A_254, %gather3A_209 : vector<16xf32>
        %swap3A_256 = arith.index_cast %add3A_207 : i32 to index
        %swap3A_257 = arith.constant 96 : index
        %swap3A_258 = tpu.vector_load %arg11[%swap3A_256, %swap3A_257] {strides = array<i32>} : memref<128x128xf32, #tpu.memory_space<vmem>>, vector<16xf32>,
        tpu.vector_store %arg11[%swap3A_256, %swap3A_257], %mul3A_255 {strides = array<i32>} : memref<128x128xf32, #tpu.memory_space<vmem>>, vector<16xf32>,
        %get3A_259 = arith.index_cast %add3A_207 : i32 to index
        %get3A_260 = arith.constant 112 : index
        %get3A_261 = tpu.vector_load %arg11[%get3A_259, %get3A_260] {strides = array<i32>} : memref<128x128xf32, #tpu.memory_space<vmem>>, vector<16xf32>,
        %mul3A_262 = arith.mulf %get3A_261, %gather3A_209 : vector<16xf32>
        %swap3A_263 = arith.index_cast %add3A_207 : i32 to index
        %swap3A_264 = arith.constant 112 : index
        %swap3A_265 = tpu.vector_load %arg11[%swap3A_263, %swap3A_264] {strides = array<i32>} : memref<128x128xf32, #tpu.memory_space<vmem>>, vector<16xf32>,
        tpu.vector_store %arg11[%swap3A_263, %swap3A_264], %mul3A_262 {strides = array<i32>} : memref<128x128xf32, #tpu.memory_space<vmem>>, vector<16xf32>,
      }
      %scan3A_143 = arith.constant 64 : i32
      "tpu.region"() ({
        %run_scoped3A = tpu.sem_alloc : memref<!tpu.dma_semaphore, #tpu.memory_space<semaphore_mem>>
        %dma_start3A_144 = arith.constant 0 : i32
        %dma_start3A_145 = tpu.memref_slice %arg9[%add3A_88, %dma_start3A_144] : memref<40x128xi32, #tpu.memory_space<vmem>> -> memref<1x128xi32, #tpu.memory_space<vmem>>
        %dma_start3A_146 = tpu.memref_squeeze %dma_start3A_145 : memref<1x128xi32, #tpu.memory_space<vmem>> -> memref<128xi32, #tpu.memory_space<vmem>>
        %dma_start3A_147 = arith.constant 0 : i32
        %dma_start3A_148 = arith.constant 0 : i32
        %dma_start3A_149 = tpu.memref_slice %arg7[%dma_start3A_147, %dma_start3A_148] : memref<10240x128xf32, #tpu.memory_space<vmem_shared>> -> memref<10240x128xf32, #tpu.memory_space<vmem_shared>>
        tpu.enqueue_indirect_dma source(%arg11 : memref<128x128xf32, #tpu.memory_space<vmem>>) target(%dma_start3A_149 : memref<10240x128xf32, #tpu.memory_space<vmem_shared>>) offsets(%dma_start3A_146 : memref<128xi32, #tpu.memory_space<vmem>>) semaphore(%run_scoped3A : memref<!tpu.dma_semaphore, #tpu.memory_space<semaphore_mem>>) {add = true}
        %dma_wait3A_150 = arith.constant 0 : i32
        %dma_wait3A_151 = tpu.memref_slice %arg9[%add3A_88, %dma_wait3A_150] : memref<40x128xi32, #tpu.memory_space<vmem>> -> memref<1x128xi32, #tpu.memory_space<vmem>>
        %dma_wait3A_152 = tpu.memref_squeeze %dma_wait3A_151 : memref<1x128xi32, #tpu.memory_space<vmem>> -> memref<128xi32, #tpu.memory_space<vmem>>
        %dma_wait3A_153 = arith.constant 0 : i32
        %dma_wait3A_154 = arith.constant 0 : i32
        %dma_wait3A_155 = tpu.memref_slice %arg7[%dma_wait3A_153, %dma_wait3A_154] : memref<10240x128xf32, #tpu.memory_space<vmem_shared>> -> memref<10240x128xf32, #tpu.memory_space<vmem_shared>>
        tpu.wait_indirect_dma semaphore(%run_scoped3A : memref<!tpu.dma_semaphore, #tpu.memory_space<semaphore_mem>>) src(%arg11 : memref<128x128xf32, #tpu.memory_space<vmem>>) dst(%dma_wait3A_155 : memref<10240x128xf32, #tpu.memory_space<vmem_shared>>)
        tpu.yield
      }) : () -> ()
    }
    %scan3A_75 = arith.constant 20 : i32
    %barrier3A_76 = arith.constant 0 : index
    tpu.barrier barrier_id(%barrier3A_76)
    %mul3A_77 = arith.constant 640 : i32
    %mul3A_78 = arith.muli %arg1, %mul3A_77 : i32
    %mul3A_79 = arith.constant 10240 : i32
    %mul3A_80 = arith.muli %arg0, %mul3A_79 : i32
    %mul3A_81 = arith.constant 640 : i32
    %mul3A_82 = arith.muli %arg1, %mul3A_81 : i32
    %add3A_83 = arith.addi %mul3A_80, %mul3A_82 : i32
    "tpu.region"() ({
      %run_scoped3A = tpu.sem_alloc : memref<!tpu.dma_semaphore, #tpu.memory_space<semaphore_mem>>
      %dma_start3A_84 = arith.constant 0 : i32
      %dma_start3A_85 = tpu.memref_slice %arg6[%add3A_83, %dma_start3A_84] : memref<20480x128xf32, #tpu.memory_space<hbm>> -> memref<640x128xf32, #tpu.memory_space<hbm>>
      %dma_start3A_86 = arith.constant 0 : i32
      %dma_start3A_87 = tpu.memref_slice %arg7[%mul3A_78, %dma_start3A_86] : memref<10240x128xf32, #tpu.memory_space<vmem_shared>> -> memref<640x128xf32, #tpu.memory_space<vmem_shared>>
      tpu.enqueue_dma source(%dma_start3A_87 : memref<640x128xf32, #tpu.memory_space<vmem_shared>>) target(%dma_start3A_85 : memref<640x128xf32, #tpu.memory_space<hbm>>) target_semaphore(%run_scoped3A : memref<!tpu.dma_semaphore, #tpu.memory_space<semaphore_mem>>)
      %dma_wait3A = arith.constant 0 : i32
      %dma_wait3A_88 = tpu.memref_slice %arg6[%add3A_83, %dma_wait3A] : memref<20480x128xf32, #tpu.memory_space<hbm>> -> memref<640x128xf32, #tpu.memory_space<hbm>>
      %dma_wait3A_89 = arith.constant 0 : i32
      %dma_wait3A_90 = tpu.memref_slice %arg7[%mul3A_78, %dma_wait3A_89] : memref<10240x128xf32, #tpu.memory_space<vmem_shared>> -> memref<640x128xf32, #tpu.memory_space<vmem_shared>>
      tpu.wait_dma2 semaphore(%run_scoped3A : memref<!tpu.dma_semaphore, #tpu.memory_space<semaphore_mem>>) src(%dma_wait3A_90 : memref<640x128xf32, #tpu.memory_space<vmem_shared>>) dst(%dma_wait3A_88 : memref<640x128xf32, #tpu.memory_space<hbm>>)
      tpu.yield
    }) : () -> ()
    return
  }
}

module attributes {stable_mosaic.version = 14 : i64} {
  func.func @_mm_body(%arg0: i32, %arg1: memref<512x128xf32, #tpu.memory_space<vmem>>, %arg2: memref<512x128xf32, #tpu.memory_space<vmem>>, %arg3: memref<512x128xf32, #tpu.memory_space<vmem>>, %arg4: memref<512x128xf32, #tpu.memory_space<vmem>>, %arg5: memref<512x1xf32, #tpu.memory_space<vmem>>, %arg6: memref<128x512xf32, #tpu.memory_space<vmem>>, %arg7: memref<128x512xf32, #tpu.memory_space<vmem>>, %arg8: memref<1x512xf32, #tpu.memory_space<vmem>>, %arg9: memref<512x128xf32, #tpu.memory_space<vmem>>, %arg10: memref<512x512xf32, #tpu.memory_space<vmem>>, %arg11: memref<512x128xf32, #tpu.memory_space<vmem>>) attributes {dimension_semantics = [#tpu.dimension_semantics<arbitrary>], iteration_bounds = array<i64: 20>, scalar_prefetch = 0 : i64, scratch_operands = 0 : i64, tpu.core_type = #tpu.core_type<tc>, window_params = [{transform_indices = @transform_0, window_bounds = array<i64: 512, 128>}, {transform_indices = @transform_1, window_bounds = array<i64: 512, 128>}, {transform_indices = @transform_2, window_bounds = array<i64: 512, 128>}, {transform_indices = @transform_3, window_bounds = array<i64: 512, 128>}, {transform_indices = @transform_4, window_bounds = array<i64: 512, 1>}, {pipeline_mode = #tpu.pipeline_mode<synchronous>, transform_indices = @transform_5, window_bounds = array<i64: 128, 512>}, {pipeline_mode = #tpu.pipeline_mode<synchronous>, transform_indices = @transform_6, window_bounds = array<i64: 128, 512>}, {pipeline_mode = #tpu.pipeline_mode<synchronous>, transform_indices = @transform_7, window_bounds = array<i64: 1, 512>}, {pipeline_mode = #tpu.pipeline_mode<synchronous>, transform_indices = @transform_8, window_bounds = array<i64: 512, 128>}, {transform_indices = @transform_9, window_bounds = array<i64: 512, 512>}, {transform_indices = @transform_10, window_bounds = array<i64: 512, 128>}]} {
    %get3A = arith.constant 0 : index
    %get3A_0 = arith.constant 0 : index
    %get3A_1 = vector.load %arg1[%get3A, %get3A_0] : memref<512x128xf32, #tpu.memory_space<vmem>>, vector<512x128xf32>
    %get3A_2 = arith.constant 0 : index
    %get3A_3 = arith.constant 0 : index
    %get3A_4 = vector.load %arg5[%get3A_2, %get3A_3] : memref<512x1xf32, #tpu.memory_space<vmem>>, vector<512x1xf32>
    %get3A_5 = arith.constant 0 : index
    %get3A_6 = arith.constant 0 : index
    %get3A_7 = vector.load %arg3[%get3A_5, %get3A_6] : memref<512x128xf32, #tpu.memory_space<vmem>>, vector<512x128xf32>
    %mul3A = vector.broadcast %get3A_4 : vector<512x1xf32> to vector<512x128xf32>
    %mul3A_8 = arith.mulf %mul3A, %get3A_7 : vector<512x128xf32>
    %add3A = arith.addf %get3A_1, %mul3A_8 : vector<512x128xf32>
    %get3A_9 = arith.constant 0 : index
    %get3A_10 = arith.constant 0 : index
    %get3A_11 = vector.load %arg2[%get3A_9, %get3A_10] : memref<512x128xf32, #tpu.memory_space<vmem>>, vector<512x128xf32>
    %get3A_12 = arith.constant 0 : index
    %get3A_13 = arith.constant 0 : index
    %get3A_14 = vector.load %arg5[%get3A_12, %get3A_13] : memref<512x1xf32, #tpu.memory_space<vmem>>, vector<512x1xf32>
    %get3A_15 = arith.constant 0 : index
    %get3A_16 = arith.constant 0 : index
    %get3A_17 = vector.load %arg4[%get3A_15, %get3A_16] : memref<512x128xf32, #tpu.memory_space<vmem>>, vector<512x128xf32>
    %mul3A_18 = vector.broadcast %get3A_14 : vector<512x1xf32> to vector<512x128xf32>
    %mul3A_19 = arith.mulf %mul3A_18, %get3A_17 : vector<512x128xf32>
    %add3A_20 = arith.addf %get3A_11, %mul3A_19 : vector<512x128xf32>
    %get3A_21 = arith.constant 0 : index
    %get3A_22 = arith.constant 0 : index
    %get3A_23 = vector.load %arg6[%get3A_21, %get3A_22] : memref<128x512xf32, #tpu.memory_space<vmem>>, vector<128x512xf32>
    %dot_general3A = arith.constant dense<0.000000e+00> : vector<512x512xf32>
    %dot_general3A_24 = tpu.matmul %add3A, %get3A_23, %dot_general3A {dimension_numbers = #tpu.dot_dimension_numbers<[1], [0], [0], [1], [0, 0, 1, 1], [], []>, transpose_lhs_hint = false} : vector<512x128xf32>, vector<128x512xf32>, vector<512x512xf32> -> vector<512x512xf32>
    %get3A_25 = arith.constant 0 : index
    %get3A_26 = arith.constant 0 : index
    %get3A_27 = vector.load %arg7[%get3A_25, %get3A_26] : memref<128x512xf32, #tpu.memory_space<vmem>>, vector<128x512xf32>
    %dot_general3A_28 = arith.constant dense<0.000000e+00> : vector<512x512xf32>
    %dot_general3A_29 = tpu.matmul %add3A_20, %get3A_27, %dot_general3A_28 {dimension_numbers = #tpu.dot_dimension_numbers<[1], [0], [0], [1], [0, 0, 1, 1], [], []>, transpose_lhs_hint = false} : vector<512x128xf32>, vector<128x512xf32>, vector<512x512xf32> -> vector<512x512xf32>
    %add3A_30 = arith.addf %dot_general3A_24, %dot_general3A_29 : vector<512x512xf32>
    %get3A_31 = arith.constant 0 : index
    %get3A_32 = arith.constant 0 : index
    %get3A_33 = vector.load %arg8[%get3A_31, %get3A_32] : memref<1x512xf32, #tpu.memory_space<vmem>>, vector<1x512xf32>
    %add3A_34 = vector.broadcast %get3A_33 : vector<1x512xf32> to vector<512x512xf32>
    %add3A_35 = arith.addf %add3A_30, %add3A_34 : vector<512x512xf32>
    %swap3A = arith.constant 0 : index
    %swap3A_36 = arith.constant 0 : index
    %swap3A_37 = vector.load %arg10[%swap3A, %swap3A_36] : memref<512x512xf32, #tpu.memory_space<vmem>>, vector<512x512xf32>
    tpu.vector_store %arg10[%swap3A, %swap3A_36], %add3A_35 {strides = array<i32>} : memref<512x512xf32, #tpu.memory_space<vmem>>, vector<512x512xf32>,
    %max3A = arith.constant 0.000000e+00 : f32
    %max3A_38 = vector.broadcast %max3A : f32 to vector<512x512xf32>
    %max3A_39 = arith.maximumf %add3A_35, %max3A_38 : vector<512x512xf32>
    %get3A_40 = arith.constant 0 : index
    %get3A_41 = arith.constant 0 : index
    %get3A_42 = vector.load %arg9[%get3A_40, %get3A_41] : memref<512x128xf32, #tpu.memory_space<vmem>>, vector<512x128xf32>
    %dot_general3A_43 = arith.constant dense<0.000000e+00> : vector<512x128xf32>
    %dot_general3A_44 = tpu.matmul %max3A_39, %get3A_42, %dot_general3A_43 {dimension_numbers = #tpu.dot_dimension_numbers<[1], [0], [0], [1], [0, 0, 1, 1], [], []>, transpose_lhs_hint = false} : vector<512x512xf32>, vector<512x128xf32>, vector<512x128xf32> -> vector<512x128xf32>
    %swap3A_45 = arith.constant 0 : index
    %swap3A_46 = arith.constant 0 : index
    %swap3A_47 = vector.load %arg11[%swap3A_45, %swap3A_46] : memref<512x128xf32, #tpu.memory_space<vmem>>, vector<512x128xf32>
    tpu.vector_store %arg11[%swap3A_45, %swap3A_46], %dot_general3A_44 {strides = array<i32>} : memref<512x128xf32, #tpu.memory_space<vmem>>, vector<512x128xf32>,
    return
  }
  func.func @transform_0(%arg0: i32) -> (i32, i32) {
    %c0_i32 = arith.constant 0 : i32
    %c0_i32_0 = arith.constant 0 : i32
    return %arg0, %c0_i32 : i32, i32
  }
  func.func @transform_1(%arg0: i32) -> (i32, i32) {
    %c0_i32 = arith.constant 0 : i32
    %c0_i32_0 = arith.constant 0 : i32
    return %arg0, %c0_i32 : i32, i32
  }
  func.func @transform_2(%arg0: i32) -> (i32, i32) {
    %c0_i32 = arith.constant 0 : i32
    %c0_i32_0 = arith.constant 0 : i32
    return %arg0, %c0_i32 : i32, i32
  }
  func.func @transform_3(%arg0: i32) -> (i32, i32) {
    %c0_i32 = arith.constant 0 : i32
    %c0_i32_0 = arith.constant 0 : i32
    return %arg0, %c0_i32 : i32, i32
  }
  func.func @transform_4(%arg0: i32) -> (i32, i32) {
    %c0_i32 = arith.constant 0 : i32
    %c0_i32_0 = arith.constant 0 : i32
    return %arg0, %c0_i32 : i32, i32
  }
  func.func @transform_5(%arg0: i32) -> (i32, i32) {
    %c0_i32 = arith.constant 0 : i32
    %c0_i32_0 = arith.constant 0 : i32
    %c0_i32_1 = arith.constant 0 : i32
    return %c0_i32, %c0_i32_0 : i32, i32
  }
  func.func @transform_6(%arg0: i32) -> (i32, i32) {
    %c0_i32 = arith.constant 0 : i32
    %c0_i32_0 = arith.constant 0 : i32
    %c0_i32_1 = arith.constant 0 : i32
    return %c0_i32, %c0_i32_0 : i32, i32
  }
  func.func @transform_7(%arg0: i32) -> (i32, i32) {
    %c0_i32 = arith.constant 0 : i32
    %c0_i32_0 = arith.constant 0 : i32
    %c0_i32_1 = arith.constant 0 : i32
    return %c0_i32, %c0_i32_0 : i32, i32
  }
  func.func @transform_8(%arg0: i32) -> (i32, i32) {
    %c0_i32 = arith.constant 0 : i32
    %c0_i32_0 = arith.constant 0 : i32
    %c0_i32_1 = arith.constant 0 : i32
    return %c0_i32, %c0_i32_0 : i32, i32
  }
  func.func @transform_9(%arg0: i32) -> (i32, i32) {
    %c0_i32 = arith.constant 0 : i32
    %c0_i32_0 = arith.constant 0 : i32
    return %arg0, %c0_i32 : i32, i32
  }
  func.func @transform_10(%arg0: i32) -> (i32, i32) {
    %c0_i32 = arith.constant 0 : i32
    %c0_i32_0 = arith.constant 0 : i32
    return %arg0, %c0_i32 : i32, i32
  }
}

module attributes {stable_mosaic.version = 14 : i64} {
  func.func @_fin_body(%arg0: i32, %arg1: memref<512x128xf32, #tpu.memory_space<vmem>>, %arg2: memref<512x128xf32, #tpu.memory_space<vmem>>, %arg3: memref<512x1xf32, #tpu.memory_space<vmem>>, %arg4: memref<1x128xf32, #tpu.memory_space<vmem>>, %arg5: memref<512x128xf32, #tpu.memory_space<vmem>>) attributes {dimension_semantics = [#tpu.dimension_semantics<arbitrary>], iteration_bounds = array<i64: 20>, scalar_prefetch = 0 : i64, scratch_operands = 0 : i64, tpu.core_type = #tpu.core_type<tc>, window_params = [{transform_indices = @transform_0, window_bounds = array<i64: 512, 128>}, {transform_indices = @transform_1, window_bounds = array<i64: 512, 128>}, {transform_indices = @transform_2, window_bounds = array<i64: 512, 1>}, {pipeline_mode = #tpu.pipeline_mode<synchronous>, transform_indices = @transform_3, window_bounds = array<i64: 1, 128>}, {transform_indices = @transform_4, window_bounds = array<i64: 512, 128>}]} {
    %get3A = arith.constant 0 : index
    %get3A_0 = arith.constant 0 : index
    %get3A_1 = vector.load %arg1[%get3A, %get3A_0] : memref<512x128xf32, #tpu.memory_space<vmem>>, vector<512x128xf32>
    %get3A_2 = arith.constant 0 : index
    %get3A_3 = arith.constant 0 : index
    %get3A_4 = vector.load %arg3[%get3A_2, %get3A_3] : memref<512x1xf32, #tpu.memory_space<vmem>>, vector<512x1xf32>
    %get3A_5 = arith.constant 0 : index
    %get3A_6 = arith.constant 0 : index
    %get3A_7 = vector.load %arg2[%get3A_5, %get3A_6] : memref<512x128xf32, #tpu.memory_space<vmem>>, vector<512x128xf32>
    %mul3A = vector.broadcast %get3A_4 : vector<512x1xf32> to vector<512x128xf32>
    %mul3A_8 = arith.mulf %mul3A, %get3A_7 : vector<512x128xf32>
    %add3A = arith.addf %get3A_1, %mul3A_8 : vector<512x128xf32>
    %get3A_9 = arith.constant 0 : index
    %get3A_10 = arith.constant 0 : index
    %get3A_11 = vector.load %arg4[%get3A_9, %get3A_10] : memref<1x128xf32, #tpu.memory_space<vmem>>, vector<1x128xf32>
    %add3A_12 = vector.broadcast %get3A_11 : vector<1x128xf32> to vector<512x128xf32>
    %add3A_13 = arith.addf %add3A, %add3A_12 : vector<512x128xf32>
    %swap3A = arith.constant 0 : index
    %swap3A_14 = arith.constant 0 : index
    %swap3A_15 = vector.load %arg5[%swap3A, %swap3A_14] : memref<512x128xf32, #tpu.memory_space<vmem>>, vector<512x128xf32>
    tpu.vector_store %arg5[%swap3A, %swap3A_14], %add3A_13 {strides = array<i32>} : memref<512x128xf32, #tpu.memory_space<vmem>>, vector<512x128xf32>,
    return
  }
  func.func @transform_0(%arg0: i32) -> (i32, i32) {
    %c0_i32 = arith.constant 0 : i32
    %c0_i32_0 = arith.constant 0 : i32
    return %arg0, %c0_i32 : i32, i32
  }
  func.func @transform_1(%arg0: i32) -> (i32, i32) {
    %c0_i32 = arith.constant 0 : i32
    %c0_i32_0 = arith.constant 0 : i32
    return %arg0, %c0_i32 : i32, i32
  }
  func.func @transform_2(%arg0: i32) -> (i32, i32) {
    %c0_i32 = arith.constant 0 : i32
    %c0_i32_0 = arith.constant 0 : i32
    return %arg0, %c0_i32 : i32, i32
  }
  func.func @transform_3(%arg0: i32) -> (i32, i32) {
    %c0_i32 = arith.constant 0 : i32
    %c0_i32_0 = arith.constant 0 : i32
    %c0_i32_1 = arith.constant 0 : i32
    return %c0_i32, %c0_i32_0 : i32, i32
  }
  func.func @transform_4(%arg0: i32) -> (i32, i32) {
    %c0_i32 = arith.constant 0 : i32
    %c0_i32_0 = arith.constant 0 : i32
    return %arg0, %c0_i32 : i32, i32
  }
}

</mosaic_0001>

<sc_bundles>
// kernel: kernel.10.cloned.1.call-start
scs
__scs_entry_jumppad:
0x0: {  	(pc) =	sbr.rel $0x88, $3  }
0x1: {  	(tag) =	ssettag $0x0;
	lr =	simm.s32 $0x1  }
0x2: {  	[smem:$0x3F9A] =	sst lr;
	_ =	strace $0xD0000000  }
0x3: {  	_ = 	snop  }
0x4: {  	_ = 	snop  }
0x5: {  	_ = 	snop  }
0x6: {  	_ = 	snop  }
0x7: {  	_ = 	snop  }
__scs_overlays_trampoline_lowered:
0x8: {  	[smem:$0x3FA9] =	sst s0  }
0x9: {  	[smem:$0x3FAA] =	sst s1  }
0xa: {  	[smem:$0x3FAB] =	sst s2  }
0xb: {  	[smem:$0x3FAC] =	sst s3  }
0xc: {  	[smem:$0x3FAD] =	sst s4  }
0xd: {  	[smem:$0x3FAE] =	sst s5  }
0xe: {  	[smem:$0x3FAF] =	sst s6  }
0xf: {  	[smem:$0x3FB0] =	sst s7  }
0x10: {  	[smem:$0x3FB1] =	sst s8  }
0x11: {  	[smem:$0x3FB2] =	sst s9;
	s0 =	simm.s32 @!p0 $0x0  }
0x12: {  	s1 =	sld [smem:$0x3F98];
	s0 =	simm.s32 @p0 $0x1  }
0x13: {  	[smem:$0x3FB3] =	sst s0;
	s0 =	simm.s32 @!p1 $0x0  }
0x14: {  	s2 =	sld [smem:$0x3F97];
	s0 =	simm.s32 @p1 $0x1  }
0x15: {  	[smem:$0x3FB4] =	sst s0;
	s0 =	simm.s32 @!p2 $0x0  }
0x16: {  	s3 =	sld [smem:$0x3FDB];
	s0 =	simm.s32 @p2 $0x1  }
0x17: {  	s4 =	simm.s32 $0x1BF5;
	[smem:$0x3FB6] =	sst s0  }
0x18: {  	s0 =	sld [smem:$0x3F99];
	_ =	swait.ge [sflag:s4], $0x0  }
0x19: {  	s7 =	sld [smem:$0x3F9A]  }
0x1a: {  	s8 =	sadd.s32 $0xFFFFE003, lr  }
0x1b: {  	s9 =	sadd.s32 $0xFFFFFEF7, lr;
	s5 =	simm.s32 $0xFFFFFFFF;
	p2 =	slt.u32 s8, $0xFFFFF086  }
0x1c: {  	p1 =	slt.u32 s9, $0xF7A;
	s5 =	simm.s32 @!p2 $0x0  }
0x1d: {  	s5 =	simm.s32 @p1 $0x1;
	p0 =	seq.s32 s7, s2  }
0x1e: {  	s7 =	smul.u32 @!p0 $0xF7A, s2;
	p2 =	seq.s32 @!p0 s5, $0x0  }
0x1f: {  	s9 =	smul.u32 $0xF7A, s1;
	s8 =	simm.s32 @!p0 $0x1BF5;
	p2 =	por !p2, p0  }
0x20: {  	[sflag:s8] =	ssyncset.s32 @!p0 $0xFFFFF086;
	s6 =	sadd.s32 @!p0 s3, s7;
	s7 =	simm.s32 @!p0 $0x108  }
0x21: {  	s3 =	sadd.s32 s3, s9;
	s6 =	sadd.s32 @!p0 $0x88, s6;
	s7 =	simm.s32 @p2 $0x1082  }
0x22: {  	[simem:s7], [sflag:s8] =	dma.local @!p0 [hbm:s6], $0xF7A  }
0x23: {  	s9 =	sor.u32 $0xD0000000, s2;
	s6 =	simm.s32 $0x108;
	_ =	swait.ge @!p0 [sflag:s8], $0x0  }
0x24: {  	s3 =	sadd.s32 $0x88, s3;
	s6 =	simm.s32 @!p1 $0x1082;
	[sflag:s4] =	ssyncset.s32 $0xFFFFF086  }
0x25: {  	[simem:s6], [sflag:s4] =	dma.local [hbm:s3], $0xF7A  }
0x26: {  	[smem:$0x3F9A] =	sst s1;
	(tag) =	ssettag s2;
	_ =	strace s9  }
0x27: {  	s1 =	sld [smem:$0x3FAA]  }
0x28: {  	s2 =	sld [smem:$0x3FAB]  }
0x29: {  	s4 =	sld [smem:$0x3FAD]  }
0x2a: {  	p0 =	seq.s32 s5, $0x0;
	s5 =	sld [smem:$0x3FAE]  }
0x2b: {  	s6 =	sld [smem:$0x3FAF]  }
0x2c: {  	s7 =	sld [smem:$0x3FB0]  }
0x2d: {  	s3 =	simm.s32 $0x108;
	s8 =	sld [smem:$0x3FB1]  }
0x2e: {  	s3 =	simm.s32 @!p0 $0x1082;
	s9 =	sld [smem:$0x3FB2]  }
0x2f: {  	lr =	sadd.s32 s0, s3;
	s0 =	sld [smem:$0x3FA9]  }
0x30: {  	s3 =	sld [smem:$0x3FAC]  }
0x31: {  	[smem:$0x3FB5] =	sst s10  }
0x32: {  	s10 =	sld [smem:$0x3FB3];
	_ =	sdelay $0x3  }
0x33: {  	p0 =	seq.s32 s10, $0x1;
	s10 =	sld [smem:$0x3FB5];
	_ =	sdelay $0x3  }
0x34: {  	[smem:$0x3FB5] =	sst s10  }
0x35: {  	s10 =	sld [smem:$0x3FB4];
	_ =	sdelay $0x3  }
0x36: {  	p1 =	seq.s32 s10, $0x1;
	s10 =	sld [smem:$0x3FB5];
	_ =	sdelay $0x3  }
0x37: {  	[smem:$0x3FB5] =	sst s10  }
0x38: {  	s10 =	sld [smem:$0x3FB6]  }
0x39: {  	_ = 	snop;
	(pc) =	sbr.ind lr, $3  }
0x3a: {  	_ = 	snop  }
0x3b: {  	_ = 	snop  }
0x3c: {  	p2 =	seq.s32 s10, $0x1;
	s10 =	sld [smem:$0x3FB5]  }
0x3d: {  	_ =	shalt  }
0x3e: {  	_ =	shalt  }
0x3f: {  	_ =	shalt  }
0x40: {  	_ =	shalt  }
0x41: {  	_ =	shalt  }
0x42: {  	_ =	shalt  }
0x43: {  	_ =	shalt  }
0x44: {  	_ =	shalt  }
0x45: {  	_ =	shalt  }
0x46: {  	_ =	shalt  }
0x47: {  	_ =	shalt  }
0x48: {  	_ =	shalt  }
0x49: {  	_ =	shalt  }
0x4a: {  	_ =	shalt  }
0x4b: {  	_ =	shalt  }
0x4c: {  	_ =	shalt  }
0x4d: {  	_ =	shalt  }
0x4e: {  	_ =	shalt  }
0x4f: {  	_ =	shalt  }
0x50: {  	_ =	shalt  }
0x51: {  	_ =	shalt  }
0x52: {  	_ =	shalt  }
0x53: {  	_ =	shalt  }
0x54: {  	_ =	shalt  }
0x55: {  	_ =	shalt  }
0x56: {  	_ =	shalt  }
0x57: {  	_ =	shalt  }
0x58: {  	_ =	shalt  }
0x59: {  	_ =	shalt  }
0x5a: {  	_ =	shalt  }
0x5b: {  	_ =	shalt  }
0x5c: {  	_ =	shalt  }
0x5d: {  	_ =	shalt  }
0x5e: {  	_ =	shalt  }
0x5f: {  	_ =	shalt  }
0x60: {  	_ =	shalt  }
0x61: {  	_ =	shalt  }
0x62: {  	_ =	shalt  }
0x63: {  	_ =	shalt  }
0x64: {  	_ =	shalt  }
0x65: {  	_ =	shalt  }
0x66: {  	_ =	shalt  }
0x67: {  	_ =	shalt  }
0x68: {  	_ =	shalt  }
0x69: {  	_ =	shalt  }
0x6a: {  	_ =	shalt  }
0x6b: {  	_ =	shalt  }
0x6c: {  	_ =	shalt  }
0x6d: {  	_ =	shalt  }
0x6e: {  	_ =	shalt  }
0x6f: {  	_ =	shalt  }
0x70: {  	_ =	shalt  }
0x71: {  	_ =	shalt  }
0x72: {  	_ =	shalt  }
0x73: {  	_ =	shalt  }
0x74: {  	_ =	shalt  }
0x75: {  	_ =	shalt  }
0x76: {  	_ =	shalt  }
0x77: {  	_ =	shalt  }
0x78: {  	_ =	shalt  }
0x79: {  	_ =	shalt  }
0x7a: {  	_ =	shalt  }
0x7b: {  	_ =	shalt  }
0x7c: {  	_ =	shalt  }
0x7d: {  	_ =	shalt  }
0x7e: {  	_ =	shalt  }
0x7f: {  	_ =	shalt  }
0x80: {  	_ =	shalt  }
0x81: {  	_ =	shalt  }
0x82: {  	_ =	shalt  }
0x83: {  	_ =	shalt  }
0x84: {  	_ =	shalt  }
0x85: {  	_ =	shalt  }
0x86: {  	_ =	shalt  }
0x87: {  	_ =	shalt  }
.Lfunc_end0:
.L_simem_size_0:
called_computation.1_lowered:
.L_overlay_start_0:
0x88: {  	s2 =	sld [smem:$0x3FD9]  }
0x89: {  	s3 =	sld [smem:$0x3FFE];
	_ =	sdelay $0x1  }
0x8a: {  	s1 =	srdreg.scid  }
0x8b: {  	s0 =	sand.u32 $0x1, s1  }
0x8c: {  	s14 =	sshll.u32 s0, $0xA;
	s2 =	sadd.s32 s3, s2  }
0x8d: {  	s2 =	sadd.s32 s2, s14  }
0x8e: {  	[smem:$0x3FC1] =	sst s2  }
0x8f: {  	_ = 	snop  }
0x90: {  	s2 =	sld [smem:$0x3FD0];
	_ =	sdelay $0x2  }
0x91: {  	s15 =	simm.s32 $0xA;
	s4 =	simm.s32 $0x10  }
0x92: {  	[smem:s4], [sflag:s15] =	dma.local [hbm:s2], $0x1  }
0x93: {  	_ =	swait.eq [sflag:s15], $0x1  }
0x94: {  	[sflag:s15] =	ssyncset.done $0x0  }
0x95: {  	s16 =	sld [smem:$0x10];
	[sflag:s15] =	ssyncadd.s32 $0xFFFFFFFF  }
0x96: {  	s17 =	sld [smem:$0x11];
	(tm) =	ssettm $0x1  }
0x97: {  	s18 =	sld [smem:$0x3FFB];
	_ =	sdelay $0x3  }
0x98: {  	_ =	strace s18  }
0x99: {  	s4 =	sld [smem:$0x3FFC];
	_ =	sdelay $0x3  }
0x9a: {  	_ =	strace s4  }
0x9b: {  	s4 =	sld [smem:$0x3FFD];
	_ =	sdelay $0x3  }
0x9c: {  	_ =	strace s4  }
0x9d: {  	_ =	strace $0x8FFFFFFF  }
0x9e: {  	s19 =	sld [smem:$0x3FDB];
	_ =	sdelay $0x1  }
0x9f: {  	s5 =	simm.s32 $_scs_section_size  }
0xa0: {  	s6 =	simm.s32 $_size__tile_overlayer_lowered;
	s7 =	simm.s32 $_tile_overlayer_lowered  }
0xa1: {  	s22 =	simm.s32 $0x1BFF;
	s21 =	sshll.u32 s7, $0x1;
	s4 =	sadd.s32 s5, s19  }
0xa2: {  	s8 =	simm.s32 $0x0;
	s20 =	sshll.u32 s6, $0x1;
	s6 =	sadd.s32 s21, s4  }
0xa3: {  	[timem:s8], [sflag:s22] =	dma.local [hbm:s6], s20  }
0xa4: {  	_ =	swait.ge [sflag:s22], s20  }
0xa5: {  	s5 =	ssub.s32 $0x0, s20;
	[sflag:s22] =	ssyncset.done $0x0  }
0xa6: {  	[sflag:s22] =	ssyncadd.s32 s5;
	_ =	sdelay $0x1  }
0xa7: {  	s23 =	simm.s32 $0x1B8B  }
0xa8: {  	_ =	swait.ge [sflag:s23], $0x1  }
0xa9: {  	[sflag:s23] =	ssyncset.done $0x0  }
0xaa: {  	s25 =	simm.s32 $0x1B8E;
	s24 =	sld [smem:$0x3FFE];
	[sflag:s23] =	ssyncadd.s32 $0xFFFFFFFF  }
0xab: {  	s26 =	simm.s32 $execute0_lowered;
	[smem:$0x3FD2] =	sst s25  }
0xac: {  	s6 =	sshll.u32 s26, $0x1;
	_ =	strace $0x80000049;
	[dreg:$0x1] =	wrdreg $0xFFFFFFFF  }
0xad: {  	s28 =	simm.s32 $_size_execute0_lowered;
	s4 =	sadd.s32 s4, s6;
	[dreg:$0x0] =	wrdreg $0x0  }
0xae: {  	s6 =	sshll.u32 s28, $0x1;
	[dreg:$0x2] =	wrdreg s4  }
0xaf: {  	[dreg:$0x3] =	wrdreg s6  }
0xb0: {  	[dreg:$0x4] =	wrdreg $0xC0  }
0xb1: {  	_ =	task [dreg:s8], $0x5FFFF  }
0xb2: {  	[dreg:$0x1] =	wrdreg $0xFFFFFFFF  }
0xb3: {  	[dreg:$0x0] =	wrdreg $0x60  }
0xb4: {  	[dreg:$0x2] =	wrdreg s17  }
0xb5: {  	[dreg:$0x3] =	wrdreg s24  }
0xb6: {  	[dreg:$0x4] =	wrdreg s16  }
0xb7: {  	[dreg:$0x5] =	wrdreg $0x0  }
0xb8: {  	[dreg:$0x6] =	wrdreg $0x9  }
0xb9: {  	_ =	task.clear_ibuf [dreg:s8], $0x7FFFF;
	_ =	strace $0x90000049  }
0xba: {  	s29 =	simm.s32 $0x9;
	_ =	strace $0x8000004B  }
0xbb: {  	_ =	swait.ge [sflag:s29], $0x1  }
0xbc: {  	[sflag:s29] =	ssyncadd.s32 $0xFFFFFFFF  }
0xbd: {  	_ =	strace $0x9000004B  }
0xbe: {  	_ =	sfence  }
0xbf: {  	s30 =	sld [smem:$0x0];
	_ =	sdelay $0x2  }
0xc0: {  	s31 =	sshll.u32 s1, $0xD;
	s1 =	sshrl.u32 s1, $0x2  }
0xc1: {  	s3 =	sand.u32 $0x4000, s31;
	s1 =	sadd.s32 s1, s30  }
0xc2: {  	s0 =	sor.u32 s3, s0;
	s1 =	sshll.u32 s1, $0x11  }
0xc3: {  	s0 =	sor.u32 s1, s0  }
0xc4: {  	s0 =	sadd.s32 $0x8F2B, s0  }
0xc5: {  	[sflag:s0] =	ssyncadd.remote.s32 $0x1  }
0xc6: {  	_ =	sfence.sel $0xFFFF  }
0xc7: {  	[dreg:$0x0] =	wrdreg $0xFFFFFFFF;
	(pc) =	sbr.abs _section_cstart, $3  }
0xc8: {  	[dreg:$0x1] =	wrdreg $0xFFFFFFFF  }
0xc9: {  	_ =	task.clear_ibuf [dreg:s8], $0x2FFFF;
	_ =	strace $0x9FFFFFFF  }
0xca: {  	(tm) =	ssettm $0x7FFFFFFF  }
0xcb: {  	_ =	shalt  }
tec
execute0_lowered:
.L_overlay_start_1:
0x0: {  	(tag) =	ssettag $0x1  }
0x1: {  	s1 =	rddreg [dreg:$0x0]  }
0x2: {  	s0 =	rddreg [dreg:$0x1]  }
0x3: {  	s2 =	rddreg [dreg:$0x2]  }
0x4: {  	s3 =	rddreg [dreg:$0x3];
	s5 =	srdreg.scid  }
0x5: {  	s13 =	stileid.u32;
	s4 =	simm.s32 $0x0;
	s28 =	simm.s32 $0x1E800  }
0x6: {  	s29 =	simm.s32 $0x1A800;
	s30 =	simm.s32 $0x1E880;
	s6 =	smul.u32 $0x2800, s13  }
0x7: {  	s31 =	simm.s32 $0x1;
	s8 =	sand.u32 $0x1, s5;
	s9 =	smul.u32 $0x50000, s13  }
0x8: {  	[smem:$0x7FF] =	sst s4;
	s10 =	sadd.s32 $0x8A00, s0;
	s20 =	smul.u32 $0x500, s13  }
0x9: {  	s5 =	sadd.s32 $0xE000, s0;
	s16 =	sadd.s32 $0xE020, s0;
	s7 =	smul.u32 $0x28000, s8  }
0xa: {  	_ =	strace $0x8000004A;
	s12 =	ssub.s32 $0x2, s8;
	p0 =	seq.s32 s8, $0x0  }
0xb: {  	s8 =	simm.s32 $0x4;
	s17 =	sshrl.u32 s9, $0x2;
	s24 =	sadd.s32 s10, s20  }
0xc: {  	s18 =	sshrl.u32 s12, $0x1;
	s25 =	sadd.s32 s2, s20;
	[dreg:$0x9] =	wrdreg s24  }
0xd: {  	s6 =	sadd.s32 s6, s7;
	s9 =	ssub.s32 s12, s18;
	[dreg:$0xa] =	wrdreg s25  }
0xe: {  	s12 =	sadd.s32 s5, s20;
	s11 =	sadd.s32 s6, s0;
	s6 =	sadd.s32 s17, s3  }
0xf: {  	s7 =	smul.u32 $0x50, s13;
	[dreg:$0xb] =	wrdreg s12;
	s19 =	sadd.s32 $0x4000, s6  }
0x10: {  	s24 =	simm.s32 $0x14000;
	s21 =	sadd.s32 $0x8000, s6;
	[dreg:$0x5] =	wrdreg s19  }
0x11: {  	s0 =	simm.s32 $0x3;
	s22 =	sadd.s32 $0xC000, s6;
	[dreg:$0x6] =	wrdreg s21  }
0x12: {  	s23 =	sadd.s32 $0x10000, s6;
	s14 =	sadd.s32 $0x28, s7;
	[dreg:$0x7] =	wrdreg s22  }
0x13: {  	s20 =	sadd.s32 $0x13000, s11;
	[dreg:$0x8] =	wrdreg s23;
	s26 =	sshll.u32 s14, $0x4  }
0x14: {  	s21 =	smax.u32 s9, $0x1;
	s22 =	simm.s32 $0x16800;
	s23 =	simm.s32 $0x5  }
0x15: {  	s10 =	sadd.s32 s10, s26;
	s18 =	sadd.s32 s2, s26;
	s19 =	sadd.s32 s5, s26  }
0x16: {  	v0 =	vimm.f32 $0.0e+00;
	s26 =	simm.s32 $0x80;
	s2 =	simm.s32 $0x2;
	[dreg:$0xc] =	wrdreg s10  }
.LBB2_1:
0x17: {  	s9 =	simm.s32 $0x0;
	s10 =	simm.s32 $0x200  }
.LBB2_2:
0x18: {  	p1 =	sne.s32 s10, $0xFE00;
	[tilespmem:s9+$0x16870] =	vst v0  }
0x19: {  	[tilespmem:s9+$0x16800] =	vst v0  }
0x1a: {  	[tilespmem:s9+$0x16810] =	vst v0  }
.Ltmp0:
0x1b: {  	[tilespmem:s9+$0x16820] =	vst v0;
	(pc) =	sbr.rel @p1 .LBB2_2-.Ltmp0, $4  }
0x1c: {  	[tilespmem:s9+$0x16830] =	vst v0  }
0x1d: {  	[tilespmem:s9+$0x16840] =	vst v0  }
0x1e: {  	[tilespmem:s9+$0x16850] =	vst v0  }
0x1f: {  	[tilespmem:s9+$0x16860] =	vst v0;
	s9 =	sshra.s32 s10, $0x2;
	s10 =	sadd.s32 $0x200, s10  }
0x20: {  	[tilespmem:s9+$0x16870] =	vst v0  }
0x21: {  	[tilespmem:s9+$0x16800] =	vst v0  }
0x22: {  	[tilespmem:s9+$0x16810] =	vst v0  }
0x23: {  	[tilespmem:s9+$0x16820] =	vst v0  }
0x24: {  	[tilespmem:s9+$0x16830] =	vst v0  }
0x25: {  	[tilespmem:s9+$0x16840] =	vst v0  }
0x26: {  	[tilespmem:s9+$0x16850] =	vst v0  }
0x27: {  	[tilespmem:s9+$0x16860] =	vst v0  }
0x28: {  	[spmem:s6] =	stream.linear.scatter [tilespmem:s22], [sflag:$0x5], $0x4000, $0x38;
	[tilespmem:$0x1E900] =	vst v63  }
0x29: {  	_ =	swait.ge [sflag:s23], $0x4000  }
0x2a: {  	[sflag:s23] =	ssyncset.done $0x0  }
0x2b: {  	s12 =	rddreg [dreg:$0x5];
	[sflag:s23] =	ssyncadd.s32 $0xFFFFC000  }
0x2c: {  	[spmem:s12] =	stream.linear.scatter [tilespmem:s22], [sflag:$0x5], $0x4000, $0x38;
	[tilespmem:$0x1E900] =	vst v63  }
0x2d: {  	_ =	swait.ge [sflag:s23], $0x4000  }
0x2e: {  	[sflag:s23] =	ssyncset.done $0x0  }
0x2f: {  	s13 =	rddreg [dreg:$0x6];
	[sflag:s23] =	ssyncadd.s32 $0xFFFFC000  }
0x30: {  	[spmem:s13] =	stream.linear.scatter [tilespmem:s22], [sflag:$0x5], $0x4000, $0x38;
	[tilespmem:$0x1E900] =	vst v63  }
0x31: {  	_ =	swait.ge [sflag:s23], $0x4000  }
0x32: {  	[sflag:s23] =	ssyncset.done $0x0  }
0x33: {  	s15 =	rddreg [dreg:$0x7];
	[sflag:s23] =	ssyncadd.s32 $0xFFFFC000  }
0x34: {  	[spmem:s15] =	stream.linear.scatter [tilespmem:s22], [sflag:$0x5], $0x4000, $0x38;
	[tilespmem:$0x1E900] =	vst v63  }
0x35: {  	_ =	swait.ge [sflag:s23], $0x4000  }
0x36: {  	[sflag:s23] =	ssyncset.done $0x0  }
0x37: {  	s17 =	rddreg [dreg:$0x8];
	[sflag:s23] =	ssyncadd.s32 $0xFFFFC000  }
0x38: {  	[spmem:s17] =	stream.linear.scatter [tilespmem:s22], [sflag:$0x5], $0x4000, $0x38;
	[tilespmem:$0x1E900] =	vst v63  }
0x39: {  	_ =	swait.ge [sflag:s23], $0x4000  }
0x3a: {  	[sflag:s23] =	ssyncset.done $0x0  }
0x3b: {  	[sflag:s23] =	ssyncadd.s32 $0xFFFFC000  }
0x3c: {  	[bflag:$0x0] =	sbarrier.arrive $0xFFFF  }
0x3d: {  	s9 =	simm.s32 $0x0;
	s10 =	rddreg [dreg:$0x9]  }
0x3e: {  	[tilespmem:s24], [sflag:$0x5] =	stream.linear.gather [hbm4b:s10+s9], $0x1400, $0x38;
	[tilespmem:$0x1E900] =	vst v63  }
0x3f: {  	_ =	swait.ge [sflag:s23], $0x1400  }
0x40: {  	s11 =	simm.s32 $0x15400;
	[sflag:s23] =	ssyncset.done $0x0  }
.Ltmp1:
0x41: {  	s25 =	rddreg [dreg:$0xa];
	[sflag:s23] =	ssyncadd.s32 $0xFFFFEC00;
	(pc) =	sbr.rel @p0 .LBB2_7-.Ltmp1, $4  }
0x42: {  	[tilespmem:s11], [sflag:$0x5] =	stream.linear.gather [hbm4b:s25+s9], $0x1400, $0x38;
	[tilespmem:$0x1E900] =	vst v63  }
0x43: {  	_ =	swait.ge [sflag:s23], $0x1400  }
0x44: {  	[sflag:s23] =	ssyncset.done $0x0  }
0x45: {  	[sflag:s23] =	ssyncadd.s32 $0xFFFFEC00  }
0x46: {  	s10 =	simm.s32 $0x0  }
0x47: {  	v3 =	vld [tilespmem:s10+$0x14000]  }
0x48: {  	v5 =	vld [tilespmem:s10+$0x14010]  }
0x49: {  	v4 =	vld [tilespmem:s10+$0x14020]  }
0x4a: {  	v2 =	vld [tilespmem:s10+$0x14030]  }
0x4b: {  	v1 =	vld [tilespmem:s10+$0x14040]  }
0x4c: {  	v6 =	vadd.s32 $0x2800, v3;
	v3 =	vld [tilespmem:s10+$0x14050]  }
0x4d: {  	s11 =	simm.s32 $0x200;
	[tilespmem:s10+$0x14000] =	vst v6;
	v6 =	vadd.s32 $0x2800, v5;
	v5 =	vld [tilespmem:s10+$0x14060]  }
.LBB2_5:
0x4e: {  	s12 =	sshra.s32 s11, $0x2;
	p1 =	sne.s32 s11, $0x4E00;
	[tilespmem:s10+$0x14010] =	vst v6;
	v4 =	vadd.s32 $0x2800, v4;
	v6 =	vld [tilespmem:s10+$0x14070]  }
0x4f: {  	v7 =	vld [tilespmem:s12+$0x14000];
	[tilespmem:s10+$0x14020] =	vst v4;
	v2 =	vadd.s32 $0x2800, v2  }
0x50: {  	v8 =	vld [tilespmem:s12+$0x14010];
	[tilespmem:s10+$0x14030] =	vst v2;
	v1 =	vadd.s32 $0x2800, v1  }
.Ltmp2:
0x51: {  	v4 =	vld [tilespmem:s12+$0x14020];
	[tilespmem:s10+$0x14040] =	vst v1;
	v1 =	vadd.s32 $0x2800, v3;
	(pc) =	sbr.rel @p1 .LBB2_5-.Ltmp2, $4  }
0x52: {  	v2 =	vld [tilespmem:s12+$0x14030];
	[tilespmem:s10+$0x14050] =	vst v1;
	v3 =	vadd.s32 $0x2800, v5  }
0x53: {  	v1 =	vld [tilespmem:s12+$0x14040];
	[tilespmem:s10+$0x14060] =	vst v3;
	v5 =	vadd.s32 $0x2800, v6  }
0x54: {  	v6 =	vadd.s32 $0x2800, v7;
	v3 =	vld [tilespmem:s12+$0x14050];
	[tilespmem:s10+$0x14070] =	vst v5;
	s10 =	smov.u32 s12  }
0x55: {  	s11 =	sadd.s32 $0x200, s11;
	[tilespmem:s10+$0x14000] =	vst v6;
	v6 =	vadd.s32 $0x2800, v8;
	v5 =	vld [tilespmem:s10+$0x14060]  }
0x56: {  	[tilespmem:s10+$0x14010] =	vst v6;
	v4 =	vadd.s32 $0x2800, v4;
	v63 =	vld [tilespmem:s10+$0x14070]  }
0x57: {  	[tilespmem:s10+$0x14020] =	vst v4;
	v2 =	vadd.s32 $0x2800, v2  }
0x58: {  	[tilespmem:s10+$0x14030] =	vst v2;
	v1 =	vadd.s32 $0x2800, v1  }
0x59: {  	[tilespmem:s10+$0x14040] =	vst v1;
	v1 =	vadd.s32 $0x2800, v3  }
0x5a: {  	[tilespmem:s10+$0x14050] =	vst v1;
	v1 =	vadd.s32 $0x2800, v5  }
0x5b: {  	[tilespmem:s10+$0x14060] =	vst v1;
	v1 =	vadd.s32 $0x2800, v63  }
0x5c: {  	[tilespmem:s10+$0x14070] =	vst v1  }
.LBB2_7:
0x5d: {  	[tilespmem:s22], [sflag:$0x1] =	stream.indirect.gather [hbm4b:s1+s26], $0x80, s24, s26, $0xb8;
	[tilespmem:$0x1E900] =	vst v63  }
0x5e: {  	s10 =	rddreg [dreg:$0xb];
	s11 =	simm.s32 $0x0  }
0x5f: {  	[tilespmem:s28], [sflag:$0x3] =	stream.linear.gather [hbm4b:s10+s9], $0x80, $0x38;
	[tilespmem:$0x1E900] =	vst v63  }
.LBB2_8:
0x60: {  	s12 =	sshllo.u32 s11, $0x1;
	s13 =	sshll.u32 s11, $0x1  }
0x61: {  	s10 =	sshll.u32 s12, $0x7;
	s13 =	sadd.s32 s7, s13;
	s12 =	sshll.u32 s12, $0x4  }
0x62: {  	s15 =	sadd.s32 $0x14000, s10;
	s25 =	sshll.u32 s13, $0x4;
	s12 =	sand.u32 $0x70, s12  }
0x63: {  	[tilespmem:s29], [sflag:$0x2] =	stream.indirect.gather [hbm4b:s1+s26], $0x80, s15, s26, $0xb8;
	[tilespmem:$0x1E900] =	vst v63  }
0x64: {  	s13 =	sand.u32 $0xFF80, s25;
	s12 =	sadd.s32 s5, s12  }
0x65: {  	s12 =	sadd.s32 s13, s12  }
0x66: {  	v1 =	vmov s9;
	[tilespmem:s30], [sflag:$0x4] =	stream.linear.gather [hbm4b:s12+s9], $0x80, $0x38;
	[tilespmem:$0x1E900] =	vst v63  }
0x67: {  	v1 =	vand.u32 $0xFFFFFFFE, v1;
	_ =	swait.ge [sflag:s31], $0x4000  }
0x68: {  	v2 =	vbroadcast v1, $0x0;
	[sflag:s31] =	ssyncset.done $0x0  }
0x69: {  	[sflag:s31] =	ssyncadd.s32 $0xFFFFC000  }
0x6a: {  	_ =	swait.ge [sflag:s0], $0x80  }
0x6b: {  	[sflag:s0] =	ssyncset.done $0x0  }
0x6c: {  	s12 =	simm.s32 $0x16880;
	[sflag:s0] =	ssyncadd.s32 $0xFFFFFF80  }
0x6d: {  	v5 =	vld [tilespmem:s12+$0xFFFFFFF0]  }
0x6e: {  	v6 =	vld.idx.msk [tilespmem:v2+s28+$0x0], $0xffff  }
0x6f: {  	v7 =	vld [tilespmem:s12+$0xFFFFFF80]  }
0x70: {  	v8 =	vld [tilespmem:s12+$0xFFFFFFA0]  }
0x71: {  	v4 =	vld [tilespmem:s12+$0xFFFFFFB0]  }
0x72: {  	v3 =	vld [tilespmem:s12+$0xFFFFFFD0]  }
0x73: {  	v10 =	vld [tilespmem:s12+$0xFFFFFF90];
	v5 =	vmul.f32 v5, v6  }
0x74: {  	v9 =	vld [tilespmem:s12+$0xFFFFFFE0];
	v7 =	vmul.f32 v7, v6  }
0x75: {  	v11 =	vld [tilespmem:s12+$0xFFFFFFC0];
	v8 =	vmul.f32 v8, v6;
	[tilespmem:s12+$0xFFFFFFF0] =	vst v5  }
0x76: {  	v4 =	vmul.f32 v4, v6;
	[tilespmem:s12+$0xFFFFFF80] =	vst v7  }
0x77: {  	s17 =	simm.s32 $0x1;
	v3 =	vmul.f32 v3, v6;
	[tilespmem:s12+$0xFFFFFFA0] =	vst v8  }
0x78: {  	v5 =	vmul.f32 v10, v6;
	[tilespmem:s12+$0xFFFFFFB0] =	vst v4;
	v7 =	vmov s17  }
0x79: {  	v1 =	vld [tilespmem:s12+$0x0];
	v4 =	vmul.f32 v9, v6;
	[tilespmem:s12+$0xFFFFFFD0] =	vst v3  }
0x7a: {  	v2 =	vld [tilespmem:s12+$0x10];
	v3 =	vmul.f32 v11, v6;
	[tilespmem:s12+$0xFFFFFF90] =	vst v5  }
0x7b: {  	[tilespmem:s12+$0xFFFFFFE0] =	vst v4;
	v5 =	vld [tilespmem:s12+$0x30]  }
0x7c: {  	[tilespmem:s12+$0xFFFFFFC0] =	vst v3;
	v4 =	vld [tilespmem:s12+$0x70]  }
0x7d: {  	s15 =	simm.s32 $0x16880;
	s13 =	simm.s32 $0x2;
	v3 =	vld.idx.msk [tilespmem:v7+s28+$0x0], $0xffff  }
.LBB2_9:
0x7e: {  	p1 =	sne.s32 s13, $0x7E  }
0x7f: {  	v6 =	vld [tilespmem:s12+$0x20];
	s15 =	sadd.s32 $0x100, s15;
	s17 =	smov.u32 s13;
	s13 =	sadd.s32 $0x2, s13  }
0x80: {  	v7 =	vld [tilespmem:s12+$0x40]  }
0x81: {  	v8 =	vld [tilespmem:s12+$0x50]  }
0x82: {  	v9 =	vld [tilespmem:s12+$0x60];
	_ =	sdelay $0x1  }
0x83: {  	v1 =	vmul.f32 v1, v3;
	v2 =	vmul.f32 v2, v3  }
0x84: {  	v5 =	vmul.f32 v5, v3;
	v6 =	vmul.f32 v6, v3  }
0x85: {  	v10 =	vmov s17;
	v7 =	vmul.f32 v7, v3;
	[tilespmem:s12+$0x0] =	vst v1;
	v8 =	vmul.f32 v8, v3  }
0x86: {  	v10 =	vand.u32 $0xFFFFFFFE, v10;
	v1 =	vld [tilespmem:s15+$0x0];
	[tilespmem:s12+$0x30] =	vst v5;
	v5 =	vmul.f32 v9, v3;
	v3 =	vmul.f32 v4, v3  }
0x87: {  	v4 =	vbroadcast v10, $0x0;
	[tilespmem:s12+$0x10] =	vst v2  }
0x88: {  	[tilespmem:s12+$0x70] =	vst v3  }
0x89: {  	v3 =	vld [tilespmem:s15+$0xFFFFFFD0];
	[tilespmem:s12+$0x20] =	vst v6  }
0x8a: {  	v6 =	vld [tilespmem:s15+$0xFFFFFFB0];
	[tilespmem:s12+$0x60] =	vst v5  }
0x8b: {  	v5 =	vld [tilespmem:s15+$0xFFFFFFE0];
	[tilespmem:s12+$0x40] =	vst v7  }
0x8c: {  	v7 =	vld [tilespmem:s15+$0xFFFFFFF0];
	[tilespmem:s12+$0x50] =	vst v8;
	s12 =	smov.u32 s15  }
0x8d: {  	v4 =	vld.idx.msk [tilespmem:v4+s28+$0x0], $0xffff  }
0x8e: {  	v8 =	vld [tilespmem:s15+$0xFFFFFF80]  }
0x8f: {  	v9 =	vld [tilespmem:s15+$0xFFFFFFA0]  }
0x90: {  	v10 =	vld [tilespmem:s15+$0xFFFFFF90]  }
0x91: {  	v11 =	vld [tilespmem:s15+$0xFFFFFFC0]  }
0x92: {  	v2 =	vld [tilespmem:s15+$0x10]  }
0x93: {  	v7 =	vmul.f32 v7, v4;
	v8 =	vmul.f32 v8, v4  }
0x94: {  	v5 =	vmul.f32 v5, v4;
	v9 =	vmul.f32 v9, v4  }
0x95: {  	v6 =	vmul.f32 v6, v4;
	v10 =	vmul.f32 v10, v4;
	[tilespmem:s15+$0xFFFFFFF0] =	vst v7  }
0x96: {  	v3 =	vmul.f32 v3, v4;
	[tilespmem:s15+$0xFFFFFF80] =	vst v8;
	v7 =	vmul.f32 v11, v4  }
0x97: {  	s17 =	sadd.s32 $0x1, s17;
	[tilespmem:s15+$0xFFFFFFA0] =	vst v9  }
0x98: {  	[tilespmem:s15+$0xFFFFFFB0] =	vst v6;
	v6 =	vmov s17  }
.Ltmp3:
0x99: {  	[tilespmem:s15+$0xFFFFFFD0] =	vst v3;
	(pc) =	sbr.rel @p1 .LBB2_9-.Ltmp3, $4  }
0x9a: {  	[tilespmem:s15+$0xFFFFFF90] =	vst v10  }
0x9b: {  	[tilespmem:s15+$0xFFFFFFE0] =	vst v5;
	v5 =	vld [tilespmem:s15+$0x30]  }
0x9c: {  	[tilespmem:s15+$0xFFFFFFC0] =	vst v7;
	v4 =	vld [tilespmem:s15+$0x70]  }
0x9d: {  	v3 =	vld.idx.msk [tilespmem:v6+s28+$0x0], $0xffff  }
0x9e: {  	_ =	sdelay $0x2  }
0x9f: {  	v6 =	vld [tilespmem:s12+$0x20]  }
0xa0: {  	v7 =	vld [tilespmem:s12+$0x60];
	v1 =	vmul.f32 v1, v3  }
0xa1: {  	v8 =	vld [tilespmem:s12+$0x40];
	v5 =	vmul.f32 v5, v3  }
0xa2: {  	v9 =	vld [tilespmem:s12+$0x50];
	v2 =	vmul.f32 v2, v3;
	[tilespmem:s12+$0x0] =	vst v1  }
0xa3: {  	[tilespmem:s12+$0x30] =	vst v5;
	v1 =	vmul.f32 v4, v3  }
0xa4: {  	v4 =	vmul.f32 v6, v3;
	[tilespmem:s12+$0x10] =	vst v2  }
0xa5: {  	v2 =	vmul.f32 v7, v3;
	[tilespmem:s12+$0x70] =	vst v1  }
0xa6: {  	v1 =	vmul.f32 v8, v3;
	[tilespmem:s12+$0x20] =	vst v4  }
0xa7: {  	s13 =	sshll.u32 s11, $0xA;
	v3 =	vmul.f32 v9, v3;
	[tilespmem:s12+$0x60] =	vst v2  }
0xa8: {  	s15 =	sshrl.u32 s13, $0x2;
	[tilespmem:s12+$0x40] =	vst v1  }
0xa9: {  	s15 =	sadd.s32 $0x15400, s15;
	[tilespmem:s12+$0x50] =	vst v3  }
0xaa: {  	[spmem:s3] =	stream.indirect.scatter.add.f32 [tilespmem:s22], [sflag:$0x5], $0x80, s15, s26, $0xb8;
	[tilespmem:$0x1E900] =	vst v63  }
0xab: {  	p1 =	seq.s32 s11, $0x13;
	s17 =	simm.s32 $0x0;
	_ =	swait.ge [sflag:s23], $0x4000  }
0xac: {  	s12 =	sshrl.u32 @!p1 s13, $0x2;
	s13 =	simm.s32 @!p1 $0x80;
	[sflag:s23] =	ssyncset.done $0x0  }
0xad: {  	s12 =	sadd.s32 @!p1 $0x14100, s12;
	s15 =	simm.s32 @!p1 $0x16800;
	[sflag:s23] =	ssyncadd.s32 $0xFFFFC000  }
0xae: {  	[tilespmem:s15], [sflag:$0x1] =	stream.indirect.gather @!p1 [hbm4b:s1+s13], $0x80, s12, s13, $0xb8;
	[tilespmem:$0x1E900] =	vst v63  }
0xaf: {  	s12 =	sadd.s32 @!p1 s25, s16;
	s13 =	simm.s32 @!p1 $0x0;
	s15 =	simm.s32 @!p1 $0x1E800  }
0xb0: {  	v1 =	vmov s17;
	[tilespmem:s15], [sflag:$0x3] =	stream.linear.gather @!p1 [hbm4b:s12+s13], $0x80, $0x38;
	[tilespmem:$0x1E900] =	vst v63  }
0xb1: {  	v1 =	vand.u32 $0xFFFFFFFE, v1;
	_ =	swait.ge [sflag:s2], $0x4000  }
0xb2: {  	v2 =	vbroadcast v1, $0x0;
	[sflag:s2] =	ssyncset.done $0x0  }
0xb3: {  	[sflag:s2] =	ssyncadd.s32 $0xFFFFC000  }
0xb4: {  	_ =	swait.ge [sflag:s8], $0x80  }
0xb5: {  	[sflag:s8] =	ssyncset.done $0x0  }
0xb6: {  	s12 =	simm.s32 $0x1A880;
	[sflag:s8] =	ssyncadd.s32 $0xFFFFFF80  }
0xb7: {  	v5 =	vld [tilespmem:s12+$0xFFFFFFF0]  }
0xb8: {  	v6 =	vld.idx.msk [tilespmem:v2+s30+$0x0], $0xffff  }
0xb9: {  	v7 =	vld [tilespmem:s12+$0xFFFFFF80]  }
0xba: {  	v62 =	vld [tilespmem:s12+$0xFFFFFFA0]  }
0xbb: {  	v4 =	vld [tilespmem:s12+$0xFFFFFFB0]  }
0xbc: {  	v3 =	vld [tilespmem:s12+$0xFFFFFFD0]  }
0xbd: {  	v10 =	vld [tilespmem:s12+$0xFFFFFF90];
	v5 =	vmul.f32 v5, v6  }
0xbe: {  	v63 =	vld [tilespmem:s12+$0xFFFFFFE0];
	v7 =	vmul.f32 v7, v6  }
0xbf: {  	v11 =	vld [tilespmem:s12+$0xFFFFFFC0];
	v8 =	vmul.f32 v62, v6;
	[tilespmem:s12+$0xFFFFFFF0] =	vst v5  }
0xc0: {  	v4 =	vmul.f32 v4, v6;
	[tilespmem:s12+$0xFFFFFF80] =	vst v7  }
0xc1: {  	s25 =	simm.s32 $0x1;
	v3 =	vmul.f32 v3, v6;
	[tilespmem:s12+$0xFFFFFFA0] =	vst v8  }
0xc2: {  	v5 =	vmul.f32 v10, v6;
	[tilespmem:s12+$0xFFFFFFB0] =	vst v4;
	v7 =	vmov s25  }
0xc3: {  	v1 =	vld [tilespmem:s12+$0x0];
	v4 =	vmul.f32 v63, v6;
	[tilespmem:s12+$0xFFFFFFD0] =	vst v3  }
0xc4: {  	v2 =	vld [tilespmem:s12+$0x10];
	v3 =	vmul.f32 v11, v6;
	[tilespmem:s12+$0xFFFFFF90] =	vst v5  }
0xc5: {  	[tilespmem:s12+$0xFFFFFFE0] =	vst v4;
	v5 =	vld [tilespmem:s12+$0x30]  }
0xc6: {  	[tilespmem:s12+$0xFFFFFFC0] =	vst v3;
	v4 =	vld [tilespmem:s12+$0x70]  }
0xc7: {  	s11 =	sadd.s32 $0x1, s11;
	s13 =	simm.s32 $0x2;
	s15 =	simm.s32 $0x1A880;
	v3 =	vld.idx.msk [tilespmem:v7+s30+$0x0], $0xffff  }
.LBB2_11:
0xc8: {  	p1 =	sne.s32 s13, $0x7E  }
0xc9: {  	v6 =	vld [tilespmem:s12+$0x20];
	s15 =	sadd.s32 $0x100, s15;
	s17 =	smov.u32 s13;
	s13 =	sadd.s32 $0x2, s13  }
0xca: {  	v7 =	vld [tilespmem:s12+$0x40]  }
0xcb: {  	v8 =	vld [tilespmem:s12+$0x50]  }
0xcc: {  	v9 =	vld [tilespmem:s12+$0x60];
	_ =	sdelay $0x1  }
0xcd: {  	v1 =	vmul.f32 v1, v3;
	v2 =	vmul.f32 v2, v3  }
0xce: {  	v5 =	vmul.f32 v5, v3;
	v6 =	vmul.f32 v6, v3  }
0xcf: {  	v10 =	vmov s17;
	v7 =	vmul.f32 v7, v3;
	[tilespmem:s12+$0x0] =	vst v1;
	v8 =	vmul.f32 v8, v3  }
0xd0: {  	v10 =	vand.u32 $0xFFFFFFFE, v10;
	v1 =	vld [tilespmem:s15+$0x0];
	[tilespmem:s12+$0x30] =	vst v5;
	v5 =	vmul.f32 v9, v3;
	v3 =	vmul.f32 v4, v3  }
0xd1: {  	v4 =	vbroadcast v10, $0x0;
	[tilespmem:s12+$0x10] =	vst v2  }
0xd2: {  	[tilespmem:s12+$0x70] =	vst v3  }
0xd3: {  	v3 =	vld [tilespmem:s15+$0xFFFFFFD0];
	[tilespmem:s12+$0x20] =	vst v6  }
0xd4: {  	v6 =	vld [tilespmem:s15+$0xFFFFFFB0];
	[tilespmem:s12+$0x60] =	vst v5  }
0xd5: {  	v5 =	vld [tilespmem:s15+$0xFFFFFFE0];
	[tilespmem:s12+$0x40] =	vst v7  }
0xd6: {  	v7 =	vld [tilespmem:s15+$0xFFFFFFF0];
	[tilespmem:s12+$0x50] =	vst v8;
	s12 =	smov.u32 s15  }
0xd7: {  	v4 =	vld.idx.msk [tilespmem:v4+s30+$0x0], $0xffff  }
0xd8: {  	v8 =	vld [tilespmem:s15+$0xFFFFFF80]  }
0xd9: {  	v9 =	vld [tilespmem:s15+$0xFFFFFFA0]  }
0xda: {  	v10 =	vld [tilespmem:s15+$0xFFFFFF90]  }
0xdb: {  	v11 =	vld [tilespmem:s15+$0xFFFFFFC0]  }
0xdc: {  	v2 =	vld [tilespmem:s15+$0x10]  }
0xdd: {  	v7 =	vmul.f32 v7, v4;
	v8 =	vmul.f32 v8, v4  }
0xde: {  	v5 =	vmul.f32 v5, v4;
	v9 =	vmul.f32 v9, v4  }
0xdf: {  	v6 =	vmul.f32 v6, v4;
	v10 =	vmul.f32 v10, v4;
	[tilespmem:s15+$0xFFFFFFF0] =	vst v7  }
0xe0: {  	v3 =	vmul.f32 v3, v4;
	[tilespmem:s15+$0xFFFFFF80] =	vst v8;
	v7 =	vmul.f32 v11, v4  }
0xe1: {  	s17 =	sadd.s32 $0x1, s17;
	[tilespmem:s15+$0xFFFFFFA0] =	vst v9  }
0xe2: {  	[tilespmem:s15+$0xFFFFFFB0] =	vst v6;
	v6 =	vmov s17  }
.Ltmp4:
0xe3: {  	[tilespmem:s15+$0xFFFFFFD0] =	vst v3;
	(pc) =	sbr.rel @p1 .LBB2_11-.Ltmp4, $4  }
0xe4: {  	[tilespmem:s15+$0xFFFFFF90] =	vst v10  }
0xe5: {  	[tilespmem:s15+$0xFFFFFFE0] =	vst v5;
	v5 =	vld [tilespmem:s15+$0x30]  }
0xe6: {  	[tilespmem:s15+$0xFFFFFFC0] =	vst v7;
	v4 =	vld [tilespmem:s15+$0x70]  }
0xe7: {  	v3 =	vld.idx.msk [tilespmem:v6+s30+$0x0], $0xffff  }
0xe8: {  	_ =	sdelay $0x1  }
0xe9: {  	v6 =	vld [tilespmem:s12+$0x20];
	_ =	sdelay $0x1  }
0xea: {  	v7 =	vld [tilespmem:s12+$0x60];
	v1 =	vmul.f32 v1, v3  }
0xeb: {  	v8 =	vld [tilespmem:s12+$0x40];
	v5 =	vmul.f32 v5, v3  }
0xec: {  	v9 =	vld [tilespmem:s12+$0x50];
	v2 =	vmul.f32 v2, v3;
	[tilespmem:s12+$0x0] =	vst v1  }
0xed: {  	v63 =	vmul.f32 v6, v3;
	[tilespmem:s12+$0x30] =	vst v5  }
0xee: {  	v1 =	vmul.f32 v4, v3;
	[tilespmem:s12+$0x10] =	vst v2  }
0xef: {  	v2 =	vmul.f32 v7, v3;
	[tilespmem:s12+$0x20] =	vst v63  }
0xf0: {  	[tilespmem:s12+$0x70] =	vst v1;
	v1 =	vmul.f32 v8, v3  }
0xf1: {  	v3 =	vmul.f32 v9, v3;
	[tilespmem:s12+$0x60] =	vst v2  }
0xf2: {  	p1 =	sne.s32 s11, $0x14;
	[tilespmem:s12+$0x40] =	vst v1  }
.Ltmp5:
0xf3: {  	s10 =	sadd.s32 $0x15400, s10;
	[tilespmem:s12+$0x50] =	vst v3;
	(pc) =	sbr.rel @p1 .LBB2_8-.Ltmp5, $4  }
0xf4: {  	[spmem:s3] =	stream.indirect.scatter.add.f32 [tilespmem:s29], [sflag:$0x5], $0x80, s10, s26, $0xb8;
	[tilespmem:$0x1E900] =	vst v63  }
0xf5: {  	_ =	swait.ge [sflag:s23], $0x4000  }
0xf6: {  	[sflag:s23] =	ssyncset.done $0x0  }
0xf7: {  	[sflag:s23] =	ssyncadd.s32 $0xFFFFC000  }
0xf8: {  	s9 =	simm.s32 $0x0;
	s10 =	rddreg [dreg:$0xc]  }
0xf9: {  	[tilespmem:s24], [sflag:$0x5] =	stream.linear.gather [hbm4b:s10+s9], $0x1400, $0x38;
	[tilespmem:$0x1E900] =	vst v63  }
0xfa: {  	_ =	swait.ge [sflag:s23], $0x1400  }
0xfb: {  	[sflag:s23] =	ssyncset.done $0x0  }
.Ltmp6:
0xfc: {  	s25 =	simm.s32 $0x15400;
	[sflag:s23] =	ssyncadd.s32 $0xFFFFEC00;
	(pc) =	sbr.rel @p0 .LBB2_17-.Ltmp6, $4  }
0xfd: {  	[tilespmem:s25], [sflag:$0x5] =	stream.linear.gather [hbm4b:s18+s9], $0x1400, $0x38;
	[tilespmem:$0x1E900] =	vst v63  }
0xfe: {  	_ =	swait.ge [sflag:s23], $0x1400  }
0xff: {  	[sflag:s23] =	ssyncset.done $0x0  }
0x100: {  	[sflag:s23] =	ssyncadd.s32 $0xFFFFEC00  }
0x101: {  	s10 =	simm.s32 $0x0  }
0x102: {  	v3 =	vld [tilespmem:s10+$0x14000]  }
0x103: {  	v5 =	vld [tilespmem:s10+$0x14010]  }
0x104: {  	v4 =	vld [tilespmem:s10+$0x14020]  }
0x105: {  	v2 =	vld [tilespmem:s10+$0x14030]  }
0x106: {  	v1 =	vld [tilespmem:s10+$0x14040]  }
0x107: {  	v6 =	vadd.s32 $0x2800, v3;
	v3 =	vld [tilespmem:s10+$0x14050]  }
0x108: {  	s11 =	simm.s32 $0x200;
	[tilespmem:s10+$0x14000] =	vst v6;
	v6 =	vadd.s32 $0x2800, v5;
	v5 =	vld [tilespmem:s10+$0x14060]  }
.LBB2_15:
0x109: {  	s12 =	sshra.s32 s11, $0x2;
	p1 =	sne.s32 s11, $0x4E00;
	[tilespmem:s10+$0x14010] =	vst v6;
	v4 =	vadd.s32 $0x2800, v4;
	v6 =	vld [tilespmem:s10+$0x14070]  }
0x10a: {  	v7 =	vld [tilespmem:s12+$0x14000];
	[tilespmem:s10+$0x14020] =	vst v4;
	v2 =	vadd.s32 $0x2800, v2  }
0x10b: {  	v8 =	vld [tilespmem:s12+$0x14010];
	[tilespmem:s10+$0x14030] =	vst v2;
	v1 =	vadd.s32 $0x2800, v1  }
.Ltmp7:
0x10c: {  	v4 =	vld [tilespmem:s12+$0x14020];
	[tilespmem:s10+$0x14040] =	vst v1;
	v1 =	vadd.s32 $0x2800, v3;
	(pc) =	sbr.rel @p1 .LBB2_15-.Ltmp7, $4  }
0x10d: {  	v2 =	vld [tilespmem:s12+$0x14030];
	[tilespmem:s10+$0x14050] =	vst v1;
	v3 =	vadd.s32 $0x2800, v5  }
0x10e: {  	v1 =	vld [tilespmem:s12+$0x14040];
	[tilespmem:s10+$0x14060] =	vst v3;
	v5 =	vadd.s32 $0x2800, v6  }
0x10f: {  	v6 =	vadd.s32 $0x2800, v7;
	v3 =	vld [tilespmem:s12+$0x14050];
	[tilespmem:s10+$0x14070] =	vst v5;
	s10 =	smov.u32 s12  }
0x110: {  	s11 =	sadd.s32 $0x200, s11;
	[tilespmem:s10+$0x14000] =	vst v6;
	v6 =	vadd.s32 $0x2800, v8;
	v5 =	vld [tilespmem:s10+$0x14060]  }
0x111: {  	[tilespmem:s10+$0x14010] =	vst v6;
	v4 =	vadd.s32 $0x2800, v4;
	v63 =	vld [tilespmem:s10+$0x14070]  }
0x112: {  	[tilespmem:s10+$0x14020] =	vst v4;
	v2 =	vadd.s32 $0x2800, v2  }
0x113: {  	[tilespmem:s10+$0x14030] =	vst v2;
	v1 =	vadd.s32 $0x2800, v1  }
0x114: {  	[tilespmem:s10+$0x14040] =	vst v1;
	v1 =	vadd.s32 $0x2800, v3  }
0x115: {  	[tilespmem:s10+$0x14050] =	vst v1;
	v1 =	vadd.s32 $0x2800, v5  }
0x116: {  	[tilespmem:s10+$0x14060] =	vst v1;
	v1 =	vadd.s32 $0x2800, v63  }
0x117: {  	[tilespmem:s10+$0x14070] =	vst v1  }
.LBB2_17:
0x118: {  	[tilespmem:s22], [sflag:$0x1] =	stream.indirect.gather [hbm4b:s1+s26], $0x80, s24, s26, $0xb8;
	[tilespmem:$0x1E900] =	vst v63  }
0x119: {  	s11 =	simm.s32 $0x0  }
0x11a: {  	[tilespmem:s28], [sflag:$0x3] =	stream.linear.gather [hbm4b:s19+s9], $0x80, $0x38;
	[tilespmem:$0x1E900] =	vst v63  }
.LBB2_18:
0x11b: {  	s12 =	sshllo.u32 s11, $0x1;
	s13 =	sshll.u32 s11, $0x1  }
0x11c: {  	s10 =	sshll.u32 s12, $0x7;
	s13 =	sadd.s32 s14, s13;
	s12 =	sshll.u32 s12, $0x4  }
0x11d: {  	s15 =	sadd.s32 $0x14000, s10;
	s25 =	sshll.u32 s13, $0x4;
	s12 =	sand.u32 $0x70, s12  }
0x11e: {  	[tilespmem:s29], [sflag:$0x2] =	stream.indirect.gather [hbm4b:s1+s26], $0x80, s15, s26, $0xb8;
	[tilespmem:$0x1E900] =	vst v63  }
0x11f: {  	s13 =	sand.u32 $0x1FF80, s25;
	s12 =	sadd.s32 s5, s12  }
0x120: {  	s12 =	sadd.s32 s13, s12  }
0x121: {  	v1 =	vmov s9;
	[tilespmem:s30], [sflag:$0x4] =	stream.linear.gather [hbm4b:s12+s9], $0x80, $0x38;
	[tilespmem:$0x1E900] =	vst v63  }
0x122: {  	v1 =	vand.u32 $0xFFFFFFFE, v1;
	_ =	swait.ge [sflag:s31], $0x4000  }
0x123: {  	v2 =	vbroadcast v1, $0x0;
	[sflag:s31] =	ssyncset.done $0x0  }
0x124: {  	[sflag:s31] =	ssyncadd.s32 $0xFFFFC000  }
0x125: {  	_ =	swait.ge [sflag:s0], $0x80  }
0x126: {  	[sflag:s0] =	ssyncset.done $0x0  }
0x127: {  	s12 =	simm.s32 $0x16880;
	[sflag:s0] =	ssyncadd.s32 $0xFFFFFF80  }
0x128: {  	v5 =	vld [tilespmem:s12+$0xFFFFFFF0]  }
0x129: {  	v6 =	vld.idx.msk [tilespmem:v2+s28+$0x0], $0xffff  }
0x12a: {  	v7 =	vld [tilespmem:s12+$0xFFFFFF80]  }
0x12b: {  	v8 =	vld [tilespmem:s12+$0xFFFFFFA0]  }
0x12c: {  	v4 =	vld [tilespmem:s12+$0xFFFFFFB0]  }
0x12d: {  	v3 =	vld [tilespmem:s12+$0xFFFFFFD0]  }
0x12e: {  	v10 =	vld [tilespmem:s12+$0xFFFFFF90];
	v5 =	vmul.f32 v5, v6  }
0x12f: {  	v9 =	vld [tilespmem:s12+$0xFFFFFFE0];
	v7 =	vmul.f32 v7, v6  }
0x130: {  	v11 =	vld [tilespmem:s12+$0xFFFFFFC0];
	v8 =	vmul.f32 v8, v6;
	[tilespmem:s12+$0xFFFFFFF0] =	vst v5  }
0x131: {  	v4 =	vmul.f32 v4, v6;
	[tilespmem:s12+$0xFFFFFF80] =	vst v7  }
0x132: {  	s17 =	simm.s32 $0x1;
	v3 =	vmul.f32 v3, v6;
	[tilespmem:s12+$0xFFFFFFA0] =	vst v8  }
0x133: {  	v5 =	vmul.f32 v10, v6;
	[tilespmem:s12+$0xFFFFFFB0] =	vst v4;
	v7 =	vmov s17  }
0x134: {  	v1 =	vld [tilespmem:s12+$0x0];
	v4 =	vmul.f32 v9, v6;
	[tilespmem:s12+$0xFFFFFFD0] =	vst v3  }
0x135: {  	v2 =	vld [tilespmem:s12+$0x10];
	v3 =	vmul.f32 v11, v6;
	[tilespmem:s12+$0xFFFFFF90] =	vst v5  }
0x136: {  	[tilespmem:s12+$0xFFFFFFE0] =	vst v4;
	v5 =	vld [tilespmem:s12+$0x30]  }
0x137: {  	[tilespmem:s12+$0xFFFFFFC0] =	vst v3;
	v4 =	vld [tilespmem:s12+$0x70]  }
0x138: {  	s15 =	simm.s32 $0x16880;
	s13 =	simm.s32 $0x2;
	v3 =	vld.idx.msk [tilespmem:v7+s28+$0x0], $0xffff  }
.LBB2_19:
0x139: {  	p1 =	sne.s32 s13, $0x7E  }
0x13a: {  	v6 =	vld [tilespmem:s12+$0x20];
	s15 =	sadd.s32 $0x100, s15;
	s17 =	smov.u32 s13;
	s13 =	sadd.s32 $0x2, s13  }
0x13b: {  	v7 =	vld [tilespmem:s12+$0x40]  }
0x13c: {  	v8 =	vld [tilespmem:s12+$0x50]  }
0x13d: {  	v9 =	vld [tilespmem:s12+$0x60];
	_ =	sdelay $0x1  }
0x13e: {  	v1 =	vmul.f32 v1, v3;
	v2 =	vmul.f32 v2, v3  }
0x13f: {  	v5 =	vmul.f32 v5, v3;
	v6 =	vmul.f32 v6, v3  }
0x140: {  	v10 =	vmov s17;
	v7 =	vmul.f32 v7, v3;
	[tilespmem:s12+$0x0] =	vst v1;
	v8 =	vmul.f32 v8, v3  }
0x141: {  	v10 =	vand.u32 $0xFFFFFFFE, v10;
	v1 =	vld [tilespmem:s15+$0x0];
	[tilespmem:s12+$0x30] =	vst v5;
	v5 =	vmul.f32 v9, v3;
	v3 =	vmul.f32 v4, v3  }
0x142: {  	v4 =	vbroadcast v10, $0x0;
	[tilespmem:s12+$0x10] =	vst v2  }
0x143: {  	[tilespmem:s12+$0x70] =	vst v3  }
0x144: {  	v3 =	vld [tilespmem:s15+$0xFFFFFFD0];
	[tilespmem:s12+$0x20] =	vst v6  }
0x145: {  	v6 =	vld [tilespmem:s15+$0xFFFFFFB0];
	[tilespmem:s12+$0x60] =	vst v5  }
0x146: {  	v5 =	vld [tilespmem:s15+$0xFFFFFFE0];
	[tilespmem:s12+$0x40] =	vst v7  }
0x147: {  	v7 =	vld [tilespmem:s15+$0xFFFFFFF0];
	[tilespmem:s12+$0x50] =	vst v8;
	s12 =	smov.u32 s15  }
0x148: {  	v4 =	vld.idx.msk [tilespmem:v4+s28+$0x0], $0xffff  }
0x149: {  	v8 =	vld [tilespmem:s15+$0xFFFFFF80]  }
0x14a: {  	v9 =	vld [tilespmem:s15+$0xFFFFFFA0]  }
0x14b: {  	v10 =	vld [tilespmem:s15+$0xFFFFFF90]  }
0x14c: {  	v11 =	vld [tilespmem:s15+$0xFFFFFFC0]  }
0x14d: {  	v2 =	vld [tilespmem:s15+$0x10]  }
0x14e: {  	v7 =	vmul.f32 v7, v4;
	v8 =	vmul.f32 v8, v4  }
0x14f: {  	v5 =	vmul.f32 v5, v4;
	v9 =	vmul.f32 v9, v4  }
0x150: {  	v6 =	vmul.f32 v6, v4;
	v10 =	vmul.f32 v10, v4;
	[tilespmem:s15+$0xFFFFFFF0] =	vst v7  }
0x151: {  	v3 =	vmul.f32 v3, v4;
	[tilespmem:s15+$0xFFFFFF80] =	vst v8;
	v7 =	vmul.f32 v11, v4  }
0x152: {  	s17 =	sadd.s32 $0x1, s17;
	[tilespmem:s15+$0xFFFFFFA0] =	vst v9  }
0x153: {  	[tilespmem:s15+$0xFFFFFFB0] =	vst v6;
	v6 =	vmov s17  }
.Ltmp8:
0x154: {  	[tilespmem:s15+$0xFFFFFFD0] =	vst v3;
	(pc) =	sbr.rel @p1 .LBB2_19-.Ltmp8, $4  }
0x155: {  	[tilespmem:s15+$0xFFFFFF90] =	vst v10  }
0x156: {  	[tilespmem:s15+$0xFFFFFFE0] =	vst v5;
	v5 =	vld [tilespmem:s15+$0x30]  }
0x157: {  	[tilespmem:s15+$0xFFFFFFC0] =	vst v7;
	v4 =	vld [tilespmem:s15+$0x70]  }
0x158: {  	v3 =	vld.idx.msk [tilespmem:v6+s28+$0x0], $0xffff  }
0x159: {  	_ =	sdelay $0x2  }
0x15a: {  	v6 =	vld [tilespmem:s12+$0x20]  }
0x15b: {  	v7 =	vld [tilespmem:s12+$0x60];
	v1 =	vmul.f32 v1, v3  }
0x15c: {  	v8 =	vld [tilespmem:s12+$0x40];
	v5 =	vmul.f32 v5, v3  }
0x15d: {  	v9 =	vld [tilespmem:s12+$0x50];
	v2 =	vmul.f32 v2, v3;
	[tilespmem:s12+$0x0] =	vst v1  }
0x15e: {  	[tilespmem:s12+$0x30] =	vst v5;
	v1 =	vmul.f32 v4, v3  }
0x15f: {  	v4 =	vmul.f32 v6, v3;
	[tilespmem:s12+$0x10] =	vst v2  }
0x160: {  	v2 =	vmul.f32 v7, v3;
	[tilespmem:s12+$0x70] =	vst v1  }
0x161: {  	v1 =	vmul.f32 v8, v3;
	[tilespmem:s12+$0x20] =	vst v4  }
0x162: {  	s13 =	sshll.u32 s11, $0xA;
	v3 =	vmul.f32 v9, v3;
	[tilespmem:s12+$0x60] =	vst v2  }
0x163: {  	s15 =	sshrl.u32 s13, $0x2;
	[tilespmem:s12+$0x40] =	vst v1  }
0x164: {  	s15 =	sadd.s32 $0x15400, s15;
	[tilespmem:s12+$0x50] =	vst v3  }
0x165: {  	[spmem:s3] =	stream.indirect.scatter.add.f32 [tilespmem:s22], [sflag:$0x5], $0x80, s15, s26, $0xb8;
	[tilespmem:$0x1E900] =	vst v63  }
0x166: {  	p1 =	seq.s32 s11, $0x13;
	s17 =	simm.s32 $0x0;
	_ =	swait.ge [sflag:s23], $0x4000  }
0x167: {  	s12 =	sshrl.u32 @!p1 s13, $0x2;
	s13 =	simm.s32 @!p1 $0x80;
	[sflag:s23] =	ssyncset.done $0x0  }
0x168: {  	s12 =	sadd.s32 @!p1 $0x14100, s12;
	s15 =	simm.s32 @!p1 $0x16800;
	[sflag:s23] =	ssyncadd.s32 $0xFFFFC000  }
0x169: {  	[tilespmem:s15], [sflag:$0x1] =	stream.indirect.gather @!p1 [hbm4b:s1+s13], $0x80, s12, s13, $0xb8;
	[tilespmem:$0x1E900] =	vst v63  }
0x16a: {  	s12 =	sadd.s32 @!p1 s16, s25;
	s13 =	simm.s32 @!p1 $0x0;
	s15 =	simm.s32 @!p1 $0x1E800  }
0x16b: {  	v1 =	vmov s17;
	[tilespmem:s15], [sflag:$0x3] =	stream.linear.gather @!p1 [hbm4b:s12+s13], $0x80, $0x38;
	[tilespmem:$0x1E900] =	vst v63  }
0x16c: {  	v1 =	vand.u32 $0xFFFFFFFE, v1;
	_ =	swait.ge [sflag:s2], $0x4000  }
0x16d: {  	v2 =	vbroadcast v1, $0x0;
	[sflag:s2] =	ssyncset.done $0x0  }
0x16e: {  	[sflag:s2] =	ssyncadd.s32 $0xFFFFC000  }
0x16f: {  	_ =	swait.ge [sflag:s8], $0x80  }
0x170: {  	[sflag:s8] =	ssyncset.done $0x0  }
0x171: {  	s12 =	simm.s32 $0x1A880;
	[sflag:s8] =	ssyncadd.s32 $0xFFFFFF80  }
0x172: {  	v5 =	vld [tilespmem:s12+$0xFFFFFFF0]  }
0x173: {  	v6 =	vld.idx.msk [tilespmem:v2+s30+$0x0], $0xffff  }
0x174: {  	v7 =	vld [tilespmem:s12+$0xFFFFFF80]  }
0x175: {  	v62 =	vld [tilespmem:s12+$0xFFFFFFA0]  }
0x176: {  	v4 =	vld [tilespmem:s12+$0xFFFFFFB0]  }
0x177: {  	v3 =	vld [tilespmem:s12+$0xFFFFFFD0]  }
0x178: {  	v10 =	vld [tilespmem:s12+$0xFFFFFF90];
	v5 =	vmul.f32 v5, v6  }
0x179: {  	v63 =	vld [tilespmem:s12+$0xFFFFFFE0];
	v7 =	vmul.f32 v7, v6  }
0x17a: {  	v11 =	vld [tilespmem:s12+$0xFFFFFFC0];
	v8 =	vmul.f32 v62, v6;
	[tilespmem:s12+$0xFFFFFFF0] =	vst v5  }
0x17b: {  	v4 =	vmul.f32 v4, v6;
	[tilespmem:s12+$0xFFFFFF80] =	vst v7  }
0x17c: {  	s25 =	simm.s32 $0x1;
	v3 =	vmul.f32 v3, v6;
	[tilespmem:s12+$0xFFFFFFA0] =	vst v8  }
0x17d: {  	v5 =	vmul.f32 v10, v6;
	[tilespmem:s12+$0xFFFFFFB0] =	vst v4;
	v7 =	vmov s25  }
0x17e: {  	v1 =	vld [tilespmem:s12+$0x0];
	v4 =	vmul.f32 v63, v6;
	[tilespmem:s12+$0xFFFFFFD0] =	vst v3  }
0x17f: {  	v2 =	vld [tilespmem:s12+$0x10];
	v3 =	vmul.f32 v11, v6;
	[tilespmem:s12+$0xFFFFFF90] =	vst v5  }
0x180: {  	[tilespmem:s12+$0xFFFFFFE0] =	vst v4;
	v5 =	vld [tilespmem:s12+$0x30]  }
0x181: {  	[tilespmem:s12+$0xFFFFFFC0] =	vst v3;
	v4 =	vld [tilespmem:s12+$0x70]  }
0x182: {  	s11 =	sadd.s32 $0x1, s11;
	s13 =	simm.s32 $0x2;
	s15 =	simm.s32 $0x1A880;
	v3 =	vld.idx.msk [tilespmem:v7+s30+$0x0], $0xffff  }
.LBB2_21:
0x183: {  	p1 =	sne.s32 s13, $0x7E  }
0x184: {  	v6 =	vld [tilespmem:s12+$0x20];
	s15 =	sadd.s32 $0x100, s15;
	s17 =	smov.u32 s13;
	s13 =	sadd.s32 $0x2, s13  }
0x185: {  	v7 =	vld [tilespmem:s12+$0x40]  }
0x186: {  	v8 =	vld [tilespmem:s12+$0x50]  }
0x187: {  	v9 =	vld [tilespmem:s12+$0x60];
	_ =	sdelay $0x1  }
0x188: {  	v1 =	vmul.f32 v1, v3;
	v2 =	vmul.f32 v2, v3  }
0x189: {  	v5 =	vmul.f32 v5, v3;
	v6 =	vmul.f32 v6, v3  }
0x18a: {  	v10 =	vmov s17;
	v7 =	vmul.f32 v7, v3;
	[tilespmem:s12+$0x0] =	vst v1;
	v8 =	vmul.f32 v8, v3  }
0x18b: {  	v10 =	vand.u32 $0xFFFFFFFE, v10;
	v1 =	vld [tilespmem:s15+$0x0];
	[tilespmem:s12+$0x30] =	vst v5;
	v5 =	vmul.f32 v9, v3;
	v3 =	vmul.f32 v4, v3  }
0x18c: {  	v4 =	vbroadcast v10, $0x0;
	[tilespmem:s12+$0x10] =	vst v2  }
0x18d: {  	[tilespmem:s12+$0x70] =	vst v3  }
0x18e: {  	v3 =	vld [tilespmem:s15+$0xFFFFFFD0];
	[tilespmem:s12+$0x20] =	vst v6  }
0x18f: {  	v6 =	vld [tilespmem:s15+$0xFFFFFFB0];
	[tilespmem:s12+$0x60] =	vst v5  }
0x190: {  	v5 =	vld [tilespmem:s15+$0xFFFFFFE0];
	[tilespmem:s12+$0x40] =	vst v7  }
0x191: {  	v7 =	vld [tilespmem:s15+$0xFFFFFFF0];
	[tilespmem:s12+$0x50] =	vst v8;
	s12 =	smov.u32 s15  }
0x192: {  	v4 =	vld.idx.msk [tilespmem:v4+s30+$0x0], $0xffff  }
0x193: {  	v8 =	vld [tilespmem:s15+$0xFFFFFF80]  }
0x194: {  	v9 =	vld [tilespmem:s15+$0xFFFFFFA0]  }
0x195: {  	v10 =	vld [tilespmem:s15+$0xFFFFFF90]  }
0x196: {  	v11 =	vld [tilespmem:s15+$0xFFFFFFC0]  }
0x197: {  	v2 =	vld [tilespmem:s15+$0x10]  }
0x198: {  	v7 =	vmul.f32 v7, v4;
	v8 =	vmul.f32 v8, v4  }
0x199: {  	v5 =	vmul.f32 v5, v4;
	v9 =	vmul.f32 v9, v4  }
0x19a: {  	v6 =	vmul.f32 v6, v4;
	v10 =	vmul.f32 v10, v4;
	[tilespmem:s15+$0xFFFFFFF0] =	vst v7  }
0x19b: {  	v3 =	vmul.f32 v3, v4;
	[tilespmem:s15+$0xFFFFFF80] =	vst v8;
	v7 =	vmul.f32 v11, v4  }
0x19c: {  	s17 =	sadd.s32 $0x1, s17;
	[tilespmem:s15+$0xFFFFFFA0] =	vst v9  }
0x19d: {  	[tilespmem:s15+$0xFFFFFFB0] =	vst v6;
	v6 =	vmov s17  }
.Ltmp9:
0x19e: {  	[tilespmem:s15+$0xFFFFFFD0] =	vst v3;
	(pc) =	sbr.rel @p1 .LBB2_21-.Ltmp9, $4  }
0x19f: {  	[tilespmem:s15+$0xFFFFFF90] =	vst v10  }
0x1a0: {  	[tilespmem:s15+$0xFFFFFFE0] =	vst v5;
	v5 =	vld [tilespmem:s15+$0x30]  }
0x1a1: {  	[tilespmem:s15+$0xFFFFFFC0] =	vst v7;
	v4 =	vld [tilespmem:s15+$0x70]  }
0x1a2: {  	v3 =	vld.idx.msk [tilespmem:v6+s30+$0x0], $0xffff  }
0x1a3: {  	_ =	sdelay $0x1  }
0x1a4: {  	v6 =	vld [tilespmem:s12+$0x20];
	_ =	sdelay $0x1  }
0x1a5: {  	v7 =	vld [tilespmem:s12+$0x60];
	v1 =	vmul.f32 v1, v3  }
0x1a6: {  	v8 =	vld [tilespmem:s12+$0x40];
	v5 =	vmul.f32 v5, v3  }
0x1a7: {  	v9 =	vld [tilespmem:s12+$0x50];
	v2 =	vmul.f32 v2, v3;
	[tilespmem:s12+$0x0] =	vst v1  }
0x1a8: {  	v63 =	vmul.f32 v6, v3;
	[tilespmem:s12+$0x30] =	vst v5  }
0x1a9: {  	v1 =	vmul.f32 v4, v3;
	[tilespmem:s12+$0x10] =	vst v2  }
0x1aa: {  	v2 =	vmul.f32 v7, v3;
	[tilespmem:s12+$0x20] =	vst v63  }
0x1ab: {  	[tilespmem:s12+$0x70] =	vst v1;
	v1 =	vmul.f32 v8, v3  }
0x1ac: {  	v3 =	vmul.f32 v9, v3;
	[tilespmem:s12+$0x60] =	vst v2  }
0x1ad: {  	p1 =	sne.s32 s11, $0x14;
	[tilespmem:s12+$0x40] =	vst v1  }
.Ltmp10:
0x1ae: {  	s10 =	sadd.s32 $0x15400, s10;
	[tilespmem:s12+$0x50] =	vst v3;
	(pc) =	sbr.rel @p1 .LBB2_18-.Ltmp10, $4  }
0x1af: {  	[spmem:s3] =	stream.indirect.scatter.add.f32 [tilespmem:s29], [sflag:$0x5], $0x80, s10, s26, $0xb8;
	[tilespmem:$0x1E900] =	vst v63  }
0x1b0: {  	_ =	swait.ge [sflag:s23], $0x4000  }
0x1b1: {  	[sflag:s23] =	ssyncset.done $0x0  }
0x1b2: {  	[sflag:s23] =	ssyncadd.s32 $0xFFFFC000  }
0x1b3: {  	s9 =	stileid.u32;
	s4 =	sadd.s32 $0x1, s4  }
0x1b4: {  	[bflag:$0x0] =	sbarrier.arrive $0xFFFF;
	s9 =	sshll.u32 s9, $0x6;
	p1 =	sne.s32 s4, s21  }
.Ltmp11:
0x1b5: {  	s10 =	sshrl.u32 s6, $0x3;
	s9 =	sor.u32 $0x1C05, s9;
	(pc) =	sbr.rel @p1 .LBB2_1-.Ltmp11, $4  }
0x1b6: {  	[hbm:s20], [sflag:s9] =	dma.local [spmem:s10], $0x2800  }
0x1b7: {  	_ =	swait.ge [sflag:s23], $0x2800  }
0x1b8: {  	[sflag:s23] =	ssyncset.done $0x0  }
0x1b9: {  	[sflag:s23] =	ssyncadd.s32 $0xFFFFD800  }
0x1ba: {  	_ =	sfence.sel $0x180000  }
0x1bb: {  	[bflag:$0x0] =	sbarrier.arrive $0xFFFF  }
0x1bc: {  	_ =	strace $0x9000004A  }
0x1bd: {  	s0 =	stileid.u32;
	[bflag:$0x2] =	sbarrier.arrive $0xFFFF  }
0x1be: {  	p0 =	sne.s32 s0, $0x0;
	s0 =	rddreg [dreg:$0x4]  }
0x1bf: {  	s0 =	sadd.s32 @!p0 $0x100000, s0  }
0x1c0: {  	[sflag:s0] =	ssyncadd.tile.s32 @!p0 $0x1;
	_ =	shalt  }
.Lfunc_end2:
_tile_overlayer_lowered:
.L_overlay_start_2:
0x1c1: {  	(tag) =	ssettag $0x2  }
0x1c2: {  	s0 =	rddreg [dreg:$0x0];
	s2 =	stileid.u32  }
0x1c3: {  	s1 =	rddreg [dreg:$0x1];
	p0 =	sne.s32 s2, $0x0  }
0x1c4: {  	s3 =	rddreg [dreg:$0x2];
	[bflag:$0x3] =	sbarrier.arrive $0xFFFF;
	s2 =	simm.s32 @!p0 $0x1C05  }
0x1c5: {  	[timem:s3], [sflag:s2] =	dma.local @!p0 [hbm:s0], s1  }
0x1c6: {  	s0 =	simm.s32 @!p0 $0x5  }
0x1c7: {  	_ =	swait.ge @!p0 [sflag:s0], s1  }
0x1c8: {  	s1 =	ssub.s32 @!p0 $0x0, s1;
	[sflag:s0] =	ssyncset.done @!p0 $0x0  }
0x1c9: {  	[sflag:s0] =	ssyncadd.s32 @!p0 s1  }
0x1ca: {  	[bflag:$0x3] =	sbarrier.arrive $0xFFFF  }
0x1cb: {  	_ =	shalt  }

// kernel: kernel.13.cloned.1.call-start
scs
__scs_entry_jumppad:
0x0: {  	(pc) =	sbr.rel $0x88, $3  }
0x1: {  	(tag) =	ssettag $0x0;
	lr =	simm.s32 $0x1  }
0x2: {  	[smem:$0x3F9A] =	sst lr;
	_ =	strace $0xD0000000  }
0x3: {  	_ = 	snop  }
0x4: {  	_ = 	snop  }
0x5: {  	_ = 	snop  }
0x6: {  	_ = 	snop  }
0x7: {  	_ = 	snop  }
__scs_overlays_trampoline_lowered:
0x8: {  	[smem:$0x3FA9] =	sst s0  }
0x9: {  	[smem:$0x3FAA] =	sst s1  }
0xa: {  	[smem:$0x3FAB] =	sst s2  }
0xb: {  	[smem:$0x3FAC] =	sst s3  }
0xc: {  	[smem:$0x3FAD] =	sst s4  }
0xd: {  	[smem:$0x3FAE] =	sst s5  }
0xe: {  	[smem:$0x3FAF] =	sst s6  }
0xf: {  	[smem:$0x3FB0] =	sst s7  }
0x10: {  	[smem:$0x3FB1] =	sst s8  }
0x11: {  	[smem:$0x3FB2] =	sst s9;
	s0 =	simm.s32 @!p0 $0x0  }
0x12: {  	s1 =	sld [smem:$0x3F98];
	s0 =	simm.s32 @p0 $0x1  }
0x13: {  	[smem:$0x3FB3] =	sst s0;
	s0 =	simm.s32 @!p1 $0x0  }
0x14: {  	s2 =	sld [smem:$0x3F97];
	s0 =	simm.s32 @p1 $0x1  }
0x15: {  	[smem:$0x3FB4] =	sst s0;
	s0 =	simm.s32 @!p2 $0x0  }
0x16: {  	s3 =	sld [smem:$0x3FDB];
	s0 =	simm.s32 @p2 $0x1  }
0x17: {  	s4 =	simm.s32 $0x1BF5;
	[smem:$0x3FB6] =	sst s0  }
0x18: {  	s0 =	sld [smem:$0x3F99];
	_ =	swait.ge [sflag:s4], $0x0  }
0x19: {  	s7 =	sld [smem:$0x3F9A]  }
0x1a: {  	s8 =	sadd.s32 $0xFFFFE003, lr  }
0x1b: {  	s9 =	sadd.s32 $0xFFFFFEF7, lr;
	s5 =	simm.s32 $0xFFFFFFFF;
	p2 =	slt.u32 s8, $0xFFFFF086  }
0x1c: {  	p1 =	slt.u32 s9, $0xF7A;
	s5 =	simm.s32 @!p2 $0x0  }
0x1d: {  	s5 =	simm.s32 @p1 $0x1;
	p0 =	seq.s32 s7, s2  }
0x1e: {  	s7 =	smul.u32 @!p0 $0xF7A, s2;
	p2 =	seq.s32 @!p0 s5, $0x0  }
0x1f: {  	s9 =	smul.u32 $0xF7A, s1;
	s8 =	simm.s32 @!p0 $0x1BF5;
	p2 =	por !p2, p0  }
0x20: {  	[sflag:s8] =	ssyncset.s32 @!p0 $0xFFFFF086;
	s6 =	sadd.s32 @!p0 s3, s7;
	s7 =	simm.s32 @!p0 $0x108  }
0x21: {  	s3 =	sadd.s32 s3, s9;
	s6 =	sadd.s32 @!p0 $0x88, s6;
	s7 =	simm.s32 @p2 $0x1082  }
0x22: {  	[simem:s7], [sflag:s8] =	dma.local @!p0 [hbm:s6], $0xF7A  }
0x23: {  	s9 =	sor.u32 $0xD0000000, s2;
	s6 =	simm.s32 $0x108;
	_ =	swait.ge @!p0 [sflag:s8], $0x0  }
0x24: {  	s3 =	sadd.s32 $0x88, s3;
	s6 =	simm.s32 @!p1 $0x1082;
	[sflag:s4] =	ssyncset.s32 $0xFFFFF086  }
0x25: {  	[simem:s6], [sflag:s4] =	dma.local [hbm:s3], $0xF7A  }
0x26: {  	[smem:$0x3F9A] =	sst s1;
	(tag) =	ssettag s2;
	_ =	strace s9  }
0x27: {  	s1 =	sld [smem:$0x3FAA]  }
0x28: {  	s2 =	sld [smem:$0x3FAB]  }
0x29: {  	s4 =	sld [smem:$0x3FAD]  }
0x2a: {  	p0 =	seq.s32 s5, $0x0;
	s5 =	sld [smem:$0x3FAE]  }
0x2b: {  	s6 =	sld [smem:$0x3FAF]  }
0x2c: {  	s7 =	sld [smem:$0x3FB0]  }
0x2d: {  	s3 =	simm.s32 $0x108;
	s8 =	sld [smem:$0x3FB1]  }
0x2e: {  	s3 =	simm.s32 @!p0 $0x1082;
	s9 =	sld [smem:$0x3FB2]  }
0x2f: {  	lr =	sadd.s32 s0, s3;
	s0 =	sld [smem:$0x3FA9]  }
0x30: {  	s3 =	sld [smem:$0x3FAC]  }
0x31: {  	[smem:$0x3FB5] =	sst s10  }
0x32: {  	s10 =	sld [smem:$0x3FB3];
	_ =	sdelay $0x3  }
0x33: {  	p0 =	seq.s32 s10, $0x1;
	s10 =	sld [smem:$0x3FB5];
	_ =	sdelay $0x3  }
0x34: {  	[smem:$0x3FB5] =	sst s10  }
0x35: {  	s10 =	sld [smem:$0x3FB4];
	_ =	sdelay $0x3  }
0x36: {  	p1 =	seq.s32 s10, $0x1;
	s10 =	sld [smem:$0x3FB5];
	_ =	sdelay $0x3  }
0x37: {  	[smem:$0x3FB5] =	sst s10  }
0x38: {  	s10 =	sld [smem:$0x3FB6]  }
0x39: {  	_ = 	snop;
	(pc) =	sbr.ind lr, $3  }
0x3a: {  	_ = 	snop  }
0x3b: {  	_ = 	snop  }
0x3c: {  	p2 =	seq.s32 s10, $0x1;
	s10 =	sld [smem:$0x3FB5]  }
0x3d: {  	_ =	shalt  }
0x3e: {  	_ =	shalt  }
0x3f: {  	_ =	shalt  }
0x40: {  	_ =	shalt  }
0x41: {  	_ =	shalt  }
0x42: {  	_ =	shalt  }
0x43: {  	_ =	shalt  }
0x44: {  	_ =	shalt  }
0x45: {  	_ =	shalt  }
0x46: {  	_ =	shalt  }
0x47: {  	_ =	shalt  }
0x48: {  	_ =	shalt  }
0x49: {  	_ =	shalt  }
0x4a: {  	_ =	shalt  }
0x4b: {  	_ =	shalt  }
0x4c: {  	_ =	shalt  }
0x4d: {  	_ =	shalt  }
0x4e: {  	_ =	shalt  }
0x4f: {  	_ =	shalt  }
0x50: {  	_ =	shalt  }
0x51: {  	_ =	shalt  }
0x52: {  	_ =	shalt  }
0x53: {  	_ =	shalt  }
0x54: {  	_ =	shalt  }
0x55: {  	_ =	shalt  }
0x56: {  	_ =	shalt  }
0x57: {  	_ =	shalt  }
0x58: {  	_ =	shalt  }
0x59: {  	_ =	shalt  }
0x5a: {  	_ =	shalt  }
0x5b: {  	_ =	shalt  }
0x5c: {  	_ =	shalt  }
0x5d: {  	_ =	shalt  }
0x5e: {  	_ =	shalt  }
0x5f: {  	_ =	shalt  }
0x60: {  	_ =	shalt  }
0x61: {  	_ =	shalt  }
0x62: {  	_ =	shalt  }
0x63: {  	_ =	shalt  }
0x64: {  	_ =	shalt  }
0x65: {  	_ =	shalt  }
0x66: {  	_ =	shalt  }
0x67: {  	_ =	shalt  }
0x68: {  	_ =	shalt  }
0x69: {  	_ =	shalt  }
0x6a: {  	_ =	shalt  }
0x6b: {  	_ =	shalt  }
0x6c: {  	_ =	shalt  }
0x6d: {  	_ =	shalt  }
0x6e: {  	_ =	shalt  }
0x6f: {  	_ =	shalt  }
0x70: {  	_ =	shalt  }
0x71: {  	_ =	shalt  }
0x72: {  	_ =	shalt  }
0x73: {  	_ =	shalt  }
0x74: {  	_ =	shalt  }
0x75: {  	_ =	shalt  }
0x76: {  	_ =	shalt  }
0x77: {  	_ =	shalt  }
0x78: {  	_ =	shalt  }
0x79: {  	_ =	shalt  }
0x7a: {  	_ =	shalt  }
0x7b: {  	_ =	shalt  }
0x7c: {  	_ =	shalt  }
0x7d: {  	_ =	shalt  }
0x7e: {  	_ =	shalt  }
0x7f: {  	_ =	shalt  }
0x80: {  	_ =	shalt  }
0x81: {  	_ =	shalt  }
0x82: {  	_ =	shalt  }
0x83: {  	_ =	shalt  }
0x84: {  	_ =	shalt  }
0x85: {  	_ =	shalt  }
0x86: {  	_ =	shalt  }
0x87: {  	_ =	shalt  }
.Lfunc_end0:
.L_simem_size_0:
called_computation.2_lowered:
.L_overlay_start_0:
0x88: {  	s2 =	sld [smem:$0x3FD9]  }
0x89: {  	s3 =	sld [smem:$0x3FFE];
	_ =	sdelay $0x1  }
0x8a: {  	s1 =	srdreg.scid  }
0x8b: {  	s0 =	sand.u32 $0x1, s1  }
0x8c: {  	s14 =	sshll.u32 s0, $0xA;
	s2 =	sadd.s32 s3, s2  }
0x8d: {  	s2 =	sadd.s32 s2, s14  }
0x8e: {  	[smem:$0x3FC1] =	sst s2  }
0x8f: {  	_ = 	snop  }
0x90: {  	s2 =	sld [smem:$0x3FD0];
	_ =	sdelay $0x2  }
0x91: {  	s15 =	simm.s32 $0xA;
	s4 =	simm.s32 $0x10  }
0x92: {  	[smem:s4], [sflag:s15] =	dma.local [hbm:s2], $0x1  }
0x93: {  	_ =	swait.eq [sflag:s15], $0x1  }
0x94: {  	[sflag:s15] =	ssyncset.done $0x0  }
0x95: {  	[sflag:s15] =	ssyncadd.s32 $0xFFFFFFFF  }
0x96: {  	s16 =	sld [smem:$0x10];
	(tm) =	ssettm $0x1  }
0x97: {  	s17 =	sld [smem:$0x3FFB];
	_ =	sdelay $0x3  }
0x98: {  	_ =	strace s17  }
0x99: {  	s3 =	sld [smem:$0x3FFC];
	_ =	sdelay $0x3  }
0x9a: {  	_ =	strace s3  }
0x9b: {  	s3 =	sld [smem:$0x3FFD];
	_ =	sdelay $0x3  }
0x9c: {  	_ =	strace s3  }
0x9d: {  	_ =	strace $0x8FFFFFFF  }
0x9e: {  	s18 =	sld [smem:$0x3FDB];
	_ =	sdelay $0x1  }
0x9f: {  	s19 =	simm.s32 $_scs_section_size  }
0xa0: {  	s5 =	simm.s32 $_size__tile_overlayer_lowered;
	s6 =	simm.s32 $_tile_overlayer_lowered  }
0xa1: {  	s22 =	simm.s32 $0x1BFF;
	s21 =	sshll.u32 s6, $0x1;
	s3 =	sadd.s32 s19, s18  }
0xa2: {  	s7 =	simm.s32 $0x0;
	s20 =	sshll.u32 s5, $0x1;
	s5 =	sadd.s32 s21, s3  }
0xa3: {  	[timem:s7], [sflag:s22] =	dma.local [hbm:s5], s20  }
0xa4: {  	_ =	swait.ge [sflag:s22], s20  }
0xa5: {  	s4 =	ssub.s32 $0x0, s20;
	[sflag:s22] =	ssyncset.done $0x0  }
0xa6: {  	[sflag:s22] =	ssyncadd.s32 s4;
	_ =	sdelay $0x1  }
0xa7: {  	s23 =	simm.s32 $0x1B8B  }
0xa8: {  	_ =	swait.ge [sflag:s23], $0x1  }
0xa9: {  	[sflag:s23] =	ssyncset.done $0x0  }
0xaa: {  	s25 =	simm.s32 $0x1B8E;
	s24 =	sld [smem:$0x3FFE];
	[sflag:s23] =	ssyncadd.s32 $0xFFFFFFFF  }
0xab: {  	s26 =	simm.s32 $execute0_lowered;
	[smem:$0x3FD2] =	sst s25  }
0xac: {  	s5 =	sshll.u32 s26, $0x1;
	_ =	strace $0x8000004C;
	[dreg:$0x1] =	wrdreg $0xFFFFFFFF  }
0xad: {  	s28 =	simm.s32 $_size_execute0_lowered;
	s3 =	sadd.s32 s3, s5;
	[dreg:$0x0] =	wrdreg $0x0  }
0xae: {  	s5 =	sshll.u32 s28, $0x1;
	[dreg:$0x2] =	wrdreg s3  }
0xaf: {  	[dreg:$0x3] =	wrdreg s5  }
0xb0: {  	[dreg:$0x4] =	wrdreg $0xC0  }
0xb1: {  	_ =	task [dreg:s7], $0x5FFFF  }
0xb2: {  	[dreg:$0x1] =	wrdreg $0xFFFFFFFF  }
0xb3: {  	[dreg:$0x0] =	wrdreg $0x60  }
0xb4: {  	[dreg:$0x2] =	wrdreg s24  }
0xb5: {  	[dreg:$0x3] =	wrdreg s16  }
0xb6: {  	[dreg:$0x4] =	wrdreg $0x0  }
0xb7: {  	[dreg:$0x5] =	wrdreg $0x9  }
0xb8: {  	_ =	task.clear_ibuf [dreg:s7], $0x6FFFF;
	_ =	strace $0x9000004C  }
0xb9: {  	s29 =	simm.s32 $0x9;
	_ =	strace $0x8000004E  }
0xba: {  	_ =	swait.ge [sflag:s29], $0x1  }
0xbb: {  	[sflag:s29] =	ssyncadd.s32 $0xFFFFFFFF  }
0xbc: {  	_ =	strace $0x9000004E  }
0xbd: {  	_ =	sfence  }
0xbe: {  	s30 =	sld [smem:$0x0];
	_ =	sdelay $0x2  }
0xbf: {  	s31 =	sshll.u32 s1, $0xD;
	s1 =	sshrl.u32 s1, $0x2  }
0xc0: {  	s3 =	sand.u32 $0x4000, s31;
	s1 =	sadd.s32 s1, s30  }
0xc1: {  	s0 =	sor.u32 s3, s0;
	s1 =	sshll.u32 s1, $0x11  }
0xc2: {  	s0 =	sor.u32 s1, s0  }
0xc3: {  	s0 =	sadd.s32 $0x8F2B, s0  }
0xc4: {  	[sflag:s0] =	ssyncadd.remote.s32 $0x1  }
0xc5: {  	_ =	sfence.sel $0xFFFF  }
0xc6: {  	[dreg:$0x0] =	wrdreg $0xFFFFFFFF;
	(pc) =	sbr.abs _section_cstart, $3  }
0xc7: {  	[dreg:$0x1] =	wrdreg $0xFFFFFFFF  }
0xc8: {  	_ =	task.clear_ibuf [dreg:s7], $0x2FFFF;
	_ =	strace $0x9FFFFFFF  }
0xc9: {  	(tm) =	ssettm $0x7FFFFFFF  }
tec
execute0_lowered:
.L_overlay_start_1:
0x0: {  	(tag) =	ssettag $0x1  }
0x1: {  	s0 =	rddreg [dreg:$0x0]  }
0x2: {  	s1 =	rddreg [dreg:$0x1]  }
0x3: {  	s2 =	rddreg [dreg:$0x2]  }
0x4: {  	s4 =	srdreg.scid;
	s13 =	stileid.u32  }
0x5: {  	s3 =	simm.s32 $0x0;
	s28 =	simm.s32 $0x1E800;
	s29 =	simm.s32 $0x1A800  }
0x6: {  	s30 =	simm.s32 $0x1E880;
	s31 =	simm.s32 $0x1;
	s6 =	smul.u32 $0x2800, s13  }
0x7: {  	s8 =	sand.u32 $0x1, s4;
	[smem:$0x7FF] =	sst s3;
	s9 =	smul.u32 $0x50000, s13  }
0x8: {  	s4 =	sadd.s32 $0x13000, s0;
	s10 =	sadd.s32 $0x8A00, s0;
	s20 =	smul.u32 $0x500, s13  }
0x9: {  	s5 =	sadd.s32 $0xE000, s0;
	s16 =	sadd.s32 $0xE020, s0;
	s7 =	smul.u32 $0x28000, s8  }
0xa: {  	_ =	strace $0x8000004D;
	s12 =	ssub.s32 $0x2, s8;
	p0 =	seq.s32 s8, $0x0  }
0xb: {  	s8 =	simm.s32 $0x4;
	s17 =	sshrl.u32 s9, $0x2;
	s24 =	sadd.s32 s10, s20  }
0xc: {  	s18 =	sshrl.u32 s12, $0x1;
	s25 =	sadd.s32 s1, s20;
	[dreg:$0x8] =	wrdreg s24  }
0xd: {  	s6 =	sadd.s32 s6, s7;
	s9 =	ssub.s32 s12, s18;
	[dreg:$0x9] =	wrdreg s25  }
0xe: {  	s12 =	sadd.s32 s5, s20;
	s11 =	sadd.s32 s6, s0;
	s6 =	sadd.s32 s17, s2  }
0xf: {  	s7 =	smul.u32 $0x50, s13;
	[dreg:$0xa] =	wrdreg s12;
	s19 =	sadd.s32 $0x4000, s6  }
0x10: {  	s24 =	simm.s32 $0x14000;
	s21 =	sadd.s32 $0x8000, s6;
	[dreg:$0x4] =	wrdreg s19  }
0x11: {  	s0 =	simm.s32 $0x3;
	s22 =	sadd.s32 $0xC000, s6;
	[dreg:$0x5] =	wrdreg s21  }
0x12: {  	s23 =	sadd.s32 $0x10000, s6;
	s14 =	sadd.s32 $0x28, s7;
	[dreg:$0x6] =	wrdreg s22  }
0x13: {  	s20 =	sadd.s32 $0x153000, s11;
	[dreg:$0x7] =	wrdreg s23;
	s26 =	sshll.u32 s14, $0x4  }
0x14: {  	s21 =	smax.u32 s9, $0x1;
	s22 =	simm.s32 $0x16800;
	s23 =	simm.s32 $0x5  }
0x15: {  	s10 =	sadd.s32 s10, s26;
	s18 =	sadd.s32 s1, s26;
	s19 =	sadd.s32 s5, s26  }
0x16: {  	v0 =	vimm.f32 $0.0e+00;
	s26 =	simm.s32 $0x80;
	s1 =	simm.s32 $0x2;
	[dreg:$0xb] =	wrdreg s10  }
.LBB2_1:
0x17: {  	s9 =	simm.s32 $0x0;
	s10 =	simm.s32 $0x200  }
.LBB2_2:
0x18: {  	p1 =	sne.s32 s10, $0xFE00;
	[tilespmem:s9+$0x16870] =	vst v0  }
0x19: {  	[tilespmem:s9+$0x16800] =	vst v0  }
0x1a: {  	[tilespmem:s9+$0x16810] =	vst v0  }
.Ltmp0:
0x1b: {  	[tilespmem:s9+$0x16820] =	vst v0;
	(pc) =	sbr.rel @p1 .LBB2_2-.Ltmp0, $4  }
0x1c: {  	[tilespmem:s9+$0x16830] =	vst v0  }
0x1d: {  	[tilespmem:s9+$0x16840] =	vst v0  }
0x1e: {  	[tilespmem:s9+$0x16850] =	vst v0  }
0x1f: {  	[tilespmem:s9+$0x16860] =	vst v0;
	s9 =	sshra.s32 s10, $0x2;
	s10 =	sadd.s32 $0x200, s10  }
0x20: {  	[tilespmem:s9+$0x16870] =	vst v0  }
0x21: {  	[tilespmem:s9+$0x16800] =	vst v0  }
0x22: {  	[tilespmem:s9+$0x16810] =	vst v0  }
0x23: {  	[tilespmem:s9+$0x16820] =	vst v0  }
0x24: {  	[tilespmem:s9+$0x16830] =	vst v0  }
0x25: {  	[tilespmem:s9+$0x16840] =	vst v0  }
0x26: {  	[tilespmem:s9+$0x16850] =	vst v0  }
0x27: {  	[tilespmem:s9+$0x16860] =	vst v0  }
0x28: {  	[spmem:s6] =	stream.linear.scatter [tilespmem:s22], [sflag:$0x5], $0x4000, $0x38;
	[tilespmem:$0x1E900] =	vst v63  }
0x29: {  	_ =	swait.ge [sflag:s23], $0x4000  }
0x2a: {  	[sflag:s23] =	ssyncset.done $0x0  }
0x2b: {  	s12 =	rddreg [dreg:$0x4];
	[sflag:s23] =	ssyncadd.s32 $0xFFFFC000  }
0x2c: {  	[spmem:s12] =	stream.linear.scatter [tilespmem:s22], [sflag:$0x5], $0x4000, $0x38;
	[tilespmem:$0x1E900] =	vst v63  }
0x2d: {  	_ =	swait.ge [sflag:s23], $0x4000  }
0x2e: {  	[sflag:s23] =	ssyncset.done $0x0  }
0x2f: {  	s13 =	rddreg [dreg:$0x5];
	[sflag:s23] =	ssyncadd.s32 $0xFFFFC000  }
0x30: {  	[spmem:s13] =	stream.linear.scatter [tilespmem:s22], [sflag:$0x5], $0x4000, $0x38;
	[tilespmem:$0x1E900] =	vst v63  }
0x31: {  	_ =	swait.ge [sflag:s23], $0x4000  }
0x32: {  	[sflag:s23] =	ssyncset.done $0x0  }
0x33: {  	s15 =	rddreg [dreg:$0x6];
	[sflag:s23] =	ssyncadd.s32 $0xFFFFC000  }
0x34: {  	[spmem:s15] =	stream.linear.scatter [tilespmem:s22], [sflag:$0x5], $0x4000, $0x38;
	[tilespmem:$0x1E900] =	vst v63  }
0x35: {  	_ =	swait.ge [sflag:s23], $0x4000  }
0x36: {  	[sflag:s23] =	ssyncset.done $0x0  }
0x37: {  	s17 =	rddreg [dreg:$0x7];
	[sflag:s23] =	ssyncadd.s32 $0xFFFFC000  }
0x38: {  	[spmem:s17] =	stream.linear.scatter [tilespmem:s22], [sflag:$0x5], $0x4000, $0x38;
	[tilespmem:$0x1E900] =	vst v63  }
0x39: {  	_ =	swait.ge [sflag:s23], $0x4000  }
0x3a: {  	[sflag:s23] =	ssyncset.done $0x0  }
0x3b: {  	[sflag:s23] =	ssyncadd.s32 $0xFFFFC000  }
0x3c: {  	[bflag:$0x0] =	sbarrier.arrive $0xFFFF  }
0x3d: {  	s9 =	simm.s32 $0x0;
	s10 =	rddreg [dreg:$0x8]  }
0x3e: {  	[tilespmem:s24], [sflag:$0x5] =	stream.linear.gather [hbm4b:s10+s9], $0x1400, $0x38;
	[tilespmem:$0x1E900] =	vst v63  }
0x3f: {  	_ =	swait.ge [sflag:s23], $0x1400  }
0x40: {  	s11 =	simm.s32 $0x15400;
	[sflag:s23] =	ssyncset.done $0x0  }
.Ltmp1:
0x41: {  	s25 =	rddreg [dreg:$0x9];
	[sflag:s23] =	ssyncadd.s32 $0xFFFFEC00;
	(pc) =	sbr.rel @p0 .LBB2_7-.Ltmp1, $4  }
0x42: {  	[tilespmem:s11], [sflag:$0x5] =	stream.linear.gather [hbm4b:s25+s9], $0x1400, $0x38;
	[tilespmem:$0x1E900] =	vst v63  }
0x43: {  	_ =	swait.ge [sflag:s23], $0x1400  }
0x44: {  	[sflag:s23] =	ssyncset.done $0x0  }
0x45: {  	[sflag:s23] =	ssyncadd.s32 $0xFFFFEC00  }
0x46: {  	s10 =	simm.s32 $0x0  }
0x47: {  	v3 =	vld [tilespmem:s10+$0x14000]  }
0x48: {  	v5 =	vld [tilespmem:s10+$0x14010]  }
0x49: {  	v4 =	vld [tilespmem:s10+$0x14020]  }
0x4a: {  	v2 =	vld [tilespmem:s10+$0x14030]  }
0x4b: {  	v1 =	vld [tilespmem:s10+$0x14040]  }
0x4c: {  	v6 =	vadd.s32 $0x2800, v3;
	v3 =	vld [tilespmem:s10+$0x14050]  }
0x4d: {  	s11 =	simm.s32 $0x200;
	[tilespmem:s10+$0x14000] =	vst v6;
	v6 =	vadd.s32 $0x2800, v5;
	v5 =	vld [tilespmem:s10+$0x14060]  }
.LBB2_5:
0x4e: {  	s12 =	sshra.s32 s11, $0x2;
	p1 =	sne.s32 s11, $0x4E00;
	[tilespmem:s10+$0x14010] =	vst v6;
	v4 =	vadd.s32 $0x2800, v4;
	v6 =	vld [tilespmem:s10+$0x14070]  }
0x4f: {  	v7 =	vld [tilespmem:s12+$0x14000];
	[tilespmem:s10+$0x14020] =	vst v4;
	v2 =	vadd.s32 $0x2800, v2  }
0x50: {  	v8 =	vld [tilespmem:s12+$0x14010];
	[tilespmem:s10+$0x14030] =	vst v2;
	v1 =	vadd.s32 $0x2800, v1  }
.Ltmp2:
0x51: {  	v4 =	vld [tilespmem:s12+$0x14020];
	[tilespmem:s10+$0x14040] =	vst v1;
	v1 =	vadd.s32 $0x2800, v3;
	(pc) =	sbr.rel @p1 .LBB2_5-.Ltmp2, $4  }
0x52: {  	v2 =	vld [tilespmem:s12+$0x14030];
	[tilespmem:s10+$0x14050] =	vst v1;
	v3 =	vadd.s32 $0x2800, v5  }
0x53: {  	v1 =	vld [tilespmem:s12+$0x14040];
	[tilespmem:s10+$0x14060] =	vst v3;
	v5 =	vadd.s32 $0x2800, v6  }
0x54: {  	v6 =	vadd.s32 $0x2800, v7;
	v3 =	vld [tilespmem:s12+$0x14050];
	[tilespmem:s10+$0x14070] =	vst v5;
	s10 =	smov.u32 s12  }
0x55: {  	s11 =	sadd.s32 $0x200, s11;
	[tilespmem:s10+$0x14000] =	vst v6;
	v6 =	vadd.s32 $0x2800, v8;
	v5 =	vld [tilespmem:s10+$0x14060]  }
0x56: {  	[tilespmem:s10+$0x14010] =	vst v6;
	v4 =	vadd.s32 $0x2800, v4;
	v63 =	vld [tilespmem:s10+$0x14070]  }
0x57: {  	[tilespmem:s10+$0x14020] =	vst v4;
	v2 =	vadd.s32 $0x2800, v2  }
0x58: {  	[tilespmem:s10+$0x14030] =	vst v2;
	v1 =	vadd.s32 $0x2800, v1  }
0x59: {  	[tilespmem:s10+$0x14040] =	vst v1;
	v1 =	vadd.s32 $0x2800, v3  }
0x5a: {  	[tilespmem:s10+$0x14050] =	vst v1;
	v1 =	vadd.s32 $0x2800, v5  }
0x5b: {  	[tilespmem:s10+$0x14060] =	vst v1;
	v1 =	vadd.s32 $0x2800, v63  }
0x5c: {  	[tilespmem:s10+$0x14070] =	vst v1  }
.LBB2_7:
0x5d: {  	[tilespmem:s22], [sflag:$0x1] =	stream.indirect.gather [hbm4b:s4+s26], $0x80, s24, s26, $0xb8;
	[tilespmem:$0x1E900] =	vst v63  }
0x5e: {  	s10 =	rddreg [dreg:$0xa];
	s11 =	simm.s32 $0x0  }
0x5f: {  	[tilespmem:s28], [sflag:$0x3] =	stream.linear.gather [hbm4b:s10+s9], $0x80, $0x38;
	[tilespmem:$0x1E900] =	vst v63  }
.LBB2_8:
0x60: {  	s12 =	sshllo.u32 s11, $0x1;
	s13 =	sshll.u32 s11, $0x1  }
0x61: {  	s10 =	sshll.u32 s12, $0x7;
	s13 =	sadd.s32 s7, s13;
	s12 =	sshll.u32 s12, $0x4  }
0x62: {  	s15 =	sadd.s32 $0x14000, s10;
	s25 =	sshll.u32 s13, $0x4;
	s12 =	sand.u32 $0x70, s12  }
0x63: {  	[tilespmem:s29], [sflag:$0x2] =	stream.indirect.gather [hbm4b:s4+s26], $0x80, s15, s26, $0xb8;
	[tilespmem:$0x1E900] =	vst v63  }
0x64: {  	s13 =	sand.u32 $0xFF80, s25;
	s12 =	sadd.s32 s5, s12  }
0x65: {  	s12 =	sadd.s32 s13, s12  }
0x66: {  	v1 =	vmov s9;
	[tilespmem:s30], [sflag:$0x4] =	stream.linear.gather [hbm4b:s12+s9], $0x80, $0x38;
	[tilespmem:$0x1E900] =	vst v63  }
0x67: {  	v1 =	vand.u32 $0xFFFFFFFE, v1;
	_ =	swait.ge [sflag:s31], $0x4000  }
0x68: {  	v2 =	vbroadcast v1, $0x0;
	[sflag:s31] =	ssyncset.done $0x0  }
0x69: {  	[sflag:s31] =	ssyncadd.s32 $0xFFFFC000  }
0x6a: {  	_ =	swait.ge [sflag:s0], $0x80  }
0x6b: {  	[sflag:s0] =	ssyncset.done $0x0  }
0x6c: {  	s12 =	simm.s32 $0x16880;
	[sflag:s0] =	ssyncadd.s32 $0xFFFFFF80  }
0x6d: {  	v5 =	vld [tilespmem:s12+$0xFFFFFFF0]  }
0x6e: {  	v6 =	vld.idx.msk [tilespmem:v2+s28+$0x0], $0xffff  }
0x6f: {  	v7 =	vld [tilespmem:s12+$0xFFFFFF80]  }
0x70: {  	v8 =	vld [tilespmem:s12+$0xFFFFFFA0]  }
0x71: {  	v4 =	vld [tilespmem:s12+$0xFFFFFFB0]  }
0x72: {  	v3 =	vld [tilespmem:s12+$0xFFFFFFD0]  }
0x73: {  	v10 =	vld [tilespmem:s12+$0xFFFFFF90];
	v5 =	vmul.f32 v5, v6  }
0x74: {  	v9 =	vld [tilespmem:s12+$0xFFFFFFE0];
	v7 =	vmul.f32 v7, v6  }
0x75: {  	v11 =	vld [tilespmem:s12+$0xFFFFFFC0];
	v8 =	vmul.f32 v8, v6;
	[tilespmem:s12+$0xFFFFFFF0] =	vst v5  }
0x76: {  	v4 =	vmul.f32 v4, v6;
	[tilespmem:s12+$0xFFFFFF80] =	vst v7  }
0x77: {  	s17 =	simm.s32 $0x1;
	v3 =	vmul.f32 v3, v6;
	[tilespmem:s12+$0xFFFFFFA0] =	vst v8  }
0x78: {  	v5 =	vmul.f32 v10, v6;
	[tilespmem:s12+$0xFFFFFFB0] =	vst v4;
	v7 =	vmov s17  }
0x79: {  	v1 =	vld [tilespmem:s12+$0x0];
	v4 =	vmul.f32 v9, v6;
	[tilespmem:s12+$0xFFFFFFD0] =	vst v3  }
0x7a: {  	v2 =	vld [tilespmem:s12+$0x10];
	v3 =	vmul.f32 v11, v6;
	[tilespmem:s12+$0xFFFFFF90] =	vst v5  }
0x7b: {  	[tilespmem:s12+$0xFFFFFFE0] =	vst v4;
	v5 =	vld [tilespmem:s12+$0x30]  }
0x7c: {  	[tilespmem:s12+$0xFFFFFFC0] =	vst v3;
	v4 =	vld [tilespmem:s12+$0x70]  }
0x7d: {  	s15 =	simm.s32 $0x16880;
	s13 =	simm.s32 $0x2;
	v3 =	vld.idx.msk [tilespmem:v7+s28+$0x0], $0xffff  }
.LBB2_9:
0x7e: {  	p1 =	sne.s32 s13, $0x7E  }
0x7f: {  	v6 =	vld [tilespmem:s12+$0x20];
	s15 =	sadd.s32 $0x100, s15;
	s17 =	smov.u32 s13;
	s13 =	sadd.s32 $0x2, s13  }
0x80: {  	v7 =	vld [tilespmem:s12+$0x40]  }
0x81: {  	v8 =	vld [tilespmem:s12+$0x50]  }
0x82: {  	v9 =	vld [tilespmem:s12+$0x60];
	_ =	sdelay $0x1  }
0x83: {  	v1 =	vmul.f32 v1, v3;
	v2 =	vmul.f32 v2, v3  }
0x84: {  	v5 =	vmul.f32 v5, v3;
	v6 =	vmul.f32 v6, v3  }
0x85: {  	v10 =	vmov s17;
	v7 =	vmul.f32 v7, v3;
	[tilespmem:s12+$0x0] =	vst v1;
	v8 =	vmul.f32 v8, v3  }
0x86: {  	v10 =	vand.u32 $0xFFFFFFFE, v10;
	v1 =	vld [tilespmem:s15+$0x0];
	[tilespmem:s12+$0x30] =	vst v5;
	v5 =	vmul.f32 v9, v3;
	v3 =	vmul.f32 v4, v3  }
0x87: {  	v4 =	vbroadcast v10, $0x0;
	[tilespmem:s12+$0x10] =	vst v2  }
0x88: {  	[tilespmem:s12+$0x70] =	vst v3  }
0x89: {  	v3 =	vld [tilespmem:s15+$0xFFFFFFD0];
	[tilespmem:s12+$0x20] =	vst v6  }
0x8a: {  	v6 =	vld [tilespmem:s15+$0xFFFFFFB0];
	[tilespmem:s12+$0x60] =	vst v5  }
0x8b: {  	v5 =	vld [tilespmem:s15+$0xFFFFFFE0];
	[tilespmem:s12+$0x40] =	vst v7  }
0x8c: {  	v7 =	vld [tilespmem:s15+$0xFFFFFFF0];
	[tilespmem:s12+$0x50] =	vst v8;
	s12 =	smov.u32 s15  }
0x8d: {  	v4 =	vld.idx.msk [tilespmem:v4+s28+$0x0], $0xffff  }
0x8e: {  	v8 =	vld [tilespmem:s15+$0xFFFFFF80]  }
0x8f: {  	v9 =	vld [tilespmem:s15+$0xFFFFFFA0]  }
0x90: {  	v10 =	vld [tilespmem:s15+$0xFFFFFF90]  }
0x91: {  	v11 =	vld [tilespmem:s15+$0xFFFFFFC0]  }
0x92: {  	v2 =	vld [tilespmem:s15+$0x10]  }
0x93: {  	v7 =	vmul.f32 v7, v4;
	v8 =	vmul.f32 v8, v4  }
0x94: {  	v5 =	vmul.f32 v5, v4;
	v9 =	vmul.f32 v9, v4  }
0x95: {  	v6 =	vmul.f32 v6, v4;
	v10 =	vmul.f32 v10, v4;
	[tilespmem:s15+$0xFFFFFFF0] =	vst v7  }
0x96: {  	v3 =	vmul.f32 v3, v4;
	[tilespmem:s15+$0xFFFFFF80] =	vst v8;
	v7 =	vmul.f32 v11, v4  }
0x97: {  	s17 =	sadd.s32 $0x1, s17;
	[tilespmem:s15+$0xFFFFFFA0] =	vst v9  }
0x98: {  	[tilespmem:s15+$0xFFFFFFB0] =	vst v6;
	v6 =	vmov s17  }
.Ltmp3:
0x99: {  	[tilespmem:s15+$0xFFFFFFD0] =	vst v3;
	(pc) =	sbr.rel @p1 .LBB2_9-.Ltmp3, $4  }
0x9a: {  	[tilespmem:s15+$0xFFFFFF90] =	vst v10  }
0x9b: {  	[tilespmem:s15+$0xFFFFFFE0] =	vst v5;
	v5 =	vld [tilespmem:s15+$0x30]  }
0x9c: {  	[tilespmem:s15+$0xFFFFFFC0] =	vst v7;
	v4 =	vld [tilespmem:s15+$0x70]  }
0x9d: {  	v3 =	vld.idx.msk [tilespmem:v6+s28+$0x0], $0xffff  }
0x9e: {  	_ =	sdelay $0x2  }
0x9f: {  	v6 =	vld [tilespmem:s12+$0x20]  }
0xa0: {  	v7 =	vld [tilespmem:s12+$0x60];
	v1 =	vmul.f32 v1, v3  }
0xa1: {  	v8 =	vld [tilespmem:s12+$0x40];
	v5 =	vmul.f32 v5, v3  }
0xa2: {  	v9 =	vld [tilespmem:s12+$0x50];
	v2 =	vmul.f32 v2, v3;
	[tilespmem:s12+$0x0] =	vst v1  }
0xa3: {  	[tilespmem:s12+$0x30] =	vst v5;
	v1 =	vmul.f32 v4, v3  }
0xa4: {  	v4 =	vmul.f32 v6, v3;
	[tilespmem:s12+$0x10] =	vst v2  }
0xa5: {  	v2 =	vmul.f32 v7, v3;
	[tilespmem:s12+$0x70] =	vst v1  }
0xa6: {  	v1 =	vmul.f32 v8, v3;
	[tilespmem:s12+$0x20] =	vst v4  }
0xa7: {  	s13 =	sshll.u32 s11, $0xA;
	v3 =	vmul.f32 v9, v3;
	[tilespmem:s12+$0x60] =	vst v2  }
0xa8: {  	s15 =	sshrl.u32 s13, $0x2;
	[tilespmem:s12+$0x40] =	vst v1  }
0xa9: {  	s15 =	sadd.s32 $0x15400, s15;
	[tilespmem:s12+$0x50] =	vst v3  }
0xaa: {  	[spmem:s2] =	stream.indirect.scatter.add.f32 [tilespmem:s22], [sflag:$0x5], $0x80, s15, s26, $0xb8;
	[tilespmem:$0x1E900] =	vst v63  }
0xab: {  	p1 =	seq.s32 s11, $0x13;
	s17 =	simm.s32 $0x0;
	_ =	swait.ge [sflag:s23], $0x4000  }
0xac: {  	s12 =	sshrl.u32 @!p1 s13, $0x2;
	s13 =	simm.s32 @!p1 $0x80;
	[sflag:s23] =	ssyncset.done $0x0  }
0xad: {  	s12 =	sadd.s32 @!p1 $0x14100, s12;
	s15 =	simm.s32 @!p1 $0x16800;
	[sflag:s23] =	ssyncadd.s32 $0xFFFFC000  }
0xae: {  	[tilespmem:s15], [sflag:$0x1] =	stream.indirect.gather @!p1 [hbm4b:s4+s13], $0x80, s12, s13, $0xb8;
	[tilespmem:$0x1E900] =	vst v63  }
0xaf: {  	s12 =	sadd.s32 @!p1 s25, s16;
	s13 =	simm.s32 @!p1 $0x0;
	s15 =	simm.s32 @!p1 $0x1E800  }
0xb0: {  	v1 =	vmov s17;
	[tilespmem:s15], [sflag:$0x3] =	stream.linear.gather @!p1 [hbm4b:s12+s13], $0x80, $0x38;
	[tilespmem:$0x1E900] =	vst v63  }
0xb1: {  	v1 =	vand.u32 $0xFFFFFFFE, v1;
	_ =	swait.ge [sflag:s1], $0x4000  }
0xb2: {  	v2 =	vbroadcast v1, $0x0;
	[sflag:s1] =	ssyncset.done $0x0  }
0xb3: {  	[sflag:s1] =	ssyncadd.s32 $0xFFFFC000  }
0xb4: {  	_ =	swait.ge [sflag:s8], $0x80  }
0xb5: {  	[sflag:s8] =	ssyncset.done $0x0  }
0xb6: {  	s12 =	simm.s32 $0x1A880;
	[sflag:s8] =	ssyncadd.s32 $0xFFFFFF80  }
0xb7: {  	v5 =	vld [tilespmem:s12+$0xFFFFFFF0]  }
0xb8: {  	v6 =	vld.idx.msk [tilespmem:v2+s30+$0x0], $0xffff  }
0xb9: {  	v7 =	vld [tilespmem:s12+$0xFFFFFF80]  }
0xba: {  	v62 =	vld [tilespmem:s12+$0xFFFFFFA0]  }
0xbb: {  	v4 =	vld [tilespmem:s12+$0xFFFFFFB0]  }
0xbc: {  	v3 =	vld [tilespmem:s12+$0xFFFFFFD0]  }
0xbd: {  	v10 =	vld [tilespmem:s12+$0xFFFFFF90];
	v5 =	vmul.f32 v5, v6  }
0xbe: {  	v63 =	vld [tilespmem:s12+$0xFFFFFFE0];
	v7 =	vmul.f32 v7, v6  }
0xbf: {  	v11 =	vld [tilespmem:s12+$0xFFFFFFC0];
	v8 =	vmul.f32 v62, v6;
	[tilespmem:s12+$0xFFFFFFF0] =	vst v5  }
0xc0: {  	v4 =	vmul.f32 v4, v6;
	[tilespmem:s12+$0xFFFFFF80] =	vst v7  }
0xc1: {  	s25 =	simm.s32 $0x1;
	v3 =	vmul.f32 v3, v6;
	[tilespmem:s12+$0xFFFFFFA0] =	vst v8  }
0xc2: {  	v5 =	vmul.f32 v10, v6;
	[tilespmem:s12+$0xFFFFFFB0] =	vst v4;
	v7 =	vmov s25  }
0xc3: {  	v1 =	vld [tilespmem:s12+$0x0];
	v4 =	vmul.f32 v63, v6;
	[tilespmem:s12+$0xFFFFFFD0] =	vst v3  }
0xc4: {  	v2 =	vld [tilespmem:s12+$0x10];
	v3 =	vmul.f32 v11, v6;
	[tilespmem:s12+$0xFFFFFF90] =	vst v5  }
0xc5: {  	[tilespmem:s12+$0xFFFFFFE0] =	vst v4;
	v5 =	vld [tilespmem:s12+$0x30]  }
0xc6: {  	[tilespmem:s12+$0xFFFFFFC0] =	vst v3;
	v4 =	vld [tilespmem:s12+$0x70]  }
0xc7: {  	s11 =	sadd.s32 $0x1, s11;
	s13 =	simm.s32 $0x2;
	s15 =	simm.s32 $0x1A880;
	v3 =	vld.idx.msk [tilespmem:v7+s30+$0x0], $0xffff  }
.LBB2_11:
0xc8: {  	p1 =	sne.s32 s13, $0x7E  }
0xc9: {  	v6 =	vld [tilespmem:s12+$0x20];
	s15 =	sadd.s32 $0x100, s15;
	s17 =	smov.u32 s13;
	s13 =	sadd.s32 $0x2, s13  }
0xca: {  	v7 =	vld [tilespmem:s12+$0x40]  }
0xcb: {  	v8 =	vld [tilespmem:s12+$0x50]  }
0xcc: {  	v9 =	vld [tilespmem:s12+$0x60];
	_ =	sdelay $0x1  }
0xcd: {  	v1 =	vmul.f32 v1, v3;
	v2 =	vmul.f32 v2, v3  }
0xce: {  	v5 =	vmul.f32 v5, v3;
	v6 =	vmul.f32 v6, v3  }
0xcf: {  	v10 =	vmov s17;
	v7 =	vmul.f32 v7, v3;
	[tilespmem:s12+$0x0] =	vst v1;
	v8 =	vmul.f32 v8, v3  }
0xd0: {  	v10 =	vand.u32 $0xFFFFFFFE, v10;
	v1 =	vld [tilespmem:s15+$0x0];
	[tilespmem:s12+$0x30] =	vst v5;
	v5 =	vmul.f32 v9, v3;
	v3 =	vmul.f32 v4, v3  }
0xd1: {  	v4 =	vbroadcast v10, $0x0;
	[tilespmem:s12+$0x10] =	vst v2  }
0xd2: {  	[tilespmem:s12+$0x70] =	vst v3  }
0xd3: {  	v3 =	vld [tilespmem:s15+$0xFFFFFFD0];
	[tilespmem:s12+$0x20] =	vst v6  }
0xd4: {  	v6 =	vld [tilespmem:s15+$0xFFFFFFB0];
	[tilespmem:s12+$0x60] =	vst v5  }
0xd5: {  	v5 =	vld [tilespmem:s15+$0xFFFFFFE0];
	[tilespmem:s12+$0x40] =	vst v7  }
0xd6: {  	v7 =	vld [tilespmem:s15+$0xFFFFFFF0];
	[tilespmem:s12+$0x50] =	vst v8;
	s12 =	smov.u32 s15  }
0xd7: {  	v4 =	vld.idx.msk [tilespmem:v4+s30+$0x0], $0xffff  }
0xd8: {  	v8 =	vld [tilespmem:s15+$0xFFFFFF80]  }
0xd9: {  	v9 =	vld [tilespmem:s15+$0xFFFFFFA0]  }
0xda: {  	v10 =	vld [tilespmem:s15+$0xFFFFFF90]  }
0xdb: {  	v11 =	vld [tilespmem:s15+$0xFFFFFFC0]  }
0xdc: {  	v2 =	vld [tilespmem:s15+$0x10]  }
0xdd: {  	v7 =	vmul.f32 v7, v4;
	v8 =	vmul.f32 v8, v4  }
0xde: {  	v5 =	vmul.f32 v5, v4;
	v9 =	vmul.f32 v9, v4  }
0xdf: {  	v6 =	vmul.f32 v6, v4;
	v10 =	vmul.f32 v10, v4;
	[tilespmem:s15+$0xFFFFFFF0] =	vst v7  }
0xe0: {  	v3 =	vmul.f32 v3, v4;
	[tilespmem:s15+$0xFFFFFF80] =	vst v8;
	v7 =	vmul.f32 v11, v4  }
0xe1: {  	s17 =	sadd.s32 $0x1, s17;
	[tilespmem:s15+$0xFFFFFFA0] =	vst v9  }
0xe2: {  	[tilespmem:s15+$0xFFFFFFB0] =	vst v6;
	v6 =	vmov s17  }
.Ltmp4:
0xe3: {  	[tilespmem:s15+$0xFFFFFFD0] =	vst v3;
	(pc) =	sbr.rel @p1 .LBB2_11-.Ltmp4, $4  }
0xe4: {  	[tilespmem:s15+$0xFFFFFF90] =	vst v10  }
0xe5: {  	[tilespmem:s15+$0xFFFFFFE0] =	vst v5;
	v5 =	vld [tilespmem:s15+$0x30]  }
0xe6: {  	[tilespmem:s15+$0xFFFFFFC0] =	vst v7;
	v4 =	vld [tilespmem:s15+$0x70]  }
0xe7: {  	v3 =	vld.idx.msk [tilespmem:v6+s30+$0x0], $0xffff  }
0xe8: {  	_ =	sdelay $0x1  }
0xe9: {  	v6 =	vld [tilespmem:s12+$0x20];
	_ =	sdelay $0x1  }
0xea: {  	v7 =	vld [tilespmem:s12+$0x60];
	v1 =	vmul.f32 v1, v3  }
0xeb: {  	v8 =	vld [tilespmem:s12+$0x40];
	v5 =	vmul.f32 v5, v3  }
0xec: {  	v9 =	vld [tilespmem:s12+$0x50];
	v2 =	vmul.f32 v2, v3;
	[tilespmem:s12+$0x0] =	vst v1  }
0xed: {  	v63 =	vmul.f32 v6, v3;
	[tilespmem:s12+$0x30] =	vst v5  }
0xee: {  	v1 =	vmul.f32 v4, v3;
	[tilespmem:s12+$0x10] =	vst v2  }
0xef: {  	v2 =	vmul.f32 v7, v3;
	[tilespmem:s12+$0x20] =	vst v63  }
0xf0: {  	[tilespmem:s12+$0x70] =	vst v1;
	v1 =	vmul.f32 v8, v3  }
0xf1: {  	v3 =	vmul.f32 v9, v3;
	[tilespmem:s12+$0x60] =	vst v2  }
0xf2: {  	p1 =	sne.s32 s11, $0x14;
	[tilespmem:s12+$0x40] =	vst v1  }
.Ltmp5:
0xf3: {  	s10 =	sadd.s32 $0x15400, s10;
	[tilespmem:s12+$0x50] =	vst v3;
	(pc) =	sbr.rel @p1 .LBB2_8-.Ltmp5, $4  }
0xf4: {  	[spmem:s2] =	stream.indirect.scatter.add.f32 [tilespmem:s29], [sflag:$0x5], $0x80, s10, s26, $0xb8;
	[tilespmem:$0x1E900] =	vst v63  }
0xf5: {  	_ =	swait.ge [sflag:s23], $0x4000  }
0xf6: {  	[sflag:s23] =	ssyncset.done $0x0  }
0xf7: {  	[sflag:s23] =	ssyncadd.s32 $0xFFFFC000  }
0xf8: {  	s9 =	simm.s32 $0x0;
	s10 =	rddreg [dreg:$0xb]  }
0xf9: {  	[tilespmem:s24], [sflag:$0x5] =	stream.linear.gather [hbm4b:s10+s9], $0x1400, $0x38;
	[tilespmem:$0x1E900] =	vst v63  }
0xfa: {  	_ =	swait.ge [sflag:s23], $0x1400  }
0xfb: {  	[sflag:s23] =	ssyncset.done $0x0  }
.Ltmp6:
0xfc: {  	s25 =	simm.s32 $0x15400;
	[sflag:s23] =	ssyncadd.s32 $0xFFFFEC00;
	(pc) =	sbr.rel @p0 .LBB2_17-.Ltmp6, $4  }
0xfd: {  	[tilespmem:s25], [sflag:$0x5] =	stream.linear.gather [hbm4b:s18+s9], $0x1400, $0x38;
	[tilespmem:$0x1E900] =	vst v63  }
0xfe: {  	_ =	swait.ge [sflag:s23], $0x1400  }
0xff: {  	[sflag:s23] =	ssyncset.done $0x0  }
0x100: {  	[sflag:s23] =	ssyncadd.s32 $0xFFFFEC00  }
0x101: {  	s10 =	simm.s32 $0x0  }
0x102: {  	v3 =	vld [tilespmem:s10+$0x14000]  }
0x103: {  	v5 =	vld [tilespmem:s10+$0x14010]  }
0x104: {  	v4 =	vld [tilespmem:s10+$0x14020]  }
0x105: {  	v2 =	vld [tilespmem:s10+$0x14030]  }
0x106: {  	v1 =	vld [tilespmem:s10+$0x14040]  }
0x107: {  	v6 =	vadd.s32 $0x2800, v3;
	v3 =	vld [tilespmem:s10+$0x14050]  }
0x108: {  	s11 =	simm.s32 $0x200;
	[tilespmem:s10+$0x14000] =	vst v6;
	v6 =	vadd.s32 $0x2800, v5;
	v5 =	vld [tilespmem:s10+$0x14060]  }
.LBB2_15:
0x109: {  	s12 =	sshra.s32 s11, $0x2;
	p1 =	sne.s32 s11, $0x4E00;
	[tilespmem:s10+$0x14010] =	vst v6;
	v4 =	vadd.s32 $0x2800, v4;
	v6 =	vld [tilespmem:s10+$0x14070]  }
0x10a: {  	v7 =	vld [tilespmem:s12+$0x14000];
	[tilespmem:s10+$0x14020] =	vst v4;
	v2 =	vadd.s32 $0x2800, v2  }
0x10b: {  	v8 =	vld [tilespmem:s12+$0x14010];
	[tilespmem:s10+$0x14030] =	vst v2;
	v1 =	vadd.s32 $0x2800, v1  }
.Ltmp7:
0x10c: {  	v4 =	vld [tilespmem:s12+$0x14020];
	[tilespmem:s10+$0x14040] =	vst v1;
	v1 =	vadd.s32 $0x2800, v3;
	(pc) =	sbr.rel @p1 .LBB2_15-.Ltmp7, $4  }
0x10d: {  	v2 =	vld [tilespmem:s12+$0x14030];
	[tilespmem:s10+$0x14050] =	vst v1;
	v3 =	vadd.s32 $0x2800, v5  }
0x10e: {  	v1 =	vld [tilespmem:s12+$0x14040];
	[tilespmem:s10+$0x14060] =	vst v3;
	v5 =	vadd.s32 $0x2800, v6  }
0x10f: {  	v6 =	vadd.s32 $0x2800, v7;
	v3 =	vld [tilespmem:s12+$0x14050];
	[tilespmem:s10+$0x14070] =	vst v5;
	s10 =	smov.u32 s12  }
0x110: {  	s11 =	sadd.s32 $0x200, s11;
	[tilespmem:s10+$0x14000] =	vst v6;
	v6 =	vadd.s32 $0x2800, v8;
	v5 =	vld [tilespmem:s10+$0x14060]  }
0x111: {  	[tilespmem:s10+$0x14010] =	vst v6;
	v4 =	vadd.s32 $0x2800, v4;
	v63 =	vld [tilespmem:s10+$0x14070]  }
0x112: {  	[tilespmem:s10+$0x14020] =	vst v4;
	v2 =	vadd.s32 $0x2800, v2  }
0x113: {  	[tilespmem:s10+$0x14030] =	vst v2;
	v1 =	vadd.s32 $0x2800, v1  }
0x114: {  	[tilespmem:s10+$0x14040] =	vst v1;
	v1 =	vadd.s32 $0x2800, v3  }
0x115: {  	[tilespmem:s10+$0x14050] =	vst v1;
	v1 =	vadd.s32 $0x2800, v5  }
0x116: {  	[tilespmem:s10+$0x14060] =	vst v1;
	v1 =	vadd.s32 $0x2800, v63  }
0x117: {  	[tilespmem:s10+$0x14070] =	vst v1  }
.LBB2_17:
0x118: {  	[tilespmem:s22], [sflag:$0x1] =	stream.indirect.gather [hbm4b:s4+s26], $0x80, s24, s26, $0xb8;
	[tilespmem:$0x1E900] =	vst v63  }
0x119: {  	s11 =	simm.s32 $0x0  }
0x11a: {  	[tilespmem:s28], [sflag:$0x3] =	stream.linear.gather [hbm4b:s19+s9], $0x80, $0x38;
	[tilespmem:$0x1E900] =	vst v63  }
.LBB2_18:
0x11b: {  	s12 =	sshllo.u32 s11, $0x1;
	s13 =	sshll.u32 s11, $0x1  }
0x11c: {  	s10 =	sshll.u32 s12, $0x7;
	s13 =	sadd.s32 s14, s13;
	s12 =	sshll.u32 s12, $0x4  }
0x11d: {  	s15 =	sadd.s32 $0x14000, s10;
	s25 =	sshll.u32 s13, $0x4;
	s12 =	sand.u32 $0x70, s12  }
0x11e: {  	[tilespmem:s29], [sflag:$0x2] =	stream.indirect.gather [hbm4b:s4+s26], $0x80, s15, s26, $0xb8;
	[tilespmem:$0x1E900] =	vst v63  }
0x11f: {  	s13 =	sand.u32 $0x1FF80, s25;
	s12 =	sadd.s32 s5, s12  }
0x120: {  	s12 =	sadd.s32 s13, s12  }
0x121: {  	v1 =	vmov s9;
	[tilespmem:s30], [sflag:$0x4] =	stream.linear.gather [hbm4b:s12+s9], $0x80, $0x38;
	[tilespmem:$0x1E900] =	vst v63  }
0x122: {  	v1 =	vand.u32 $0xFFFFFFFE, v1;
	_ =	swait.ge [sflag:s31], $0x4000  }
0x123: {  	v2 =	vbroadcast v1, $0x0;
	[sflag:s31] =	ssyncset.done $0x0  }
0x124: {  	[sflag:s31] =	ssyncadd.s32 $0xFFFFC000  }
0x125: {  	_ =	swait.ge [sflag:s0], $0x80  }
0x126: {  	[sflag:s0] =	ssyncset.done $0x0  }
0x127: {  	s12 =	simm.s32 $0x16880;
	[sflag:s0] =	ssyncadd.s32 $0xFFFFFF80  }
0x128: {  	v5 =	vld [tilespmem:s12+$0xFFFFFFF0]  }
0x129: {  	v6 =	vld.idx.msk [tilespmem:v2+s28+$0x0], $0xffff  }
0x12a: {  	v7 =	vld [tilespmem:s12+$0xFFFFFF80]  }
0x12b: {  	v8 =	vld [tilespmem:s12+$0xFFFFFFA0]  }
0x12c: {  	v4 =	vld [tilespmem:s12+$0xFFFFFFB0]  }
0x12d: {  	v3 =	vld [tilespmem:s12+$0xFFFFFFD0]  }
0x12e: {  	v10 =	vld [tilespmem:s12+$0xFFFFFF90];
	v5 =	vmul.f32 v5, v6  }
0x12f: {  	v9 =	vld [tilespmem:s12+$0xFFFFFFE0];
	v7 =	vmul.f32 v7, v6  }
0x130: {  	v11 =	vld [tilespmem:s12+$0xFFFFFFC0];
	v8 =	vmul.f32 v8, v6;
	[tilespmem:s12+$0xFFFFFFF0] =	vst v5  }
0x131: {  	v4 =	vmul.f32 v4, v6;
	[tilespmem:s12+$0xFFFFFF80] =	vst v7  }
0x132: {  	s17 =	simm.s32 $0x1;
	v3 =	vmul.f32 v3, v6;
	[tilespmem:s12+$0xFFFFFFA0] =	vst v8  }
0x133: {  	v5 =	vmul.f32 v10, v6;
	[tilespmem:s12+$0xFFFFFFB0] =	vst v4;
	v7 =	vmov s17  }
0x134: {  	v1 =	vld [tilespmem:s12+$0x0];
	v4 =	vmul.f32 v9, v6;
	[tilespmem:s12+$0xFFFFFFD0] =	vst v3  }
0x135: {  	v2 =	vld [tilespmem:s12+$0x10];
	v3 =	vmul.f32 v11, v6;
	[tilespmem:s12+$0xFFFFFF90] =	vst v5  }
0x136: {  	[tilespmem:s12+$0xFFFFFFE0] =	vst v4;
	v5 =	vld [tilespmem:s12+$0x30]  }
0x137: {  	[tilespmem:s12+$0xFFFFFFC0] =	vst v3;
	v4 =	vld [tilespmem:s12+$0x70]  }
0x138: {  	s15 =	simm.s32 $0x16880;
	s13 =	simm.s32 $0x2;
	v3 =	vld.idx.msk [tilespmem:v7+s28+$0x0], $0xffff  }
.LBB2_19:
0x139: {  	p1 =	sne.s32 s13, $0x7E  }
0x13a: {  	v6 =	vld [tilespmem:s12+$0x20];
	s15 =	sadd.s32 $0x100, s15;
	s17 =	smov.u32 s13;
	s13 =	sadd.s32 $0x2, s13  }
0x13b: {  	v7 =	vld [tilespmem:s12+$0x40]  }
0x13c: {  	v8 =	vld [tilespmem:s12+$0x50]  }
0x13d: {  	v9 =	vld [tilespmem:s12+$0x60];
	_ =	sdelay $0x1  }
0x13e: {  	v1 =	vmul.f32 v1, v3;
	v2 =	vmul.f32 v2, v3  }
0x13f: {  	v5 =	vmul.f32 v5, v3;
	v6 =	vmul.f32 v6, v3  }
0x140: {  	v10 =	vmov s17;
	v7 =	vmul.f32 v7, v3;
	[tilespmem:s12+$0x0] =	vst v1;
	v8 =	vmul.f32 v8, v3  }
0x141: {  	v10 =	vand.u32 $0xFFFFFFFE, v10;
	v1 =	vld [tilespmem:s15+$0x0];
	[tilespmem:s12+$0x30] =	vst v5;
	v5 =	vmul.f32 v9, v3;
	v3 =	vmul.f32 v4, v3  }
0x142: {  	v4 =	vbroadcast v10, $0x0;
	[tilespmem:s12+$0x10] =	vst v2  }
0x143: {  	[tilespmem:s12+$0x70] =	vst v3  }
0x144: {  	v3 =	vld [tilespmem:s15+$0xFFFFFFD0];
	[tilespmem:s12+$0x20] =	vst v6  }
0x145: {  	v6 =	vld [tilespmem:s15+$0xFFFFFFB0];
	[tilespmem:s12+$0x60] =	vst v5  }
0x146: {  	v5 =	vld [tilespmem:s15+$0xFFFFFFE0];
	[tilespmem:s12+$0x40] =	vst v7  }
0x147: {  	v7 =	vld [tilespmem:s15+$0xFFFFFFF0];
	[tilespmem:s12+$0x50] =	vst v8;
	s12 =	smov.u32 s15  }
0x148: {  	v4 =	vld.idx.msk [tilespmem:v4+s28+$0x0], $0xffff  }
0x149: {  	v8 =	vld [tilespmem:s15+$0xFFFFFF80]  }
0x14a: {  	v9 =	vld [tilespmem:s15+$0xFFFFFFA0]  }
0x14b: {  	v10 =	vld [tilespmem:s15+$0xFFFFFF90]  }
0x14c: {  	v11 =	vld [tilespmem:s15+$0xFFFFFFC0]  }
0x14d: {  	v2 =	vld [tilespmem:s15+$0x10]  }
0x14e: {  	v7 =	vmul.f32 v7, v4;
	v8 =	vmul.f32 v8, v4  }
0x14f: {  	v5 =	vmul.f32 v5, v4;
	v9 =	vmul.f32 v9, v4  }
0x150: {  	v6 =	vmul.f32 v6, v4;
	v10 =	vmul.f32 v10, v4;
	[tilespmem:s15+$0xFFFFFFF0] =	vst v7  }
0x151: {  	v3 =	vmul.f32 v3, v4;
	[tilespmem:s15+$0xFFFFFF80] =	vst v8;
	v7 =	vmul.f32 v11, v4  }
0x152: {  	s17 =	sadd.s32 $0x1, s17;
	[tilespmem:s15+$0xFFFFFFA0] =	vst v9  }
0x153: {  	[tilespmem:s15+$0xFFFFFFB0] =	vst v6;
	v6 =	vmov s17  }
.Ltmp8:
0x154: {  	[tilespmem:s15+$0xFFFFFFD0] =	vst v3;
	(pc) =	sbr.rel @p1 .LBB2_19-.Ltmp8, $4  }
0x155: {  	[tilespmem:s15+$0xFFFFFF90] =	vst v10  }
0x156: {  	[tilespmem:s15+$0xFFFFFFE0] =	vst v5;
	v5 =	vld [tilespmem:s15+$0x30]  }
0x157: {  	[tilespmem:s15+$0xFFFFFFC0] =	vst v7;
	v4 =	vld [tilespmem:s15+$0x70]  }
0x158: {  	v3 =	vld.idx.msk [tilespmem:v6+s28+$0x0], $0xffff  }
0x159: {  	_ =	sdelay $0x2  }
0x15a: {  	v6 =	vld [tilespmem:s12+$0x20]  }
0x15b: {  	v7 =	vld [tilespmem:s12+$0x60];
	v1 =	vmul.f32 v1, v3  }
0x15c: {  	v8 =	vld [tilespmem:s12+$0x40];
	v5 =	vmul.f32 v5, v3  }
0x15d: {  	v9 =	vld [tilespmem:s12+$0x50];
	v2 =	vmul.f32 v2, v3;
	[tilespmem:s12+$0x0] =	vst v1  }
0x15e: {  	[tilespmem:s12+$0x30] =	vst v5;
	v1 =	vmul.f32 v4, v3  }
0x15f: {  	v4 =	vmul.f32 v6, v3;
	[tilespmem:s12+$0x10] =	vst v2  }
0x160: {  	v2 =	vmul.f32 v7, v3;
	[tilespmem:s12+$0x70] =	vst v1  }
0x161: {  	v1 =	vmul.f32 v8, v3;
	[tilespmem:s12+$0x20] =	vst v4  }
0x162: {  	s13 =	sshll.u32 s11, $0xA;
	v3 =	vmul.f32 v9, v3;
	[tilespmem:s12+$0x60] =	vst v2  }
0x163: {  	s15 =	sshrl.u32 s13, $0x2;
	[tilespmem:s12+$0x40] =	vst v1  }
0x164: {  	s15 =	sadd.s32 $0x15400, s15;
	[tilespmem:s12+$0x50] =	vst v3  }
0x165: {  	[spmem:s2] =	stream.indirect.scatter.add.f32 [tilespmem:s22], [sflag:$0x5], $0x80, s15, s26, $0xb8;
	[tilespmem:$0x1E900] =	vst v63  }
0x166: {  	p1 =	seq.s32 s11, $0x13;
	s17 =	simm.s32 $0x0;
	_ =	swait.ge [sflag:s23], $0x4000  }
0x167: {  	s12 =	sshrl.u32 @!p1 s13, $0x2;
	s13 =	simm.s32 @!p1 $0x80;
	[sflag:s23] =	ssyncset.done $0x0  }
0x168: {  	s12 =	sadd.s32 @!p1 $0x14100, s12;
	s15 =	simm.s32 @!p1 $0x16800;
	[sflag:s23] =	ssyncadd.s32 $0xFFFFC000  }
0x169: {  	[tilespmem:s15], [sflag:$0x1] =	stream.indirect.gather @!p1 [hbm4b:s4+s13], $0x80, s12, s13, $0xb8;
	[tilespmem:$0x1E900] =	vst v63  }
0x16a: {  	s12 =	sadd.s32 @!p1 s16, s25;
	s13 =	simm.s32 @!p1 $0x0;
	s15 =	simm.s32 @!p1 $0x1E800  }
0x16b: {  	v1 =	vmov s17;
	[tilespmem:s15], [sflag:$0x3] =	stream.linear.gather @!p1 [hbm4b:s12+s13], $0x80, $0x38;
	[tilespmem:$0x1E900] =	vst v63  }
0x16c: {  	v1 =	vand.u32 $0xFFFFFFFE, v1;
	_ =	swait.ge [sflag:s1], $0x4000  }
0x16d: {  	v2 =	vbroadcast v1, $0x0;
	[sflag:s1] =	ssyncset.done $0x0  }
0x16e: {  	[sflag:s1] =	ssyncadd.s32 $0xFFFFC000  }
0x16f: {  	_ =	swait.ge [sflag:s8], $0x80  }
0x170: {  	[sflag:s8] =	ssyncset.done $0x0  }
0x171: {  	s12 =	simm.s32 $0x1A880;
	[sflag:s8] =	ssyncadd.s32 $0xFFFFFF80  }
0x172: {  	v5 =	vld [tilespmem:s12+$0xFFFFFFF0]  }
0x173: {  	v6 =	vld.idx.msk [tilespmem:v2+s30+$0x0], $0xffff  }
0x174: {  	v7 =	vld [tilespmem:s12+$0xFFFFFF80]  }
0x175: {  	v62 =	vld [tilespmem:s12+$0xFFFFFFA0]  }
0x176: {  	v4 =	vld [tilespmem:s12+$0xFFFFFFB0]  }
0x177: {  	v3 =	vld [tilespmem:s12+$0xFFFFFFD0]  }
0x178: {  	v10 =	vld [tilespmem:s12+$0xFFFFFF90];
	v5 =	vmul.f32 v5, v6  }
0x179: {  	v63 =	vld [tilespmem:s12+$0xFFFFFFE0];
	v7 =	vmul.f32 v7, v6  }
0x17a: {  	v11 =	vld [tilespmem:s12+$0xFFFFFFC0];
	v8 =	vmul.f32 v62, v6;
	[tilespmem:s12+$0xFFFFFFF0] =	vst v5  }
0x17b: {  	v4 =	vmul.f32 v4, v6;
	[tilespmem:s12+$0xFFFFFF80] =	vst v7  }
0x17c: {  	s25 =	simm.s32 $0x1;
	v3 =	vmul.f32 v3, v6;
	[tilespmem:s12+$0xFFFFFFA0] =	vst v8  }
0x17d: {  	v5 =	vmul.f32 v10, v6;
	[tilespmem:s12+$0xFFFFFFB0] =	vst v4;
	v7 =	vmov s25  }
0x17e: {  	v1 =	vld [tilespmem:s12+$0x0];
	v4 =	vmul.f32 v63, v6;
	[tilespmem:s12+$0xFFFFFFD0] =	vst v3  }
0x17f: {  	v2 =	vld [tilespmem:s12+$0x10];
	v3 =	vmul.f32 v11, v6;
	[tilespmem:s12+$0xFFFFFF90] =	vst v5  }
0x180: {  	[tilespmem:s12+$0xFFFFFFE0] =	vst v4;
	v5 =	vld [tilespmem:s12+$0x30]  }
0x181: {  	[tilespmem:s12+$0xFFFFFFC0] =	vst v3;
	v4 =	vld [tilespmem:s12+$0x70]  }
0x182: {  	s11 =	sadd.s32 $0x1, s11;
	s13 =	simm.s32 $0x2;
	s15 =	simm.s32 $0x1A880;
	v3 =	vld.idx.msk [tilespmem:v7+s30+$0x0], $0xffff  }
.LBB2_21:
0x183: {  	p1 =	sne.s32 s13, $0x7E  }
0x184: {  	v6 =	vld [tilespmem:s12+$0x20];
	s15 =	sadd.s32 $0x100, s15;
	s17 =	smov.u32 s13;
	s13 =	sadd.s32 $0x2, s13  }
0x185: {  	v7 =	vld [tilespmem:s12+$0x40]  }
0x186: {  	v8 =	vld [tilespmem:s12+$0x50]  }
0x187: {  	v9 =	vld [tilespmem:s12+$0x60];
	_ =	sdelay $0x1  }
0x188: {  	v1 =	vmul.f32 v1, v3;
	v2 =	vmul.f32 v2, v3  }
0x189: {  	v5 =	vmul.f32 v5, v3;
	v6 =	vmul.f32 v6, v3  }
0x18a: {  	v10 =	vmov s17;
	v7 =	vmul.f32 v7, v3;
	[tilespmem:s12+$0x0] =	vst v1;
	v8 =	vmul.f32 v8, v3  }
0x18b: {  	v10 =	vand.u32 $0xFFFFFFFE, v10;
	v1 =	vld [tilespmem:s15+$0x0];
	[tilespmem:s12+$0x30] =	vst v5;
	v5 =	vmul.f32 v9, v3;
	v3 =	vmul.f32 v4, v3  }
0x18c: {  	v4 =	vbroadcast v10, $0x0;
	[tilespmem:s12+$0x10] =	vst v2  }
0x18d: {  	[tilespmem:s12+$0x70] =	vst v3  }
0x18e: {  	v3 =	vld [tilespmem:s15+$0xFFFFFFD0];
	[tilespmem:s12+$0x20] =	vst v6  }
0x18f: {  	v6 =	vld [tilespmem:s15+$0xFFFFFFB0];
	[tilespmem:s12+$0x60] =	vst v5  }
0x190: {  	v5 =	vld [tilespmem:s15+$0xFFFFFFE0];
	[tilespmem:s12+$0x40] =	vst v7  }
0x191: {  	v7 =	vld [tilespmem:s15+$0xFFFFFFF0];
	[tilespmem:s12+$0x50] =	vst v8;
	s12 =	smov.u32 s15  }
0x192: {  	v4 =	vld.idx.msk [tilespmem:v4+s30+$0x0], $0xffff  }
0x193: {  	v8 =	vld [tilespmem:s15+$0xFFFFFF80]  }
0x194: {  	v9 =	vld [tilespmem:s15+$0xFFFFFFA0]  }
0x195: {  	v10 =	vld [tilespmem:s15+$0xFFFFFF90]  }
0x196: {  	v11 =	vld [tilespmem:s15+$0xFFFFFFC0]  }
0x197: {  	v2 =	vld [tilespmem:s15+$0x10]  }
0x198: {  	v7 =	vmul.f32 v7, v4;
	v8 =	vmul.f32 v8, v4  }
0x199: {  	v5 =	vmul.f32 v5, v4;
	v9 =	vmul.f32 v9, v4  }
0x19a: {  	v6 =	vmul.f32 v6, v4;
	v10 =	vmul.f32 v10, v4;
	[tilespmem:s15+$0xFFFFFFF0] =	vst v7  }
0x19b: {  	v3 =	vmul.f32 v3, v4;
	[tilespmem:s15+$0xFFFFFF80] =	vst v8;
	v7 =	vmul.f32 v11, v4  }
0x19c: {  	s17 =	sadd.s32 $0x1, s17;
	[tilespmem:s15+$0xFFFFFFA0] =	vst v9  }
0x19d: {  	[tilespmem:s15+$0xFFFFFFB0] =	vst v6;
	v6 =	vmov s17  }
.Ltmp9:
0x19e: {  	[tilespmem:s15+$0xFFFFFFD0] =	vst v3;
	(pc) =	sbr.rel @p1 .LBB2_21-.Ltmp9, $4  }
0x19f: {  	[tilespmem:s15+$0xFFFFFF90] =	vst v10  }
0x1a0: {  	[tilespmem:s15+$0xFFFFFFE0] =	vst v5;
	v5 =	vld [tilespmem:s15+$0x30]  }
0x1a1: {  	[tilespmem:s15+$0xFFFFFFC0] =	vst v7;
	v4 =	vld [tilespmem:s15+$0x70]  }
0x1a2: {  	v3 =	vld.idx.msk [tilespmem:v6+s30+$0x0], $0xffff  }
0x1a3: {  	_ =	sdelay $0x1  }
0x1a4: {  	v6 =	vld [tilespmem:s12+$0x20];
	_ =	sdelay $0x1  }
0x1a5: {  	v7 =	vld [tilespmem:s12+$0x60];
	v1 =	vmul.f32 v1, v3  }
0x1a6: {  	v8 =	vld [tilespmem:s12+$0x40];
	v5 =	vmul.f32 v5, v3  }
0x1a7: {  	v9 =	vld [tilespmem:s12+$0x50];
	v2 =	vmul.f32 v2, v3;
	[tilespmem:s12+$0x0] =	vst v1  }
0x1a8: {  	v63 =	vmul.f32 v6, v3;
	[tilespmem:s12+$0x30] =	vst v5  }
0x1a9: {  	v1 =	vmul.f32 v4, v3;
	[tilespmem:s12+$0x10] =	vst v2  }
0x1aa: {  	v2 =	vmul.f32 v7, v3;
	[tilespmem:s12+$0x20] =	vst v63  }
0x1ab: {  	[tilespmem:s12+$0x70] =	vst v1;
	v1 =	vmul.f32 v8, v3  }
0x1ac: {  	v3 =	vmul.f32 v9, v3;
	[tilespmem:s12+$0x60] =	vst v2  }
0x1ad: {  	p1 =	sne.s32 s11, $0x14;
	[tilespmem:s12+$0x40] =	vst v1  }
.Ltmp10:
0x1ae: {  	s10 =	sadd.s32 $0x15400, s10;
	[tilespmem:s12+$0x50] =	vst v3;
	(pc) =	sbr.rel @p1 .LBB2_18-.Ltmp10, $4  }
0x1af: {  	[spmem:s2] =	stream.indirect.scatter.add.f32 [tilespmem:s29], [sflag:$0x5], $0x80, s10, s26, $0xb8;
	[tilespmem:$0x1E900] =	vst v63  }
0x1b0: {  	_ =	swait.ge [sflag:s23], $0x4000  }
0x1b1: {  	[sflag:s23] =	ssyncset.done $0x0  }
0x1b2: {  	[sflag:s23] =	ssyncadd.s32 $0xFFFFC000  }
0x1b3: {  	s9 =	stileid.u32;
	s3 =	sadd.s32 $0x1, s3  }
0x1b4: {  	[bflag:$0x0] =	sbarrier.arrive $0xFFFF;
	s9 =	sshll.u32 s9, $0x6;
	p1 =	sne.s32 s3, s21  }
.Ltmp11:
0x1b5: {  	s10 =	sshrl.u32 s6, $0x3;
	s9 =	sor.u32 $0x1C05, s9;
	(pc) =	sbr.rel @p1 .LBB2_1-.Ltmp11, $4  }
0x1b6: {  	[hbm:s20], [sflag:s9] =	dma.local [spmem:s10], $0x2800  }
0x1b7: {  	_ =	swait.ge [sflag:s23], $0x2800  }
0x1b8: {  	[sflag:s23] =	ssyncset.done $0x0  }
0x1b9: {  	[sflag:s23] =	ssyncadd.s32 $0xFFFFD800  }
0x1ba: {  	_ =	sfence.sel $0x180000  }
0x1bb: {  	[bflag:$0x0] =	sbarrier.arrive $0xFFFF  }
0x1bc: {  	_ =	strace $0x9000004D  }
0x1bd: {  	s0 =	stileid.u32;
	[bflag:$0x2] =	sbarrier.arrive $0xFFFF  }
0x1be: {  	p0 =	sne.s32 s0, $0x0;
	s0 =	rddreg [dreg:$0x3]  }
0x1bf: {  	s0 =	sadd.s32 @!p0 $0x100000, s0  }
0x1c0: {  	[sflag:s0] =	ssyncadd.tile.s32 @!p0 $0x1;
	_ =	shalt  }
.Lfunc_end2:
_tile_overlayer_lowered:
.L_overlay_start_2:
0x1c1: {  	(tag) =	ssettag $0x2  }
0x1c2: {  	s0 =	rddreg [dreg:$0x0];
	s2 =	stileid.u32  }
0x1c3: {  	s1 =	rddreg [dreg:$0x1];
	p0 =	sne.s32 s2, $0x0  }
0x1c4: {  	s3 =	rddreg [dreg:$0x2];
	[bflag:$0x3] =	sbarrier.arrive $0xFFFF;
	s2 =	simm.s32 @!p0 $0x1C05  }
0x1c5: {  	[timem:s3], [sflag:s2] =	dma.local @!p0 [hbm:s0], s1  }
0x1c6: {  	s0 =	simm.s32 @!p0 $0x5  }
0x1c7: {  	_ =	swait.ge @!p0 [sflag:s0], s1  }
0x1c8: {  	s1 =	ssub.s32 @!p0 $0x0, s1;
	[sflag:s0] =	ssyncset.done @!p0 $0x0  }
0x1c9: {  	[sflag:s0] =	ssyncadd.s32 @!p0 s1  }
0x1ca: {  	[bflag:$0x3] =	sbarrier.arrive $0xFFFF  }
0x1cb: {  	_ =	shalt  }

// kernel: kernel.7.cloned.1.call-start
scs
__scs_entry_jumppad:
0x0: {  	(pc) =	sbr.rel $0x88, $3  }
0x1: {  	(tag) =	ssettag $0x0;
	lr =	simm.s32 $0x1  }
0x2: {  	[smem:$0x3F9A] =	sst lr;
	_ =	strace $0xD0000000  }
0x3: {  	_ = 	snop  }
0x4: {  	_ = 	snop  }
0x5: {  	_ = 	snop  }
0x6: {  	_ = 	snop  }
0x7: {  	_ = 	snop  }
__scs_overlays_trampoline_lowered:
0x8: {  	[smem:$0x3FA9] =	sst s0  }
0x9: {  	[smem:$0x3FAA] =	sst s1  }
0xa: {  	[smem:$0x3FAB] =	sst s2  }
0xb: {  	[smem:$0x3FAC] =	sst s3  }
0xc: {  	[smem:$0x3FAD] =	sst s4  }
0xd: {  	[smem:$0x3FAE] =	sst s5  }
0xe: {  	[smem:$0x3FAF] =	sst s6  }
0xf: {  	[smem:$0x3FB0] =	sst s7  }
0x10: {  	[smem:$0x3FB1] =	sst s8  }
0x11: {  	[smem:$0x3FB2] =	sst s9;
	s0 =	simm.s32 @!p0 $0x0  }
0x12: {  	s1 =	sld [smem:$0x3F98];
	s0 =	simm.s32 @p0 $0x1  }
0x13: {  	[smem:$0x3FB3] =	sst s0;
	s0 =	simm.s32 @!p1 $0x0  }
0x14: {  	s2 =	sld [smem:$0x3F97];
	s0 =	simm.s32 @p1 $0x1  }
0x15: {  	[smem:$0x3FB4] =	sst s0;
	s0 =	simm.s32 @!p2 $0x0  }
0x16: {  	s3 =	sld [smem:$0x3FDB];
	s0 =	simm.s32 @p2 $0x1  }
0x17: {  	s4 =	simm.s32 $0x1BF5;
	[smem:$0x3FB6] =	sst s0  }
0x18: {  	s0 =	sld [smem:$0x3F99];
	_ =	swait.ge [sflag:s4], $0x0  }
0x19: {  	s7 =	sld [smem:$0x3F9A]  }
0x1a: {  	s8 =	sadd.s32 $0xFFFFE003, lr  }
0x1b: {  	s9 =	sadd.s32 $0xFFFFFEF7, lr;
	s5 =	simm.s32 $0xFFFFFFFF;
	p2 =	slt.u32 s8, $0xFFFFF086  }
0x1c: {  	p1 =	slt.u32 s9, $0xF7A;
	s5 =	simm.s32 @!p2 $0x0  }
0x1d: {  	s5 =	simm.s32 @p1 $0x1;
	p0 =	seq.s32 s7, s2  }
0x1e: {  	s7 =	smul.u32 @!p0 $0xF7A, s2;
	p2 =	seq.s32 @!p0 s5, $0x0  }
0x1f: {  	s9 =	smul.u32 $0xF7A, s1;
	s8 =	simm.s32 @!p0 $0x1BF5;
	p2 =	por !p2, p0  }
0x20: {  	[sflag:s8] =	ssyncset.s32 @!p0 $0xFFFFF086;
	s6 =	sadd.s32 @!p0 s3, s7;
	s7 =	simm.s32 @!p0 $0x108  }
0x21: {  	s3 =	sadd.s32 s3, s9;
	s6 =	sadd.s32 @!p0 $0x88, s6;
	s7 =	simm.s32 @p2 $0x1082  }
0x22: {  	[simem:s7], [sflag:s8] =	dma.local @!p0 [hbm:s6], $0xF7A  }
0x23: {  	s9 =	sor.u32 $0xD0000000, s2;
	s6 =	simm.s32 $0x108;
	_ =	swait.ge @!p0 [sflag:s8], $0x0  }
0x24: {  	s3 =	sadd.s32 $0x88, s3;
	s6 =	simm.s32 @!p1 $0x1082;
	[sflag:s4] =	ssyncset.s32 $0xFFFFF086  }
0x25: {  	[simem:s6], [sflag:s4] =	dma.local [hbm:s3], $0xF7A  }
0x26: {  	[smem:$0x3F9A] =	sst s1;
	(tag) =	ssettag s2;
	_ =	strace s9  }
0x27: {  	s1 =	sld [smem:$0x3FAA]  }
0x28: {  	s2 =	sld [smem:$0x3FAB]  }
0x29: {  	s4 =	sld [smem:$0x3FAD]  }
0x2a: {  	p0 =	seq.s32 s5, $0x0;
	s5 =	sld [smem:$0x3FAE]  }
0x2b: {  	s6 =	sld [smem:$0x3FAF]  }
0x2c: {  	s7 =	sld [smem:$0x3FB0]  }
0x2d: {  	s3 =	simm.s32 $0x108;
	s8 =	sld [smem:$0x3FB1]  }
0x2e: {  	s3 =	simm.s32 @!p0 $0x1082;
	s9 =	sld [smem:$0x3FB2]  }
0x2f: {  	lr =	sadd.s32 s0, s3;
	s0 =	sld [smem:$0x3FA9]  }
0x30: {  	s3 =	sld [smem:$0x3FAC]  }
0x31: {  	[smem:$0x3FB5] =	sst s10  }
0x32: {  	s10 =	sld [smem:$0x3FB3];
	_ =	sdelay $0x3  }
0x33: {  	p0 =	seq.s32 s10, $0x1;
	s10 =	sld [smem:$0x3FB5];
	_ =	sdelay $0x3  }
0x34: {  	[smem:$0x3FB5] =	sst s10  }
0x35: {  	s10 =	sld [smem:$0x3FB4];
	_ =	sdelay $0x3  }
0x36: {  	p1 =	seq.s32 s10, $0x1;
	s10 =	sld [smem:$0x3FB5];
	_ =	sdelay $0x3  }
0x37: {  	[smem:$0x3FB5] =	sst s10  }
0x38: {  	s10 =	sld [smem:$0x3FB6]  }
0x39: {  	_ = 	snop;
	(pc) =	sbr.ind lr, $3  }
0x3a: {  	_ = 	snop  }
0x3b: {  	_ = 	snop  }
0x3c: {  	p2 =	seq.s32 s10, $0x1;
	s10 =	sld [smem:$0x3FB5]  }
0x3d: {  	_ =	shalt  }
0x3e: {  	_ =	shalt  }
0x3f: {  	_ =	shalt  }
0x40: {  	_ =	shalt  }
0x41: {  	_ =	shalt  }
0x42: {  	_ =	shalt  }
0x43: {  	_ =	shalt  }
0x44: {  	_ =	shalt  }
0x45: {  	_ =	shalt  }
0x46: {  	_ =	shalt  }
0x47: {  	_ =	shalt  }
0x48: {  	_ =	shalt  }
0x49: {  	_ =	shalt  }
0x4a: {  	_ =	shalt  }
0x4b: {  	_ =	shalt  }
0x4c: {  	_ =	shalt  }
0x4d: {  	_ =	shalt  }
0x4e: {  	_ =	shalt  }
0x4f: {  	_ =	shalt  }
0x50: {  	_ =	shalt  }
0x51: {  	_ =	shalt  }
0x52: {  	_ =	shalt  }
0x53: {  	_ =	shalt  }
0x54: {  	_ =	shalt  }
0x55: {  	_ =	shalt  }
0x56: {  	_ =	shalt  }
0x57: {  	_ =	shalt  }
0x58: {  	_ =	shalt  }
0x59: {  	_ =	shalt  }
0x5a: {  	_ =	shalt  }
0x5b: {  	_ =	shalt  }
0x5c: {  	_ =	shalt  }
0x5d: {  	_ =	shalt  }
0x5e: {  	_ =	shalt  }
0x5f: {  	_ =	shalt  }
0x60: {  	_ =	shalt  }
0x61: {  	_ =	shalt  }
0x62: {  	_ =	shalt  }
0x63: {  	_ =	shalt  }
0x64: {  	_ =	shalt  }
0x65: {  	_ =	shalt  }
0x66: {  	_ =	shalt  }
0x67: {  	_ =	shalt  }
0x68: {  	_ =	shalt  }
0x69: {  	_ =	shalt  }
0x6a: {  	_ =	shalt  }
0x6b: {  	_ =	shalt  }
0x6c: {  	_ =	shalt  }
0x6d: {  	_ =	shalt  }
0x6e: {  	_ =	shalt  }
0x6f: {  	_ =	shalt  }
0x70: {  	_ =	shalt  }
0x71: {  	_ =	shalt  }
0x72: {  	_ =	shalt  }
0x73: {  	_ =	shalt  }
0x74: {  	_ =	shalt  }
0x75: {  	_ =	shalt  }
0x76: {  	_ =	shalt  }
0x77: {  	_ =	shalt  }
0x78: {  	_ =	shalt  }
0x79: {  	_ =	shalt  }
0x7a: {  	_ =	shalt  }
0x7b: {  	_ =	shalt  }
0x7c: {  	_ =	shalt  }
0x7d: {  	_ =	shalt  }
0x7e: {  	_ =	shalt  }
0x7f: {  	_ =	shalt  }
0x80: {  	_ =	shalt  }
0x81: {  	_ =	shalt  }
0x82: {  	_ =	shalt  }
0x83: {  	_ =	shalt  }
0x84: {  	_ =	shalt  }
0x85: {  	_ =	shalt  }
0x86: {  	_ =	shalt  }
0x87: {  	_ =	shalt  }
.Lfunc_end0:
.L_simem_size_0:
called_computation_lowered:
.L_overlay_start_0:
0x88: {  	s2 =	sld [smem:$0x3FD9]  }
0x89: {  	s3 =	sld [smem:$0x3FFE];
	_ =	sdelay $0x1  }
0x8a: {  	s1 =	srdreg.scid  }
0x8b: {  	s0 =	sand.u32 $0x1, s1  }
0x8c: {  	s14 =	sshll.u32 s0, $0xA;
	s2 =	sadd.s32 s3, s2  }
0x8d: {  	s2 =	sadd.s32 s2, s14  }
0x8e: {  	[smem:$0x3FC1] =	sst s2  }
0x8f: {  	_ = 	snop  }
0x90: {  	s2 =	sld [smem:$0x3FD0];
	_ =	sdelay $0x2  }
0x91: {  	s15 =	simm.s32 $0xA;
	s4 =	simm.s32 $0x10  }
0x92: {  	[smem:s4], [sflag:s15] =	dma.local [hbm:s2], $0x1  }
0x93: {  	_ =	swait.eq [sflag:s15], $0x1  }
0x94: {  	[sflag:s15] =	ssyncset.done $0x0  }
0x95: {  	[sflag:s15] =	ssyncadd.s32 $0xFFFFFFFF  }
0x96: {  	s16 =	sld [smem:$0x10];
	(tm) =	ssettm $0x1  }
0x97: {  	s17 =	sld [smem:$0x3FFB];
	_ =	sdelay $0x3  }
0x98: {  	_ =	strace s17  }
0x99: {  	s3 =	sld [smem:$0x3FFC];
	_ =	sdelay $0x3  }
0x9a: {  	_ =	strace s3  }
0x9b: {  	s3 =	sld [smem:$0x3FFD];
	_ =	sdelay $0x3  }
0x9c: {  	_ =	strace s3  }
0x9d: {  	_ =	strace $0x8FFFFFFF  }
0x9e: {  	s18 =	sld [smem:$0x3FDB];
	_ =	sdelay $0x1  }
0x9f: {  	s19 =	simm.s32 $_scs_section_size  }
0xa0: {  	s5 =	simm.s32 $_size__tile_overlayer_lowered;
	s6 =	simm.s32 $_tile_overlayer_lowered  }
0xa1: {  	s22 =	simm.s32 $0x1BFF;
	s21 =	sshll.u32 s6, $0x1;
	s3 =	sadd.s32 s19, s18  }
0xa2: {  	s7 =	simm.s32 $0x0;
	s20 =	sshll.u32 s5, $0x1;
	s5 =	sadd.s32 s21, s3  }
0xa3: {  	[timem:s7], [sflag:s22] =	dma.local [hbm:s5], s20  }
0xa4: {  	_ =	swait.ge [sflag:s22], s20  }
0xa5: {  	s4 =	ssub.s32 $0x0, s20;
	[sflag:s22] =	ssyncset.done $0x0  }
0xa6: {  	[sflag:s22] =	ssyncadd.s32 s4;
	_ =	sdelay $0x1  }
0xa7: {  	s23 =	simm.s32 $0x1B8B  }
0xa8: {  	_ =	swait.ge [sflag:s23], $0x1  }
0xa9: {  	[sflag:s23] =	ssyncset.done $0x0  }
0xaa: {  	s25 =	simm.s32 $0x1B8E;
	s24 =	sld [smem:$0x3FFE];
	[sflag:s23] =	ssyncadd.s32 $0xFFFFFFFF  }
0xab: {  	s26 =	simm.s32 $execute0_lowered;
	[smem:$0x3FD2] =	sst s25  }
0xac: {  	s5 =	sshll.u32 s26, $0x1;
	_ =	strace $0x80000046;
	[dreg:$0x1] =	wrdreg $0xFFFFFFFF  }
0xad: {  	s28 =	simm.s32 $_size_execute0_lowered;
	s3 =	sadd.s32 s3, s5;
	[dreg:$0x0] =	wrdreg $0x0  }
0xae: {  	s5 =	sshll.u32 s28, $0x1;
	[dreg:$0x2] =	wrdreg s3  }
0xaf: {  	[dreg:$0x3] =	wrdreg s5  }
0xb0: {  	[dreg:$0x4] =	wrdreg $0xC0  }
0xb1: {  	_ =	task [dreg:s7], $0x5FFFF  }
0xb2: {  	[dreg:$0x1] =	wrdreg $0xFFFFFFFF  }
0xb3: {  	[dreg:$0x0] =	wrdreg $0x60  }
0xb4: {  	[dreg:$0x2] =	wrdreg s24  }
0xb5: {  	[dreg:$0x3] =	wrdreg s16  }
0xb6: {  	[dreg:$0x4] =	wrdreg $0x0  }
0xb7: {  	[dreg:$0x5] =	wrdreg $0x9  }
0xb8: {  	_ =	task.clear_ibuf [dreg:s7], $0x6FFFF;
	_ =	strace $0x90000046  }
0xb9: {  	s29 =	simm.s32 $0x9;
	_ =	strace $0x80000048  }
0xba: {  	_ =	swait.ge [sflag:s29], $0x1  }
0xbb: {  	[sflag:s29] =	ssyncadd.s32 $0xFFFFFFFF  }
0xbc: {  	_ =	strace $0x90000048  }
0xbd: {  	_ =	sfence  }
0xbe: {  	s30 =	sld [smem:$0x0];
	_ =	sdelay $0x2  }
0xbf: {  	s31 =	sshll.u32 s1, $0xD;
	s1 =	sshrl.u32 s1, $0x2  }
0xc0: {  	s3 =	sand.u32 $0x4000, s31;
	s1 =	sadd.s32 s1, s30  }
0xc1: {  	s0 =	sor.u32 s3, s0;
	s1 =	sshll.u32 s1, $0x11  }
0xc2: {  	s0 =	sor.u32 s1, s0  }
0xc3: {  	s0 =	sadd.s32 $0x8F2B, s0  }
0xc4: {  	[sflag:s0] =	ssyncadd.remote.s32 $0x1  }
0xc5: {  	_ =	sfence.sel $0xFFFF  }
0xc6: {  	[dreg:$0x0] =	wrdreg $0xFFFFFFFF;
	(pc) =	sbr.abs _section_cstart, $3  }
0xc7: {  	[dreg:$0x1] =	wrdreg $0xFFFFFFFF  }
0xc8: {  	_ =	task.clear_ibuf [dreg:s7], $0x2FFFF;
	_ =	strace $0x9FFFFFFF  }
0xc9: {  	(tm) =	ssettm $0x7FFFFFFF  }
tec
execute0_lowered:
.L_overlay_start_1:
0x0: {  	(tag) =	ssettag $0x1  }
0x1: {  	s0 =	rddreg [dreg:$0x0]  }
0x2: {  	s13 =	rddreg [dreg:$0x1]  }
0x3: {  	s1 =	srdreg.scid;
	s2 =	rddreg [dreg:$0x2]  }
0x4: {  	s7 =	stileid.u32;
	s3 =	simm.s32 $0x0;
	s18 =	simm.s32 $0x1  }
0x5: {  	s19 =	simm.s32 $0x10800;
	s20 =	simm.s32 $0x13000;
	s21 =	simm.s32 $0x80  }
0x6: {  	s22 =	simm.s32 $0x6800;
	s23 =	simm.s32 $0x15800;
	s24 =	simm.s32 $0x16C00  }
0x7: {  	s25 =	simm.s32 $0x18000;
	s26 =	simm.s32 $0x19400;
	s28 =	simm.s32 $0x1E400  }
0x8: {  	s29 =	simm.s32 $0x0;
	s1 =	sand.u32 $0x1, s1;
	s11 =	smul.u32 $0x280, s7  }
0x9: {  	[smem:$0x7FF] =	sst s3;
	s15 =	sadd.s32 $0x3A00, s0;
	s30 =	smul.u32 $0xA000, s7  }
0xa: {  	s8 =	sadd.s32 $0x14000, s2;
	s9 =	sadd.s32 $0x1E000, s2;
	s4 =	sshll.u32 s1, $0x4  }
0xb: {  	_ =	strace $0x80000047;
	s6 =	ssub.s32 $0x2, s1;
	p0 =	sne.s32 s1, $0x0  }
0xc: {  	s4 =	sor.u32 s7, s4;
	s5 =	sshrl.u32 s11, $0x3;
	s7 =	smul.u32 $0x500, s7  }
0xd: {  	v9 =	vlaneseq.u32;
	s31 =	sshrl.u32 s6, $0x1;
	s14 =	smul.u32 $0x280, s4;
	s4 =	sshrl.u32 s30, $0x2  }
0xe: {  	v1 =	vimm.f32 $0.0e+00;
	v0 =	vmul.u32 $0x80, v9;
	s11 =	sadd.s32 $0x1BC00, s11;
	s17 =	ssub.s32 s6, s31;
	s4 =	sadd.s32 s4, s2  }
0xf: {  	v2 =	vimm.s32 $0x0;
	v10 =	vshrl.u32 v9, $0x3;
	v11 =	vand.u32 $0x7, v9;
	s6 =	sadd.s32 s15, s7;
	s16 =	sadd.s32 s14, s0;
	s0 =	sadd.s32 s5, s0  }
0x10: {  	v10 =	vmul.u32 $0x80, v10;
	v11 =	vmul.u32 $0x10, v11;
	v3 =	vor.u32 $0x800, v0;
	s5 =	sadd.s32 s13, s7;
	s7 =	sadd.s32 $0xA000, s2;
	s13 =	sadd.s32 s13, s14  }
0x11: {  	v4 =	vor.u32 $0x1000, v0;
	v5 =	vor.u32 $0x1800, v0;
	v6 =	vor.u32 $0x2000, v0;
	s14 =	sadd.s32 s15, s14;
	s10 =	sadd.s32 $0xDA00, s0;
	s12 =	sadd.s32 $0x8A00, s16  }
0x12: {  	v7 =	vor.u32 $0x2800, v0;
	v8 =	vor.u32 $0x3000, v0;
	v9 =	vor.u32 $0x3800, v0;
	s15 =	sadd.s32 $0xE000, s16;
	s16 =	smax.u32 s17, $0x1;
	s17 =	simm.s32 $0x2800  }
.LBB2_1:
0x13: {  	s0 =	simm.s32 $0x0;
	s1 =	simm.s32 $0x200  }
.LBB2_2:
0x14: {  	p1 =	sne.s32 s1, $0xFE00;
	[tilespmem:s0+$0x2870] =	vst v1  }
0x15: {  	[tilespmem:s0+$0x2800] =	vst v1  }
0x16: {  	[tilespmem:s0+$0x2810] =	vst v1  }
.Ltmp0:
0x17: {  	[tilespmem:s0+$0x2820] =	vst v1;
	(pc) =	sbr.rel @p1 .LBB2_2-.Ltmp0, $4  }
0x18: {  	[tilespmem:s0+$0x2830] =	vst v1  }
0x19: {  	[tilespmem:s0+$0x2840] =	vst v1  }
0x1a: {  	[tilespmem:s0+$0x2850] =	vst v1  }
0x1b: {  	[tilespmem:s0+$0x2860] =	vst v1;
	s0 =	sshra.s32 s1, $0x2;
	s1 =	sadd.s32 $0x200, s1  }
0x1c: {  	[tilespmem:s0+$0x2870] =	vst v1  }
0x1d: {  	[tilespmem:s0+$0x2800] =	vst v1  }
0x1e: {  	[tilespmem:s0+$0x2810] =	vst v1  }
0x1f: {  	[tilespmem:s0+$0x2820] =	vst v1  }
0x20: {  	[tilespmem:s0+$0x2830] =	vst v1  }
0x21: {  	[tilespmem:s0+$0x2840] =	vst v1  }
0x22: {  	[tilespmem:s0+$0x2850] =	vst v1  }
0x23: {  	[tilespmem:s0+$0x2860] =	vst v1  }
0x24: {  	[spmem:s4] =	stream.linear.scatter [tilespmem:s17], [sflag:$0x1], $0x2800, $0x38;
	[tilespmem:$0x1F880] =	vst v63  }
0x25: {  	_ =	swait.ge [sflag:s18], $0x2800  }
0x26: {  	[sflag:s18] =	ssyncset.done $0x0  }
0x27: {  	s0 =	simm.s32 $0x0;
	[sflag:s18] =	ssyncadd.s32 $0xFFFFD800  }
0x28: {  	[tilespmem:s19], [sflag:$0x1] =	stream.linear.gather [hbm4b:s5+s0], $0x2800, $0x38;
	[tilespmem:$0x1F880] =	vst v63  }
0x29: {  	_ =	swait.ge [sflag:s18], $0x2800  }
0x2a: {  	[sflag:s18] =	ssyncset.done $0x0  }
0x2b: {  	[sflag:s18] =	ssyncadd.s32 $0xFFFFD800  }
0x2c: {  	[tilespmem:s20], [sflag:$0x1] =	stream.linear.gather [hbm4b:s6+s0], $0x2800, $0x38;
	[tilespmem:$0x1F880] =	vst v63  }
0x2d: {  	_ =	swait.ge [sflag:s18], $0x2800  }
0x2e: {  	[sflag:s18] =	ssyncset.done $0x0  }
0x2f: {  	[sflag:s18] =	ssyncadd.s32 $0xFFFFD800  }
0x30: {  	[tilespmem:$0x1F800] =	vst v2  }
0x31: {  	[tilespmem:$0x1F810] =	vst v2  }
0x32: {  	[tilespmem:$0x1F820] =	vst v2  }
0x33: {  	[tilespmem:$0x1F830] =	vst v2  }
0x34: {  	[tilespmem:$0x1F840] =	vst v2  }
0x35: {  	[tilespmem:$0x1F850] =	vst v2  }
0x36: {  	[tilespmem:$0x1F860] =	vst v2  }
0x37: {  	[tilespmem:$0x1F870] =	vst v2  }
0x38: {  	[bflag:$0x0] =	sbarrier.arrive $0xFFFF  }
.LBB2_4:
0x39: {  	v12 =	vld [tilespmem:$0x1F800];
	_ =	sdelay $0x2  }
0x3a: {  	s30 =	sshra.s32 s0, $0x2  }
0x3b: {  	v13 =	vld [tilespmem:s30+$0x10800]  }
0x3c: {  	v12 =	vadd.s32 v0, v12;
	_ =	sdelay $0x3  }
0x3d: {  	v14 =	vshll.u32 v13, $0x4  }
0x3e: {  	v14 =	vand.u32 $0x70, v14;
	[tilespmem:v12+s17+$0x0] =	vst.idx.msk $0xffff, v1  }
0x3f: {  	v15 =	vor.u32 v0, v14;
	v12 =	vld [tilespmem:s30+$0x13000];
	_ =	sdelay $0x4  }
0x40: {  	[tilespmem:v15+s17+$0x0] =	vst.idx.msk $0xffff, v12  }
0x41: {  	v35 =	vshrl.u32 v13, $0x3;
	[tilespmem:$0x1F800] =	vst v14  }
0x42: {  	[tilespmem:s30+$0x10800] =	vst v35  }
0x43: {  	v12 =	vld [tilespmem:$0x1F810];
	_ =	sdelay $0x3  }
0x44: {  	v36 =	vld [tilespmem:s30+$0x10810]  }
0x45: {  	v12 =	vadd.s32 v3, v12;
	_ =	sdelay $0x3  }
0x46: {  	v37 =	vshll.u32 v36, $0x4  }
0x47: {  	v14 =	vand.u32 $0x70, v37;
	[tilespmem:v12+s17+$0x0] =	vst.idx.msk $0xffff, v1  }
0x48: {  	v38 =	vor.u32 v3, v14;
	v12 =	vld [tilespmem:s30+$0x13010];
	_ =	sdelay $0x4  }
0x49: {  	[tilespmem:v38+s17+$0x0] =	vst.idx.msk $0xffff, v12  }
0x4a: {  	v39 =	vshrl.u32 v36, $0x3;
	[tilespmem:$0x1F810] =	vst v14  }
0x4b: {  	[tilespmem:s30+$0x10810] =	vst v39  }
0x4c: {  	v12 =	vld [tilespmem:$0x1F820];
	_ =	sdelay $0x3  }
0x4d: {  	v40 =	vld [tilespmem:s30+$0x10820]  }
0x4e: {  	v12 =	vadd.s32 v4, v12;
	_ =	sdelay $0x3  }
0x4f: {  	v41 =	vshll.u32 v40, $0x4  }
0x50: {  	v14 =	vand.u32 $0x70, v41;
	[tilespmem:v12+s17+$0x0] =	vst.idx.msk $0xffff, v1  }
0x51: {  	v42 =	vor.u32 v4, v14;
	v12 =	vld [tilespmem:s30+$0x13020];
	_ =	sdelay $0x4  }
0x52: {  	[tilespmem:v42+s17+$0x0] =	vst.idx.msk $0xffff, v12  }
0x53: {  	v43 =	vshrl.u32 v40, $0x3;
	[tilespmem:$0x1F820] =	vst v14  }
0x54: {  	[tilespmem:s30+$0x10820] =	vst v43  }
0x55: {  	v12 =	vld [tilespmem:$0x1F830];
	_ =	sdelay $0x3  }
0x56: {  	v44 =	vld [tilespmem:s30+$0x10830]  }
0x57: {  	v12 =	vadd.s32 v5, v12;
	_ =	sdelay $0x3  }
0x58: {  	v45 =	vshll.u32 v44, $0x4  }
0x59: {  	v14 =	vand.u32 $0x70, v45;
	[tilespmem:v12+s17+$0x0] =	vst.idx.msk $0xffff, v1  }
0x5a: {  	v46 =	vor.u32 v5, v14;
	v12 =	vld [tilespmem:s30+$0x13030];
	_ =	sdelay $0x4  }
0x5b: {  	[tilespmem:v46+s17+$0x0] =	vst.idx.msk $0xffff, v12  }
0x5c: {  	v47 =	vshrl.u32 v44, $0x3;
	[tilespmem:$0x1F830] =	vst v14  }
0x5d: {  	[tilespmem:s30+$0x10830] =	vst v47  }
0x5e: {  	v12 =	vld [tilespmem:$0x1F840];
	_ =	sdelay $0x3  }
0x5f: {  	v48 =	vld [tilespmem:s30+$0x10840]  }
0x60: {  	v12 =	vadd.s32 v6, v12;
	_ =	sdelay $0x3  }
0x61: {  	v49 =	vshll.u32 v48, $0x4  }
0x62: {  	v14 =	vand.u32 $0x70, v49;
	[tilespmem:v12+s17+$0x0] =	vst.idx.msk $0xffff, v1  }
0x63: {  	v50 =	vor.u32 v6, v14;
	v12 =	vld [tilespmem:s30+$0x13040];
	_ =	sdelay $0x4  }
0x64: {  	[tilespmem:v50+s17+$0x0] =	vst.idx.msk $0xffff, v12  }
0x65: {  	v51 =	vshrl.u32 v48, $0x3;
	[tilespmem:$0x1F840] =	vst v14  }
0x66: {  	[tilespmem:s30+$0x10840] =	vst v51  }
0x67: {  	v12 =	vld [tilespmem:$0x1F850];
	_ =	sdelay $0x3  }
0x68: {  	v52 =	vld [tilespmem:s30+$0x10850]  }
0x69: {  	v12 =	vadd.s32 v7, v12;
	_ =	sdelay $0x3  }
0x6a: {  	v53 =	vshll.u32 v52, $0x4  }
0x6b: {  	v14 =	vand.u32 $0x70, v53;
	[tilespmem:v12+s17+$0x0] =	vst.idx.msk $0xffff, v1  }
0x6c: {  	v54 =	vor.u32 v7, v14;
	v12 =	vld [tilespmem:s30+$0x13050];
	_ =	sdelay $0x4  }
0x6d: {  	[tilespmem:v54+s17+$0x0] =	vst.idx.msk $0xffff, v12  }
0x6e: {  	v55 =	vshrl.u32 v52, $0x3;
	[tilespmem:$0x1F850] =	vst v14  }
0x6f: {  	[tilespmem:s30+$0x10850] =	vst v55  }
0x70: {  	v12 =	vld [tilespmem:$0x1F860];
	_ =	sdelay $0x3  }
0x71: {  	v56 =	vld [tilespmem:s30+$0x10860]  }
0x72: {  	v12 =	vadd.s32 v8, v12;
	_ =	sdelay $0x3  }
0x73: {  	v57 =	vshll.u32 v56, $0x4  }
0x74: {  	v14 =	vand.u32 $0x70, v57;
	[tilespmem:v12+s17+$0x0] =	vst.idx.msk $0xffff, v1  }
0x75: {  	v58 =	vor.u32 v8, v14;
	v12 =	vld [tilespmem:s30+$0x13060];
	_ =	sdelay $0x4  }
0x76: {  	[tilespmem:v58+s17+$0x0] =	vst.idx.msk $0xffff, v12  }
0x77: {  	v59 =	vshrl.u32 v56, $0x3;
	[tilespmem:$0x1F860] =	vst v14  }
0x78: {  	[tilespmem:s30+$0x10860] =	vst v59  }
0x79: {  	v12 =	vld [tilespmem:$0x1F870];
	_ =	sdelay $0x3  }
0x7a: {  	v60 =	vld [tilespmem:s30+$0x10870]  }
0x7b: {  	v12 =	vadd.s32 v9, v12;
	_ =	sdelay $0x3  }
0x7c: {  	v61 =	vshll.u32 v60, $0x4  }
0x7d: {  	v14 =	vand.u32 $0x70, v61;
	[tilespmem:v12+s17+$0x0] =	vst.idx.msk $0xffff, v1  }
0x7e: {  	v62 =	vor.u32 v9, v14;
	v12 =	vld [tilespmem:s30+$0x13070];
	_ =	sdelay $0x4  }
0x7f: {  	[tilespmem:v62+s17+$0x0] =	vst.idx.msk $0xffff, v12  }
0x80: {  	p1 =	sne.s32 s0, $0x9E00;
	v63 =	vshrl.u32 v60, $0x3;
	[tilespmem:$0x1F870] =	vst v14  }
.Ltmp1:
0x81: {  	s1 =	sadd.s32 $0x10800, s30;
	[tilespmem:s30+$0x10870] =	vst v63;
	(pc) =	sbr.rel @p1 .LBB2_4-.Ltmp1, $4  }
0x82: {  	[spmem:s2] =	stream.indirect.scatter.add.f32 [tilespmem:s17], [sflag:$0x1], $0x80, s1, s21, $0xb8;
	[tilespmem:$0x1F880] =	vst v63  }
0x83: {  	_ =	swait.ge [sflag:s18], $0x4000  }
0x84: {  	[sflag:s18] =	ssyncset.done $0x0  }
0x85: {  	s0 =	sadd.s32 $0x200, s0;
	[sflag:s18] =	ssyncadd.s32 $0xFFFFC000  }
0x86: {  	s0 =	simm.s32 $0x0  }
0x87: {  	v12 =	vmov s0  }
0x88: {  	v12 =	vshll.u32 v12, $0x7  }
0x89: {  	v12 =	vor.u32 v10, v12  }
0x8a: {  	[bflag:$0x0] =	sbarrier.arrive $0xFFFF;
	v12 =	vor.u32 v11, v12  }
0x8b: {  	[tilespmem:s22], [sflag:$0x1] =	stream.linear.gather [spmem:s2], $0xA000, $0x38;
	[tilespmem:$0x1F880] =	vst v63  }
0x8c: {  	_ =	swait.ge [sflag:s18], $0xA000  }
0x8d: {  	[sflag:s18] =	ssyncset.done $0x0  }
0x8e: {  	[sflag:s18] =	ssyncadd.s32 $0xFFFF6000  }
0x8f: {  	v12 =	vld.idx.msk [tilespmem:v12+s22+$0x0], $0xffff;
	_ =	sdelay $0x4  }
0x90: {  	v12 =	vadd.f32 $1.000000000e+00, v12;
	_ =	sdelay $0x1  }
0x91: {  	v13 =	vshrl.u32 v12, $0x1;
	v12 =	vmul.f32 $5.000000000e-01, v12  }
0x92: {  	v13 =	vsub.s32 $0x5F3759DF, v13  }
0x93: {  	v14 =	vmul.f32 v13, v12;
	_ =	sdelay $0x1  }
0x94: {  	v14 =	vmul.f32 v13, v14;
	_ =	sdelay $0x1  }
0x95: {  	v14 =	vsub.f32 $1.500000000e+00, v14;
	_ =	sdelay $0x1  }
0x96: {  	v13 =	vmul.f32 v13, v14;
	_ =	sdelay $0x1  }
0x97: {  	v14 =	vmul.f32 v13, v12;
	_ =	sdelay $0x1  }
0x98: {  	v14 =	vmul.f32 v14, v13;
	_ =	sdelay $0x1  }
0x99: {  	v14 =	vsub.f32 $1.500000000e+00, v14;
	_ =	sdelay $0x1  }
0x9a: {  	v13 =	vmul.f32 v14, v13;
	_ =	sdelay $0x1  }
0x9b: {  	v12 =	vmul.f32 v13, v12;
	_ =	sdelay $0x1  }
0x9c: {  	s31 =	simm.s32 $0x2;
	v12 =	vmul.f32 v12, v13  }
0x9d: {  	v14 =	vmov s31  }
0x9e: {  	v14 =	vshll.u32 v14, $0x7;
	v12 =	vsub.f32 $1.500000000e+00, v12  }
0x9f: {  	v14 =	vor.u32 v10, v14  }
0xa0: {  	v14 =	vor.u32 v11, v14;
	v12 =	vmul.f32 v12, v13;
	_ =	sdelay $0x1  }
0xa1: {  	s30 =	simm.s32 $0x19400;
	v13 =	vmul.f32 v12, v12  }
0xa2: {  	s0 =	simm.s32 $0x1BC00;
	[tilespmem:s30+$0x0] =	vst v12  }
0xa3: {  	[tilespmem:s0+$0x0] =	vst v13  }
0xa4: {  	v12 =	vld.idx.msk [tilespmem:v14+s22+$0x0], $0xffff;
	_ =	sdelay $0x4  }
0xa5: {  	v12 =	vadd.f32 $1.000000000e+00, v12;
	_ =	sdelay $0x1  }
0xa6: {  	v13 =	vshrl.u32 v12, $0x1;
	v14 =	vmul.f32 $5.000000000e-01, v12  }
0xa7: {  	v12 =	vsub.s32 $0x5F3759DF, v13  }
0xa8: {  	v13 =	vmul.f32 v12, v14;
	_ =	sdelay $0x1  }
0xa9: {  	v13 =	vmul.f32 v12, v13;
	_ =	sdelay $0x1  }
0xaa: {  	v13 =	vsub.f32 $1.500000000e+00, v13;
	_ =	sdelay $0x1  }
0xab: {  	v12 =	vmul.f32 v12, v13;
	_ =	sdelay $0x1  }
0xac: {  	v13 =	vmul.f32 v12, v14;
	_ =	sdelay $0x1  }
0xad: {  	v13 =	vmul.f32 v13, v12;
	_ =	sdelay $0x1  }
0xae: {  	v13 =	vsub.f32 $1.500000000e+00, v13;
	_ =	sdelay $0x1  }
0xaf: {  	v12 =	vmul.f32 v13, v12;
	_ =	sdelay $0x1  }
0xb0: {  	v13 =	vmul.f32 v12, v14;
	_ =	sdelay $0x1  }
0xb1: {  	s1 =	simm.s32 $0x4;
	v13 =	vmul.f32 v13, v12  }
0xb2: {  	v14 =	vmov s1;
	s1 =	simm.s32 $0x6  }
.LBB2_6:
0xb3: {  	p1 =	sne.s32 s1, $0x13E;
	v14 =	vshll.u32 v14, $0x7;
	v13 =	vsub.f32 $1.500000000e+00, v13  }
0xb4: {  	v14 =	vor.u32 v10, v14  }
0xb5: {  	v14 =	vor.u32 v11, v14;
	v12 =	vmul.f32 v13, v12  }
0xb6: {  	s30 =	sadd.s32 $0x10, s30  }
0xb7: {  	[tilespmem:s30+$0x0] =	vst v12;
	v12 =	vmul.f32 v12, v12  }
0xb8: {  	s0 =	sadd.s32 $0x10, s0  }
0xb9: {  	[tilespmem:s0+$0x0] =	vst v12  }
0xba: {  	v12 =	vld.idx.msk [tilespmem:v14+s22+$0x0], $0xffff;
	_ =	sdelay $0x5  }
0xbb: {  	v12 =	vadd.f32 $1.000000000e+00, v12;
	_ =	sdelay $0x1  }
0xbc: {  	v13 =	vshrl.u32 v12, $0x1;
	v14 =	vmul.f32 $5.000000000e-01, v12  }
0xbd: {  	v12 =	vsub.s32 $0x5F3759DF, v13  }
0xbe: {  	v13 =	vmul.f32 v12, v14;
	_ =	sdelay $0x1  }
0xbf: {  	v13 =	vmul.f32 v12, v13;
	_ =	sdelay $0x1  }
0xc0: {  	v13 =	vsub.f32 $1.500000000e+00, v13;
	_ =	sdelay $0x1  }
0xc1: {  	v12 =	vmul.f32 v12, v13;
	_ =	sdelay $0x1  }
0xc2: {  	v13 =	vmul.f32 v12, v14;
	_ =	sdelay $0x1  }
0xc3: {  	v13 =	vmul.f32 v13, v12;
	_ =	sdelay $0x1  }
0xc4: {  	v13 =	vsub.f32 $1.500000000e+00, v13;
	_ =	sdelay $0x1  }
0xc5: {  	v12 =	vmul.f32 v13, v12  }
.Ltmp2:
0xc6: {  	(pc) =	sbr.rel @p1 .LBB2_6-.Ltmp2, $3  }
0xc7: {  	v13 =	vmul.f32 v12, v14;
	_ =	sdelay $0x1  }
0xc8: {  	v13 =	vmul.f32 v13, v12  }
0xc9: {  	v14 =	vmov s1;
	s1 =	sadd.s32 $0x2, s1  }
0xca: {  	v14 =	vshll.u32 v14, $0x7;
	v13 =	vsub.f32 $1.500000000e+00, v13  }
0xcb: {  	v14 =	vor.u32 v10, v14  }
0xcc: {  	v14 =	vor.u32 v11, v14;
	v12 =	vmul.f32 v13, v12;
	_ =	sdelay $0x1  }
0xcd: {  	s1 =	sadd.s32 $0x10, s30;
	v13 =	vmul.f32 v12, v12  }
0xce: {  	s31 =	sadd.s32 $0x10, s0;
	[tilespmem:s1+$0x0] =	vst v12  }
0xcf: {  	[tilespmem:s31+$0x0] =	vst v13  }
0xd0: {  	v12 =	vld.idx.msk [tilespmem:v14+s22+$0x0], $0xffff;
	_ =	sdelay $0x4  }
0xd1: {  	v12 =	vadd.f32 $1.000000000e+00, v12;
	_ =	sdelay $0x1  }
0xd2: {  	v13 =	vshrl.u32 v12, $0x1;
	v12 =	vmul.f32 $5.000000000e-01, v12  }
0xd3: {  	v13 =	vsub.s32 $0x5F3759DF, v13  }
0xd4: {  	v14 =	vmul.f32 v13, v12;
	_ =	sdelay $0x1  }
0xd5: {  	v14 =	vmul.f32 v13, v14;
	_ =	sdelay $0x1  }
0xd6: {  	v14 =	vsub.f32 $1.500000000e+00, v14;
	_ =	sdelay $0x1  }
0xd7: {  	v13 =	vmul.f32 v13, v14;
	_ =	sdelay $0x1  }
0xd8: {  	v14 =	vmul.f32 v13, v12;
	_ =	sdelay $0x1  }
0xd9: {  	v14 =	vmul.f32 v14, v13;
	_ =	sdelay $0x1  }
0xda: {  	v14 =	vsub.f32 $1.500000000e+00, v14;
	_ =	sdelay $0x1  }
0xdb: {  	v13 =	vmul.f32 v14, v13;
	_ =	sdelay $0x1  }
0xdc: {  	v12 =	vmul.f32 v13, v12;
	_ =	sdelay $0x1  }
0xdd: {  	v12 =	vmul.f32 v12, v13;
	_ =	sdelay $0x1  }
0xde: {  	v12 =	vsub.f32 $1.500000000e+00, v12;
	_ =	sdelay $0x1  }
0xdf: {  	s0 =	simm.s32 $0x0;
	v12 =	vmul.f32 v12, v13  }
0xe0: {  	v13 =	vmov s0  }
0xe1: {  	s1 =	sadd.s32 $0x10, s1;
	v13 =	vshll.u32 v13, $0x7;
	v14 =	vmul.f32 v12, v12  }
0xe2: {  	s30 =	sadd.s32 $0x10, s31;
	[tilespmem:s1+$0x0] =	vst v12;
	v12 =	vor.u32 v10, v13  }
0xe3: {  	v12 =	vor.u32 v11, v12;
	[tilespmem:s30+$0x0] =	vst v14  }
0xe4: {  	[tilespmem:s22], [sflag:$0x1] =	stream.linear.gather [spmem:s7], $0xA000, $0x38;
	[tilespmem:$0x1F880] =	vst v63  }
0xe5: {  	_ =	swait.ge [sflag:s18], $0xA000  }
0xe6: {  	[sflag:s18] =	ssyncset.done $0x0  }
0xe7: {  	[sflag:s18] =	ssyncadd.s32 $0xFFFF6000  }
0xe8: {  	v12 =	vld.idx.msk [tilespmem:v12+s22+$0x0], $0xffff;
	_ =	sdelay $0x4  }
0xe9: {  	v12 =	vadd.f32 $1.000000000e+00, v12;
	_ =	sdelay $0x1  }
0xea: {  	v13 =	vshrl.u32 v12, $0x1;
	v12 =	vmul.f32 $5.000000000e-01, v12  }
0xeb: {  	v13 =	vsub.s32 $0x5F3759DF, v13  }
0xec: {  	v14 =	vmul.f32 v13, v12;
	_ =	sdelay $0x1  }
0xed: {  	v14 =	vmul.f32 v13, v14;
	_ =	sdelay $0x1  }
0xee: {  	v14 =	vsub.f32 $1.500000000e+00, v14;
	_ =	sdelay $0x1  }
0xef: {  	v13 =	vmul.f32 v13, v14;
	_ =	sdelay $0x1  }
0xf0: {  	v14 =	vmul.f32 v13, v12;
	_ =	sdelay $0x1  }
0xf1: {  	v14 =	vmul.f32 v14, v13;
	_ =	sdelay $0x1  }
0xf2: {  	v14 =	vsub.f32 $1.500000000e+00, v14;
	_ =	sdelay $0x1  }
0xf3: {  	v13 =	vmul.f32 v14, v13;
	_ =	sdelay $0x1  }
0xf4: {  	v12 =	vmul.f32 v13, v12;
	_ =	sdelay $0x1  }
0xf5: {  	s31 =	simm.s32 $0x2;
	v12 =	vmul.f32 v12, v13  }
0xf6: {  	v14 =	vmov s31  }
0xf7: {  	v14 =	vshll.u32 v14, $0x7;
	v12 =	vsub.f32 $1.500000000e+00, v12  }
0xf8: {  	v14 =	vor.u32 v10, v14  }
0xf9: {  	v14 =	vor.u32 v11, v14;
	v12 =	vmul.f32 v12, v13;
	_ =	sdelay $0x1  }
0xfa: {  	s30 =	sand.u32 $0xFF0, s0;
	v13 =	vmul.f32 v12, v12  }
0xfb: {  	[tilespmem:s30+$0x19E00] =	vst v12  }
0xfc: {  	[tilespmem:s30+$0x1C600] =	vst v13  }
0xfd: {  	v12 =	vld.idx.msk [tilespmem:v14+s22+$0x0], $0xffff;
	_ =	sdelay $0x4  }
0xfe: {  	v12 =	vadd.f32 $1.000000000e+00, v12;
	_ =	sdelay $0x1  }
0xff: {  	v13 =	vshrl.u32 v12, $0x1;
	v14 =	vmul.f32 $5.000000000e-01, v12  }
0x100: {  	v12 =	vsub.s32 $0x5F3759DF, v13  }
0x101: {  	v13 =	vmul.f32 v12, v14;
	_ =	sdelay $0x1  }
0x102: {  	v13 =	vmul.f32 v12, v13;
	_ =	sdelay $0x1  }
0x103: {  	v13 =	vsub.f32 $1.500000000e+00, v13;
	_ =	sdelay $0x1  }
0x104: {  	v12 =	vmul.f32 v12, v13;
	_ =	sdelay $0x1  }
0x105: {  	v13 =	vmul.f32 v12, v14;
	_ =	sdelay $0x1  }
0x106: {  	v13 =	vmul.f32 v13, v12;
	_ =	sdelay $0x1  }
0x107: {  	v13 =	vsub.f32 $1.500000000e+00, v13;
	_ =	sdelay $0x1  }
0x108: {  	v12 =	vmul.f32 v13, v12;
	_ =	sdelay $0x1  }
0x109: {  	v13 =	vmul.f32 v12, v14;
	_ =	sdelay $0x1  }
0x10a: {  	s31 =	simm.s32 $0x4;
	v13 =	vmul.f32 v13, v12  }
0x10b: {  	s1 =	simm.s32 $0x6;
	v14 =	vmov s31  }
.LBB2_8:
0x10c: {  	p1 =	sne.s32 s1, $0x13E;
	v14 =	vshll.u32 v14, $0x7;
	v13 =	vsub.f32 $1.500000000e+00, v13  }
0x10d: {  	v14 =	vor.u32 v10, v14  }
0x10e: {  	s0 =	sadd.s32 $0x10, s0;
	v14 =	vor.u32 v11, v14;
	v12 =	vmul.f32 v13, v12  }
0x10f: {  	s30 =	sand.u32 $0xFF0, s0  }
0x110: {  	[tilespmem:s30+$0x19E00] =	vst v12;
	v12 =	vmul.f32 v12, v12;
	_ =	sdelay $0x1  }
0x111: {  	[tilespmem:s30+$0x1C600] =	vst v12  }
0x112: {  	v12 =	vld.idx.msk [tilespmem:v14+s22+$0x0], $0xffff;
	_ =	sdelay $0x5  }
0x113: {  	v12 =	vadd.f32 $1.000000000e+00, v12;
	_ =	sdelay $0x1  }
0x114: {  	v13 =	vshrl.u32 v12, $0x1;
	v14 =	vmul.f32 $5.000000000e-01, v12  }
0x115: {  	v12 =	vsub.s32 $0x5F3759DF, v13  }
0x116: {  	v13 =	vmul.f32 v12, v14;
	_ =	sdelay $0x1  }
0x117: {  	v13 =	vmul.f32 v12, v13;
	_ =	sdelay $0x1  }
0x118: {  	v13 =	vsub.f32 $1.500000000e+00, v13;
	_ =	sdelay $0x1  }
0x119: {  	v12 =	vmul.f32 v12, v13;
	_ =	sdelay $0x1  }
0x11a: {  	v13 =	vmul.f32 v12, v14;
	_ =	sdelay $0x1  }
0x11b: {  	v13 =	vmul.f32 v13, v12;
	_ =	sdelay $0x1  }
0x11c: {  	v13 =	vsub.f32 $1.500000000e+00, v13;
	_ =	sdelay $0x1  }
0x11d: {  	v12 =	vmul.f32 v13, v12  }
.Ltmp3:
0x11e: {  	(pc) =	sbr.rel @p1 .LBB2_8-.Ltmp3, $3  }
0x11f: {  	v13 =	vmul.f32 v12, v14;
	_ =	sdelay $0x1  }
0x120: {  	v13 =	vmul.f32 v13, v12  }
0x121: {  	v14 =	vmov s1;
	s1 =	sadd.s32 $0x2, s1  }
0x122: {  	v14 =	vshll.u32 v14, $0x7;
	v13 =	vsub.f32 $1.500000000e+00, v13  }
0x123: {  	v14 =	vor.u32 v10, v14  }
0x124: {  	v14 =	vor.u32 v11, v14;
	v12 =	vmul.f32 v13, v12  }
0x125: {  	s1 =	sadd.s32 $0x10, s0  }
0x126: {  	s0 =	sand.u32 $0xFF0, s1;
	v13 =	vmul.f32 v12, v12  }
0x127: {  	[tilespmem:s0+$0x19E00] =	vst v12  }
0x128: {  	[tilespmem:s0+$0x1C600] =	vst v13  }
0x129: {  	v12 =	vld.idx.msk [tilespmem:v14+s22+$0x0], $0xffff;
	_ =	sdelay $0x4  }
0x12a: {  	v12 =	vadd.f32 $1.000000000e+00, v12;
	_ =	sdelay $0x1  }
0x12b: {  	v13 =	vshrl.u32 v12, $0x1;
	v12 =	vmul.f32 $5.000000000e-01, v12  }
0x12c: {  	v13 =	vsub.s32 $0x5F3759DF, v13  }
0x12d: {  	v14 =	vmul.f32 v13, v12;
	_ =	sdelay $0x1  }
0x12e: {  	v14 =	vmul.f32 v13, v14;
	_ =	sdelay $0x1  }
0x12f: {  	v14 =	vsub.f32 $1.500000000e+00, v14;
	_ =	sdelay $0x1  }
0x130: {  	v13 =	vmul.f32 v13, v14;
	_ =	sdelay $0x1  }
0x131: {  	v14 =	vmul.f32 v13, v12;
	_ =	sdelay $0x1  }
0x132: {  	v14 =	vmul.f32 v14, v13;
	_ =	sdelay $0x1  }
0x133: {  	v14 =	vsub.f32 $1.500000000e+00, v14;
	_ =	sdelay $0x1  }
0x134: {  	v13 =	vmul.f32 v14, v13;
	_ =	sdelay $0x1  }
0x135: {  	v12 =	vmul.f32 v13, v12;
	_ =	sdelay $0x1  }
0x136: {  	v12 =	vmul.f32 v12, v13;
	_ =	sdelay $0x1  }
0x137: {  	v12 =	vsub.f32 $1.500000000e+00, v12;
	_ =	sdelay $0x1  }
0x138: {  	s0 =	simm.s32 $0x0;
	v12 =	vmul.f32 v12, v13  }
0x139: {  	s1 =	sadd.s32 $0x10, s1;
	v13 =	vmov s0  }
0x13a: {  	s1 =	sand.u32 $0xFF0, s1;
	v13 =	vshll.u32 v13, $0x7;
	v14 =	vmul.f32 v12, v12  }
0x13b: {  	[tilespmem:s1+$0x19E00] =	vst v12;
	v12 =	vor.u32 v10, v13  }
0x13c: {  	v12 =	vor.u32 v11, v12;
	[tilespmem:s1+$0x1C600] =	vst v14  }
0x13d: {  	[tilespmem:s22], [sflag:$0x1] =	stream.linear.gather [spmem:s8], $0xA000, $0x38;
	[tilespmem:$0x1F880] =	vst v63  }
0x13e: {  	_ =	swait.ge [sflag:s18], $0xA000  }
0x13f: {  	[sflag:s18] =	ssyncset.done $0x0  }
0x140: {  	[sflag:s18] =	ssyncadd.s32 $0xFFFF6000  }
0x141: {  	v12 =	vld.idx.msk [tilespmem:v12+s22+$0x0], $0xffff;
	_ =	sdelay $0x4  }
0x142: {  	v12 =	vadd.f32 $1.000000000e+00, v12;
	_ =	sdelay $0x1  }
0x143: {  	v13 =	vshrl.u32 v12, $0x1;
	v12 =	vmul.f32 $5.000000000e-01, v12  }
0x144: {  	v13 =	vsub.s32 $0x5F3759DF, v13  }
0x145: {  	v14 =	vmul.f32 v13, v12;
	_ =	sdelay $0x1  }
0x146: {  	v14 =	vmul.f32 v13, v14;
	_ =	sdelay $0x1  }
0x147: {  	v14 =	vsub.f32 $1.500000000e+00, v14;
	_ =	sdelay $0x1  }
0x148: {  	v13 =	vmul.f32 v13, v14;
	_ =	sdelay $0x1  }
0x149: {  	v14 =	vmul.f32 v13, v12;
	_ =	sdelay $0x1  }
0x14a: {  	v14 =	vmul.f32 v14, v13;
	_ =	sdelay $0x1  }
0x14b: {  	v14 =	vsub.f32 $1.500000000e+00, v14;
	_ =	sdelay $0x1  }
0x14c: {  	v13 =	vmul.f32 v14, v13;
	_ =	sdelay $0x1  }
0x14d: {  	v12 =	vmul.f32 v13, v12;
	_ =	sdelay $0x1  }
0x14e: {  	s31 =	simm.s32 $0x2;
	v12 =	vmul.f32 v12, v13  }
0x14f: {  	v14 =	vmov s31  }
0x150: {  	v14 =	vshll.u32 v14, $0x7;
	v12 =	vsub.f32 $1.500000000e+00, v12  }
0x151: {  	v14 =	vor.u32 v10, v14  }
0x152: {  	v14 =	vor.u32 v11, v14;
	v12 =	vmul.f32 v12, v13;
	_ =	sdelay $0x1  }
0x153: {  	s30 =	sand.u32 $0xFF0, s0;
	v13 =	vmul.f32 v12, v12  }
0x154: {  	[tilespmem:s30+$0x1A800] =	vst v12  }
0x155: {  	[tilespmem:s30+$0x1D000] =	vst v13  }
0x156: {  	v12 =	vld.idx.msk [tilespmem:v14+s22+$0x0], $0xffff;
	_ =	sdelay $0x4  }
0x157: {  	v12 =	vadd.f32 $1.000000000e+00, v12;
	_ =	sdelay $0x1  }
0x158: {  	v13 =	vshrl.u32 v12, $0x1;
	v14 =	vmul.f32 $5.000000000e-01, v12  }
0x159: {  	v12 =	vsub.s32 $0x5F3759DF, v13  }
0x15a: {  	v13 =	vmul.f32 v12, v14;
	_ =	sdelay $0x1  }
0x15b: {  	v13 =	vmul.f32 v12, v13;
	_ =	sdelay $0x1  }
0x15c: {  	v13 =	vsub.f32 $1.500000000e+00, v13;
	_ =	sdelay $0x1  }
0x15d: {  	v12 =	vmul.f32 v12, v13;
	_ =	sdelay $0x1  }
0x15e: {  	v13 =	vmul.f32 v12, v14;
	_ =	sdelay $0x1  }
0x15f: {  	v13 =	vmul.f32 v13, v12;
	_ =	sdelay $0x1  }
0x160: {  	v13 =	vsub.f32 $1.500000000e+00, v13;
	_ =	sdelay $0x1  }
0x161: {  	v12 =	vmul.f32 v13, v12;
	_ =	sdelay $0x1  }
0x162: {  	v13 =	vmul.f32 v12, v14;
	_ =	sdelay $0x1  }
0x163: {  	s31 =	simm.s32 $0x4;
	v13 =	vmul.f32 v13, v12  }
0x164: {  	s1 =	simm.s32 $0x6;
	v14 =	vmov s31  }
.LBB2_10:
0x165: {  	p1 =	sne.s32 s1, $0x13E;
	v14 =	vshll.u32 v14, $0x7;
	v13 =	vsub.f32 $1.500000000e+00, v13  }
0x166: {  	v14 =	vor.u32 v10, v14  }
0x167: {  	s0 =	sadd.s32 $0x10, s0;
	v14 =	vor.u32 v11, v14;
	v12 =	vmul.f32 v13, v12  }
0x168: {  	s30 =	sand.u32 $0xFF0, s0  }
0x169: {  	[tilespmem:s30+$0x1A800] =	vst v12;
	v12 =	vmul.f32 v12, v12;
	_ =	sdelay $0x1  }
0x16a: {  	[tilespmem:s30+$0x1D000] =	vst v12  }
0x16b: {  	v12 =	vld.idx.msk [tilespmem:v14+s22+$0x0], $0xffff;
	_ =	sdelay $0x5  }
0x16c: {  	v12 =	vadd.f32 $1.000000000e+00, v12;
	_ =	sdelay $0x1  }
0x16d: {  	v13 =	vshrl.u32 v12, $0x1;
	v14 =	vmul.f32 $5.000000000e-01, v12  }
0x16e: {  	v12 =	vsub.s32 $0x5F3759DF, v13  }
0x16f: {  	v13 =	vmul.f32 v12, v14;
	_ =	sdelay $0x1  }
0x170: {  	v13 =	vmul.f32 v12, v13;
	_ =	sdelay $0x1  }
0x171: {  	v13 =	vsub.f32 $1.500000000e+00, v13;
	_ =	sdelay $0x1  }
0x172: {  	v12 =	vmul.f32 v12, v13;
	_ =	sdelay $0x1  }
0x173: {  	v13 =	vmul.f32 v12, v14;
	_ =	sdelay $0x1  }
0x174: {  	v13 =	vmul.f32 v13, v12;
	_ =	sdelay $0x1  }
0x175: {  	v13 =	vsub.f32 $1.500000000e+00, v13;
	_ =	sdelay $0x1  }
0x176: {  	v12 =	vmul.f32 v13, v12  }
.Ltmp4:
0x177: {  	(pc) =	sbr.rel @p1 .LBB2_10-.Ltmp4, $3  }
0x178: {  	v13 =	vmul.f32 v12, v14;
	_ =	sdelay $0x1  }
0x179: {  	v13 =	vmul.f32 v13, v12  }
0x17a: {  	v14 =	vmov s1;
	s1 =	sadd.s32 $0x2, s1  }
0x17b: {  	v14 =	vshll.u32 v14, $0x7;
	v13 =	vsub.f32 $1.500000000e+00, v13  }
0x17c: {  	v14 =	vor.u32 v10, v14  }
0x17d: {  	v14 =	vor.u32 v11, v14;
	v12 =	vmul.f32 v13, v12  }
0x17e: {  	s1 =	sadd.s32 $0x10, s0  }
0x17f: {  	s0 =	sand.u32 $0xFF0, s1;
	v13 =	vmul.f32 v12, v12  }
0x180: {  	[tilespmem:s0+$0x1A800] =	vst v12  }
0x181: {  	[tilespmem:s0+$0x1D000] =	vst v13  }
0x182: {  	v12 =	vld.idx.msk [tilespmem:v14+s22+$0x0], $0xffff;
	_ =	sdelay $0x4  }
0x183: {  	v12 =	vadd.f32 $1.000000000e+00, v12;
	_ =	sdelay $0x1  }
0x184: {  	v13 =	vshrl.u32 v12, $0x1;
	v12 =	vmul.f32 $5.000000000e-01, v12  }
0x185: {  	v13 =	vsub.s32 $0x5F3759DF, v13  }
0x186: {  	v14 =	vmul.f32 v13, v12;
	_ =	sdelay $0x1  }
0x187: {  	v14 =	vmul.f32 v13, v14;
	_ =	sdelay $0x1  }
0x188: {  	v14 =	vsub.f32 $1.500000000e+00, v14;
	_ =	sdelay $0x1  }
0x189: {  	v13 =	vmul.f32 v13, v14;
	_ =	sdelay $0x1  }
0x18a: {  	v14 =	vmul.f32 v13, v12;
	_ =	sdelay $0x1  }
0x18b: {  	v14 =	vmul.f32 v14, v13;
	_ =	sdelay $0x1  }
0x18c: {  	v14 =	vsub.f32 $1.500000000e+00, v14;
	_ =	sdelay $0x1  }
0x18d: {  	v13 =	vmul.f32 v14, v13;
	_ =	sdelay $0x1  }
0x18e: {  	v12 =	vmul.f32 v13, v12;
	_ =	sdelay $0x1  }
0x18f: {  	v12 =	vmul.f32 v12, v13;
	_ =	sdelay $0x1  }
0x190: {  	v12 =	vsub.f32 $1.500000000e+00, v12;
	_ =	sdelay $0x1  }
0x191: {  	s0 =	simm.s32 $0x0;
	v12 =	vmul.f32 v12, v13  }
0x192: {  	s1 =	sadd.s32 $0x10, s1;
	v13 =	vmov s0  }
0x193: {  	s1 =	sand.u32 $0xFF0, s1;
	v13 =	vshll.u32 v13, $0x7;
	v14 =	vmul.f32 v12, v12  }
0x194: {  	[tilespmem:s1+$0x1A800] =	vst v12;
	v12 =	vor.u32 v10, v13  }
0x195: {  	v12 =	vor.u32 v11, v12;
	[tilespmem:s1+$0x1D000] =	vst v14  }
0x196: {  	[tilespmem:s22], [sflag:$0x1] =	stream.linear.gather [spmem:s9], $0xA000, $0x38;
	[tilespmem:$0x1F880] =	vst v63  }
0x197: {  	_ =	swait.ge [sflag:s18], $0xA000  }
0x198: {  	[sflag:s18] =	ssyncset.done $0x0  }
0x199: {  	[sflag:s18] =	ssyncadd.s32 $0xFFFF6000  }
0x19a: {  	v12 =	vld.idx.msk [tilespmem:v12+s22+$0x0], $0xffff;
	_ =	sdelay $0x4  }
0x19b: {  	v12 =	vadd.f32 $1.000000000e+00, v12;
	_ =	sdelay $0x1  }
0x19c: {  	v13 =	vshrl.u32 v12, $0x1;
	v12 =	vmul.f32 $5.000000000e-01, v12  }
0x19d: {  	v13 =	vsub.s32 $0x5F3759DF, v13  }
0x19e: {  	v14 =	vmul.f32 v13, v12;
	_ =	sdelay $0x1  }
0x19f: {  	v14 =	vmul.f32 v13, v14;
	_ =	sdelay $0x1  }
0x1a0: {  	v14 =	vsub.f32 $1.500000000e+00, v14;
	_ =	sdelay $0x1  }
0x1a1: {  	v13 =	vmul.f32 v13, v14;
	_ =	sdelay $0x1  }
0x1a2: {  	v14 =	vmul.f32 v13, v12;
	_ =	sdelay $0x1  }
0x1a3: {  	v14 =	vmul.f32 v14, v13;
	_ =	sdelay $0x1  }
0x1a4: {  	v14 =	vsub.f32 $1.500000000e+00, v14;
	_ =	sdelay $0x1  }
0x1a5: {  	v13 =	vmul.f32 v14, v13;
	_ =	sdelay $0x1  }
0x1a6: {  	v12 =	vmul.f32 v13, v12;
	_ =	sdelay $0x1  }
0x1a7: {  	s31 =	simm.s32 $0x2;
	v12 =	vmul.f32 v12, v13  }
0x1a8: {  	v14 =	vmov s31  }
0x1a9: {  	v14 =	vshll.u32 v14, $0x7;
	v12 =	vsub.f32 $1.500000000e+00, v12  }
0x1aa: {  	v14 =	vor.u32 v10, v14  }
0x1ab: {  	v14 =	vor.u32 v11, v14;
	v12 =	vmul.f32 v12, v13;
	_ =	sdelay $0x1  }
0x1ac: {  	s30 =	sand.u32 $0xFF0, s0;
	v13 =	vmul.f32 v12, v12  }
0x1ad: {  	[tilespmem:s30+$0x1B200] =	vst v12  }
0x1ae: {  	[tilespmem:s30+$0x1DA00] =	vst v13  }
0x1af: {  	v12 =	vld.idx.msk [tilespmem:v14+s22+$0x0], $0xffff;
	_ =	sdelay $0x4  }
0x1b0: {  	v12 =	vadd.f32 $1.000000000e+00, v12;
	_ =	sdelay $0x1  }
0x1b1: {  	v13 =	vshrl.u32 v12, $0x1;
	v14 =	vmul.f32 $5.000000000e-01, v12  }
0x1b2: {  	v12 =	vsub.s32 $0x5F3759DF, v13  }
0x1b3: {  	v13 =	vmul.f32 v12, v14;
	_ =	sdelay $0x1  }
0x1b4: {  	v13 =	vmul.f32 v12, v13;
	_ =	sdelay $0x1  }
0x1b5: {  	v13 =	vsub.f32 $1.500000000e+00, v13;
	_ =	sdelay $0x1  }
0x1b6: {  	v12 =	vmul.f32 v12, v13;
	_ =	sdelay $0x1  }
0x1b7: {  	v13 =	vmul.f32 v12, v14;
	_ =	sdelay $0x1  }
0x1b8: {  	v13 =	vmul.f32 v13, v12;
	_ =	sdelay $0x1  }
0x1b9: {  	v13 =	vsub.f32 $1.500000000e+00, v13;
	_ =	sdelay $0x1  }
0x1ba: {  	v12 =	vmul.f32 v13, v12;
	_ =	sdelay $0x1  }
0x1bb: {  	v13 =	vmul.f32 v12, v14;
	_ =	sdelay $0x1  }
0x1bc: {  	s31 =	simm.s32 $0x4;
	v13 =	vmul.f32 v13, v12  }
0x1bd: {  	s1 =	simm.s32 $0x6;
	v14 =	vmov s31  }
.LBB2_12:
0x1be: {  	p1 =	sne.s32 s1, $0x13E;
	v14 =	vshll.u32 v14, $0x7;
	v13 =	vsub.f32 $1.500000000e+00, v13  }
0x1bf: {  	v14 =	vor.u32 v10, v14  }
0x1c0: {  	s0 =	sadd.s32 $0x10, s0;
	v14 =	vor.u32 v11, v14;
	v12 =	vmul.f32 v13, v12  }
0x1c1: {  	s30 =	sand.u32 $0xFF0, s0  }
0x1c2: {  	[tilespmem:s30+$0x1B200] =	vst v12;
	v12 =	vmul.f32 v12, v12;
	_ =	sdelay $0x1  }
0x1c3: {  	[tilespmem:s30+$0x1DA00] =	vst v12  }
0x1c4: {  	v12 =	vld.idx.msk [tilespmem:v14+s22+$0x0], $0xffff;
	_ =	sdelay $0x5  }
0x1c5: {  	v12 =	vadd.f32 $1.000000000e+00, v12;
	_ =	sdelay $0x1  }
0x1c6: {  	v13 =	vshrl.u32 v12, $0x1;
	v14 =	vmul.f32 $5.000000000e-01, v12  }
0x1c7: {  	v12 =	vsub.s32 $0x5F3759DF, v13  }
0x1c8: {  	v13 =	vmul.f32 v12, v14;
	_ =	sdelay $0x1  }
0x1c9: {  	v13 =	vmul.f32 v12, v13;
	_ =	sdelay $0x1  }
0x1ca: {  	v13 =	vsub.f32 $1.500000000e+00, v13;
	_ =	sdelay $0x1  }
0x1cb: {  	v12 =	vmul.f32 v12, v13;
	_ =	sdelay $0x1  }
0x1cc: {  	v13 =	vmul.f32 v12, v14;
	_ =	sdelay $0x1  }
0x1cd: {  	v13 =	vmul.f32 v13, v12;
	_ =	sdelay $0x1  }
0x1ce: {  	v13 =	vsub.f32 $1.500000000e+00, v13;
	_ =	sdelay $0x1  }
0x1cf: {  	v12 =	vmul.f32 v13, v12  }
.Ltmp5:
0x1d0: {  	(pc) =	sbr.rel @p1 .LBB2_12-.Ltmp5, $3  }
0x1d1: {  	v13 =	vmul.f32 v12, v14;
	_ =	sdelay $0x1  }
0x1d2: {  	v13 =	vmul.f32 v13, v12  }
0x1d3: {  	v14 =	vmov s1;
	s1 =	sadd.s32 $0x2, s1  }
0x1d4: {  	v14 =	vshll.u32 v14, $0x7;
	v13 =	vsub.f32 $1.500000000e+00, v13  }
0x1d5: {  	v14 =	vor.u32 v10, v14  }
0x1d6: {  	v14 =	vor.u32 v11, v14;
	v12 =	vmul.f32 v13, v12  }
0x1d7: {  	s0 =	sadd.s32 $0x10, s0  }
0x1d8: {  	s1 =	sand.u32 $0xFF0, s0;
	v13 =	vmul.f32 v12, v12  }
0x1d9: {  	[tilespmem:s1+$0x1B200] =	vst v12  }
0x1da: {  	[tilespmem:s1+$0x1DA00] =	vst v13  }
0x1db: {  	v12 =	vld.idx.msk [tilespmem:v14+s22+$0x0], $0xffff;
	_ =	sdelay $0x4  }
0x1dc: {  	v12 =	vadd.f32 $1.000000000e+00, v12;
	_ =	sdelay $0x1  }
0x1dd: {  	v13 =	vshrl.u32 v12, $0x1;
	v12 =	vmul.f32 $5.000000000e-01, v12  }
0x1de: {  	v13 =	vsub.s32 $0x5F3759DF, v13  }
0x1df: {  	v14 =	vmul.f32 v13, v12;
	_ =	sdelay $0x1  }
0x1e0: {  	v14 =	vmul.f32 v13, v14;
	_ =	sdelay $0x1  }
0x1e1: {  	v14 =	vsub.f32 $1.500000000e+00, v14;
	_ =	sdelay $0x1  }
0x1e2: {  	v13 =	vmul.f32 v13, v14;
	_ =	sdelay $0x1  }
0x1e3: {  	v14 =	vmul.f32 v13, v12;
	_ =	sdelay $0x1  }
0x1e4: {  	v14 =	vmul.f32 v14, v13;
	_ =	sdelay $0x1  }
0x1e5: {  	v14 =	vsub.f32 $1.500000000e+00, v14;
	_ =	sdelay $0x1  }
0x1e6: {  	v13 =	vmul.f32 v14, v13;
	_ =	sdelay $0x1  }
0x1e7: {  	v12 =	vmul.f32 v13, v12;
	_ =	sdelay $0x1  }
0x1e8: {  	v12 =	vmul.f32 v12, v13;
	_ =	sdelay $0x1  }
0x1e9: {  	v12 =	vsub.f32 $1.500000000e+00, v12;
	_ =	sdelay $0x1  }
0x1ea: {  	v12 =	vmul.f32 v12, v13  }
0x1eb: {  	s0 =	sadd.s32 $0x10, s0  }
0x1ec: {  	s0 =	sand.u32 $0xFF0, s0;
	v13 =	vmul.f32 v12, v12  }
0x1ed: {  	[tilespmem:s0+$0x1B200] =	vst v12  }
0x1ee: {  	[tilespmem:s0+$0x1DA00] =	vst v13;
	s0 =	simm.s32 @!p0 $0x0  }
0x1ef: {  	[hbm4b:s10+s0] =	stream.linear.scatter @!p0 [tilespmem:s11], [sflag:$0x1], $0x280, $0x38;
	[tilespmem:$0x1F880] =	vst v63  }
0x1f0: {  	s0 =	simm.s32 @!p0 $0x1  }
0x1f1: {  	_ =	swait.ge @!p0 [sflag:s0], $0x280  }
0x1f2: {  	[sflag:s0] =	ssyncset.done @!p0 $0x0  }
0x1f3: {  	s1 =	simm.s32 $0x0;
	[sflag:s0] =	ssyncadd.s32 @!p0 $0xFFFFFD80  }
0x1f4: {  	[tilespmem:s23], [sflag:$0x1] =	stream.linear.gather [hbm4b:s12+s1], $0x1400, $0x38;
	[tilespmem:$0x1F880] =	vst v63  }
0x1f5: {  	_ =	swait.ge [sflag:s18], $0x1400  }
0x1f6: {  	[sflag:s18] =	ssyncset.done $0x0  }
0x1f7: {  	[sflag:s18] =	ssyncadd.s32 $0xFFFFEC00  }
0x1f8: {  	[tilespmem:s24], [sflag:$0x1] =	stream.linear.gather [hbm4b:s13+s1], $0x1400, $0x38;
	[tilespmem:$0x1F880] =	vst v63  }
0x1f9: {  	_ =	swait.ge [sflag:s18], $0x1400  }
0x1fa: {  	[sflag:s18] =	ssyncset.done $0x0  }
0x1fb: {  	[sflag:s18] =	ssyncadd.s32 $0xFFFFEC00  }
0x1fc: {  	[tilespmem:s25], [sflag:$0x1] =	stream.linear.gather [hbm4b:s14+s1], $0x1400, $0x38;
	[tilespmem:$0x1F880] =	vst v63  }
0x1fd: {  	_ =	swait.ge [sflag:s18], $0x1400  }
0x1fe: {  	[sflag:s18] =	ssyncset.done $0x0  }
0x1ff: {  	s30 =	simm.s32 $0x0;
	[sflag:s18] =	ssyncadd.s32 $0xFFFFEC00  }
0x200: {  	v12 =	vld [tilespmem:s30+$0x15800];
	_ =	sdelay $0x1  }
0x201: {  	v13 =	vld [tilespmem:s30+$0x16C00];
	_ =	sdelay $0x4  }
0x202: {  	v14 =	vld [tilespmem:s30+$0x18000]  }
0x203: {  	v12 =	vld.idx.msk [tilespmem:v12+s26+$0x0], $0xffff  }
0x204: {  	v15 =	vld [tilespmem:s30+$0x15810]  }
0x205: {  	v13 =	vld.idx.msk [tilespmem:v13+s26+$0x0], $0xffff  }
0x206: {  	v16 =	vld [tilespmem:s30+$0x16C10];
	_ =	sdelay $0x1  }
0x207: {  	v12 =	vmul.f32 v12, v14;
	_ =	sdelay $0x1  }
0x208: {  	v12 =	vmul.f32 v13, v12;
	_ =	sdelay $0x1  }
0x209: {  	v13 =	vld [tilespmem:s30+$0x18010];
	[tilespmem:s30+$0x1E400] =	vst v12  }
0x20a: {  	v12 =	vld.idx.msk [tilespmem:v15+s26+$0x0], $0xffff  }
0x20b: {  	v14 =	vld.idx.msk [tilespmem:v16+s26+$0x0], $0xffff  }
0x20c: {  	v15 =	vld [tilespmem:s30+$0x15820]  }
0x20d: {  	v58 =	vld [tilespmem:s30+$0x16C20];
	_ =	sdelay $0x1  }
0x20e: {  	v12 =	vmul.f32 v12, v13;
	_ =	sdelay $0x1  }
0x20f: {  	v12 =	vmul.f32 v14, v12;
	_ =	sdelay $0x1  }
0x210: {  	v13 =	vld [tilespmem:s30+$0x18020];
	[tilespmem:s30+$0x1E410] =	vst v12  }
0x211: {  	v12 =	vld.idx.msk [tilespmem:v15+s26+$0x0], $0xffff  }
0x212: {  	v14 =	vld.idx.msk [tilespmem:v58+s26+$0x0], $0xffff  }
0x213: {  	v15 =	vld [tilespmem:s30+$0x15830]  }
0x214: {  	v59 =	vld [tilespmem:s30+$0x16C30];
	_ =	sdelay $0x1  }
0x215: {  	v12 =	vmul.f32 v12, v13;
	_ =	sdelay $0x1  }
0x216: {  	v12 =	vmul.f32 v14, v12;
	_ =	sdelay $0x1  }
0x217: {  	v13 =	vld [tilespmem:s30+$0x18030];
	[tilespmem:s30+$0x1E420] =	vst v12  }
0x218: {  	v12 =	vld.idx.msk [tilespmem:v15+s26+$0x0], $0xffff  }
0x219: {  	v14 =	vld.idx.msk [tilespmem:v59+s26+$0x0], $0xffff  }
0x21a: {  	v15 =	vld [tilespmem:s30+$0x15840]  }
0x21b: {  	v60 =	vld [tilespmem:s30+$0x16C40];
	_ =	sdelay $0x1  }
0x21c: {  	v12 =	vmul.f32 v12, v13;
	_ =	sdelay $0x1  }
0x21d: {  	v12 =	vmul.f32 v14, v12;
	_ =	sdelay $0x1  }
0x21e: {  	v13 =	vld [tilespmem:s30+$0x18040];
	[tilespmem:s30+$0x1E430] =	vst v12  }
0x21f: {  	v12 =	vld.idx.msk [tilespmem:v15+s26+$0x0], $0xffff  }
0x220: {  	v14 =	vld.idx.msk [tilespmem:v60+s26+$0x0], $0xffff  }
0x221: {  	v15 =	vld [tilespmem:s30+$0x15850]  }
0x222: {  	v61 =	vld [tilespmem:s30+$0x16C50];
	_ =	sdelay $0x1  }
0x223: {  	v12 =	vmul.f32 v12, v13;
	_ =	sdelay $0x1  }
0x224: {  	v12 =	vmul.f32 v14, v12;
	_ =	sdelay $0x1  }
0x225: {  	[tilespmem:s30+$0x1E440] =	vst v12;
	v12 =	vld [tilespmem:s30+$0x18050]  }
0x226: {  	v13 =	vld.idx.msk [tilespmem:v15+s26+$0x0], $0xffff  }
0x227: {  	v14 =	vld.idx.msk [tilespmem:v61+s26+$0x0], $0xffff  }
0x228: {  	v15 =	vld [tilespmem:s30+$0x15860]  }
0x229: {  	v62 =	vld [tilespmem:s30+$0x16C60];
	_ =	sdelay $0x1  }
0x22a: {  	v12 =	vmul.f32 v13, v12;
	_ =	sdelay $0x1  }
0x22b: {  	v12 =	vmul.f32 v14, v12;
	_ =	sdelay $0x1  }
0x22c: {  	[tilespmem:s30+$0x1E450] =	vst v12;
	v12 =	vld [tilespmem:s30+$0x18060]  }
0x22d: {  	v13 =	vld.idx.msk [tilespmem:v15+s26+$0x0], $0xffff  }
0x22e: {  	v14 =	vld.idx.msk [tilespmem:v62+s26+$0x0], $0xffff  }
0x22f: {  	v15 =	vld [tilespmem:s30+$0x15870];
	_ =	sdelay $0x2  }
0x230: {  	v12 =	vmul.f32 v13, v12  }
0x231: {  	v63 =	vld [tilespmem:s30+$0x16C70]  }
0x232: {  	v12 =	vmul.f32 v14, v12;
	_ =	sdelay $0x1  }
0x233: {  	[tilespmem:s30+$0x1E460] =	vst v12;
	v12 =	vld [tilespmem:s30+$0x18070]  }
0x234: {  	v13 =	vld.idx.msk [tilespmem:v15+s26+$0x0], $0xffff;
	_ =	sdelay $0x3  }
0x235: {  	s1 =	simm.s32 $0x80;
	v14 =	vld.idx.msk [tilespmem:v63+s26+$0x0], $0xffff  }
0x236: {  	v15 =	vmul.f32 v13, v12;
	v13 =	vld [tilespmem:s1+$0x15800];
	_ =	sdelay $0x1  }
0x237: {  	v12 =	vld [tilespmem:s1+$0x16C00];
	_ =	sdelay $0x2  }
0x238: {  	s31 =	simm.s32 $0x400;
	v14 =	vmul.f32 v14, v15  }
.LBB2_14:
0x239: {  	_ = 	snop  }
0x23a: {  	p1 =	sne.s32 s31, $0x4E00;
	s0 =	smov.u32 s31;
	s31 =	sadd.s32 $0x200, s31;
	[tilespmem:s30+$0x1E470] =	vst v14  }
0x23b: {  	s30 =	smov.u32 s1;
	v13 =	vld.idx.msk [tilespmem:v13+s26+$0x0], $0xffff  }
0x23c: {  	v14 =	vld [tilespmem:s30+$0x18000]  }
0x23d: {  	v12 =	vld.idx.msk [tilespmem:v12+s26+$0x0], $0xffff  }
0x23e: {  	v15 =	vld [tilespmem:s30+$0x15810];
	_ =	sdelay $0x1  }
0x23f: {  	v16 =	vld [tilespmem:s30+$0x16C10]  }
0x240: {  	v13 =	vmul.f32 v13, v14;
	_ =	sdelay $0x1  }
0x241: {  	v12 =	vmul.f32 v12, v13;
	_ =	sdelay $0x1  }
0x242: {  	[tilespmem:s30+$0x1E400] =	vst v12  }
0x243: {  	v12 =	vld.idx.msk [tilespmem:v15+s26+$0x0], $0xffff  }
0x244: {  	v13 =	vld [tilespmem:s30+$0x18010]  }
0x245: {  	v14 =	vld.idx.msk [tilespmem:v16+s26+$0x0], $0xffff  }
0x246: {  	v15 =	vld [tilespmem:s30+$0x15820];
	_ =	sdelay $0x1  }
0x247: {  	v16 =	vld [tilespmem:s30+$0x16C20]  }
0x248: {  	v12 =	vmul.f32 v12, v13;
	_ =	sdelay $0x1  }
0x249: {  	v12 =	vmul.f32 v14, v12;
	_ =	sdelay $0x1  }
0x24a: {  	[tilespmem:s30+$0x1E410] =	vst v12  }
0x24b: {  	v12 =	vld.idx.msk [tilespmem:v15+s26+$0x0], $0xffff  }
0x24c: {  	v13 =	vld [tilespmem:s30+$0x18020]  }
0x24d: {  	v14 =	vld.idx.msk [tilespmem:v16+s26+$0x0], $0xffff  }
0x24e: {  	v15 =	vld [tilespmem:s30+$0x15830];
	_ =	sdelay $0x1  }
0x24f: {  	v16 =	vld [tilespmem:s30+$0x16C30]  }
0x250: {  	v12 =	vmul.f32 v12, v13;
	_ =	sdelay $0x1  }
0x251: {  	v12 =	vmul.f32 v14, v12;
	_ =	sdelay $0x1  }
0x252: {  	[tilespmem:s30+$0x1E420] =	vst v12  }
0x253: {  	v12 =	vld.idx.msk [tilespmem:v15+s26+$0x0], $0xffff  }
0x254: {  	v13 =	vld [tilespmem:s30+$0x18030]  }
0x255: {  	v14 =	vld.idx.msk [tilespmem:v16+s26+$0x0], $0xffff  }
0x256: {  	v15 =	vld [tilespmem:s30+$0x15840];
	_ =	sdelay $0x1  }
0x257: {  	v16 =	vld [tilespmem:s30+$0x16C40]  }
0x258: {  	v12 =	vmul.f32 v12, v13;
	_ =	sdelay $0x1  }
0x259: {  	v12 =	vmul.f32 v14, v12;
	_ =	sdelay $0x1  }
0x25a: {  	[tilespmem:s30+$0x1E430] =	vst v12  }
0x25b: {  	v12 =	vld.idx.msk [tilespmem:v15+s26+$0x0], $0xffff  }
0x25c: {  	v13 =	vld [tilespmem:s30+$0x18040]  }
0x25d: {  	v14 =	vld.idx.msk [tilespmem:v16+s26+$0x0], $0xffff  }
0x25e: {  	v15 =	vld [tilespmem:s30+$0x15850]  }
0x25f: {  	v16 =	vld [tilespmem:s30+$0x16C50];
	_ =	sdelay $0x1  }
0x260: {  	v12 =	vmul.f32 v12, v13;
	_ =	sdelay $0x1  }
0x261: {  	v12 =	vmul.f32 v14, v12;
	_ =	sdelay $0x1  }
0x262: {  	[tilespmem:s30+$0x1E440] =	vst v12;
	v12 =	vld [tilespmem:s30+$0x18050]  }
0x263: {  	v13 =	vld.idx.msk [tilespmem:v15+s26+$0x0], $0xffff  }
0x264: {  	v14 =	vld.idx.msk [tilespmem:v16+s26+$0x0], $0xffff;
	_ =	sdelay $0x1  }
0x265: {  	v15 =	vld [tilespmem:s30+$0x15860]  }
0x266: {  	v16 =	vld [tilespmem:s30+$0x16C60];
	_ =	sdelay $0x1  }
0x267: {  	v12 =	vmul.f32 v13, v12;
	_ =	sdelay $0x1  }
0x268: {  	v12 =	vmul.f32 v14, v12;
	_ =	sdelay $0x1  }
0x269: {  	[tilespmem:s30+$0x1E450] =	vst v12;
	v12 =	vld [tilespmem:s30+$0x18060]  }
0x26a: {  	v13 =	vld.idx.msk [tilespmem:v15+s26+$0x0], $0xffff  }
0x26b: {  	v14 =	vld.idx.msk [tilespmem:v16+s26+$0x0], $0xffff;
	_ =	sdelay $0x1  }
0x26c: {  	v15 =	vld [tilespmem:s30+$0x15870]  }
0x26d: {  	v16 =	vld [tilespmem:s30+$0x16C70];
	_ =	sdelay $0x1  }
0x26e: {  	v12 =	vmul.f32 v13, v12;
	_ =	sdelay $0x1  }
0x26f: {  	v12 =	vmul.f32 v14, v12;
	_ =	sdelay $0x1  }
0x270: {  	[tilespmem:s30+$0x1E460] =	vst v12;
	v14 =	vld [tilespmem:s30+$0x18070]  }
0x271: {  	v15 =	vld.idx.msk [tilespmem:v15+s26+$0x0], $0xffff  }
0x272: {  	v16 =	vld.idx.msk [tilespmem:v16+s26+$0x0], $0xffff  }
0x273: {  	s1 =	sshra.s32 s0, $0x2  }
0x274: {  	v13 =	vld [tilespmem:s1+$0x15800]  }
.Ltmp6:
0x275: {  	v12 =	vld [tilespmem:s1+$0x16C00];
	(pc) =	sbr.rel @p1 .LBB2_14-.Ltmp6, $3  }
0x276: {  	_ = 	snop  }
0x277: {  	v14 =	vmul.f32 v15, v14;
	_ =	sdelay $0x1  }
0x278: {  	v14 =	vmul.f32 v16, v14  }
0x279: {  	_ =	sdelay $0x2  }
0x27a: {  	[tilespmem:s30+$0x1E470] =	vst v14  }
0x27b: {  	v13 =	vld.idx.msk [tilespmem:v13+s26+$0x0], $0xffff  }
0x27c: {  	v14 =	vld [tilespmem:s1+$0x18000]  }
0x27d: {  	v12 =	vld.idx.msk [tilespmem:v12+s26+$0x0], $0xffff  }
0x27e: {  	v15 =	vld [tilespmem:s1+$0x15810];
	_ =	sdelay $0x1  }
0x27f: {  	v16 =	vld [tilespmem:s1+$0x16C10]  }
0x280: {  	v13 =	vmul.f32 v13, v14;
	_ =	sdelay $0x1  }
0x281: {  	v12 =	vmul.f32 v12, v13;
	_ =	sdelay $0x1  }
0x282: {  	v35 =	vld [tilespmem:s1+$0x18010];
	[tilespmem:s1+$0x1E400] =	vst v12  }
0x283: {  	v12 =	vld.idx.msk [tilespmem:v15+s26+$0x0], $0xffff  }
0x284: {  	v37 =	vld [tilespmem:s1+$0x15820]  }
0x285: {  	v36 =	vld.idx.msk [tilespmem:v16+s26+$0x0], $0xffff;
	_ =	sdelay $0x1  }
0x286: {  	v38 =	vld [tilespmem:s1+$0x16C20]  }
0x287: {  	v12 =	vmul.f32 v12, v35;
	_ =	sdelay $0x1  }
0x288: {  	v12 =	vmul.f32 v36, v12;
	_ =	sdelay $0x1  }
0x289: {  	v39 =	vld [tilespmem:s1+$0x18020];
	[tilespmem:s1+$0x1E410] =	vst v12  }
0x28a: {  	v12 =	vld.idx.msk [tilespmem:v37+s26+$0x0], $0xffff  }
0x28b: {  	v41 =	vld [tilespmem:s1+$0x15830]  }
0x28c: {  	v40 =	vld.idx.msk [tilespmem:v38+s26+$0x0], $0xffff;
	_ =	sdelay $0x1  }
0x28d: {  	v42 =	vld [tilespmem:s1+$0x16C30]  }
0x28e: {  	v12 =	vmul.f32 v12, v39;
	_ =	sdelay $0x1  }
0x28f: {  	v12 =	vmul.f32 v40, v12;
	_ =	sdelay $0x1  }
0x290: {  	v43 =	vld [tilespmem:s1+$0x18030];
	[tilespmem:s1+$0x1E420] =	vst v12  }
0x291: {  	v12 =	vld.idx.msk [tilespmem:v41+s26+$0x0], $0xffff  }
0x292: {  	v45 =	vld [tilespmem:s1+$0x15840]  }
0x293: {  	v44 =	vld.idx.msk [tilespmem:v42+s26+$0x0], $0xffff;
	_ =	sdelay $0x1  }
0x294: {  	v46 =	vld [tilespmem:s1+$0x16C40]  }
0x295: {  	v12 =	vmul.f32 v12, v43;
	_ =	sdelay $0x1  }
0x296: {  	v12 =	vmul.f32 v44, v12;
	_ =	sdelay $0x1  }
0x297: {  	v47 =	vld [tilespmem:s1+$0x18040];
	[tilespmem:s1+$0x1E430] =	vst v12  }
0x298: {  	v12 =	vld.idx.msk [tilespmem:v45+s26+$0x0], $0xffff  }
0x299: {  	v49 =	vld [tilespmem:s1+$0x15850]  }
0x29a: {  	v48 =	vld.idx.msk [tilespmem:v46+s26+$0x0], $0xffff;
	_ =	sdelay $0x1  }
0x29b: {  	v50 =	vld [tilespmem:s1+$0x16C50]  }
0x29c: {  	v12 =	vmul.f32 v12, v47;
	_ =	sdelay $0x1  }
0x29d: {  	v12 =	vmul.f32 v48, v12;
	_ =	sdelay $0x1  }
0x29e: {  	v51 =	vld [tilespmem:s1+$0x18050];
	[tilespmem:s1+$0x1E440] =	vst v12  }
0x29f: {  	v52 =	vld.idx.msk [tilespmem:v49+s26+$0x0], $0xffff  }
0x2a0: {  	v54 =	vld [tilespmem:s1+$0x15860]  }
0x2a1: {  	v53 =	vld.idx.msk [tilespmem:v50+s26+$0x0], $0xffff;
	_ =	sdelay $0x1  }
0x2a2: {  	v55 =	vld [tilespmem:s1+$0x16C60]  }
0x2a3: {  	v12 =	vmul.f32 v52, v51;
	_ =	sdelay $0x1  }
0x2a4: {  	v12 =	vmul.f32 v53, v12;
	_ =	sdelay $0x1  }
0x2a5: {  	v56 =	vld [tilespmem:s1+$0x18060];
	[tilespmem:s1+$0x1E450] =	vst v12  }
0x2a6: {  	v57 =	vld.idx.msk [tilespmem:v54+s26+$0x0], $0xffff  }
0x2a7: {  	v59 =	vld [tilespmem:s1+$0x15870]  }
0x2a8: {  	v58 =	vld.idx.msk [tilespmem:v55+s26+$0x0], $0xffff;
	_ =	sdelay $0x1  }
0x2a9: {  	v60 =	vld [tilespmem:s1+$0x16C70]  }
0x2aa: {  	v12 =	vmul.f32 v57, v56;
	_ =	sdelay $0x1  }
0x2ab: {  	v12 =	vmul.f32 v58, v12;
	_ =	sdelay $0x1  }
0x2ac: {  	v61 =	vld [tilespmem:s1+$0x18070];
	[tilespmem:s1+$0x1E460] =	vst v12  }
0x2ad: {  	v62 =	vld.idx.msk [tilespmem:v59+s26+$0x0], $0xffff;
	_ =	sdelay $0x1  }
0x2ae: {  	v63 =	vld.idx.msk [tilespmem:v60+s26+$0x0], $0xffff;
	_ =	sdelay $0x2  }
0x2af: {  	v12 =	vmul.f32 v62, v61;
	_ =	sdelay $0x1  }
0x2b0: {  	s29 =	sadd.s32 $0x1, s29;
	v12 =	vmul.f32 v63, v12  }
0x2b1: {  	p1 =	sne.s32 s29, s16  }
.Ltmp7:
0x2b2: {  	[tilespmem:s1+$0x1E470] =	vst v12;
	(pc) =	sbr.rel @p1 .LBB2_1-.Ltmp7, $4  }
0x2b3: {  	[hbm4b:s15+s3] =	stream.linear.scatter [tilespmem:s28], [sflag:$0x1], $0x1400, $0x38;
	[tilespmem:$0x1F880] =	vst v63  }
0x2b4: {  	_ =	swait.ge [sflag:s18], $0x1400  }
0x2b5: {  	[sflag:s18] =	ssyncset.done $0x0  }
0x2b6: {  	[sflag:s18] =	ssyncadd.s32 $0xFFFFEC00  }
0x2b7: {  	_ =	sfence.sel $0x180000  }
0x2b8: {  	[bflag:$0x0] =	sbarrier.arrive $0xFFFF  }
0x2b9: {  	_ =	strace $0x90000047  }
0x2ba: {  	s0 =	stileid.u32;
	[bflag:$0x2] =	sbarrier.arrive $0xFFFF  }
0x2bb: {  	p0 =	sne.s32 s0, $0x0;
	s0 =	rddreg [dreg:$0x3]  }
0x2bc: {  	s0 =	sadd.s32 @!p0 $0x100000, s0  }
0x2bd: {  	[sflag:s0] =	ssyncadd.tile.s32 @!p0 $0x1;
	_ =	shalt  }
.Lfunc_end2:
_tile_overlayer_lowered:
.L_overlay_start_2:
0x2be: {  	(tag) =	ssettag $0x2  }
0x2bf: {  	s0 =	rddreg [dreg:$0x0];
	s2 =	stileid.u32  }
0x2c0: {  	s1 =	rddreg [dreg:$0x1];
	p0 =	sne.s32 s2, $0x0  }
0x2c1: {  	s3 =	rddreg [dreg:$0x2];
	[bflag:$0x3] =	sbarrier.arrive $0xFFFF;
	s2 =	simm.s32 @!p0 $0x1C01  }
0x2c2: {  	[timem:s3], [sflag:s2] =	dma.local @!p0 [hbm:s0], s1  }
0x2c3: {  	s0 =	simm.s32 @!p0 $0x1  }
0x2c4: {  	_ =	swait.ge @!p0 [sflag:s0], s1  }
0x2c5: {  	s1 =	ssub.s32 @!p0 $0x0, s1;
	[sflag:s0] =	ssyncset.done @!p0 $0x0  }
0x2c6: {  	[sflag:s0] =	ssyncadd.s32 @!p0 s1  }
0x2c7: {  	[bflag:$0x3] =	sbarrier.arrive $0xFFFF  }
0x2c8: {  	_ =	shalt  }

</sc_bundles>
